<compile_context>
chip_gen: v7x
topology: tpu7x:2x2x1
jax: 0.10.2.dev20260603
libtpu: 0.0.44.dev20260713+nightly
codegen_flags: <defaults>
</compile_context>

<pallas_src>
import functools

import jax
import jax.numpy as jnp
from jax import lax
from jax.experimental import pallas as pl
from jax.experimental.pallas import tpu as pltpu
from jax.experimental.pallas import tpu_sc as plsc

N_NODES = 10000
N_EDGES = 320000
D_IN = 128
D_H = 32
N_REL = 2

NC = 2
NS = 16
NTILES = NC * NS
CHUNK = 128
NBUF = 2
NCHUNK = 80
CH_C0 = 104
CH_C1 = 56
CH_MAX = 104
E_PAD = NCHUNK * CHUNK * NTILES
EROWS = N_EDGES // 128
EROWS_PAD = E_PAD // 128

TQ = 2 * N_NODES
SENT = TQ
TQP = TQ + 8



def _prep_body(src_ref, dst_ref, et_ref, gsrc_ref, gq_ref, dstp_ref):
    src = src_ref[...]
    dst = dst_ref[...]
    et = et_ref[...]
    rows = lax.broadcasted_iota(jnp.int32, (EROWS_PAD, 128), 0)
    valid = rows < EROWS
    gsrc_ref[...] = jnp.where(valid, et * N_NODES + src, 0)
    gq_ref[...] = jnp.where(valid, et * N_NODES + dst, SENT)
    dstp_ref[...] = jnp.where(valid, dst, 0)


_prep = pl.pallas_call(
    _prep_body,
    out_shape=(
        jax.ShapeDtypeStruct((EROWS_PAD, 128), jnp.int32),
        jax.ShapeDtypeStruct((EROWS_PAD, 128), jnp.int32),
        jax.ShapeDtypeStruct((EROWS_PAD, 128), jnp.int32),
    ),
)


def _project(h, W, q, k, xw_ref, qn_ref, kn_ref):
    for r in range(N_REL):
        xw = jnp.dot(h, W[r], preferred_element_type=jnp.float32)
        xw_ref[r] = xw
        qn_ref[r : r + 1, :] = lax.dot_general(
            q, xw, (((0,), (1,)), ((), ())), preferred_element_type=jnp.float32)
        kn_ref[r : r + 1, :] = lax.dot_general(
            k, xw, (((0,), (1,)), ((), ())), preferred_element_type=jnp.float32)


def _proj0_body(x_ref, W_ref, q_ref, k_ref, xw_ref, qn_ref, kn_ref):
    _project(x_ref[...], W_ref[...], q_ref[...], k_ref[...],
             xw_ref, qn_ref, kn_ref)


_proj0 = pl.pallas_call(
    _proj0_body,
    out_shape=(
        jax.ShapeDtypeStruct((N_REL, N_NODES, D_H), jnp.float32),
        jax.ShapeDtypeStruct((N_REL, N_NODES), jnp.float32),
        jax.ShapeDtypeStruct((N_REL, N_NODES), jnp.float32),
    ),
)


def _norm_h(acc_ref, den_ref, b_ref, g_ref, be_ref):
    sacc = acc_ref[0] + acc_ref[1]
    ones = jnp.ones((NTILES, 1), jnp.float32)
    den = lax.dot_general(den_ref[...], ones, (((0,), (0,)), ((), ())),
                          preferred_element_type=jnp.float32)
    h = sacc / (den + 1e-16) + b_ref[...]
    h = jnp.maximum(h, 0.0)
    mu = jnp.mean(h, axis=0, keepdims=True)
    var = jnp.mean((h - mu) * (h - mu), axis=0, keepdims=True)
    return (h - mu) * lax.rsqrt(var + 1e-5) * g_ref[...] + be_ref[...]


def _finproj_body(acc_ref, den_ref, b_ref, g_ref, be_ref, W_ref, q_ref, k_ref,
                  xw_ref, qn_ref, kn_ref):
    hn = _norm_h(acc_ref, den_ref, b_ref, g_ref, be_ref)
    _project(hn, W_ref[...], q_ref[...], k_ref[...], xw_ref, qn_ref, kn_ref)


_finproj = pl.pallas_call(
    _finproj_body,
    out_shape=(
        jax.ShapeDtypeStruct((N_REL, N_NODES, D_H), jnp.float32),
        jax.ShapeDtypeStruct((N_REL, N_NODES), jnp.float32),
        jax.ShapeDtypeStruct((N_REL, N_NODES), jnp.float32),
    ),
)


def _head_body(acc_ref, den_ref, b_ref, g_ref, be_ref, mW1_ref, mb1_ref,
               mW2_ref, mb2_ref, out_ref):
    hn = _norm_h(acc_ref, den_ref, b_ref, g_ref, be_ref)
    z = jnp.dot(hn, mW1_ref[...], preferred_element_type=jnp.float32)
    hh = jax.nn.sigmoid(z + mb1_ref[...])
    out_ref[...] = (jnp.dot(hh, mW2_ref[...], preferred_element_type=jnp.float32)
                    + mb2_ref[...])


_head = pl.pallas_call(
    _head_body,
    out_shape=jax.ShapeDtypeStruct((N_NODES, 2), jnp.float32),
)



_mesh = plsc.VectorSubcoreMesh(core_axis_name="c", subcore_axis_name="s")


@functools.partial(
    pl.kernel,
    out_type=(
        jax.ShapeDtypeStruct((NC * N_NODES, D_H), jnp.float32),
        jax.ShapeDtypeStruct((NTILES, N_NODES), jnp.float32),
    ),
    mesh=_mesh,
    scratch_types=[
        pltpu.VMEM((TQP,), jnp.float32),
        pltpu.VMEM((TQP,), jnp.float32),
        pltpu.VMEM((CH_MAX, 128), jnp.int32),
        pltpu.VMEM((CH_MAX, 128), jnp.int32),
        pltpu.VMEM((CH_MAX, 128), jnp.int32),
        pltpu.VMEM((CHUNK + 16,), jnp.float32),
        pltpu.VMEM((N_NODES,), jnp.float32),
    ]
    + [pltpu.VMEM((CHUNK,), jnp.int32) for _ in range(NBUF)]
    + [pltpu.VMEM((CHUNK, D_H), jnp.float32) for _ in range(NBUF)]
    + [pltpu.VMEM((CHUNK, D_H), jnp.float32) for _ in range(NBUF)]
    + [pltpu.SemaphoreType.DMA for _ in range(3 * NBUF)]
    + [pltpu.VMEM_SHARED((N_NODES, D_H), jnp.float32)],
    compiler_params=pltpu.CompilerParams(needs_layout_passes=False,
                                         use_tc_tiling_on_sc=False),
)
def _edge_kernel(xwf, qnf, knf, gsrcH, gqH, dstH, out, den_out,
                 qn_t, kn_t, eb_src, eb_gq, eb_dst, ex_v, den_t,
                 d0, d1, r0, r1, p0, p1,
                 sg0, sg1, sh0, sh1, ss0, ss1, acc_s):
    dst_v = [d0, d1]
    rows = [r0, r1]
    scb = [p0, p1]
    sg = [sg0, sg1]
    sh = [sh0, sh1]
    ss = [ss0, ss1]
    c = lax.axis_index("c")
    s = lax.axis_index("s")
    tid = c * NS + s

    base = jnp.where(c == 0, s * CH_C0, NS * CH_C0 + s * CH_C1)
    st = [
        pltpu.async_copy(qnf, qn_t, sg[0]),
        pltpu.async_copy(knf, kn_t, sg[1]),
        pltpu.async_copy(gsrcH.at[pl.ds(base, CH_MAX)], eb_src, sh[0]),
        pltpu.async_copy(gqH.at[pl.ds(base, CH_MAX)], eb_gq, sh[1]),
        pltpu.async_copy(dstH.at[pl.ds(base, CH_MAX)], eb_dst, ss[0]),
    ]
    for h in st:
        h.wait()

    zero16 = jnp.zeros((16,), jnp.float32)

    def zden_body(j, _):
        den_t[pl.ds(j * 16, 16)] = zero16
        return 0

    lax.fori_loop(0, N_NODES // 16, zden_body, 0)
    ex_v[pl.ds(CHUNK, 16)] = zero16

    def zbuf_body(j, _):
        scb[0][j, 0:16] = zero16
        scb[0][j, 16:32] = zero16
        return 0

    lax.fori_loop(0, CHUNK, zbuf_body, 0)

    nacc_full = N_NODES // 128
    nacc_rem = N_NODES - nacc_full * 128

    def zacc_body(i, _):
        j = s + i * NS

        @pl.when(j < nacc_full)
        def _():
            pltpu.sync_copy(scb[0], acc_s.at[pl.ds(j * 128, 128)])

        @pl.when(j == nacc_full)
        def _():
            pltpu.sync_copy(scb[0].at[pl.ds(0, nacc_rem)],
                            acc_s.at[pl.ds(nacc_full * 128, nacc_rem)])

        return 0

    lax.fori_loop(0, nacc_full // NS + 1, zacc_body, 0)
    plsc.subcore_barrier()

    for b in range(NBUF):
        pltpu.async_copy(xwf.at[eb_src.at[b, pl.ds(0, 64)]],
                         rows[b].at[pl.ds(0, 64)], sg[b])
        pltpu.async_copy(xwf.at[eb_src.at[b, pl.ds(64, 64)]],
                         rows[b].at[pl.ds(64, 64)], sh[b])

    ngroup = jnp.where(c == 0, CH_C0 // NBUF, CH_C1 // NBUF)

    def group_body(i, _):
        for b in range(NBUF):
            ch = i * NBUF + b
            pltpu.make_async_copy(xwf.at[eb_src.at[b, pl.ds(0, 64)]],
                                  rows[b].at[pl.ds(0, 64)], sg[b]).wait()
            pltpu.make_async_copy(xwf.at[eb_src.at[b, pl.ds(64, 64)]],
                                  rows[b].at[pl.ds(64, 64)], sh[b]).wait()

            @pl.when(i > 0)
            def _():
                pltpu.make_async_copy(scb[b], acc_s.at[dst_v[b]],
                                      ss[b]).wait()

            def icopy_body(k2, _, ch=ch, b=b):
                dst_v[b][pl.ds(k2 * 16, 16)] = eb_dst[ch, pl.ds(k2 * 16, 16)]
                return 0

            lax.fori_loop(0, CHUNK // 16, icopy_body, 0)

            def alpha_body(k2, _, ch=ch, b=b):
                idxq = eb_gq[ch, pl.ds(k2 * 16, 16)]
                idxs = eb_src[ch, pl.ds(k2 * 16, 16)]
                idxd = dst_v[b][pl.ds(k2 * 16, 16)]
                t = (plsc.load_gather(qn_t, [idxq])
                     + plsc.load_gather(kn_t, [idxs]))
                ex = jnp.exp(jnp.maximum(t, 0.2 * t))
                ex_v[pl.ds(k2 * 16, 16)] = ex
                plsc.addupdate_scatter(den_t, [idxd], ex)
                return 0

            lax.fori_loop(0, CHUNK // 16, alpha_body, 0)

            @plsc.parallel_loop(0, CHUNK, 1, unroll=8)
            def scale_body(e, b=b):
                exs = ex_v[pl.ds(e, 16)][0]
                scb[b][e, 0:16] = rows[b][e, 0:16] * exs
                scb[b][e, 16:32] = rows[b][e, 16:32] * exs

            @pl.when(i < ngroup - 1)
            def _():
                pltpu.async_copy(xwf.at[eb_src.at[ch + NBUF, pl.ds(0, 64)]],
                                 rows[b].at[pl.ds(0, 64)], sg[b])
                pltpu.async_copy(xwf.at[eb_src.at[ch + NBUF, pl.ds(64, 64)]],
                                 rows[b].at[pl.ds(64, 64)], sh[b])

            pltpu.async_copy(scb[b], acc_s.at[dst_v[b]], ss[b], add=True)
        return 0

    lax.fori_loop(0, ngroup, group_body, 0)

    for b in range(NBUF):
        pltpu.make_async_copy(scb[b], acc_s.at[dst_v[b]], ss[b]).wait()

    pltpu.sync_copy(den_t, den_out.at[tid])
    plsc.subcore_barrier()

    @pl.when(s == 0)
    def _():
        pltpu.sync_copy(acc_s, out.at[pl.ds(c * N_NODES, N_NODES)])



def kernel(x, edge_index, edge_type, W0, q0, k0, b0, g0, be0,
           W1, q1, k1, b1, g1, be1, W2, q2, k2, b2, g2, be2,
           mW1, mb1, mW2, mb2):
    f32 = jnp.float32
    zpad = jnp.zeros((EROWS_PAD - EROWS, 128), jnp.int32)
    src_p = jnp.concatenate([edge_index[0].reshape(EROWS, 128), zpad])
    dst_p = jnp.concatenate([edge_index[1].reshape(EROWS, 128), zpad])
    et_p = jnp.concatenate([edge_type.reshape(EROWS, 128), zpad])
    gsrc, gq, dstp = _prep(src_p, dst_p, et_p)

    def _tables(qn, kn):
        qnf = jnp.concatenate([qn.reshape(TQ), jnp.full((TQP - TQ,), -1e30, f32)])
        knf = jnp.concatenate([kn.reshape(TQ), jnp.zeros((TQP - TQ,), f32)])
        return qnf, knf

    def _edge(xw, qn, kn):
        qnf, knf = _tables(qn, kn)
        acc, den = _edge_kernel(xw.reshape(TQ, D_H), qnf, knf, gsrc, gq, dstp)
        return acc.reshape(NC, N_NODES, D_H), den

    xw, qn, kn = _proj0(x, W0, q0, k0)
    acc, den = _edge(xw, qn, kn)

    layer_params = [(b0, g0, be0, W1, q1, k1), (b1, g1, be1, W2, q2, k2)]
    for b, g, be, W, q, k in layer_params:
        xw, qn, kn = _finproj(acc, den, b.reshape(1, D_H), g.reshape(1, D_H),
                              be.reshape(1, D_H), W, q, k)
        acc, den = _edge(xw, qn, kn)

    return _head(acc, den, b2.reshape(1, D_H), g2.reshape(1, D_H),
                 be2.reshape(1, D_H), mW1, mb1.reshape(1, D_H), mW2,
                 mb2.reshape(1, 2))

# --- scband reference (transcript-rebuilt; emitter-appended) ---
"""Pipeline reference for scband-statement-classfier-59691455480552 (READ-ONLY COPY).

The authoritative reference and input builder live on the scoring server;
editing this copy changes nothing except your own understanding.
"""

import jax, jax.numpy as jnp
import numpy as np

N = 10000
E = 320000
D_IN = 128
D_H = 32
R = 2


def _rgat(x, src, dst, et, W, q, k, b):
    # Faithful PyG RGATConv (heads=1, dim=1, additive-self-attention, across-relation)
    n = x.shape[0]
    xw = jnp.einsum('ni,rio->nro', x, W)  # project x with every relation weight
    outi = xw[dst, et]  # [E, D_out] relation-specific projection of dst (x_i)
    outj = xw[src, et]  # [E, D_out] relation-specific projection of src (x_j)
    qi = outi @ q  # [E, 1]
    kj = outj @ k  # [E, 1]
    alpha = jax.nn.leaky_relu(qi + kj, 0.2)
    amax = jax.ops.segment_max(alpha, dst, num_segments=n)
    amax = jnp.where(jnp.isfinite(amax), amax, 0.0)
    ex = jnp.exp(alpha - amax[dst])
    den = jax.ops.segment_sum(ex, dst, num_segments=n)
    a = ex / (den[dst] + 1e-16)
    msg = a * outj
    return jax.ops.segment_sum(msg, dst, num_segments=n) + b


def _bn(h, g, be, eps=1e-5):
    mu = jnp.mean(h, axis=0)
    var = jnp.var(h, axis=0)
    return (h - mu) / jnp.sqrt(var + eps) * g + be


def setup_inputs(seed: int = 0):
    key = jax.random.key(seed)
    ks = jax.random.split(key, 24)
    inp = {}
    inp['x'] = jax.random.normal(ks[0], (N, D_IN), dtype=jnp.float32)
    inp['edge_index'] = jax.random.randint(ks[1], (2, E), 0, N, dtype=jnp.int32)
    inp['edge_type'] = jax.random.randint(ks[2], (E,), 0, R, dtype=jnp.int32)

    def nrm(i, shape, s=0.1):
        return jax.random.normal(ks[i], shape, dtype=jnp.float32) * s

    inp['W0'] = nrm(3, (R, D_IN, D_H), 0.05)
    inp['q0'] = nrm(4, (D_H, 1))
    inp['k0'] = nrm(5, (D_H, 1))
    inp['b0'] = jnp.zeros((D_H,), dtype=jnp.float32)
    inp['g0'] = jnp.ones((D_H,), dtype=jnp.float32)
    inp['be0'] = jnp.zeros((D_H,), dtype=jnp.float32)
    inp['W1'] = nrm(6, (R, D_H, D_H))
    inp['q1'] = nrm(7, (D_H, 1))
    inp['k1'] = nrm(8, (D_H, 1))
    inp['b1'] = jnp.zeros((D_H,), dtype=jnp.float32)
    inp['g1'] = jnp.ones((D_H,), dtype=jnp.float32)
    inp['be1'] = jnp.zeros((D_H,), dtype=jnp.float32)
    inp['W2'] = nrm(9, (R, D_H, D_H))
    inp['q2'] = nrm(10, (D_H, 1))
    inp['k2'] = nrm(11, (D_H, 1))
    inp['b2'] = jnp.zeros((D_H,), dtype=jnp.float32)
    inp['g2'] = jnp.ones((D_H,), dtype=jnp.float32)
    inp['be2'] = jnp.zeros((D_H,), dtype=jnp.float32)
    inp['mW1'] = nrm(12, (D_H, D_H))
    inp['mb1'] = jnp.zeros((D_H,), dtype=jnp.float32)
    inp['mW2'] = nrm(13, (D_H, 2))
    inp['mb2'] = jnp.zeros((2,), dtype=jnp.float32)
    return inp


def reference(x, edge_index, edge_type, W0, q0, k0, b0, g0, be0, W1, q1, k1, b1, g1, be1, W2, q2, k2, b2, g2, be2, mW1, mb1, mW2, mb2):
    src = edge_index[0]
    dst = edge_index[1]
    h = _rgat(x, src, dst, edge_type, W0, q0, k0, b0)
    h = _bn(jax.nn.relu(h), g0, be0)
    h = _rgat(h, src, dst, edge_type, W1, q1, k1, b1)
    h = _bn(jax.nn.relu(h), g1, be1)
    h = _rgat(h, src, dst, edge_type, W2, q2, k2, b2)
    h = _bn(jax.nn.relu(h), g2, be2)
    h = jax.nn.sigmoid(h @ mW1 + mb1)
    out = h @ mW2 + mb2
    return out

if __name__ == "__main__":
    import jax
    _d = setup_inputs()
    print(jax.jit(kernel)(*tuple(_d.values())))

</pallas_src>

<mosaic_0001>
#map = affine_map<(d0, d1) -> (0, 0)>
#map1 = affine_map<(d0, d1) -> (0)>
module attributes {stable_mosaic.version = 14 : i64} {
  func.func @_edge_kernel(%arg0: i32, %arg1: i32, %arg2: memref<20000x32xf32, #tpu.memory_space<hbm>>, %arg3: memref<20008xf32, #tpu.memory_space<hbm>>, %arg4: memref<20008xf32, #tpu.memory_space<hbm>>, %arg5: memref<2560x128xi32, #tpu.memory_space<hbm>>, %arg6: memref<2560x128xi32, #tpu.memory_space<hbm>>, %arg7: memref<2560x128xi32, #tpu.memory_space<hbm>>, %arg8: memref<20000x32xf32, #tpu.memory_space<hbm>>, %arg9: memref<32x10000xf32, #tpu.memory_space<hbm>>, %arg10: memref<20008xf32, #tpu.memory_space<vmem>>, %arg11: memref<20008xf32, #tpu.memory_space<vmem>>, %arg12: memref<104x128xi32, #tpu.memory_space<vmem>>, %arg13: memref<104x128xi32, #tpu.memory_space<vmem>>, %arg14: memref<104x128xi32, #tpu.memory_space<vmem>>, %arg15: memref<144xf32, #tpu.memory_space<vmem>>, %arg16: memref<10000xf32, #tpu.memory_space<vmem>>, %arg17: memref<128xi32, #tpu.memory_space<vmem>>, %arg18: memref<128xi32, #tpu.memory_space<vmem>>, %arg19: memref<128x32xf32, #tpu.memory_space<vmem>>, %arg20: memref<128x32xf32, #tpu.memory_space<vmem>>, %arg21: memref<128x32xf32, #tpu.memory_space<vmem>>, %arg22: memref<128x32xf32, #tpu.memory_space<vmem>>, %arg23: memref<!tpu.dma_semaphore, #tpu.memory_space<semaphore_mem>>, %arg24: memref<!tpu.dma_semaphore, #tpu.memory_space<semaphore_mem>>, %arg25: memref<!tpu.dma_semaphore, #tpu.memory_space<semaphore_mem>>, %arg26: memref<!tpu.dma_semaphore, #tpu.memory_space<semaphore_mem>>, %arg27: memref<!tpu.dma_semaphore, #tpu.memory_space<semaphore_mem>>, %arg28: memref<!tpu.dma_semaphore, #tpu.memory_space<semaphore_mem>>, %arg29: memref<10000x32xf32, #tpu.memory_space<vmem_shared>>) attributes {dimension_semantics = [#tpu.dimension_semantics<core_parallel>, #tpu.dimension_semantics<subcore_parallel>], iteration_bounds = array<i64: 2, 16>, scalar_prefetch = 0 : i64, scratch_operands = 20 : i64, tpu.core_type = #tpu.core_type<sc_vector_subcore>, window_params = [{transform_indices = #map}, {transform_indices = #map1}, {transform_indices = #map1}, {transform_indices = #map}, {transform_indices = #map}, {transform_indices = #map}, {transform_indices = #map}, {transform_indices = #map}]} {
    %mul3A = arith.constant 16 : i32
    %mul3A_0 = arith.muli %arg0, %mul3A : i32
    %add3A = arith.addi %mul3A_0, %arg1 : i32
    %eq3A = arith.constant 0 : i32
    %eq3A_1 = arith.cmpi eq, %arg0, %eq3A : i32
    %mul3A_2 = arith.constant 104 : i32
    %mul3A_3 = arith.muli %arg1, %mul3A_2 : i32
    %mul3A_4 = arith.constant 56 : i32
    %mul3A_5 = arith.muli %arg1, %mul3A_4 : i32
    %add3A_6 = arith.constant 1664 : i32
    %add3A_7 = arith.addi %add3A_6, %mul3A_5 : i32
    %select_n3A = arith.select %eq3A_1, %mul3A_3, %add3A_7 : i32
    tpu.enqueue_dma source(%arg3 : memref<20008xf32, #tpu.memory_space<hbm>>) target(%arg10 : memref<20008xf32, #tpu.memory_space<vmem>>) target_semaphore(%arg23 : memref<!tpu.dma_semaphore, #tpu.memory_space<semaphore_mem>>)
    tpu.enqueue_dma source(%arg4 : memref<20008xf32, #tpu.memory_space<hbm>>) target(%arg11 : memref<20008xf32, #tpu.memory_space<vmem>>) target_semaphore(%arg24 : memref<!tpu.dma_semaphore, #tpu.memory_space<semaphore_mem>>)
    %dma_start3A = arith.constant 0 : i32
    %dma_start3A_8 = tpu.memref_slice %arg5[%select_n3A, %dma_start3A] : memref<2560x128xi32, #tpu.memory_space<hbm>> -> memref<104x128xi32, #tpu.memory_space<hbm>>
    %dma_start3A_9 = arith.constant 0 : i32
    %dma_start3A_10 = tpu.memref_slice %arg5[%select_n3A, %dma_start3A_9] : memref<2560x128xi32, #tpu.memory_space<hbm>> -> memref<104x128xi32, #tpu.memory_space<hbm>>
    tpu.enqueue_dma source(%dma_start3A_10 : memref<104x128xi32, #tpu.memory_space<hbm>>) target(%arg12 : memref<104x128xi32, #tpu.memory_space<vmem>>) target_semaphore(%arg25 : memref<!tpu.dma_semaphore, #tpu.memory_space<semaphore_mem>>)
    %dma_start3A_11 = arith.constant 0 : i32
    %dma_start3A_12 = tpu.memref_slice %arg6[%select_n3A, %dma_start3A_11] : memref<2560x128xi32, #tpu.memory_space<hbm>> -> memref<104x128xi32, #tpu.memory_space<hbm>>
    %dma_start3A_13 = arith.constant 0 : i32
    %dma_start3A_14 = tpu.memref_slice %arg6[%select_n3A, %dma_start3A_13] : memref<2560x128xi32, #tpu.memory_space<hbm>> -> memref<104x128xi32, #tpu.memory_space<hbm>>
    tpu.enqueue_dma source(%dma_start3A_14 : memref<104x128xi32, #tpu.memory_space<hbm>>) target(%arg13 : memref<104x128xi32, #tpu.memory_space<vmem>>) target_semaphore(%arg26 : memref<!tpu.dma_semaphore, #tpu.memory_space<semaphore_mem>>)
    %dma_start3A_15 = arith.constant 0 : i32
    %dma_start3A_16 = tpu.memref_slice %arg7[%select_n3A, %dma_start3A_15] : memref<2560x128xi32, #tpu.memory_space<hbm>> -> memref<104x128xi32, #tpu.memory_space<hbm>>
    %dma_start3A_17 = arith.constant 0 : i32
    %dma_start3A_18 = tpu.memref_slice %arg7[%select_n3A, %dma_start3A_17] : memref<2560x128xi32, #tpu.memory_space<hbm>> -> memref<104x128xi32, #tpu.memory_space<hbm>>
    tpu.enqueue_dma source(%dma_start3A_18 : memref<104x128xi32, #tpu.memory_space<hbm>>) target(%arg14 : memref<104x128xi32, #tpu.memory_space<vmem>>) target_semaphore(%arg27 : memref<!tpu.dma_semaphore, #tpu.memory_space<semaphore_mem>>)
    tpu.wait_dma2 semaphore(%arg23 : memref<!tpu.dma_semaphore, #tpu.memory_space<semaphore_mem>>) src(%arg3 : memref<20008xf32, #tpu.memory_space<hbm>>) dst(%arg10 : memref<20008xf32, #tpu.memory_space<vmem>>)
    tpu.wait_dma2 semaphore(%arg24 : memref<!tpu.dma_semaphore, #tpu.memory_space<semaphore_mem>>) src(%arg4 : memref<20008xf32, #tpu.memory_space<hbm>>) dst(%arg11 : memref<20008xf32, #tpu.memory_space<vmem>>)
    %dma_wait3A = arith.constant 0 : i32
    %dma_wait3A_19 = tpu.memref_slice %arg5[%select_n3A, %dma_wait3A] : memref<2560x128xi32, #tpu.memory_space<hbm>> -> memref<104x128xi32, #tpu.memory_space<hbm>>
    %dma_wait3A_20 = arith.constant 0 : i32
    %dma_wait3A_21 = tpu.memref_slice %arg5[%select_n3A, %dma_wait3A_20] : memref<2560x128xi32, #tpu.memory_space<hbm>> -> memref<104x128xi32, #tpu.memory_space<hbm>>
    tpu.wait_dma2 semaphore(%arg25 : memref<!tpu.dma_semaphore, #tpu.memory_space<semaphore_mem>>) src(%dma_wait3A_21 : memref<104x128xi32, #tpu.memory_space<hbm>>) dst(%arg12 : memref<104x128xi32, #tpu.memory_space<vmem>>)
    %dma_wait3A_22 = arith.constant 0 : i32
    %dma_wait3A_23 = tpu.memref_slice %arg6[%select_n3A, %dma_wait3A_22] : memref<2560x128xi32, #tpu.memory_space<hbm>> -> memref<104x128xi32, #tpu.memory_space<hbm>>
    %dma_wait3A_24 = arith.constant 0 : i32
    %dma_wait3A_25 = tpu.memref_slice %arg6[%select_n3A, %dma_wait3A_24] : memref<2560x128xi32, #tpu.memory_space<hbm>> -> memref<104x128xi32, #tpu.memory_space<hbm>>
    tpu.wait_dma2 semaphore(%arg26 : memref<!tpu.dma_semaphore, #tpu.memory_space<semaphore_mem>>) src(%dma_wait3A_25 : memref<104x128xi32, #tpu.memory_space<hbm>>) dst(%arg13 : memref<104x128xi32, #tpu.memory_space<vmem>>)
    %dma_wait3A_26 = arith.constant 0 : i32
    %dma_wait3A_27 = tpu.memref_slice %arg7[%select_n3A, %dma_wait3A_26] : memref<2560x128xi32, #tpu.memory_space<hbm>> -> memref<104x128xi32, #tpu.memory_space<hbm>>
    %dma_wait3A_28 = arith.constant 0 : i32
    %dma_wait3A_29 = tpu.memref_slice %arg7[%select_n3A, %dma_wait3A_28] : memref<2560x128xi32, #tpu.memory_space<hbm>> -> memref<104x128xi32, #tpu.memory_space<hbm>>
    tpu.wait_dma2 semaphore(%arg27 : memref<!tpu.dma_semaphore, #tpu.memory_space<semaphore_mem>>) src(%dma_wait3A_29 : memref<104x128xi32, #tpu.memory_space<hbm>>) dst(%arg14 : memref<104x128xi32, #tpu.memory_space<vmem>>)
    %broadcast_in_dim3A = arith.constant 0.000000e+00 : f32
    %broadcast_in_dim3A_30 = vector.broadcast %broadcast_in_dim3A : f32 to vector<16xf32>
    %scan3A = arith.constant 0 : i32
    %scan3A_31 = arith.constant 0 : i32
    %scan3A_32 = arith.constant 625 : i32
    %scan3A_33 = arith.addi %scan3A_31, %scan3A_32 : i32
    %scan3A_34 = arith.constant 1 : i32
    %scan3A_35 = scf.for %scan3A_117 = %scan3A_31 to %scan3A_33 step %scan3A_34 iter_args(%scan3A_118 = %scan3A) -> (i32)  : i32 {
      %mul3A_119 = arith.constant 16 : i32
      %mul3A_120 = arith.muli %scan3A_117, %mul3A_119 : i32
      %swap3A_121 = arith.index_cast %mul3A_120 : i32 to index
      %swap3A_122 = tpu.vector_load %arg16[%swap3A_121] {strides = array<i32>} : memref<10000xf32, #tpu.memory_space<vmem>>, vector<16xf32>,
      tpu.vector_store %arg16[%swap3A_121], %broadcast_in_dim3A_30 {strides = array<i32>} : memref<10000xf32, #tpu.memory_space<vmem>>, vector<16xf32>,
      %scan3A_123 = arith.constant 0 : i32
      scf.yield %scan3A_123 : i32
    }
    %scan3A_36 = arith.constant 625 : i32
    %swap3A = arith.constant 128 : index
    %swap3A_37 = tpu.vector_load %arg15[%swap3A] {strides = array<i32>} : memref<144xf32, #tpu.memory_space<vmem>>, vector<16xf32>,
    tpu.vector_store %arg15[%swap3A], %broadcast_in_dim3A_30 {strides = array<i32>} : memref<144xf32, #tpu.memory_space<vmem>>, vector<16xf32>,
    %scan3A_38 = arith.constant 0 : i32
    %scan3A_39 = arith.constant 0 : i32
    %scan3A_40 = arith.constant 128 : i32
    %scan3A_41 = arith.addi %scan3A_39, %scan3A_40 : i32
    %scan3A_42 = arith.constant 1 : i32
    %scan3A_43 = scf.for %scan3A_117 = %scan3A_39 to %scan3A_41 step %scan3A_42 iter_args(%scan3A_118 = %scan3A_38) -> (i32)  : i32 {
      %swap3A_119 = arith.index_cast %scan3A_117 : i32 to index
      %swap3A_120 = arith.constant 0 : index
      %swap3A_121 = tpu.vector_load %arg21[%swap3A_119, %swap3A_120] {strides = array<i32>} : memref<128x32xf32, #tpu.memory_space<vmem>>, vector<16xf32>,
      tpu.vector_store %arg21[%swap3A_119, %swap3A_120], %broadcast_in_dim3A_30 {strides = array<i32>} : memref<128x32xf32, #tpu.memory_space<vmem>>, vector<16xf32>,
      %swap3A_122 = arith.index_cast %scan3A_117 : i32 to index
      %swap3A_123 = arith.constant 16 : index
      %swap3A_124 = tpu.vector_load %arg21[%swap3A_122, %swap3A_123] {strides = array<i32>} : memref<128x32xf32, #tpu.memory_space<vmem>>, vector<16xf32>,
      tpu.vector_store %arg21[%swap3A_122, %swap3A_123], %broadcast_in_dim3A_30 {strides = array<i32>} : memref<128x32xf32, #tpu.memory_space<vmem>>, vector<16xf32>,
      %scan3A_125 = arith.constant 0 : i32
      scf.yield %scan3A_125 : i32
    }
    %scan3A_44 = arith.constant 128 : i32
    %scan3A_45 = arith.constant 0 : i32
    %scan3A_46 = arith.constant 0 : i32
    %scan3A_47 = arith.constant 5 : i32
    %scan3A_48 = arith.addi %scan3A_46, %scan3A_47 : i32
    %scan3A_49 = arith.constant 1 : i32
    %scan3A_50 = scf.for %scan3A_117 = %scan3A_46 to %scan3A_48 step %scan3A_49 iter_args(%scan3A_118 = %scan3A_45) -> (i32)  : i32 {
      %mul3A_119 = arith.constant 16 : i32
      %mul3A_120 = arith.muli %scan3A_117, %mul3A_119 : i32
      %add3A_121 = arith.addi %arg1, %mul3A_120 : i32
      %lt3A = arith.constant 78 : i32
      %lt3A_122 = arith.cmpi slt, %add3A_121, %lt3A : i32
      %convert_element_type3A_123 = arith.extui %lt3A_122 : i1 to i32
      %cond3A_124 = arith.constant 0 : i32
      %cond3A_125 = arith.cmpi ne, %convert_element_type3A_123, %cond3A_124 : i32
      scf.if %cond3A_125 {
        %mul3A_132 = arith.constant 128 : i32
        %mul3A_133 = arith.muli %add3A_121, %mul3A_132 : i32
        "tpu.region"() ({
          %run_scoped3A = tpu.sem_alloc : memref<!tpu.dma_semaphore, #tpu.memory_space<semaphore_mem>>
          %dma_start3A_134 = arith.constant 0 : i32
          %dma_start3A_135 = tpu.memref_slice %arg29[%mul3A_133, %dma_start3A_134] : memref<10000x32xf32, #tpu.memory_space<vmem_shared>> -> memref<128x32xf32, #tpu.memory_space<vmem_shared>>
          %dma_start3A_136 = arith.constant 0 : i32
          %dma_start3A_137 = tpu.memref_slice %arg29[%mul3A_133, %dma_start3A_136] : memref<10000x32xf32, #tpu.memory_space<vmem_shared>> -> memref<128x32xf32, #tpu.memory_space<vmem_shared>>
          tpu.enqueue_dma source(%arg21 : memref<128x32xf32, #tpu.memory_space<vmem>>) target(%dma_start3A_137 : memref<128x32xf32, #tpu.memory_space<vmem_shared>>) target_semaphore(%run_scoped3A : memref<!tpu.dma_semaphore, #tpu.memory_space<semaphore_mem>>)
          %dma_wait3A_138 = arith.constant 0 : i32
          %dma_wait3A_139 = tpu.memref_slice %arg29[%mul3A_133, %dma_wait3A_138] : memref<10000x32xf32, #tpu.memory_space<vmem_shared>> -> memref<128x32xf32, #tpu.memory_space<vmem_shared>>
          %dma_wait3A_140 = arith.constant 0 : i32
          %dma_wait3A_141 = tpu.memref_slice %arg29[%mul3A_133, %dma_wait3A_140] : memref<10000x32xf32, #tpu.memory_space<vmem_shared>> -> memref<128x32xf32, #tpu.memory_space<vmem_shared>>
          tpu.wait_dma2 semaphore(%run_scoped3A : memref<!tpu.dma_semaphore, #tpu.memory_space<semaphore_mem>>) src(%arg21 : memref<128x32xf32, #tpu.memory_space<vmem>>) dst(%dma_wait3A_141 : memref<128x32xf32, #tpu.memory_space<vmem_shared>>)
          tpu.yield
        }) : () -> ()
      } else {
      }
      %eq3A_126 = arith.constant 78 : i32
      %eq3A_127 = arith.cmpi eq, %add3A_121, %eq3A_126 : i32
      %convert_element_type3A_128 = arith.extui %eq3A_127 : i1 to i32
      %cond3A_129 = arith.constant 0 : i32
      %cond3A_130 = arith.cmpi ne, %convert_element_type3A_128, %cond3A_129 : i32
      scf.if %cond3A_130 {
        "tpu.region"() ({
          %run_scoped3A = tpu.sem_alloc : memref<!tpu.dma_semaphore, #tpu.memory_space<semaphore_mem>>
          %dma_start3A_132 = arith.constant 0 : i32
          %dma_start3A_133 = arith.constant 0 : i32
          %dma_start3A_134 = tpu.memref_slice %arg21[%dma_start3A_132, %dma_start3A_133] : memref<128x32xf32, #tpu.memory_space<vmem>> -> memref<16x32xf32, #tpu.memory_space<vmem>>
          %dma_start3A_135 = arith.constant 9984 : i32
          %dma_start3A_136 = arith.constant 0 : i32
          %dma_start3A_137 = tpu.memref_slice %arg29[%dma_start3A_135, %dma_start3A_136] : memref<10000x32xf32, #tpu.memory_space<vmem_shared>> -> memref<16x32xf32, #tpu.memory_space<vmem_shared>>
          %dma_start3A_138 = arith.constant 9984 : i32
          %dma_start3A_139 = arith.constant 0 : i32
          %dma_start3A_140 = tpu.memref_slice %arg29[%dma_start3A_138, %dma_start3A_139] : memref<10000x32xf32, #tpu.memory_space<vmem_shared>> -> memref<16x32xf32, #tpu.memory_space<vmem_shared>>
          %dma_start3A_141 = arith.constant 0 : i32
          %dma_start3A_142 = arith.constant 0 : i32
          %dma_start3A_143 = tpu.memref_slice %arg21[%dma_start3A_141, %dma_start3A_142] : memref<128x32xf32, #tpu.memory_space<vmem>> -> memref<16x32xf32, #tpu.memory_space<vmem>>
          tpu.enqueue_dma source(%dma_start3A_143 : memref<16x32xf32, #tpu.memory_space<vmem>>) target(%dma_start3A_140 : memref<16x32xf32, #tpu.memory_space<vmem_shared>>) target_semaphore(%run_scoped3A : memref<!tpu.dma_semaphore, #tpu.memory_space<semaphore_mem>>)
          %dma_wait3A_144 = arith.constant 0 : i32
          %dma_wait3A_145 = arith.constant 0 : i32
          %dma_wait3A_146 = tpu.memref_slice %arg21[%dma_wait3A_144, %dma_wait3A_145] : memref<128x32xf32, #tpu.memory_space<vmem>> -> memref<16x32xf32, #tpu.memory_space<vmem>>
          %dma_wait3A_147 = arith.constant 9984 : i32
          %dma_wait3A_148 = arith.constant 0 : i32
          %dma_wait3A_149 = tpu.memref_slice %arg29[%dma_wait3A_147, %dma_wait3A_148] : memref<10000x32xf32, #tpu.memory_space<vmem_shared>> -> memref<16x32xf32, #tpu.memory_space<vmem_shared>>
          %dma_wait3A_150 = arith.constant 9984 : i32
          %dma_wait3A_151 = arith.constant 0 : i32
          %dma_wait3A_152 = tpu.memref_slice %arg29[%dma_wait3A_150, %dma_wait3A_151] : memref<10000x32xf32, #tpu.memory_space<vmem_shared>> -> memref<16x32xf32, #tpu.memory_space<vmem_shared>>
          %dma_wait3A_153 = arith.constant 0 : i32
          %dma_wait3A_154 = arith.constant 0 : i32
          %dma_wait3A_155 = tpu.memref_slice %arg21[%dma_wait3A_153, %dma_wait3A_154] : memref<128x32xf32, #tpu.memory_space<vmem>> -> memref<16x32xf32, #tpu.memory_space<vmem>>
          tpu.wait_dma2 semaphore(%run_scoped3A : memref<!tpu.dma_semaphore, #tpu.memory_space<semaphore_mem>>) src(%dma_wait3A_155 : memref<16x32xf32, #tpu.memory_space<vmem>>) dst(%dma_wait3A_152 : memref<16x32xf32, #tpu.memory_space<vmem_shared>>)
          tpu.yield
        }) : () -> ()
      } else {
      }
      %scan3A_131 = arith.constant 0 : i32
      scf.yield %scan3A_131 : i32
    }
    %scan3A_51 = arith.constant 5 : i32
    %barrier3A = arith.constant 0 : index
    tpu.barrier barrier_id(%barrier3A)
    %dma_start3A_52 = arith.constant 0 : i32
    %dma_start3A_53 = arith.constant 0 : i32
    %dma_start3A_54 = arith.constant 0 : i32
    %dma_start3A_55 = tpu.memref_slice %arg19[%dma_start3A_53, %dma_start3A_54] : memref<128x32xf32, #tpu.memory_space<vmem>> -> memref<64x32xf32, #tpu.memory_space<vmem>>
    %dma_start3A_56 = arith.constant 0 : i32
    %dma_start3A_57 = tpu.memref_slice %arg12[%dma_start3A_52, %dma_start3A_56] : memref<104x128xi32, #tpu.memory_space<vmem>> -> memref<1x64xi32, #tpu.memory_space<vmem>>
    %dma_start3A_58 = tpu.memref_squeeze %dma_start3A_57 : memref<1x64xi32, #tpu.memory_space<vmem>> -> memref<64xi32, #tpu.memory_space<vmem>>
    %dma_start3A_59 = arith.constant 0 : i32
    %dma_start3A_60 = arith.constant 0 : i32
    %dma_start3A_61 = tpu.memref_slice %arg2[%dma_start3A_59, %dma_start3A_60] : memref<20000x32xf32, #tpu.memory_space<hbm>> -> memref<20000x32xf32, #tpu.memory_space<hbm>>
    tpu.enqueue_indirect_dma source(%dma_start3A_61 : memref<20000x32xf32, #tpu.memory_space<hbm>>) target(%dma_start3A_55 : memref<64x32xf32, #tpu.memory_space<vmem>>) offsets(%dma_start3A_58 : memref<64xi32, #tpu.memory_space<vmem>>) semaphore(%arg23 : memref<!tpu.dma_semaphore, #tpu.memory_space<semaphore_mem>>)
    %dma_start3A_62 = arith.constant 0 : i32
    %dma_start3A_63 = arith.constant 64 : i32
    %dma_start3A_64 = arith.constant 0 : i32
    %dma_start3A_65 = tpu.memref_slice %arg19[%dma_start3A_63, %dma_start3A_64] : memref<128x32xf32, #tpu.memory_space<vmem>> -> memref<64x32xf32, #tpu.memory_space<vmem>>
    %dma_start3A_66 = arith.constant 64 : i32
    %dma_start3A_67 = tpu.memref_slice %arg12[%dma_start3A_62, %dma_start3A_66] : memref<104x128xi32, #tpu.memory_space<vmem>> -> memref<1x64xi32, #tpu.memory_space<vmem>>
    %dma_start3A_68 = tpu.memref_squeeze %dma_start3A_67 : memref<1x64xi32, #tpu.memory_space<vmem>> -> memref<64xi32, #tpu.memory_space<vmem>>
    %dma_start3A_69 = arith.constant 0 : i32
    %dma_start3A_70 = arith.constant 0 : i32
    %dma_start3A_71 = tpu.memref_slice %arg2[%dma_start3A_69, %dma_start3A_70] : memref<20000x32xf32, #tpu.memory_space<hbm>> -> memref<20000x32xf32, #tpu.memory_space<hbm>>
    tpu.enqueue_indirect_dma source(%dma_start3A_71 : memref<20000x32xf32, #tpu.memory_space<hbm>>) target(%dma_start3A_65 : memref<64x32xf32, #tpu.memory_space<vmem>>) offsets(%dma_start3A_68 : memref<64xi32, #tpu.memory_space<vmem>>) semaphore(%arg25 : memref<!tpu.dma_semaphore, #tpu.memory_space<semaphore_mem>>)
    %dma_start3A_72 = arith.constant 1 : i32
    %dma_start3A_73 = arith.constant 0 : i32
    %dma_start3A_74 = arith.constant 0 : i32
    %dma_start3A_75 = tpu.memref_slice %arg20[%dma_start3A_73, %dma_start3A_74] : memref<128x32xf32, #tpu.memory_space<vmem>> -> memref<64x32xf32, #tpu.memory_space<vmem>>
    %dma_start3A_76 = arith.constant 0 : i32
    %dma_start3A_77 = tpu.memref_slice %arg12[%dma_start3A_72, %dma_start3A_76] : memref<104x128xi32, #tpu.memory_space<vmem>> -> memref<1x64xi32, #tpu.memory_space<vmem>>
    %dma_start3A_78 = tpu.memref_squeeze %dma_start3A_77 : memref<1x64xi32, #tpu.memory_space<vmem>> -> memref<64xi32, #tpu.memory_space<vmem>>
    %dma_start3A_79 = arith.constant 0 : i32
    %dma_start3A_80 = arith.constant 0 : i32
    %dma_start3A_81 = tpu.memref_slice %arg2[%dma_start3A_79, %dma_start3A_80] : memref<20000x32xf32, #tpu.memory_space<hbm>> -> memref<20000x32xf32, #tpu.memory_space<hbm>>
    tpu.enqueue_indirect_dma source(%dma_start3A_81 : memref<20000x32xf32, #tpu.memory_space<hbm>>) target(%dma_start3A_75 : memref<64x32xf32, #tpu.memory_space<vmem>>) offsets(%dma_start3A_78 : memref<64xi32, #tpu.memory_space<vmem>>) semaphore(%arg24 : memref<!tpu.dma_semaphore, #tpu.memory_space<semaphore_mem>>)
    %dma_start3A_82 = arith.constant 1 : i32
    %dma_start3A_83 = arith.constant 64 : i32
    %dma_start3A_84 = arith.constant 0 : i32
    %dma_start3A_85 = tpu.memref_slice %arg20[%dma_start3A_83, %dma_start3A_84] : memref<128x32xf32, #tpu.memory_space<vmem>> -> memref<64x32xf32, #tpu.memory_space<vmem>>
    %dma_start3A_86 = arith.constant 64 : i32
    %dma_start3A_87 = tpu.memref_slice %arg12[%dma_start3A_82, %dma_start3A_86] : memref<104x128xi32, #tpu.memory_space<vmem>> -> memref<1x64xi32, #tpu.memory_space<vmem>>
    %dma_start3A_88 = tpu.memref_squeeze %dma_start3A_87 : memref<1x64xi32, #tpu.memory_space<vmem>> -> memref<64xi32, #tpu.memory_space<vmem>>
    %dma_start3A_89 = arith.constant 0 : i32
    %dma_start3A_90 = arith.constant 0 : i32
    %dma_start3A_91 = tpu.memref_slice %arg2[%dma_start3A_89, %dma_start3A_90] : memref<20000x32xf32, #tpu.memory_space<hbm>> -> memref<20000x32xf32, #tpu.memory_space<hbm>>
    tpu.enqueue_indirect_dma source(%dma_start3A_91 : memref<20000x32xf32, #tpu.memory_space<hbm>>) target(%dma_start3A_85 : memref<64x32xf32, #tpu.memory_space<vmem>>) offsets(%dma_start3A_88 : memref<64xi32, #tpu.memory_space<vmem>>) semaphore(%arg26 : memref<!tpu.dma_semaphore, #tpu.memory_space<semaphore_mem>>)
    %eq3A_92 = arith.constant 0 : i32
    %eq3A_93 = arith.cmpi eq, %arg0, %eq3A_92 : i32
    %jit3A = arith.constant 52 : i32
    %jit3A_94 = arith.constant 28 : i32
    %select_n3A_95 = arith.select %eq3A_93, %jit3A, %jit3A_94 : i32
    %while3A = arith.constant 0 : i32
    %while3A_96 = arith.constant 0 : i32
    %while3A_97 = arith.subi %select_n3A_95, %while3A : i32
    %while3A_98 = arith.addi %while3A, %while3A_97 : i32
    %while3A_99 = arith.constant 1 : i32
    %while3A_100 = arith.divsi %while3A_97, %while3A_99 : i32
    %while3A_101 = arith.muli %while3A_100, %while3A_99 : i32
    %while3A_102 = arith.addi %while3A, %while3A_101 : i32
    %while3A_103 = arith.constant 1 : i32
    %while3A_104 = scf.for %while3A_117 = %while3A to %while3A_102 step %while3A_103 iter_args(%while3A_118 = %while3A_96) -> (i32)  : i32 {
      %mul3A_119 = arith.constant 2 : i32
      %mul3A_120 = arith.muli %while3A_117, %mul3A_119 : i32
      %add3A_121 = arith.constant 0 : i32
      %add3A_122 = arith.addi %mul3A_120, %add3A_121 : i32
      %dma_wait3A_123 = arith.constant 0 : i32
      %dma_wait3A_124 = arith.constant 0 : i32
      %dma_wait3A_125 = arith.constant 0 : i32
      %dma_wait3A_126 = tpu.memref_slice %arg19[%dma_wait3A_124, %dma_wait3A_125] : memref<128x32xf32, #tpu.memory_space<vmem>> -> memref<64x32xf32, #tpu.memory_space<vmem>>
      %dma_wait3A_127 = arith.constant 0 : i32
      %dma_wait3A_128 = tpu.memref_slice %arg12[%dma_wait3A_123, %dma_wait3A_127] : memref<104x128xi32, #tpu.memory_space<vmem>> -> memref<1x64xi32, #tpu.memory_space<vmem>>
      %dma_wait3A_129 = tpu.memref_squeeze %dma_wait3A_128 : memref<1x64xi32, #tpu.memory_space<vmem>> -> memref<64xi32, #tpu.memory_space<vmem>>
      %dma_wait3A_130 = arith.constant 0 : i32
      %dma_wait3A_131 = arith.constant 0 : i32
      %dma_wait3A_132 = tpu.memref_slice %arg2[%dma_wait3A_130, %dma_wait3A_131] : memref<20000x32xf32, #tpu.memory_space<hbm>> -> memref<20000x32xf32, #tpu.memory_space<hbm>>
      tpu.wait_indirect_dma semaphore(%arg23 : memref<!tpu.dma_semaphore, #tpu.memory_space<semaphore_mem>>) src(%dma_wait3A_132 : memref<20000x32xf32, #tpu.memory_space<hbm>>) dst(%dma_wait3A_126 : memref<64x32xf32, #tpu.memory_space<vmem>>)
      %dma_wait3A_133 = arith.constant 0 : i32
      %dma_wait3A_134 = arith.constant 64 : i32
      %dma_wait3A_135 = arith.constant 0 : i32
      %dma_wait3A_136 = tpu.memref_slice %arg19[%dma_wait3A_134, %dma_wait3A_135] : memref<128x32xf32, #tpu.memory_space<vmem>> -> memref<64x32xf32, #tpu.memory_space<vmem>>
      %dma_wait3A_137 = arith.constant 64 : i32
      %dma_wait3A_138 = tpu.memref_slice %arg12[%dma_wait3A_133, %dma_wait3A_137] : memref<104x128xi32, #tpu.memory_space<vmem>> -> memref<1x64xi32, #tpu.memory_space<vmem>>
      %dma_wait3A_139 = tpu.memref_squeeze %dma_wait3A_138 : memref<1x64xi32, #tpu.memory_space<vmem>> -> memref<64xi32, #tpu.memory_space<vmem>>
      %dma_wait3A_140 = arith.constant 0 : i32
      %dma_wait3A_141 = arith.constant 0 : i32
      %dma_wait3A_142 = tpu.memref_slice %arg2[%dma_wait3A_140, %dma_wait3A_141] : memref<20000x32xf32, #tpu.memory_space<hbm>> -> memref<20000x32xf32, #tpu.memory_space<hbm>>
      tpu.wait_indirect_dma semaphore(%arg25 : memref<!tpu.dma_semaphore, #tpu.memory_space<semaphore_mem>>) src(%dma_wait3A_142 : memref<20000x32xf32, #tpu.memory_space<hbm>>) dst(%dma_wait3A_136 : memref<64x32xf32, #tpu.memory_space<vmem>>)
      %gt3A = arith.constant 0 : i32
      %gt3A_143 = arith.cmpi sgt, %while3A_117, %gt3A : i32
      %convert_element_type3A_144 = arith.extui %gt3A_143 : i1 to i32
      %cond3A_145 = arith.constant 0 : i32
      %cond3A_146 = arith.cmpi ne, %convert_element_type3A_144, %cond3A_145 : i32
      scf.if %cond3A_146 {
        %dma_wait3A_226 = arith.constant 0 : i32
        %dma_wait3A_227 = arith.constant 0 : i32
        %dma_wait3A_228 = tpu.memref_slice %arg29[%dma_wait3A_226, %dma_wait3A_227] : memref<10000x32xf32, #tpu.memory_space<vmem_shared>> -> memref<10000x32xf32, #tpu.memory_space<vmem_shared>>
        tpu.wait_indirect_dma semaphore(%arg27 : memref<!tpu.dma_semaphore, #tpu.memory_space<semaphore_mem>>) src(%arg21 : memref<128x32xf32, #tpu.memory_space<vmem>>) dst(%dma_wait3A_228 : memref<10000x32xf32, #tpu.memory_space<vmem_shared>>)
      } else {
      }
      %scan3A_147 = arith.constant 0 : i32
      %scan3A_148 = arith.constant 0 : i32
      %scan3A_149 = arith.constant 8 : i32
      %scan3A_150 = arith.addi %scan3A_148, %scan3A_149 : i32
      %scan3A_151 = arith.constant 1 : i32
      %scan3A_152 = scf.for %scan3A_226 = %scan3A_148 to %scan3A_150 step %scan3A_151 iter_args(%scan3A_227 = %scan3A_147) -> (i32)  : i32 {
        %mul3A_228 = arith.constant 16 : i32
        %mul3A_229 = arith.muli %scan3A_226, %mul3A_228 : i32
        %get3A = arith.index_cast %add3A_122 : i32 to index
        %get3A_230 = arith.index_cast %mul3A_229 : i32 to index
        %get3A_231 = tpu.vector_load %arg14[%get3A, %get3A_230] {strides = array<i32>} : memref<104x128xi32, #tpu.memory_space<vmem>>, vector<16xi32>,
        %mul3A_232 = arith.constant 16 : i32
        %mul3A_233 = arith.muli %scan3A_226, %mul3A_232 : i32
        %swap3A_234 = arith.index_cast %mul3A_233 : i32 to index
        %swap3A_235 = tpu.vector_load %arg17[%swap3A_234] {strides = array<i32>} : memref<128xi32, #tpu.memory_space<vmem>>, vector<16xi32>,
        tpu.vector_store %arg17[%swap3A_234], %get3A_231 {strides = array<i32>} : memref<128xi32, #tpu.memory_space<vmem>>, vector<16xi32>,
        %scan3A_236 = arith.constant 0 : i32
        scf.yield %scan3A_236 : i32
      }
      %scan3A_153 = arith.constant 8 : i32
      %scan3A_154 = arith.constant 0 : i32
      %scan3A_155 = arith.constant 0 : i32
      %scan3A_156 = arith.constant 8 : i32
      %scan3A_157 = arith.addi %scan3A_155, %scan3A_156 : i32
      %scan3A_158 = arith.constant 1 : i32
      %scan3A_159 = scf.for %scan3A_226 = %scan3A_155 to %scan3A_157 step %scan3A_158 iter_args(%scan3A_227 = %scan3A_154) -> (i32)  : i32 {
        %mul3A_228 = arith.constant 16 : i32
        %mul3A_229 = arith.muli %scan3A_226, %mul3A_228 : i32
        %get3A = arith.index_cast %add3A_122 : i32 to index
        %get3A_230 = arith.index_cast %mul3A_229 : i32 to index
        %get3A_231 = tpu.vector_load %arg13[%get3A, %get3A_230] {strides = array<i32>} : memref<104x128xi32, #tpu.memory_space<vmem>>, vector<16xi32>,
        %mul3A_232 = arith.constant 16 : i32
        %mul3A_233 = arith.muli %scan3A_226, %mul3A_232 : i32
        %get3A_234 = arith.index_cast %add3A_122 : i32 to index
        %get3A_235 = arith.index_cast %mul3A_233 : i32 to index
        %get3A_236 = tpu.vector_load %arg12[%get3A_234, %get3A_235] {strides = array<i32>} : memref<104x128xi32, #tpu.memory_space<vmem>>, vector<16xi32>,
        %mul3A_237 = arith.constant 16 : i32
        %mul3A_238 = arith.muli %scan3A_226, %mul3A_237 : i32
        %get3A_239 = arith.index_cast %mul3A_238 : i32 to index
        %get3A_240 = tpu.vector_load %arg17[%get3A_239] {strides = array<i32>} : memref<128xi32, #tpu.memory_space<vmem>>, vector<16xi32>,
        %gather3A = tpu.vector_load_idx %arg10[%get3A_231] : memref<20008xf32, #tpu.memory_space<vmem>>[vector<16xi32>], vector<16xf32>,
        %gather3A_241 = tpu.vector_load_idx %arg11[%get3A_236] : memref<20008xf32, #tpu.memory_space<vmem>>[vector<16xi32>], vector<16xf32>,
        %add3A_242 = arith.addf %gather3A, %gather3A_241 : vector<16xf32>
        %mul3A_243 = arith.constant 2.000000e-01 : f32
        %mul3A_244 = vector.broadcast %mul3A_243 : f32 to vector<16xf32>
        %mul3A_245 = arith.mulf %mul3A_244, %add3A_242 : vector<16xf32>
        %max3A = arith.maximumf %add3A_242, %mul3A_245 : vector<16xf32>
        %exp3A = math.exp %max3A : vector<16xf32>
        %mul3A_246 = arith.constant 16 : i32
        %mul3A_247 = arith.muli %scan3A_226, %mul3A_246 : i32
        %swap3A_248 = arith.index_cast %mul3A_247 : i32 to index
        %swap3A_249 = tpu.vector_load %arg15[%swap3A_248] {strides = array<i32>} : memref<144xf32, #tpu.memory_space<vmem>>, vector<16xf32>,
        tpu.vector_store %arg15[%swap3A_248], %exp3A {strides = array<i32>} : memref<144xf32, #tpu.memory_space<vmem>>, vector<16xf32>,
        tpu.vector_store_idx %arg16[%get3A_240], %exp3A {add = true} : memref<10000xf32, #tpu.memory_space<vmem>>[vector<16xi32>], vector<16xf32>,
        %scan3A_250 = arith.constant 0 : i32
        scf.yield %scan3A_250 : i32
      }
      %scan3A_160 = arith.constant 8 : i32
      %parallel_loop3A = arith.constant 0 : i32
      %parallel_loop3A_161 = arith.constant 128 : i32
      %parallel_loop3A_162 = arith.constant 1 : i32
      scf.for %parallel_loop3A_226 = %parallel_loop3A to %parallel_loop3A_161 step %parallel_loop3A_162  : i32 {
        %parallel_loop3A_227 = arith.index_cast %parallel_loop3A_226 : i32 to index
        %parallel_loop3A_228 = tpu.vector_load %arg15[%parallel_loop3A_227] {strides = array<i32>} : memref<144xf32, #tpu.memory_space<vmem>>, vector<16xf32>,
        %parallel_loop3A_229 = vector.extract_strided_slice %parallel_loop3A_228 {offsets = [0], sizes = [1], strides = [1]} : vector<16xf32> to vector<1xf32>
        %parallel_loop3A_230 = vector.extract %parallel_loop3A_229[0] : f32 from vector<1xf32>
        %parallel_loop3A_231 = arith.index_cast %parallel_loop3A_226 : i32 to index
        %parallel_loop3A_232 = arith.constant 0 : index
        %parallel_loop3A_233 = tpu.vector_load %arg19[%parallel_loop3A_231, %parallel_loop3A_232] {strides = array<i32>} : memref<128x32xf32, #tpu.memory_space<vmem>>, vector<16xf32>,
        %parallel_loop3A_234 = vector.broadcast %parallel_loop3A_230 : f32 to vector<16xf32>
        %parallel_loop3A_235 = arith.mulf %parallel_loop3A_233, %parallel_loop3A_234 : vector<16xf32>
        %parallel_loop3A_236 = arith.index_cast %parallel_loop3A_226 : i32 to index
        %parallel_loop3A_237 = arith.constant 0 : index
        %parallel_loop3A_238 = tpu.vector_load %arg21[%parallel_loop3A_236, %parallel_loop3A_237] {strides = array<i32>} : memref<128x32xf32, #tpu.memory_space<vmem>>, vector<16xf32>,
        tpu.vector_store %arg21[%parallel_loop3A_236, %parallel_loop3A_237], %parallel_loop3A_235 {strides = array<i32>} : memref<128x32xf32, #tpu.memory_space<vmem>>, vector<16xf32>,
        %parallel_loop3A_239 = arith.index_cast %parallel_loop3A_226 : i32 to index
        %parallel_loop3A_240 = arith.constant 16 : index
        %parallel_loop3A_241 = tpu.vector_load %arg19[%parallel_loop3A_239, %parallel_loop3A_240] {strides = array<i32>} : memref<128x32xf32, #tpu.memory_space<vmem>>, vector<16xf32>,
        %parallel_loop3A_242 = vector.broadcast %parallel_loop3A_230 : f32 to vector<16xf32>
        %parallel_loop3A_243 = arith.mulf %parallel_loop3A_241, %parallel_loop3A_242 : vector<16xf32>
        %parallel_loop3A_244 = arith.index_cast %parallel_loop3A_226 : i32 to index
        %parallel_loop3A_245 = arith.constant 16 : index
        %parallel_loop3A_246 = tpu.vector_load %arg21[%parallel_loop3A_244, %parallel_loop3A_245] {strides = array<i32>} : memref<128x32xf32, #tpu.memory_space<vmem>>, vector<16xf32>,
        tpu.vector_store %arg21[%parallel_loop3A_244, %parallel_loop3A_245], %parallel_loop3A_243 {strides = array<i32>} : memref<128x32xf32, #tpu.memory_space<vmem>>, vector<16xf32>,
      } {sc.loop_unroll_factor = 8 : i64, sc.parallel_access}
      %sub3A = arith.constant 1 : i32
      %sub3A_163 = arith.subi %select_n3A_95, %sub3A : i32
      %lt3A = arith.cmpi slt, %while3A_117, %sub3A_163 : i32
      %convert_element_type3A_164 = arith.extui %lt3A : i1 to i32
      %cond3A_165 = arith.constant 0 : i32
      %cond3A_166 = arith.cmpi ne, %convert_element_type3A_164, %cond3A_165 : i32
      scf.if %cond3A_166 {
        %add3A_226 = arith.constant 2 : i32
        %add3A_227 = arith.addi %add3A_122, %add3A_226 : i32
        %dma_start3A_228 = arith.constant 0 : i32
        %dma_start3A_229 = arith.constant 0 : i32
        %dma_start3A_230 = tpu.memref_slice %arg19[%dma_start3A_228, %dma_start3A_229] : memref<128x32xf32, #tpu.memory_space<vmem>> -> memref<64x32xf32, #tpu.memory_space<vmem>>
        %dma_start3A_231 = arith.constant 0 : i32
        %dma_start3A_232 = tpu.memref_slice %arg12[%add3A_227, %dma_start3A_231] : memref<104x128xi32, #tpu.memory_space<vmem>> -> memref<1x64xi32, #tpu.memory_space<vmem>>
        %dma_start3A_233 = tpu.memref_squeeze %dma_start3A_232 : memref<1x64xi32, #tpu.memory_space<vmem>> -> memref<64xi32, #tpu.memory_space<vmem>>
        %dma_start3A_234 = arith.constant 0 : i32
        %dma_start3A_235 = arith.constant 0 : i32
        %dma_start3A_236 = tpu.memref_slice %arg2[%dma_start3A_234, %dma_start3A_235] : memref<20000x32xf32, #tpu.memory_space<hbm>> -> memref<20000x32xf32, #tpu.memory_space<hbm>>
        tpu.enqueue_indirect_dma source(%dma_start3A_236 : memref<20000x32xf32, #tpu.memory_space<hbm>>) target(%dma_start3A_230 : memref<64x32xf32, #tpu.memory_space<vmem>>) offsets(%dma_start3A_233 : memref<64xi32, #tpu.memory_space<vmem>>) semaphore(%arg23 : memref<!tpu.dma_semaphore, #tpu.memory_space<semaphore_mem>>)
        %add3A_237 = arith.constant 2 : i32
        %add3A_238 = arith.addi %add3A_122, %add3A_237 : i32
        %dma_start3A_239 = arith.constant 64 : i32
        %dma_start3A_240 = arith.constant 0 : i32
        %dma_start3A_241 = tpu.memref_slice %arg19[%dma_start3A_239, %dma_start3A_240] : memref<128x32xf32, #tpu.memory_space<vmem>> -> memref<64x32xf32, #tpu.memory_space<vmem>>
        %dma_start3A_242 = arith.constant 64 : i32
        %dma_start3A_243 = tpu.memref_slice %arg12[%add3A_238, %dma_start3A_242] : memref<104x128xi32, #tpu.memory_space<vmem>> -> memref<1x64xi32, #tpu.memory_space<vmem>>
        %dma_start3A_244 = tpu.memref_squeeze %dma_start3A_243 : memref<1x64xi32, #tpu.memory_space<vmem>> -> memref<64xi32, #tpu.memory_space<vmem>>
        %dma_start3A_245 = arith.constant 0 : i32
        %dma_start3A_246 = arith.constant 0 : i32
        %dma_start3A_247 = tpu.memref_slice %arg2[%dma_start3A_245, %dma_start3A_246] : memref<20000x32xf32, #tpu.memory_space<hbm>> -> memref<20000x32xf32, #tpu.memory_space<hbm>>
        tpu.enqueue_indirect_dma source(%dma_start3A_247 : memref<20000x32xf32, #tpu.memory_space<hbm>>) target(%dma_start3A_241 : memref<64x32xf32, #tpu.memory_space<vmem>>) offsets(%dma_start3A_244 : memref<64xi32, #tpu.memory_space<vmem>>) semaphore(%arg25 : memref<!tpu.dma_semaphore, #tpu.memory_space<semaphore_mem>>)
      } else {
      }
      %dma_start3A_167 = arith.constant 0 : i32
      %dma_start3A_168 = arith.constant 0 : i32
      %dma_start3A_169 = tpu.memref_slice %arg29[%dma_start3A_167, %dma_start3A_168] : memref<10000x32xf32, #tpu.memory_space<vmem_shared>> -> memref<10000x32xf32, #tpu.memory_space<vmem_shared>>
      tpu.enqueue_indirect_dma source(%arg21 : memref<128x32xf32, #tpu.memory_space<vmem>>) target(%dma_start3A_169 : memref<10000x32xf32, #tpu.memory_space<vmem_shared>>) offsets(%arg17 : memref<128xi32, #tpu.memory_space<vmem>>) semaphore(%arg27 : memref<!tpu.dma_semaphore, #tpu.memory_space<semaphore_mem>>) {add = true}
      %mul3A_170 = arith.constant 2 : i32
      %mul3A_171 = arith.muli %while3A_117, %mul3A_170 : i32
      %add3A_172 = arith.constant 1 : i32
      %add3A_173 = arith.addi %mul3A_171, %add3A_172 : i32
      %dma_wait3A_174 = arith.constant 1 : i32
      %dma_wait3A_175 = arith.constant 0 : i32
      %dma_wait3A_176 = arith.constant 0 : i32
      %dma_wait3A_177 = tpu.memref_slice %arg20[%dma_wait3A_175, %dma_wait3A_176] : memref<128x32xf32, #tpu.memory_space<vmem>> -> memref<64x32xf32, #tpu.memory_space<vmem>>
      %dma_wait3A_178 = arith.constant 0 : i32
      %dma_wait3A_179 = tpu.memref_slice %arg12[%dma_wait3A_174, %dma_wait3A_178] : memref<104x128xi32, #tpu.memory_space<vmem>> -> memref<1x64xi32, #tpu.memory_space<vmem>>
      %dma_wait3A_180 = tpu.memref_squeeze %dma_wait3A_179 : memref<1x64xi32, #tpu.memory_space<vmem>> -> memref<64xi32, #tpu.memory_space<vmem>>
      %dma_wait3A_181 = arith.constant 0 : i32
      %dma_wait3A_182 = arith.constant 0 : i32
      %dma_wait3A_183 = tpu.memref_slice %arg2[%dma_wait3A_181, %dma_wait3A_182] : memref<20000x32xf32, #tpu.memory_space<hbm>> -> memref<20000x32xf32, #tpu.memory_space<hbm>>
      tpu.wait_indirect_dma semaphore(%arg24 : memref<!tpu.dma_semaphore, #tpu.memory_space<semaphore_mem>>) src(%dma_wait3A_183 : memref<20000x32xf32, #tpu.memory_space<hbm>>) dst(%dma_wait3A_177 : memref<64x32xf32, #tpu.memory_space<vmem>>)
      %dma_wait3A_184 = arith.constant 1 : i32
      %dma_wait3A_185 = arith.constant 64 : i32
      %dma_wait3A_186 = arith.constant 0 : i32
      %dma_wait3A_187 = tpu.memref_slice %arg20[%dma_wait3A_185, %dma_wait3A_186] : memref<128x32xf32, #tpu.memory_space<vmem>> -> memref<64x32xf32, #tpu.memory_space<vmem>>
      %dma_wait3A_188 = arith.constant 64 : i32
      %dma_wait3A_189 = tpu.memref_slice %arg12[%dma_wait3A_184, %dma_wait3A_188] : memref<104x128xi32, #tpu.memory_space<vmem>> -> memref<1x64xi32, #tpu.memory_space<vmem>>
      %dma_wait3A_190 = tpu.memref_squeeze %dma_wait3A_189 : memref<1x64xi32, #tpu.memory_space<vmem>> -> memref<64xi32, #tpu.memory_space<vmem>>
      %dma_wait3A_191 = arith.constant 0 : i32
      %dma_wait3A_192 = arith.constant 0 : i32
      %dma_wait3A_193 = tpu.memref_slice %arg2[%dma_wait3A_191, %dma_wait3A_192] : memref<20000x32xf32, #tpu.memory_space<hbm>> -> memref<20000x32xf32, #tpu.memory_space<hbm>>
      tpu.wait_indirect_dma semaphore(%arg26 : memref<!tpu.dma_semaphore, #tpu.memory_space<semaphore_mem>>) src(%dma_wait3A_193 : memref<20000x32xf32, #tpu.memory_space<hbm>>) dst(%dma_wait3A_187 : memref<64x32xf32, #tpu.memory_space<vmem>>)
      %gt3A_194 = arith.constant 0 : i32
      %gt3A_195 = arith.cmpi sgt, %while3A_117, %gt3A_194 : i32
      %convert_element_type3A_196 = arith.extui %gt3A_195 : i1 to i32
      %cond3A_197 = arith.constant 0 : i32
      %cond3A_198 = arith.cmpi ne, %convert_element_type3A_196, %cond3A_197 : i32
      scf.if %cond3A_198 {
        %dma_wait3A_226 = arith.constant 0 : i32
        %dma_wait3A_227 = arith.constant 0 : i32
        %dma_wait3A_228 = tpu.memref_slice %arg29[%dma_wait3A_226, %dma_wait3A_227] : memref<10000x32xf32, #tpu.memory_space<vmem_shared>> -> memref<10000x32xf32, #tpu.memory_space<vmem_shared>>
        tpu.wait_indirect_dma semaphore(%arg28 : memref<!tpu.dma_semaphore, #tpu.memory_space<semaphore_mem>>) src(%arg22 : memref<128x32xf32, #tpu.memory_space<vmem>>) dst(%dma_wait3A_228 : memref<10000x32xf32, #tpu.memory_space<vmem_shared>>)
      } else {
      }
      %scan3A_199 = arith.constant 0 : i32
      %scan3A_200 = arith.constant 0 : i32
      %scan3A_201 = arith.constant 8 : i32
      %scan3A_202 = arith.addi %scan3A_200, %scan3A_201 : i32
      %scan3A_203 = arith.constant 1 : i32
      %scan3A_204 = scf.for %scan3A_226 = %scan3A_200 to %scan3A_202 step %scan3A_203 iter_args(%scan3A_227 = %scan3A_199) -> (i32)  : i32 {
        %mul3A_228 = arith.constant 16 : i32
        %mul3A_229 = arith.muli %scan3A_226, %mul3A_228 : i32
        %get3A = arith.index_cast %add3A_173 : i32 to index
        %get3A_230 = arith.index_cast %mul3A_229 : i32 to index
        %get3A_231 = tpu.vector_load %arg14[%get3A, %get3A_230] {strides = array<i32>} : memref<104x128xi32, #tpu.memory_space<vmem>>, vector<16xi32>,
        %mul3A_232 = arith.constant 16 : i32
        %mul3A_233 = arith.muli %scan3A_226, %mul3A_232 : i32
        %swap3A_234 = arith.index_cast %mul3A_233 : i32 to index
        %swap3A_235 = tpu.vector_load %arg18[%swap3A_234] {strides = array<i32>} : memref<128xi32, #tpu.memory_space<vmem>>, vector<16xi32>,
        tpu.vector_store %arg18[%swap3A_234], %get3A_231 {strides = array<i32>} : memref<128xi32, #tpu.memory_space<vmem>>, vector<16xi32>,
        %scan3A_236 = arith.constant 0 : i32
        scf.yield %scan3A_236 : i32
      }
      %scan3A_205 = arith.constant 8 : i32
      %scan3A_206 = arith.constant 0 : i32
      %scan3A_207 = arith.constant 0 : i32
      %scan3A_208 = arith.constant 8 : i32
      %scan3A_209 = arith.addi %scan3A_207, %scan3A_208 : i32
      %scan3A_210 = arith.constant 1 : i32
      %scan3A_211 = scf.for %scan3A_226 = %scan3A_207 to %scan3A_209 step %scan3A_210 iter_args(%scan3A_227 = %scan3A_206) -> (i32)  : i32 {
        %mul3A_228 = arith.constant 16 : i32
        %mul3A_229 = arith.muli %scan3A_226, %mul3A_228 : i32
        %get3A = arith.index_cast %add3A_173 : i32 to index
        %get3A_230 = arith.index_cast %mul3A_229 : i32 to index
        %get3A_231 = tpu.vector_load %arg13[%get3A, %get3A_230] {strides = array<i32>} : memref<104x128xi32, #tpu.memory_space<vmem>>, vector<16xi32>,
        %mul3A_232 = arith.constant 16 : i32
        %mul3A_233 = arith.muli %scan3A_226, %mul3A_232 : i32
        %get3A_234 = arith.index_cast %add3A_173 : i32 to index
        %get3A_235 = arith.index_cast %mul3A_233 : i32 to index
        %get3A_236 = tpu.vector_load %arg12[%get3A_234, %get3A_235] {strides = array<i32>} : memref<104x128xi32, #tpu.memory_space<vmem>>, vector<16xi32>,
        %mul3A_237 = arith.constant 16 : i32
        %mul3A_238 = arith.muli %scan3A_226, %mul3A_237 : i32
        %get3A_239 = arith.index_cast %mul3A_238 : i32 to index
        %get3A_240 = tpu.vector_load %arg18[%get3A_239] {strides = array<i32>} : memref<128xi32, #tpu.memory_space<vmem>>, vector<16xi32>,
        %gather3A = tpu.vector_load_idx %arg10[%get3A_231] : memref<20008xf32, #tpu.memory_space<vmem>>[vector<16xi32>], vector<16xf32>,
        %gather3A_241 = tpu.vector_load_idx %arg11[%get3A_236] : memref<20008xf32, #tpu.memory_space<vmem>>[vector<16xi32>], vector<16xf32>,
        %add3A_242 = arith.addf %gather3A, %gather3A_241 : vector<16xf32>
        %mul3A_243 = arith.constant 2.000000e-01 : f32
        %mul3A_244 = vector.broadcast %mul3A_243 : f32 to vector<16xf32>
        %mul3A_245 = arith.mulf %mul3A_244, %add3A_242 : vector<16xf32>
        %max3A = arith.maximumf %add3A_242, %mul3A_245 : vector<16xf32>
        %exp3A = math.exp %max3A : vector<16xf32>
        %mul3A_246 = arith.constant 16 : i32
        %mul3A_247 = arith.muli %scan3A_226, %mul3A_246 : i32
        %swap3A_248 = arith.index_cast %mul3A_247 : i32 to index
        %swap3A_249 = tpu.vector_load %arg15[%swap3A_248] {strides = array<i32>} : memref<144xf32, #tpu.memory_space<vmem>>, vector<16xf32>,
        tpu.vector_store %arg15[%swap3A_248], %exp3A {strides = array<i32>} : memref<144xf32, #tpu.memory_space<vmem>>, vector<16xf32>,
        tpu.vector_store_idx %arg16[%get3A_240], %exp3A {add = true} : memref<10000xf32, #tpu.memory_space<vmem>>[vector<16xi32>], vector<16xf32>,
        %scan3A_250 = arith.constant 0 : i32
        scf.yield %scan3A_250 : i32
      }
      %scan3A_212 = arith.constant 8 : i32
      %parallel_loop3A_213 = arith.constant 0 : i32
      %parallel_loop3A_214 = arith.constant 128 : i32
      %parallel_loop3A_215 = arith.constant 1 : i32
      scf.for %parallel_loop3A_226 = %parallel_loop3A_213 to %parallel_loop3A_214 step %parallel_loop3A_215  : i32 {
        %parallel_loop3A_227 = arith.index_cast %parallel_loop3A_226 : i32 to index
        %parallel_loop3A_228 = tpu.vector_load %arg15[%parallel_loop3A_227] {strides = array<i32>} : memref<144xf32, #tpu.memory_space<vmem>>, vector<16xf32>,
        %parallel_loop3A_229 = vector.extract_strided_slice %parallel_loop3A_228 {offsets = [0], sizes = [1], strides = [1]} : vector<16xf32> to vector<1xf32>
        %parallel_loop3A_230 = vector.extract %parallel_loop3A_229[0] : f32 from vector<1xf32>
        %parallel_loop3A_231 = arith.index_cast %parallel_loop3A_226 : i32 to index
        %parallel_loop3A_232 = arith.constant 0 : index
        %parallel_loop3A_233 = tpu.vector_load %arg20[%parallel_loop3A_231, %parallel_loop3A_232] {strides = array<i32>} : memref<128x32xf32, #tpu.memory_space<vmem>>, vector<16xf32>,
        %parallel_loop3A_234 = vector.broadcast %parallel_loop3A_230 : f32 to vector<16xf32>
        %parallel_loop3A_235 = arith.mulf %parallel_loop3A_233, %parallel_loop3A_234 : vector<16xf32>
        %parallel_loop3A_236 = arith.index_cast %parallel_loop3A_226 : i32 to index
        %parallel_loop3A_237 = arith.constant 0 : index
        %parallel_loop3A_238 = tpu.vector_load %arg22[%parallel_loop3A_236, %parallel_loop3A_237] {strides = array<i32>} : memref<128x32xf32, #tpu.memory_space<vmem>>, vector<16xf32>,
        tpu.vector_store %arg22[%parallel_loop3A_236, %parallel_loop3A_237], %parallel_loop3A_235 {strides = array<i32>} : memref<128x32xf32, #tpu.memory_space<vmem>>, vector<16xf32>,
        %parallel_loop3A_239 = arith.index_cast %parallel_loop3A_226 : i32 to index
        %parallel_loop3A_240 = arith.constant 16 : index
        %parallel_loop3A_241 = tpu.vector_load %arg20[%parallel_loop3A_239, %parallel_loop3A_240] {strides = array<i32>} : memref<128x32xf32, #tpu.memory_space<vmem>>, vector<16xf32>,
        %parallel_loop3A_242 = vector.broadcast %parallel_loop3A_230 : f32 to vector<16xf32>
        %parallel_loop3A_243 = arith.mulf %parallel_loop3A_241, %parallel_loop3A_242 : vector<16xf32>
        %parallel_loop3A_244 = arith.index_cast %parallel_loop3A_226 : i32 to index
        %parallel_loop3A_245 = arith.constant 16 : index
        %parallel_loop3A_246 = tpu.vector_load %arg22[%parallel_loop3A_244, %parallel_loop3A_245] {strides = array<i32>} : memref<128x32xf32, #tpu.memory_space<vmem>>, vector<16xf32>,
        tpu.vector_store %arg22[%parallel_loop3A_244, %parallel_loop3A_245], %parallel_loop3A_243 {strides = array<i32>} : memref<128x32xf32, #tpu.memory_space<vmem>>, vector<16xf32>,
      } {sc.loop_unroll_factor = 8 : i64, sc.parallel_access}
      %sub3A_216 = arith.constant 1 : i32
      %sub3A_217 = arith.subi %select_n3A_95, %sub3A_216 : i32
      %lt3A_218 = arith.cmpi slt, %while3A_117, %sub3A_217 : i32
      %convert_element_type3A_219 = arith.extui %lt3A_218 : i1 to i32
      %cond3A_220 = arith.constant 0 : i32
      %cond3A_221 = arith.cmpi ne, %convert_element_type3A_219, %cond3A_220 : i32
      scf.if %cond3A_221 {
        %add3A_226 = arith.constant 2 : i32
        %add3A_227 = arith.addi %add3A_173, %add3A_226 : i32
        %dma_start3A_228 = arith.constant 0 : i32
        %dma_start3A_229 = arith.constant 0 : i32
        %dma_start3A_230 = tpu.memref_slice %arg20[%dma_start3A_228, %dma_start3A_229] : memref<128x32xf32, #tpu.memory_space<vmem>> -> memref<64x32xf32, #tpu.memory_space<vmem>>
        %dma_start3A_231 = arith.constant 0 : i32
        %dma_start3A_232 = tpu.memref_slice %arg12[%add3A_227, %dma_start3A_231] : memref<104x128xi32, #tpu.memory_space<vmem>> -> memref<1x64xi32, #tpu.memory_space<vmem>>
        %dma_start3A_233 = tpu.memref_squeeze %dma_start3A_232 : memref<1x64xi32, #tpu.memory_space<vmem>> -> memref<64xi32, #tpu.memory_space<vmem>>
        %dma_start3A_234 = arith.constant 0 : i32
        %dma_start3A_235 = arith.constant 0 : i32
        %dma_start3A_236 = tpu.memref_slice %arg2[%dma_start3A_234, %dma_start3A_235] : memref<20000x32xf32, #tpu.memory_space<hbm>> -> memref<20000x32xf32, #tpu.memory_space<hbm>>
        tpu.enqueue_indirect_dma source(%dma_start3A_236 : memref<20000x32xf32, #tpu.memory_space<hbm>>) target(%dma_start3A_230 : memref<64x32xf32, #tpu.memory_space<vmem>>) offsets(%dma_start3A_233 : memref<64xi32, #tpu.memory_space<vmem>>) semaphore(%arg24 : memref<!tpu.dma_semaphore, #tpu.memory_space<semaphore_mem>>)
        %add3A_237 = arith.constant 2 : i32
        %add3A_238 = arith.addi %add3A_173, %add3A_237 : i32
        %dma_start3A_239 = arith.constant 64 : i32
        %dma_start3A_240 = arith.constant 0 : i32
        %dma_start3A_241 = tpu.memref_slice %arg20[%dma_start3A_239, %dma_start3A_240] : memref<128x32xf32, #tpu.memory_space<vmem>> -> memref<64x32xf32, #tpu.memory_space<vmem>>
        %dma_start3A_242 = arith.constant 64 : i32
        %dma_start3A_243 = tpu.memref_slice %arg12[%add3A_238, %dma_start3A_242] : memref<104x128xi32, #tpu.memory_space<vmem>> -> memref<1x64xi32, #tpu.memory_space<vmem>>
        %dma_start3A_244 = tpu.memref_squeeze %dma_start3A_243 : memref<1x64xi32, #tpu.memory_space<vmem>> -> memref<64xi32, #tpu.memory_space<vmem>>
        %dma_start3A_245 = arith.constant 0 : i32
        %dma_start3A_246 = arith.constant 0 : i32
        %dma_start3A_247 = tpu.memref_slice %arg2[%dma_start3A_245, %dma_start3A_246] : memref<20000x32xf32, #tpu.memory_space<hbm>> -> memref<20000x32xf32, #tpu.memory_space<hbm>>
        tpu.enqueue_indirect_dma source(%dma_start3A_247 : memref<20000x32xf32, #tpu.memory_space<hbm>>) target(%dma_start3A_241 : memref<64x32xf32, #tpu.memory_space<vmem>>) offsets(%dma_start3A_244 : memref<64xi32, #tpu.memory_space<vmem>>) semaphore(%arg26 : memref<!tpu.dma_semaphore, #tpu.memory_space<semaphore_mem>>)
      } else {
      }
      %dma_start3A_222 = arith.constant 0 : i32
      %dma_start3A_223 = arith.constant 0 : i32
      %dma_start3A_224 = tpu.memref_slice %arg29[%dma_start3A_222, %dma_start3A_223] : memref<10000x32xf32, #tpu.memory_space<vmem_shared>> -> memref<10000x32xf32, #tpu.memory_space<vmem_shared>>
      tpu.enqueue_indirect_dma source(%arg22 : memref<128x32xf32, #tpu.memory_space<vmem>>) target(%dma_start3A_224 : memref<10000x32xf32, #tpu.memory_space<vmem_shared>>) offsets(%arg18 : memref<128xi32, #tpu.memory_space<vmem>>) semaphore(%arg28 : memref<!tpu.dma_semaphore, #tpu.memory_space<semaphore_mem>>) {add = true}
      %while3A_225 = arith.constant 0 : i32
      scf.yield %while3A_225 : i32
    }
    %while3A_105 = arith.constant 1 : i32
    %while3A_106 = scf.for %while3A_117 = %while3A_102 to %while3A_98 step %while3A_105 iter_args(%while3A_118 = %while3A_104) -> (i32)  : i32 {
      %mul3A_119 = arith.constant 2 : i32
      %mul3A_120 = arith.muli %while3A_117, %mul3A_119 : i32
      %add3A_121 = arith.constant 0 : i32
      %add3A_122 = arith.addi %mul3A_120, %add3A_121 : i32
      %dma_wait3A_123 = arith.constant 0 : i32
      %dma_wait3A_124 = arith.constant 0 : i32
      %dma_wait3A_125 = arith.constant 0 : i32
      %dma_wait3A_126 = tpu.memref_slice %arg19[%dma_wait3A_124, %dma_wait3A_125] : memref<128x32xf32, #tpu.memory_space<vmem>> -> memref<64x32xf32, #tpu.memory_space<vmem>>
      %dma_wait3A_127 = arith.constant 0 : i32
      %dma_wait3A_128 = tpu.memref_slice %arg12[%dma_wait3A_123, %dma_wait3A_127] : memref<104x128xi32, #tpu.memory_space<vmem>> -> memref<1x64xi32, #tpu.memory_space<vmem>>
      %dma_wait3A_129 = tpu.memref_squeeze %dma_wait3A_128 : memref<1x64xi32, #tpu.memory_space<vmem>> -> memref<64xi32, #tpu.memory_space<vmem>>
      %dma_wait3A_130 = arith.constant 0 : i32
      %dma_wait3A_131 = arith.constant 0 : i32
      %dma_wait3A_132 = tpu.memref_slice %arg2[%dma_wait3A_130, %dma_wait3A_131] : memref<20000x32xf32, #tpu.memory_space<hbm>> -> memref<20000x32xf32, #tpu.memory_space<hbm>>
      tpu.wait_indirect_dma semaphore(%arg23 : memref<!tpu.dma_semaphore, #tpu.memory_space<semaphore_mem>>) src(%dma_wait3A_132 : memref<20000x32xf32, #tpu.memory_space<hbm>>) dst(%dma_wait3A_126 : memref<64x32xf32, #tpu.memory_space<vmem>>)
      %dma_wait3A_133 = arith.constant 0 : i32
      %dma_wait3A_134 = arith.constant 64 : i32
      %dma_wait3A_135 = arith.constant 0 : i32
      %dma_wait3A_136 = tpu.memref_slice %arg19[%dma_wait3A_134, %dma_wait3A_135] : memref<128x32xf32, #tpu.memory_space<vmem>> -> memref<64x32xf32, #tpu.memory_space<vmem>>
      %dma_wait3A_137 = arith.constant 64 : i32
      %dma_wait3A_138 = tpu.memref_slice %arg12[%dma_wait3A_133, %dma_wait3A_137] : memref<104x128xi32, #tpu.memory_space<vmem>> -> memref<1x64xi32, #tpu.memory_space<vmem>>
      %dma_wait3A_139 = tpu.memref_squeeze %dma_wait3A_138 : memref<1x64xi32, #tpu.memory_space<vmem>> -> memref<64xi32, #tpu.memory_space<vmem>>
      %dma_wait3A_140 = arith.constant 0 : i32
      %dma_wait3A_141 = arith.constant 0 : i32
      %dma_wait3A_142 = tpu.memref_slice %arg2[%dma_wait3A_140, %dma_wait3A_141] : memref<20000x32xf32, #tpu.memory_space<hbm>> -> memref<20000x32xf32, #tpu.memory_space<hbm>>
      tpu.wait_indirect_dma semaphore(%arg25 : memref<!tpu.dma_semaphore, #tpu.memory_space<semaphore_mem>>) src(%dma_wait3A_142 : memref<20000x32xf32, #tpu.memory_space<hbm>>) dst(%dma_wait3A_136 : memref<64x32xf32, #tpu.memory_space<vmem>>)
      %gt3A = arith.constant 0 : i32
      %gt3A_143 = arith.cmpi sgt, %while3A_117, %gt3A : i32
      %convert_element_type3A_144 = arith.extui %gt3A_143 : i1 to i32
      %cond3A_145 = arith.constant 0 : i32
      %cond3A_146 = arith.cmpi ne, %convert_element_type3A_144, %cond3A_145 : i32
      scf.if %cond3A_146 {
        %dma_wait3A_226 = arith.constant 0 : i32
        %dma_wait3A_227 = arith.constant 0 : i32
        %dma_wait3A_228 = tpu.memref_slice %arg29[%dma_wait3A_226, %dma_wait3A_227] : memref<10000x32xf32, #tpu.memory_space<vmem_shared>> -> memref<10000x32xf32, #tpu.memory_space<vmem_shared>>
        tpu.wait_indirect_dma semaphore(%arg27 : memref<!tpu.dma_semaphore, #tpu.memory_space<semaphore_mem>>) src(%arg21 : memref<128x32xf32, #tpu.memory_space<vmem>>) dst(%dma_wait3A_228 : memref<10000x32xf32, #tpu.memory_space<vmem_shared>>)
      } else {
      }
      %scan3A_147 = arith.constant 0 : i32
      %scan3A_148 = arith.constant 0 : i32
      %scan3A_149 = arith.constant 8 : i32
      %scan3A_150 = arith.addi %scan3A_148, %scan3A_149 : i32
      %scan3A_151 = arith.constant 1 : i32
      %scan3A_152 = scf.for %scan3A_226 = %scan3A_148 to %scan3A_150 step %scan3A_151 iter_args(%scan3A_227 = %scan3A_147) -> (i32)  : i32 {
        %mul3A_228 = arith.constant 16 : i32
        %mul3A_229 = arith.muli %scan3A_226, %mul3A_228 : i32
        %get3A = arith.index_cast %add3A_122 : i32 to index
        %get3A_230 = arith.index_cast %mul3A_229 : i32 to index
        %get3A_231 = tpu.vector_load %arg14[%get3A, %get3A_230] {strides = array<i32>} : memref<104x128xi32, #tpu.memory_space<vmem>>, vector<16xi32>,
        %mul3A_232 = arith.constant 16 : i32
        %mul3A_233 = arith.muli %scan3A_226, %mul3A_232 : i32
        %swap3A_234 = arith.index_cast %mul3A_233 : i32 to index
        %swap3A_235 = tpu.vector_load %arg17[%swap3A_234] {strides = array<i32>} : memref<128xi32, #tpu.memory_space<vmem>>, vector<16xi32>,
        tpu.vector_store %arg17[%swap3A_234], %get3A_231 {strides = array<i32>} : memref<128xi32, #tpu.memory_space<vmem>>, vector<16xi32>,
        %scan3A_236 = arith.constant 0 : i32
        scf.yield %scan3A_236 : i32
      }
      %scan3A_153 = arith.constant 8 : i32
      %scan3A_154 = arith.constant 0 : i32
      %scan3A_155 = arith.constant 0 : i32
      %scan3A_156 = arith.constant 8 : i32
      %scan3A_157 = arith.addi %scan3A_155, %scan3A_156 : i32
      %scan3A_158 = arith.constant 1 : i32
      %scan3A_159 = scf.for %scan3A_226 = %scan3A_155 to %scan3A_157 step %scan3A_158 iter_args(%scan3A_227 = %scan3A_154) -> (i32)  : i32 {
        %mul3A_228 = arith.constant 16 : i32
        %mul3A_229 = arith.muli %scan3A_226, %mul3A_228 : i32
        %get3A = arith.index_cast %add3A_122 : i32 to index
        %get3A_230 = arith.index_cast %mul3A_229 : i32 to index
        %get3A_231 = tpu.vector_load %arg13[%get3A, %get3A_230] {strides = array<i32>} : memref<104x128xi32, #tpu.memory_space<vmem>>, vector<16xi32>,
        %mul3A_232 = arith.constant 16 : i32
        %mul3A_233 = arith.muli %scan3A_226, %mul3A_232 : i32
        %get3A_234 = arith.index_cast %add3A_122 : i32 to index
        %get3A_235 = arith.index_cast %mul3A_233 : i32 to index
        %get3A_236 = tpu.vector_load %arg12[%get3A_234, %get3A_235] {strides = array<i32>} : memref<104x128xi32, #tpu.memory_space<vmem>>, vector<16xi32>,
        %mul3A_237 = arith.constant 16 : i32
        %mul3A_238 = arith.muli %scan3A_226, %mul3A_237 : i32
        %get3A_239 = arith.index_cast %mul3A_238 : i32 to index
        %get3A_240 = tpu.vector_load %arg17[%get3A_239] {strides = array<i32>} : memref<128xi32, #tpu.memory_space<vmem>>, vector<16xi32>,
        %gather3A = tpu.vector_load_idx %arg10[%get3A_231] : memref<20008xf32, #tpu.memory_space<vmem>>[vector<16xi32>], vector<16xf32>,
        %gather3A_241 = tpu.vector_load_idx %arg11[%get3A_236] : memref<20008xf32, #tpu.memory_space<vmem>>[vector<16xi32>], vector<16xf32>,
        %add3A_242 = arith.addf %gather3A, %gather3A_241 : vector<16xf32>
        %mul3A_243 = arith.constant 2.000000e-01 : f32
        %mul3A_244 = vector.broadcast %mul3A_243 : f32 to vector<16xf32>
        %mul3A_245 = arith.mulf %mul3A_244, %add3A_242 : vector<16xf32>
        %max3A = arith.maximumf %add3A_242, %mul3A_245 : vector<16xf32>
        %exp3A = math.exp %max3A : vector<16xf32>
        %mul3A_246 = arith.constant 16 : i32
        %mul3A_247 = arith.muli %scan3A_226, %mul3A_246 : i32
        %swap3A_248 = arith.index_cast %mul3A_247 : i32 to index
        %swap3A_249 = tpu.vector_load %arg15[%swap3A_248] {strides = array<i32>} : memref<144xf32, #tpu.memory_space<vmem>>, vector<16xf32>,
        tpu.vector_store %arg15[%swap3A_248], %exp3A {strides = array<i32>} : memref<144xf32, #tpu.memory_space<vmem>>, vector<16xf32>,
        tpu.vector_store_idx %arg16[%get3A_240], %exp3A {add = true} : memref<10000xf32, #tpu.memory_space<vmem>>[vector<16xi32>], vector<16xf32>,
        %scan3A_250 = arith.constant 0 : i32
        scf.yield %scan3A_250 : i32
      }
      %scan3A_160 = arith.constant 8 : i32
      %parallel_loop3A = arith.constant 0 : i32
      %parallel_loop3A_161 = arith.constant 128 : i32
      %parallel_loop3A_162 = arith.constant 1 : i32
      scf.for %parallel_loop3A_226 = %parallel_loop3A to %parallel_loop3A_161 step %parallel_loop3A_162  : i32 {
        %parallel_loop3A_227 = arith.index_cast %parallel_loop3A_226 : i32 to index
        %parallel_loop3A_228 = tpu.vector_load %arg15[%parallel_loop3A_227] {strides = array<i32>} : memref<144xf32, #tpu.memory_space<vmem>>, vector<16xf32>,
        %parallel_loop3A_229 = vector.extract_strided_slice %parallel_loop3A_228 {offsets = [0], sizes = [1], strides = [1]} : vector<16xf32> to vector<1xf32>
        %parallel_loop3A_230 = vector.extract %parallel_loop3A_229[0] : f32 from vector<1xf32>
        %parallel_loop3A_231 = arith.index_cast %parallel_loop3A_226 : i32 to index
        %parallel_loop3A_232 = arith.constant 0 : index
        %parallel_loop3A_233 = tpu.vector_load %arg19[%parallel_loop3A_231, %parallel_loop3A_232] {strides = array<i32>} : memref<128x32xf32, #tpu.memory_space<vmem>>, vector<16xf32>,
        %parallel_loop3A_234 = vector.broadcast %parallel_loop3A_230 : f32 to vector<16xf32>
        %parallel_loop3A_235 = arith.mulf %parallel_loop3A_233, %parallel_loop3A_234 : vector<16xf32>
        %parallel_loop3A_236 = arith.index_cast %parallel_loop3A_226 : i32 to index
        %parallel_loop3A_237 = arith.constant 0 : index
        %parallel_loop3A_238 = tpu.vector_load %arg21[%parallel_loop3A_236, %parallel_loop3A_237] {strides = array<i32>} : memref<128x32xf32, #tpu.memory_space<vmem>>, vector<16xf32>,
        tpu.vector_store %arg21[%parallel_loop3A_236, %parallel_loop3A_237], %parallel_loop3A_235 {strides = array<i32>} : memref<128x32xf32, #tpu.memory_space<vmem>>, vector<16xf32>,
        %parallel_loop3A_239 = arith.index_cast %parallel_loop3A_226 : i32 to index
        %parallel_loop3A_240 = arith.constant 16 : index
        %parallel_loop3A_241 = tpu.vector_load %arg19[%parallel_loop3A_239, %parallel_loop3A_240] {strides = array<i32>} : memref<128x32xf32, #tpu.memory_space<vmem>>, vector<16xf32>,
        %parallel_loop3A_242 = vector.broadcast %parallel_loop3A_230 : f32 to vector<16xf32>
        %parallel_loop3A_243 = arith.mulf %parallel_loop3A_241, %parallel_loop3A_242 : vector<16xf32>
        %parallel_loop3A_244 = arith.index_cast %parallel_loop3A_226 : i32 to index
        %parallel_loop3A_245 = arith.constant 16 : index
        %parallel_loop3A_246 = tpu.vector_load %arg21[%parallel_loop3A_244, %parallel_loop3A_245] {strides = array<i32>} : memref<128x32xf32, #tpu.memory_space<vmem>>, vector<16xf32>,
        tpu.vector_store %arg21[%parallel_loop3A_244, %parallel_loop3A_245], %parallel_loop3A_243 {strides = array<i32>} : memref<128x32xf32, #tpu.memory_space<vmem>>, vector<16xf32>,
      } {sc.loop_unroll_factor = 8 : i64, sc.parallel_access}
      %sub3A = arith.constant 1 : i32
      %sub3A_163 = arith.subi %select_n3A_95, %sub3A : i32
      %lt3A = arith.cmpi slt, %while3A_117, %sub3A_163 : i32
      %convert_element_type3A_164 = arith.extui %lt3A : i1 to i32
      %cond3A_165 = arith.constant 0 : i32
      %cond3A_166 = arith.cmpi ne, %convert_element_type3A_164, %cond3A_165 : i32
      scf.if %cond3A_166 {
        %add3A_226 = arith.constant 2 : i32
        %add3A_227 = arith.addi %add3A_122, %add3A_226 : i32
        %dma_start3A_228 = arith.constant 0 : i32
        %dma_start3A_229 = arith.constant 0 : i32
        %dma_start3A_230 = tpu.memref_slice %arg19[%dma_start3A_228, %dma_start3A_229] : memref<128x32xf32, #tpu.memory_space<vmem>> -> memref<64x32xf32, #tpu.memory_space<vmem>>
        %dma_start3A_231 = arith.constant 0 : i32
        %dma_start3A_232 = tpu.memref_slice %arg12[%add3A_227, %dma_start3A_231] : memref<104x128xi32, #tpu.memory_space<vmem>> -> memref<1x64xi32, #tpu.memory_space<vmem>>
        %dma_start3A_233 = tpu.memref_squeeze %dma_start3A_232 : memref<1x64xi32, #tpu.memory_space<vmem>> -> memref<64xi32, #tpu.memory_space<vmem>>
        %dma_start3A_234 = arith.constant 0 : i32
        %dma_start3A_235 = arith.constant 0 : i32
        %dma_start3A_236 = tpu.memref_slice %arg2[%dma_start3A_234, %dma_start3A_235] : memref<20000x32xf32, #tpu.memory_space<hbm>> -> memref<20000x32xf32, #tpu.memory_space<hbm>>
        tpu.enqueue_indirect_dma source(%dma_start3A_236 : memref<20000x32xf32, #tpu.memory_space<hbm>>) target(%dma_start3A_230 : memref<64x32xf32, #tpu.memory_space<vmem>>) offsets(%dma_start3A_233 : memref<64xi32, #tpu.memory_space<vmem>>) semaphore(%arg23 : memref<!tpu.dma_semaphore, #tpu.memory_space<semaphore_mem>>)
        %add3A_237 = arith.constant 2 : i32
        %add3A_238 = arith.addi %add3A_122, %add3A_237 : i32
        %dma_start3A_239 = arith.constant 64 : i32
        %dma_start3A_240 = arith.constant 0 : i32
        %dma_start3A_241 = tpu.memref_slice %arg19[%dma_start3A_239, %dma_start3A_240] : memref<128x32xf32, #tpu.memory_space<vmem>> -> memref<64x32xf32, #tpu.memory_space<vmem>>
        %dma_start3A_242 = arith.constant 64 : i32
        %dma_start3A_243 = tpu.memref_slice %arg12[%add3A_238, %dma_start3A_242] : memref<104x128xi32, #tpu.memory_space<vmem>> -> memref<1x64xi32, #tpu.memory_space<vmem>>
        %dma_start3A_244 = tpu.memref_squeeze %dma_start3A_243 : memref<1x64xi32, #tpu.memory_space<vmem>> -> memref<64xi32, #tpu.memory_space<vmem>>
        %dma_start3A_245 = arith.constant 0 : i32
        %dma_start3A_246 = arith.constant 0 : i32
        %dma_start3A_247 = tpu.memref_slice %arg2[%dma_start3A_245, %dma_start3A_246] : memref<20000x32xf32, #tpu.memory_space<hbm>> -> memref<20000x32xf32, #tpu.memory_space<hbm>>
        tpu.enqueue_indirect_dma source(%dma_start3A_247 : memref<20000x32xf32, #tpu.memory_space<hbm>>) target(%dma_start3A_241 : memref<64x32xf32, #tpu.memory_space<vmem>>) offsets(%dma_start3A_244 : memref<64xi32, #tpu.memory_space<vmem>>) semaphore(%arg25 : memref<!tpu.dma_semaphore, #tpu.memory_space<semaphore_mem>>)
      } else {
      }
      %dma_start3A_167 = arith.constant 0 : i32
      %dma_start3A_168 = arith.constant 0 : i32
      %dma_start3A_169 = tpu.memref_slice %arg29[%dma_start3A_167, %dma_start3A_168] : memref<10000x32xf32, #tpu.memory_space<vmem_shared>> -> memref<10000x32xf32, #tpu.memory_space<vmem_shared>>
      tpu.enqueue_indirect_dma source(%arg21 : memref<128x32xf32, #tpu.memory_space<vmem>>) target(%dma_start3A_169 : memref<10000x32xf32, #tpu.memory_space<vmem_shared>>) offsets(%arg17 : memref<128xi32, #tpu.memory_space<vmem>>) semaphore(%arg27 : memref<!tpu.dma_semaphore, #tpu.memory_space<semaphore_mem>>) {add = true}
      %mul3A_170 = arith.constant 2 : i32
      %mul3A_171 = arith.muli %while3A_117, %mul3A_170 : i32
      %add3A_172 = arith.constant 1 : i32
      %add3A_173 = arith.addi %mul3A_171, %add3A_172 : i32
      %dma_wait3A_174 = arith.constant 1 : i32
      %dma_wait3A_175 = arith.constant 0 : i32
      %dma_wait3A_176 = arith.constant 0 : i32
      %dma_wait3A_177 = tpu.memref_slice %arg20[%dma_wait3A_175, %dma_wait3A_176] : memref<128x32xf32, #tpu.memory_space<vmem>> -> memref<64x32xf32, #tpu.memory_space<vmem>>
      %dma_wait3A_178 = arith.constant 0 : i32
      %dma_wait3A_179 = tpu.memref_slice %arg12[%dma_wait3A_174, %dma_wait3A_178] : memref<104x128xi32, #tpu.memory_space<vmem>> -> memref<1x64xi32, #tpu.memory_space<vmem>>
      %dma_wait3A_180 = tpu.memref_squeeze %dma_wait3A_179 : memref<1x64xi32, #tpu.memory_space<vmem>> -> memref<64xi32, #tpu.memory_space<vmem>>
      %dma_wait3A_181 = arith.constant 0 : i32
      %dma_wait3A_182 = arith.constant 0 : i32
      %dma_wait3A_183 = tpu.memref_slice %arg2[%dma_wait3A_181, %dma_wait3A_182] : memref<20000x32xf32, #tpu.memory_space<hbm>> -> memref<20000x32xf32, #tpu.memory_space<hbm>>
      tpu.wait_indirect_dma semaphore(%arg24 : memref<!tpu.dma_semaphore, #tpu.memory_space<semaphore_mem>>) src(%dma_wait3A_183 : memref<20000x32xf32, #tpu.memory_space<hbm>>) dst(%dma_wait3A_177 : memref<64x32xf32, #tpu.memory_space<vmem>>)
      %dma_wait3A_184 = arith.constant 1 : i32
      %dma_wait3A_185 = arith.constant 64 : i32
      %dma_wait3A_186 = arith.constant 0 : i32
      %dma_wait3A_187 = tpu.memref_slice %arg20[%dma_wait3A_185, %dma_wait3A_186] : memref<128x32xf32, #tpu.memory_space<vmem>> -> memref<64x32xf32, #tpu.memory_space<vmem>>
      %dma_wait3A_188 = arith.constant 64 : i32
      %dma_wait3A_189 = tpu.memref_slice %arg12[%dma_wait3A_184, %dma_wait3A_188] : memref<104x128xi32, #tpu.memory_space<vmem>> -> memref<1x64xi32, #tpu.memory_space<vmem>>
      %dma_wait3A_190 = tpu.memref_squeeze %dma_wait3A_189 : memref<1x64xi32, #tpu.memory_space<vmem>> -> memref<64xi32, #tpu.memory_space<vmem>>
      %dma_wait3A_191 = arith.constant 0 : i32
      %dma_wait3A_192 = arith.constant 0 : i32
      %dma_wait3A_193 = tpu.memref_slice %arg2[%dma_wait3A_191, %dma_wait3A_192] : memref<20000x32xf32, #tpu.memory_space<hbm>> -> memref<20000x32xf32, #tpu.memory_space<hbm>>
      tpu.wait_indirect_dma semaphore(%arg26 : memref<!tpu.dma_semaphore, #tpu.memory_space<semaphore_mem>>) src(%dma_wait3A_193 : memref<20000x32xf32, #tpu.memory_space<hbm>>) dst(%dma_wait3A_187 : memref<64x32xf32, #tpu.memory_space<vmem>>)
      %gt3A_194 = arith.constant 0 : i32
      %gt3A_195 = arith.cmpi sgt, %while3A_117, %gt3A_194 : i32
      %convert_element_type3A_196 = arith.extui %gt3A_195 : i1 to i32
      %cond3A_197 = arith.constant 0 : i32
      %cond3A_198 = arith.cmpi ne, %convert_element_type3A_196, %cond3A_197 : i32
      scf.if %cond3A_198 {
        %dma_wait3A_226 = arith.constant 0 : i32
        %dma_wait3A_227 = arith.constant 0 : i32
        %dma_wait3A_228 = tpu.memref_slice %arg29[%dma_wait3A_226, %dma_wait3A_227] : memref<10000x32xf32, #tpu.memory_space<vmem_shared>> -> memref<10000x32xf32, #tpu.memory_space<vmem_shared>>
        tpu.wait_indirect_dma semaphore(%arg28 : memref<!tpu.dma_semaphore, #tpu.memory_space<semaphore_mem>>) src(%arg22 : memref<128x32xf32, #tpu.memory_space<vmem>>) dst(%dma_wait3A_228 : memref<10000x32xf32, #tpu.memory_space<vmem_shared>>)
      } else {
      }
      %scan3A_199 = arith.constant 0 : i32
      %scan3A_200 = arith.constant 0 : i32
      %scan3A_201 = arith.constant 8 : i32
      %scan3A_202 = arith.addi %scan3A_200, %scan3A_201 : i32
      %scan3A_203 = arith.constant 1 : i32
      %scan3A_204 = scf.for %scan3A_226 = %scan3A_200 to %scan3A_202 step %scan3A_203 iter_args(%scan3A_227 = %scan3A_199) -> (i32)  : i32 {
        %mul3A_228 = arith.constant 16 : i32
        %mul3A_229 = arith.muli %scan3A_226, %mul3A_228 : i32
        %get3A = arith.index_cast %add3A_173 : i32 to index
        %get3A_230 = arith.index_cast %mul3A_229 : i32 to index
        %get3A_231 = tpu.vector_load %arg14[%get3A, %get3A_230] {strides = array<i32>} : memref<104x128xi32, #tpu.memory_space<vmem>>, vector<16xi32>,
        %mul3A_232 = arith.constant 16 : i32
        %mul3A_233 = arith.muli %scan3A_226, %mul3A_232 : i32
        %swap3A_234 = arith.index_cast %mul3A_233 : i32 to index
        %swap3A_235 = tpu.vector_load %arg18[%swap3A_234] {strides = array<i32>} : memref<128xi32, #tpu.memory_space<vmem>>, vector<16xi32>,
        tpu.vector_store %arg18[%swap3A_234], %get3A_231 {strides = array<i32>} : memref<128xi32, #tpu.memory_space<vmem>>, vector<16xi32>,
        %scan3A_236 = arith.constant 0 : i32
        scf.yield %scan3A_236 : i32
      }
      %scan3A_205 = arith.constant 8 : i32
      %scan3A_206 = arith.constant 0 : i32
      %scan3A_207 = arith.constant 0 : i32
      %scan3A_208 = arith.constant 8 : i32
      %scan3A_209 = arith.addi %scan3A_207, %scan3A_208 : i32
      %scan3A_210 = arith.constant 1 : i32
      %scan3A_211 = scf.for %scan3A_226 = %scan3A_207 to %scan3A_209 step %scan3A_210 iter_args(%scan3A_227 = %scan3A_206) -> (i32)  : i32 {
        %mul3A_228 = arith.constant 16 : i32
        %mul3A_229 = arith.muli %scan3A_226, %mul3A_228 : i32
        %get3A = arith.index_cast %add3A_173 : i32 to index
        %get3A_230 = arith.index_cast %mul3A_229 : i32 to index
        %get3A_231 = tpu.vector_load %arg13[%get3A, %get3A_230] {strides = array<i32>} : memref<104x128xi32, #tpu.memory_space<vmem>>, vector<16xi32>,
        %mul3A_232 = arith.constant 16 : i32
        %mul3A_233 = arith.muli %scan3A_226, %mul3A_232 : i32
        %get3A_234 = arith.index_cast %add3A_173 : i32 to index
        %get3A_235 = arith.index_cast %mul3A_233 : i32 to index
        %get3A_236 = tpu.vector_load %arg12[%get3A_234, %get3A_235] {strides = array<i32>} : memref<104x128xi32, #tpu.memory_space<vmem>>, vector<16xi32>,
        %mul3A_237 = arith.constant 16 : i32
        %mul3A_238 = arith.muli %scan3A_226, %mul3A_237 : i32
        %get3A_239 = arith.index_cast %mul3A_238 : i32 to index
        %get3A_240 = tpu.vector_load %arg18[%get3A_239] {strides = array<i32>} : memref<128xi32, #tpu.memory_space<vmem>>, vector<16xi32>,
        %gather3A = tpu.vector_load_idx %arg10[%get3A_231] : memref<20008xf32, #tpu.memory_space<vmem>>[vector<16xi32>], vector<16xf32>,
        %gather3A_241 = tpu.vector_load_idx %arg11[%get3A_236] : memref<20008xf32, #tpu.memory_space<vmem>>[vector<16xi32>], vector<16xf32>,
        %add3A_242 = arith.addf %gather3A, %gather3A_241 : vector<16xf32>
        %mul3A_243 = arith.constant 2.000000e-01 : f32
        %mul3A_244 = vector.broadcast %mul3A_243 : f32 to vector<16xf32>
        %mul3A_245 = arith.mulf %mul3A_244, %add3A_242 : vector<16xf32>
        %max3A = arith.maximumf %add3A_242, %mul3A_245 : vector<16xf32>
        %exp3A = math.exp %max3A : vector<16xf32>
        %mul3A_246 = arith.constant 16 : i32
        %mul3A_247 = arith.muli %scan3A_226, %mul3A_246 : i32
        %swap3A_248 = arith.index_cast %mul3A_247 : i32 to index
        %swap3A_249 = tpu.vector_load %arg15[%swap3A_248] {strides = array<i32>} : memref<144xf32, #tpu.memory_space<vmem>>, vector<16xf32>,
        tpu.vector_store %arg15[%swap3A_248], %exp3A {strides = array<i32>} : memref<144xf32, #tpu.memory_space<vmem>>, vector<16xf32>,
        tpu.vector_store_idx %arg16[%get3A_240], %exp3A {add = true} : memref<10000xf32, #tpu.memory_space<vmem>>[vector<16xi32>], vector<16xf32>,
        %scan3A_250 = arith.constant 0 : i32
        scf.yield %scan3A_250 : i32
      }
      %scan3A_212 = arith.constant 8 : i32
      %parallel_loop3A_213 = arith.constant 0 : i32
      %parallel_loop3A_214 = arith.constant 128 : i32
      %parallel_loop3A_215 = arith.constant 1 : i32
      scf.for %parallel_loop3A_226 = %parallel_loop3A_213 to %parallel_loop3A_214 step %parallel_loop3A_215  : i32 {
        %parallel_loop3A_227 = arith.index_cast %parallel_loop3A_226 : i32 to index
        %parallel_loop3A_228 = tpu.vector_load %arg15[%parallel_loop3A_227] {strides = array<i32>} : memref<144xf32, #tpu.memory_space<vmem>>, vector<16xf32>,
        %parallel_loop3A_229 = vector.extract_strided_slice %parallel_loop3A_228 {offsets = [0], sizes = [1], strides = [1]} : vector<16xf32> to vector<1xf32>
        %parallel_loop3A_230 = vector.extract %parallel_loop3A_229[0] : f32 from vector<1xf32>
        %parallel_loop3A_231 = arith.index_cast %parallel_loop3A_226 : i32 to index
        %parallel_loop3A_232 = arith.constant 0 : index
        %parallel_loop3A_233 = tpu.vector_load %arg20[%parallel_loop3A_231, %parallel_loop3A_232] {strides = array<i32>} : memref<128x32xf32, #tpu.memory_space<vmem>>, vector<16xf32>,
        %parallel_loop3A_234 = vector.broadcast %parallel_loop3A_230 : f32 to vector<16xf32>
        %parallel_loop3A_235 = arith.mulf %parallel_loop3A_233, %parallel_loop3A_234 : vector<16xf32>
        %parallel_loop3A_236 = arith.index_cast %parallel_loop3A_226 : i32 to index
        %parallel_loop3A_237 = arith.constant 0 : index
        %parallel_loop3A_238 = tpu.vector_load %arg22[%parallel_loop3A_236, %parallel_loop3A_237] {strides = array<i32>} : memref<128x32xf32, #tpu.memory_space<vmem>>, vector<16xf32>,
        tpu.vector_store %arg22[%parallel_loop3A_236, %parallel_loop3A_237], %parallel_loop3A_235 {strides = array<i32>} : memref<128x32xf32, #tpu.memory_space<vmem>>, vector<16xf32>,
        %parallel_loop3A_239 = arith.index_cast %parallel_loop3A_226 : i32 to index
        %parallel_loop3A_240 = arith.constant 16 : index
        %parallel_loop3A_241 = tpu.vector_load %arg20[%parallel_loop3A_239, %parallel_loop3A_240] {strides = array<i32>} : memref<128x32xf32, #tpu.memory_space<vmem>>, vector<16xf32>,
        %parallel_loop3A_242 = vector.broadcast %parallel_loop3A_230 : f32 to vector<16xf32>
        %parallel_loop3A_243 = arith.mulf %parallel_loop3A_241, %parallel_loop3A_242 : vector<16xf32>
        %parallel_loop3A_244 = arith.index_cast %parallel_loop3A_226 : i32 to index
        %parallel_loop3A_245 = arith.constant 16 : index
        %parallel_loop3A_246 = tpu.vector_load %arg22[%parallel_loop3A_244, %parallel_loop3A_245] {strides = array<i32>} : memref<128x32xf32, #tpu.memory_space<vmem>>, vector<16xf32>,
        tpu.vector_store %arg22[%parallel_loop3A_244, %parallel_loop3A_245], %parallel_loop3A_243 {strides = array<i32>} : memref<128x32xf32, #tpu.memory_space<vmem>>, vector<16xf32>,
      } {sc.loop_unroll_factor = 8 : i64, sc.parallel_access}
      %sub3A_216 = arith.constant 1 : i32
      %sub3A_217 = arith.subi %select_n3A_95, %sub3A_216 : i32
      %lt3A_218 = arith.cmpi slt, %while3A_117, %sub3A_217 : i32
      %convert_element_type3A_219 = arith.extui %lt3A_218 : i1 to i32
      %cond3A_220 = arith.constant 0 : i32
      %cond3A_221 = arith.cmpi ne, %convert_element_type3A_219, %cond3A_220 : i32
      scf.if %cond3A_221 {
        %add3A_226 = arith.constant 2 : i32
        %add3A_227 = arith.addi %add3A_173, %add3A_226 : i32
        %dma_start3A_228 = arith.constant 0 : i32
        %dma_start3A_229 = arith.constant 0 : i32
        %dma_start3A_230 = tpu.memref_slice %arg20[%dma_start3A_228, %dma_start3A_229] : memref<128x32xf32, #tpu.memory_space<vmem>> -> memref<64x32xf32, #tpu.memory_space<vmem>>
        %dma_start3A_231 = arith.constant 0 : i32
        %dma_start3A_232 = tpu.memref_slice %arg12[%add3A_227, %dma_start3A_231] : memref<104x128xi32, #tpu.memory_space<vmem>> -> memref<1x64xi32, #tpu.memory_space<vmem>>
        %dma_start3A_233 = tpu.memref_squeeze %dma_start3A_232 : memref<1x64xi32, #tpu.memory_space<vmem>> -> memref<64xi32, #tpu.memory_space<vmem>>
        %dma_start3A_234 = arith.constant 0 : i32
        %dma_start3A_235 = arith.constant 0 : i32
        %dma_start3A_236 = tpu.memref_slice %arg2[%dma_start3A_234, %dma_start3A_235] : memref<20000x32xf32, #tpu.memory_space<hbm>> -> memref<20000x32xf32, #tpu.memory_space<hbm>>
        tpu.enqueue_indirect_dma source(%dma_start3A_236 : memref<20000x32xf32, #tpu.memory_space<hbm>>) target(%dma_start3A_230 : memref<64x32xf32, #tpu.memory_space<vmem>>) offsets(%dma_start3A_233 : memref<64xi32, #tpu.memory_space<vmem>>) semaphore(%arg24 : memref<!tpu.dma_semaphore, #tpu.memory_space<semaphore_mem>>)
        %add3A_237 = arith.constant 2 : i32
        %add3A_238 = arith.addi %add3A_173, %add3A_237 : i32
        %dma_start3A_239 = arith.constant 64 : i32
        %dma_start3A_240 = arith.constant 0 : i32
        %dma_start3A_241 = tpu.memref_slice %arg20[%dma_start3A_239, %dma_start3A_240] : memref<128x32xf32, #tpu.memory_space<vmem>> -> memref<64x32xf32, #tpu.memory_space<vmem>>
        %dma_start3A_242 = arith.constant 64 : i32
        %dma_start3A_243 = tpu.memref_slice %arg12[%add3A_238, %dma_start3A_242] : memref<104x128xi32, #tpu.memory_space<vmem>> -> memref<1x64xi32, #tpu.memory_space<vmem>>
        %dma_start3A_244 = tpu.memref_squeeze %dma_start3A_243 : memref<1x64xi32, #tpu.memory_space<vmem>> -> memref<64xi32, #tpu.memory_space<vmem>>
        %dma_start3A_245 = arith.constant 0 : i32
        %dma_start3A_246 = arith.constant 0 : i32
        %dma_start3A_247 = tpu.memref_slice %arg2[%dma_start3A_245, %dma_start3A_246] : memref<20000x32xf32, #tpu.memory_space<hbm>> -> memref<20000x32xf32, #tpu.memory_space<hbm>>
        tpu.enqueue_indirect_dma source(%dma_start3A_247 : memref<20000x32xf32, #tpu.memory_space<hbm>>) target(%dma_start3A_241 : memref<64x32xf32, #tpu.memory_space<vmem>>) offsets(%dma_start3A_244 : memref<64xi32, #tpu.memory_space<vmem>>) semaphore(%arg26 : memref<!tpu.dma_semaphore, #tpu.memory_space<semaphore_mem>>)
      } else {
      }
      %dma_start3A_222 = arith.constant 0 : i32
      %dma_start3A_223 = arith.constant 0 : i32
      %dma_start3A_224 = tpu.memref_slice %arg29[%dma_start3A_222, %dma_start3A_223] : memref<10000x32xf32, #tpu.memory_space<vmem_shared>> -> memref<10000x32xf32, #tpu.memory_space<vmem_shared>>
      tpu.enqueue_indirect_dma source(%arg22 : memref<128x32xf32, #tpu.memory_space<vmem>>) target(%dma_start3A_224 : memref<10000x32xf32, #tpu.memory_space<vmem_shared>>) offsets(%arg18 : memref<128xi32, #tpu.memory_space<vmem>>) semaphore(%arg28 : memref<!tpu.dma_semaphore, #tpu.memory_space<semaphore_mem>>) {add = true}
      %while3A_225 = arith.constant 0 : i32
      scf.yield %while3A_225 : i32
    }
    %dma_wait3A_107 = arith.constant 0 : i32
    %dma_wait3A_108 = arith.constant 0 : i32
    %dma_wait3A_109 = tpu.memref_slice %arg29[%dma_wait3A_107, %dma_wait3A_108] : memref<10000x32xf32, #tpu.memory_space<vmem_shared>> -> memref<10000x32xf32, #tpu.memory_space<vmem_shared>>
    tpu.wait_indirect_dma semaphore(%arg27 : memref<!tpu.dma_semaphore, #tpu.memory_space<semaphore_mem>>) src(%arg21 : memref<128x32xf32, #tpu.memory_space<vmem>>) dst(%dma_wait3A_109 : memref<10000x32xf32, #tpu.memory_space<vmem_shared>>)
    %dma_wait3A_110 = arith.constant 0 : i32
    %dma_wait3A_111 = arith.constant 0 : i32
    %dma_wait3A_112 = tpu.memref_slice %arg29[%dma_wait3A_110, %dma_wait3A_111] : memref<10000x32xf32, #tpu.memory_space<vmem_shared>> -> memref<10000x32xf32, #tpu.memory_space<vmem_shared>>
    tpu.wait_indirect_dma semaphore(%arg28 : memref<!tpu.dma_semaphore, #tpu.memory_space<semaphore_mem>>) src(%arg22 : memref<128x32xf32, #tpu.memory_space<vmem>>) dst(%dma_wait3A_112 : memref<10000x32xf32, #tpu.memory_space<vmem_shared>>)
    "tpu.region"() ({
      %run_scoped3A = tpu.sem_alloc : memref<!tpu.dma_semaphore, #tpu.memory_space<semaphore_mem>>
      %dma_start3A_117 = arith.constant 0 : i32
      %dma_start3A_118 = tpu.memref_slice %arg9[%add3A, %dma_start3A_117] : memref<32x10000xf32, #tpu.memory_space<hbm>> -> memref<1x10000xf32, #tpu.memory_space<hbm>>
      %dma_start3A_119 = tpu.memref_squeeze %dma_start3A_118 : memref<1x10000xf32, #tpu.memory_space<hbm>> -> memref<10000xf32, #tpu.memory_space<hbm>>
      %dma_start3A_120 = arith.constant 0 : i32
      %dma_start3A_121 = tpu.memref_slice %arg9[%add3A, %dma_start3A_120] : memref<32x10000xf32, #tpu.memory_space<hbm>> -> memref<1x10000xf32, #tpu.memory_space<hbm>>
      %dma_start3A_122 = tpu.memref_squeeze %dma_start3A_121 : memref<1x10000xf32, #tpu.memory_space<hbm>> -> memref<10000xf32, #tpu.memory_space<hbm>>
      tpu.enqueue_dma source(%arg16 : memref<10000xf32, #tpu.memory_space<vmem>>) target(%dma_start3A_122 : memref<10000xf32, #tpu.memory_space<hbm>>) target_semaphore(%run_scoped3A : memref<!tpu.dma_semaphore, #tpu.memory_space<semaphore_mem>>)
      %dma_wait3A_123 = arith.constant 0 : i32
      %dma_wait3A_124 = tpu.memref_slice %arg9[%add3A, %dma_wait3A_123] : memref<32x10000xf32, #tpu.memory_space<hbm>> -> memref<1x10000xf32, #tpu.memory_space<hbm>>
      %dma_wait3A_125 = tpu.memref_squeeze %dma_wait3A_124 : memref<1x10000xf32, #tpu.memory_space<hbm>> -> memref<10000xf32, #tpu.memory_space<hbm>>
      %dma_wait3A_126 = arith.constant 0 : i32
      %dma_wait3A_127 = tpu.memref_slice %arg9[%add3A, %dma_wait3A_126] : memref<32x10000xf32, #tpu.memory_space<hbm>> -> memref<1x10000xf32, #tpu.memory_space<hbm>>
      %dma_wait3A_128 = tpu.memref_squeeze %dma_wait3A_127 : memref<1x10000xf32, #tpu.memory_space<hbm>> -> memref<10000xf32, #tpu.memory_space<hbm>>
      tpu.wait_dma2 semaphore(%run_scoped3A : memref<!tpu.dma_semaphore, #tpu.memory_space<semaphore_mem>>) src(%arg16 : memref<10000xf32, #tpu.memory_space<vmem>>) dst(%dma_wait3A_128 : memref<10000xf32, #tpu.memory_space<hbm>>)
      tpu.yield
    }) : () -> ()
    %barrier3A_113 = arith.constant 0 : index
    tpu.barrier barrier_id(%barrier3A_113)
    %eq3A_114 = arith.constant 0 : i32
    %eq3A_115 = arith.cmpi eq, %arg1, %eq3A_114 : i32
    %convert_element_type3A = arith.extui %eq3A_115 : i1 to i32
    %cond3A = arith.constant 0 : i32
    %cond3A_116 = arith.cmpi ne, %convert_element_type3A, %cond3A : i32
    scf.if %cond3A_116 {
      %mul3A_117 = arith.constant 10000 : i32
      %mul3A_118 = arith.muli %arg0, %mul3A_117 : i32
      "tpu.region"() ({
        %run_scoped3A = tpu.sem_alloc : memref<!tpu.dma_semaphore, #tpu.memory_space<semaphore_mem>>
        %dma_start3A_119 = arith.constant 0 : i32
        %dma_start3A_120 = tpu.memref_slice %arg8[%mul3A_118, %dma_start3A_119] : memref<20000x32xf32, #tpu.memory_space<hbm>> -> memref<10000x32xf32, #tpu.memory_space<hbm>>
        tpu.enqueue_dma source(%arg29 : memref<10000x32xf32, #tpu.memory_space<vmem_shared>>) target(%dma_start3A_120 : memref<10000x32xf32, #tpu.memory_space<hbm>>) target_semaphore(%run_scoped3A : memref<!tpu.dma_semaphore, #tpu.memory_space<semaphore_mem>>)
        %dma_wait3A_121 = arith.constant 0 : i32
        %dma_wait3A_122 = tpu.memref_slice %arg8[%mul3A_118, %dma_wait3A_121] : memref<20000x32xf32, #tpu.memory_space<hbm>> -> memref<10000x32xf32, #tpu.memory_space<hbm>>
        tpu.wait_dma2 semaphore(%run_scoped3A : memref<!tpu.dma_semaphore, #tpu.memory_space<semaphore_mem>>) src(%arg29 : memref<10000x32xf32, #tpu.memory_space<vmem_shared>>) dst(%dma_wait3A_122 : memref<10000x32xf32, #tpu.memory_space<hbm>>)
        tpu.yield
      }) : () -> ()
    } else {
    }
    return
  }
}

#map = affine_map<(d0, d1) -> (0, 0)>
#map1 = affine_map<(d0, d1) -> (0)>
module attributes {stable_mosaic.version = 14 : i64} {
  func.func @_edge_kernel(%arg0: i32, %arg1: i32, %arg2: memref<20000x32xf32, #tpu.memory_space<hbm>>, %arg3: memref<20008xf32, #tpu.memory_space<hbm>>, %arg4: memref<20008xf32, #tpu.memory_space<hbm>>, %arg5: memref<2560x128xi32, #tpu.memory_space<hbm>>, %arg6: memref<2560x128xi32, #tpu.memory_space<hbm>>, %arg7: memref<2560x128xi32, #tpu.memory_space<hbm>>, %arg8: memref<20000x32xf32, #tpu.memory_space<hbm>>, %arg9: memref<32x10000xf32, #tpu.memory_space<hbm>>, %arg10: memref<20008xf32, #tpu.memory_space<vmem>>, %arg11: memref<20008xf32, #tpu.memory_space<vmem>>, %arg12: memref<104x128xi32, #tpu.memory_space<vmem>>, %arg13: memref<104x128xi32, #tpu.memory_space<vmem>>, %arg14: memref<104x128xi32, #tpu.memory_space<vmem>>, %arg15: memref<144xf32, #tpu.memory_space<vmem>>, %arg16: memref<10000xf32, #tpu.memory_space<vmem>>, %arg17: memref<128xi32, #tpu.memory_space<vmem>>, %arg18: memref<128xi32, #tpu.memory_space<vmem>>, %arg19: memref<128x32xf32, #tpu.memory_space<vmem>>, %arg20: memref<128x32xf32, #tpu.memory_space<vmem>>, %arg21: memref<128x32xf32, #tpu.memory_space<vmem>>, %arg22: memref<128x32xf32, #tpu.memory_space<vmem>>, %arg23: memref<!tpu.dma_semaphore, #tpu.memory_space<semaphore_mem>>, %arg24: memref<!tpu.dma_semaphore, #tpu.memory_space<semaphore_mem>>, %arg25: memref<!tpu.dma_semaphore, #tpu.memory_space<semaphore_mem>>, %arg26: memref<!tpu.dma_semaphore, #tpu.memory_space<semaphore_mem>>, %arg27: memref<!tpu.dma_semaphore, #tpu.memory_space<semaphore_mem>>, %arg28: memref<!tpu.dma_semaphore, #tpu.memory_space<semaphore_mem>>, %arg29: memref<10000x32xf32, #tpu.memory_space<vmem_shared>>) attributes {dimension_semantics = [#tpu.dimension_semantics<core_parallel>, #tpu.dimension_semantics<subcore_parallel>], iteration_bounds = array<i64: 2, 16>, scalar_prefetch = 0 : i64, scratch_operands = 20 : i64, tpu.core_type = #tpu.core_type<sc_vector_subcore>, window_params = [{transform_indices = #map}, {transform_indices = #map1}, {transform_indices = #map1}, {transform_indices = #map}, {transform_indices = #map}, {transform_indices = #map}, {transform_indices = #map}, {transform_indices = #map}]} {
    %mul3A = arith.constant 16 : i32
    %mul3A_0 = arith.muli %arg0, %mul3A : i32
    %add3A = arith.addi %mul3A_0, %arg1 : i32
    %eq3A = arith.constant 0 : i32
    %eq3A_1 = arith.cmpi eq, %arg0, %eq3A : i32
    %mul3A_2 = arith.constant 104 : i32
    %mul3A_3 = arith.muli %arg1, %mul3A_2 : i32
    %mul3A_4 = arith.constant 56 : i32
    %mul3A_5 = arith.muli %arg1, %mul3A_4 : i32
    %add3A_6 = arith.constant 1664 : i32
    %add3A_7 = arith.addi %add3A_6, %mul3A_5 : i32
    %select_n3A = arith.select %eq3A_1, %mul3A_3, %add3A_7 : i32
    tpu.enqueue_dma source(%arg3 : memref<20008xf32, #tpu.memory_space<hbm>>) target(%arg10 : memref<20008xf32, #tpu.memory_space<vmem>>) target_semaphore(%arg23 : memref<!tpu.dma_semaphore, #tpu.memory_space<semaphore_mem>>)
    tpu.enqueue_dma source(%arg4 : memref<20008xf32, #tpu.memory_space<hbm>>) target(%arg11 : memref<20008xf32, #tpu.memory_space<vmem>>) target_semaphore(%arg24 : memref<!tpu.dma_semaphore, #tpu.memory_space<semaphore_mem>>)
    %dma_start3A = arith.constant 0 : i32
    %dma_start3A_8 = tpu.memref_slice %arg5[%select_n3A, %dma_start3A] : memref<2560x128xi32, #tpu.memory_space<hbm>> -> memref<104x128xi32, #tpu.memory_space<hbm>>
    %dma_start3A_9 = arith.constant 0 : i32
    %dma_start3A_10 = tpu.memref_slice %arg5[%select_n3A, %dma_start3A_9] : memref<2560x128xi32, #tpu.memory_space<hbm>> -> memref<104x128xi32, #tpu.memory_space<hbm>>
    tpu.enqueue_dma source(%dma_start3A_10 : memref<104x128xi32, #tpu.memory_space<hbm>>) target(%arg12 : memref<104x128xi32, #tpu.memory_space<vmem>>) target_semaphore(%arg25 : memref<!tpu.dma_semaphore, #tpu.memory_space<semaphore_mem>>)
    %dma_start3A_11 = arith.constant 0 : i32
    %dma_start3A_12 = tpu.memref_slice %arg6[%select_n3A, %dma_start3A_11] : memref<2560x128xi32, #tpu.memory_space<hbm>> -> memref<104x128xi32, #tpu.memory_space<hbm>>
    %dma_start3A_13 = arith.constant 0 : i32
    %dma_start3A_14 = tpu.memref_slice %arg6[%select_n3A, %dma_start3A_13] : memref<2560x128xi32, #tpu.memory_space<hbm>> -> memref<104x128xi32, #tpu.memory_space<hbm>>
    tpu.enqueue_dma source(%dma_start3A_14 : memref<104x128xi32, #tpu.memory_space<hbm>>) target(%arg13 : memref<104x128xi32, #tpu.memory_space<vmem>>) target_semaphore(%arg26 : memref<!tpu.dma_semaphore, #tpu.memory_space<semaphore_mem>>)
    %dma_start3A_15 = arith.constant 0 : i32
    %dma_start3A_16 = tpu.memref_slice %arg7[%select_n3A, %dma_start3A_15] : memref<2560x128xi32, #tpu.memory_space<hbm>> -> memref<104x128xi32, #tpu.memory_space<hbm>>
    %dma_start3A_17 = arith.constant 0 : i32
    %dma_start3A_18 = tpu.memref_slice %arg7[%select_n3A, %dma_start3A_17] : memref<2560x128xi32, #tpu.memory_space<hbm>> -> memref<104x128xi32, #tpu.memory_space<hbm>>
    tpu.enqueue_dma source(%dma_start3A_18 : memref<104x128xi32, #tpu.memory_space<hbm>>) target(%arg14 : memref<104x128xi32, #tpu.memory_space<vmem>>) target_semaphore(%arg27 : memref<!tpu.dma_semaphore, #tpu.memory_space<semaphore_mem>>)
    tpu.wait_dma2 semaphore(%arg23 : memref<!tpu.dma_semaphore, #tpu.memory_space<semaphore_mem>>) src(%arg3 : memref<20008xf32, #tpu.memory_space<hbm>>) dst(%arg10 : memref<20008xf32, #tpu.memory_space<vmem>>)
    tpu.wait_dma2 semaphore(%arg24 : memref<!tpu.dma_semaphore, #tpu.memory_space<semaphore_mem>>) src(%arg4 : memref<20008xf32, #tpu.memory_space<hbm>>) dst(%arg11 : memref<20008xf32, #tpu.memory_space<vmem>>)
    %dma_wait3A = arith.constant 0 : i32
    %dma_wait3A_19 = tpu.memref_slice %arg5[%select_n3A, %dma_wait3A] : memref<2560x128xi32, #tpu.memory_space<hbm>> -> memref<104x128xi32, #tpu.memory_space<hbm>>
    %dma_wait3A_20 = arith.constant 0 : i32
    %dma_wait3A_21 = tpu.memref_slice %arg5[%select_n3A, %dma_wait3A_20] : memref<2560x128xi32, #tpu.memory_space<hbm>> -> memref<104x128xi32, #tpu.memory_space<hbm>>
    tpu.wait_dma2 semaphore(%arg25 : memref<!tpu.dma_semaphore, #tpu.memory_space<semaphore_mem>>) src(%dma_wait3A_21 : memref<104x128xi32, #tpu.memory_space<hbm>>) dst(%arg12 : memref<104x128xi32, #tpu.memory_space<vmem>>)
    %dma_wait3A_22 = arith.constant 0 : i32
    %dma_wait3A_23 = tpu.memref_slice %arg6[%select_n3A, %dma_wait3A_22] : memref<2560x128xi32, #tpu.memory_space<hbm>> -> memref<104x128xi32, #tpu.memory_space<hbm>>
    %dma_wait3A_24 = arith.constant 0 : i32
    %dma_wait3A_25 = tpu.memref_slice %arg6[%select_n3A, %dma_wait3A_24] : memref<2560x128xi32, #tpu.memory_space<hbm>> -> memref<104x128xi32, #tpu.memory_space<hbm>>
    tpu.wait_dma2 semaphore(%arg26 : memref<!tpu.dma_semaphore, #tpu.memory_space<semaphore_mem>>) src(%dma_wait3A_25 : memref<104x128xi32, #tpu.memory_space<hbm>>) dst(%arg13 : memref<104x128xi32, #tpu.memory_space<vmem>>)
    %dma_wait3A_26 = arith.constant 0 : i32
    %dma_wait3A_27 = tpu.memref_slice %arg7[%select_n3A, %dma_wait3A_26] : memref<2560x128xi32, #tpu.memory_space<hbm>> -> memref<104x128xi32, #tpu.memory_space<hbm>>
    %dma_wait3A_28 = arith.constant 0 : i32
    %dma_wait3A_29 = tpu.memref_slice %arg7[%select_n3A, %dma_wait3A_28] : memref<2560x128xi32, #tpu.memory_space<hbm>> -> memref<104x128xi32, #tpu.memory_space<hbm>>
    tpu.wait_dma2 semaphore(%arg27 : memref<!tpu.dma_semaphore, #tpu.memory_space<semaphore_mem>>) src(%dma_wait3A_29 : memref<104x128xi32, #tpu.memory_space<hbm>>) dst(%arg14 : memref<104x128xi32, #tpu.memory_space<vmem>>)
    %broadcast_in_dim3A = arith.constant 0.000000e+00 : f32
    %broadcast_in_dim3A_30 = vector.broadcast %broadcast_in_dim3A : f32 to vector<16xf32>
    %scan3A = arith.constant 0 : i32
    %scan3A_31 = arith.constant 0 : i32
    %scan3A_32 = arith.constant 625 : i32
    %scan3A_33 = arith.addi %scan3A_31, %scan3A_32 : i32
    %scan3A_34 = arith.constant 1 : i32
    %scan3A_35 = scf.for %scan3A_117 = %scan3A_31 to %scan3A_33 step %scan3A_34 iter_args(%scan3A_118 = %scan3A) -> (i32)  : i32 {
      %mul3A_119 = arith.constant 16 : i32
      %mul3A_120 = arith.muli %scan3A_117, %mul3A_119 : i32
      %swap3A_121 = arith.index_cast %mul3A_120 : i32 to index
      %swap3A_122 = tpu.vector_load %arg16[%swap3A_121] {strides = array<i32>} : memref<10000xf32, #tpu.memory_space<vmem>>, vector<16xf32>,
      tpu.vector_store %arg16[%swap3A_121], %broadcast_in_dim3A_30 {strides = array<i32>} : memref<10000xf32, #tpu.memory_space<vmem>>, vector<16xf32>,
      %scan3A_123 = arith.constant 0 : i32
      scf.yield %scan3A_123 : i32
    }
    %scan3A_36 = arith.constant 625 : i32
    %swap3A = arith.constant 128 : index
    %swap3A_37 = tpu.vector_load %arg15[%swap3A] {strides = array<i32>} : memref<144xf32, #tpu.memory_space<vmem>>, vector<16xf32>,
    tpu.vector_store %arg15[%swap3A], %broadcast_in_dim3A_30 {strides = array<i32>} : memref<144xf32, #tpu.memory_space<vmem>>, vector<16xf32>,
    %scan3A_38 = arith.constant 0 : i32
    %scan3A_39 = arith.constant 0 : i32
    %scan3A_40 = arith.constant 128 : i32
    %scan3A_41 = arith.addi %scan3A_39, %scan3A_40 : i32
    %scan3A_42 = arith.constant 1 : i32
    %scan3A_43 = scf.for %scan3A_117 = %scan3A_39 to %scan3A_41 step %scan3A_42 iter_args(%scan3A_118 = %scan3A_38) -> (i32)  : i32 {
      %swap3A_119 = arith.index_cast %scan3A_117 : i32 to index
      %swap3A_120 = arith.constant 0 : index
      %swap3A_121 = tpu.vector_load %arg21[%swap3A_119, %swap3A_120] {strides = array<i32>} : memref<128x32xf32, #tpu.memory_space<vmem>>, vector<16xf32>,
      tpu.vector_store %arg21[%swap3A_119, %swap3A_120], %broadcast_in_dim3A_30 {strides = array<i32>} : memref<128x32xf32, #tpu.memory_space<vmem>>, vector<16xf32>,
      %swap3A_122 = arith.index_cast %scan3A_117 : i32 to index
      %swap3A_123 = arith.constant 16 : index
      %swap3A_124 = tpu.vector_load %arg21[%swap3A_122, %swap3A_123] {strides = array<i32>} : memref<128x32xf32, #tpu.memory_space<vmem>>, vector<16xf32>,
      tpu.vector_store %arg21[%swap3A_122, %swap3A_123], %broadcast_in_dim3A_30 {strides = array<i32>} : memref<128x32xf32, #tpu.memory_space<vmem>>, vector<16xf32>,
      %scan3A_125 = arith.constant 0 : i32
      scf.yield %scan3A_125 : i32
    }
    %scan3A_44 = arith.constant 128 : i32
    %scan3A_45 = arith.constant 0 : i32
    %scan3A_46 = arith.constant 0 : i32
    %scan3A_47 = arith.constant 5 : i32
    %scan3A_48 = arith.addi %scan3A_46, %scan3A_47 : i32
    %scan3A_49 = arith.constant 1 : i32
    %scan3A_50 = scf.for %scan3A_117 = %scan3A_46 to %scan3A_48 step %scan3A_49 iter_args(%scan3A_118 = %scan3A_45) -> (i32)  : i32 {
      %mul3A_119 = arith.constant 16 : i32
      %mul3A_120 = arith.muli %scan3A_117, %mul3A_119 : i32
      %add3A_121 = arith.addi %arg1, %mul3A_120 : i32
      %lt3A = arith.constant 78 : i32
      %lt3A_122 = arith.cmpi slt, %add3A_121, %lt3A : i32
      %convert_element_type3A_123 = arith.extui %lt3A_122 : i1 to i32
      %cond3A_124 = arith.constant 0 : i32
      %cond3A_125 = arith.cmpi ne, %convert_element_type3A_123, %cond3A_124 : i32
      scf.if %cond3A_125 {
        %mul3A_132 = arith.constant 128 : i32
        %mul3A_133 = arith.muli %add3A_121, %mul3A_132 : i32
        "tpu.region"() ({
          %run_scoped3A = tpu.sem_alloc : memref<!tpu.dma_semaphore, #tpu.memory_space<semaphore_mem>>
          %dma_start3A_134 = arith.constant 0 : i32
          %dma_start3A_135 = tpu.memref_slice %arg29[%mul3A_133, %dma_start3A_134] : memref<10000x32xf32, #tpu.memory_space<vmem_shared>> -> memref<128x32xf32, #tpu.memory_space<vmem_shared>>
          %dma_start3A_136 = arith.constant 0 : i32
          %dma_start3A_137 = tpu.memref_slice %arg29[%mul3A_133, %dma_start3A_136] : memref<10000x32xf32, #tpu.memory_space<vmem_shared>> -> memref<128x32xf32, #tpu.memory_space<vmem_shared>>
          tpu.enqueue_dma source(%arg21 : memref<128x32xf32, #tpu.memory_space<vmem>>) target(%dma_start3A_137 : memref<128x32xf32, #tpu.memory_space<vmem_shared>>) target_semaphore(%run_scoped3A : memref<!tpu.dma_semaphore, #tpu.memory_space<semaphore_mem>>)
          %dma_wait3A_138 = arith.constant 0 : i32
          %dma_wait3A_139 = tpu.memref_slice %arg29[%mul3A_133, %dma_wait3A_138] : memref<10000x32xf32, #tpu.memory_space<vmem_shared>> -> memref<128x32xf32, #tpu.memory_space<vmem_shared>>
          %dma_wait3A_140 = arith.constant 0 : i32
          %dma_wait3A_141 = tpu.memref_slice %arg29[%mul3A_133, %dma_wait3A_140] : memref<10000x32xf32, #tpu.memory_space<vmem_shared>> -> memref<128x32xf32, #tpu.memory_space<vmem_shared>>
          tpu.wait_dma2 semaphore(%run_scoped3A : memref<!tpu.dma_semaphore, #tpu.memory_space<semaphore_mem>>) src(%arg21 : memref<128x32xf32, #tpu.memory_space<vmem>>) dst(%dma_wait3A_141 : memref<128x32xf32, #tpu.memory_space<vmem_shared>>)
          tpu.yield
        }) : () -> ()
      } else {
      }
      %eq3A_126 = arith.constant 78 : i32
      %eq3A_127 = arith.cmpi eq, %add3A_121, %eq3A_126 : i32
      %convert_element_type3A_128 = arith.extui %eq3A_127 : i1 to i32
      %cond3A_129 = arith.constant 0 : i32
      %cond3A_130 = arith.cmpi ne, %convert_element_type3A_128, %cond3A_129 : i32
      scf.if %cond3A_130 {
        "tpu.region"() ({
          %run_scoped3A = tpu.sem_alloc : memref<!tpu.dma_semaphore, #tpu.memory_space<semaphore_mem>>
          %dma_start3A_132 = arith.constant 0 : i32
          %dma_start3A_133 = arith.constant 0 : i32
          %dma_start3A_134 = tpu.memref_slice %arg21[%dma_start3A_132, %dma_start3A_133] : memref<128x32xf32, #tpu.memory_space<vmem>> -> memref<16x32xf32, #tpu.memory_space<vmem>>
          %dma_start3A_135 = arith.constant 9984 : i32
          %dma_start3A_136 = arith.constant 0 : i32
          %dma_start3A_137 = tpu.memref_slice %arg29[%dma_start3A_135, %dma_start3A_136] : memref<10000x32xf32, #tpu.memory_space<vmem_shared>> -> memref<16x32xf32, #tpu.memory_space<vmem_shared>>
          %dma_start3A_138 = arith.constant 9984 : i32
          %dma_start3A_139 = arith.constant 0 : i32
          %dma_start3A_140 = tpu.memref_slice %arg29[%dma_start3A_138, %dma_start3A_139] : memref<10000x32xf32, #tpu.memory_space<vmem_shared>> -> memref<16x32xf32, #tpu.memory_space<vmem_shared>>
          %dma_start3A_141 = arith.constant 0 : i32
          %dma_start3A_142 = arith.constant 0 : i32
          %dma_start3A_143 = tpu.memref_slice %arg21[%dma_start3A_141, %dma_start3A_142] : memref<128x32xf32, #tpu.memory_space<vmem>> -> memref<16x32xf32, #tpu.memory_space<vmem>>
          tpu.enqueue_dma source(%dma_start3A_143 : memref<16x32xf32, #tpu.memory_space<vmem>>) target(%dma_start3A_140 : memref<16x32xf32, #tpu.memory_space<vmem_shared>>) target_semaphore(%run_scoped3A : memref<!tpu.dma_semaphore, #tpu.memory_space<semaphore_mem>>)
          %dma_wait3A_144 = arith.constant 0 : i32
          %dma_wait3A_145 = arith.constant 0 : i32
          %dma_wait3A_146 = tpu.memref_slice %arg21[%dma_wait3A_144, %dma_wait3A_145] : memref<128x32xf32, #tpu.memory_space<vmem>> -> memref<16x32xf32, #tpu.memory_space<vmem>>
          %dma_wait3A_147 = arith.constant 9984 : i32
          %dma_wait3A_148 = arith.constant 0 : i32
          %dma_wait3A_149 = tpu.memref_slice %arg29[%dma_wait3A_147, %dma_wait3A_148] : memref<10000x32xf32, #tpu.memory_space<vmem_shared>> -> memref<16x32xf32, #tpu.memory_space<vmem_shared>>
          %dma_wait3A_150 = arith.constant 9984 : i32
          %dma_wait3A_151 = arith.constant 0 : i32
          %dma_wait3A_152 = tpu.memref_slice %arg29[%dma_wait3A_150, %dma_wait3A_151] : memref<10000x32xf32, #tpu.memory_space<vmem_shared>> -> memref<16x32xf32, #tpu.memory_space<vmem_shared>>
          %dma_wait3A_153 = arith.constant 0 : i32
          %dma_wait3A_154 = arith.constant 0 : i32
          %dma_wait3A_155 = tpu.memref_slice %arg21[%dma_wait3A_153, %dma_wait3A_154] : memref<128x32xf32, #tpu.memory_space<vmem>> -> memref<16x32xf32, #tpu.memory_space<vmem>>
          tpu.wait_dma2 semaphore(%run_scoped3A : memref<!tpu.dma_semaphore, #tpu.memory_space<semaphore_mem>>) src(%dma_wait3A_155 : memref<16x32xf32, #tpu.memory_space<vmem>>) dst(%dma_wait3A_152 : memref<16x32xf32, #tpu.memory_space<vmem_shared>>)
          tpu.yield
        }) : () -> ()
      } else {
      }
      %scan3A_131 = arith.constant 0 : i32
      scf.yield %scan3A_131 : i32
    }
    %scan3A_51 = arith.constant 5 : i32
    %barrier3A = arith.constant 0 : index
    tpu.barrier barrier_id(%barrier3A)
    %dma_start3A_52 = arith.constant 0 : i32
    %dma_start3A_53 = arith.constant 0 : i32
    %dma_start3A_54 = arith.constant 0 : i32
    %dma_start3A_55 = tpu.memref_slice %arg19[%dma_start3A_53, %dma_start3A_54] : memref<128x32xf32, #tpu.memory_space<vmem>> -> memref<64x32xf32, #tpu.memory_space<vmem>>
    %dma_start3A_56 = arith.constant 0 : i32
    %dma_start3A_57 = tpu.memref_slice %arg12[%dma_start3A_52, %dma_start3A_56] : memref<104x128xi32, #tpu.memory_space<vmem>> -> memref<1x64xi32, #tpu.memory_space<vmem>>
    %dma_start3A_58 = tpu.memref_squeeze %dma_start3A_57 : memref<1x64xi32, #tpu.memory_space<vmem>> -> memref<64xi32, #tpu.memory_space<vmem>>
    %dma_start3A_59 = arith.constant 0 : i32
    %dma_start3A_60 = arith.constant 0 : i32
    %dma_start3A_61 = tpu.memref_slice %arg2[%dma_start3A_59, %dma_start3A_60] : memref<20000x32xf32, #tpu.memory_space<hbm>> -> memref<20000x32xf32, #tpu.memory_space<hbm>>
    tpu.enqueue_indirect_dma source(%dma_start3A_61 : memref<20000x32xf32, #tpu.memory_space<hbm>>) target(%dma_start3A_55 : memref<64x32xf32, #tpu.memory_space<vmem>>) offsets(%dma_start3A_58 : memref<64xi32, #tpu.memory_space<vmem>>) semaphore(%arg23 : memref<!tpu.dma_semaphore, #tpu.memory_space<semaphore_mem>>)
    %dma_start3A_62 = arith.constant 0 : i32
    %dma_start3A_63 = arith.constant 64 : i32
    %dma_start3A_64 = arith.constant 0 : i32
    %dma_start3A_65 = tpu.memref_slice %arg19[%dma_start3A_63, %dma_start3A_64] : memref<128x32xf32, #tpu.memory_space<vmem>> -> memref<64x32xf32, #tpu.memory_space<vmem>>
    %dma_start3A_66 = arith.constant 64 : i32
    %dma_start3A_67 = tpu.memref_slice %arg12[%dma_start3A_62, %dma_start3A_66] : memref<104x128xi32, #tpu.memory_space<vmem>> -> memref<1x64xi32, #tpu.memory_space<vmem>>
    %dma_start3A_68 = tpu.memref_squeeze %dma_start3A_67 : memref<1x64xi32, #tpu.memory_space<vmem>> -> memref<64xi32, #tpu.memory_space<vmem>>
    %dma_start3A_69 = arith.constant 0 : i32
    %dma_start3A_70 = arith.constant 0 : i32
    %dma_start3A_71 = tpu.memref_slice %arg2[%dma_start3A_69, %dma_start3A_70] : memref<20000x32xf32, #tpu.memory_space<hbm>> -> memref<20000x32xf32, #tpu.memory_space<hbm>>
    tpu.enqueue_indirect_dma source(%dma_start3A_71 : memref<20000x32xf32, #tpu.memory_space<hbm>>) target(%dma_start3A_65 : memref<64x32xf32, #tpu.memory_space<vmem>>) offsets(%dma_start3A_68 : memref<64xi32, #tpu.memory_space<vmem>>) semaphore(%arg25 : memref<!tpu.dma_semaphore, #tpu.memory_space<semaphore_mem>>)
    %dma_start3A_72 = arith.constant 1 : i32
    %dma_start3A_73 = arith.constant 0 : i32
    %dma_start3A_74 = arith.constant 0 : i32
    %dma_start3A_75 = tpu.memref_slice %arg20[%dma_start3A_73, %dma_start3A_74] : memref<128x32xf32, #tpu.memory_space<vmem>> -> memref<64x32xf32, #tpu.memory_space<vmem>>
    %dma_start3A_76 = arith.constant 0 : i32
    %dma_start3A_77 = tpu.memref_slice %arg12[%dma_start3A_72, %dma_start3A_76] : memref<104x128xi32, #tpu.memory_space<vmem>> -> memref<1x64xi32, #tpu.memory_space<vmem>>
    %dma_start3A_78 = tpu.memref_squeeze %dma_start3A_77 : memref<1x64xi32, #tpu.memory_space<vmem>> -> memref<64xi32, #tpu.memory_space<vmem>>
    %dma_start3A_79 = arith.constant 0 : i32
    %dma_start3A_80 = arith.constant 0 : i32
    %dma_start3A_81 = tpu.memref_slice %arg2[%dma_start3A_79, %dma_start3A_80] : memref<20000x32xf32, #tpu.memory_space<hbm>> -> memref<20000x32xf32, #tpu.memory_space<hbm>>
    tpu.enqueue_indirect_dma source(%dma_start3A_81 : memref<20000x32xf32, #tpu.memory_space<hbm>>) target(%dma_start3A_75 : memref<64x32xf32, #tpu.memory_space<vmem>>) offsets(%dma_start3A_78 : memref<64xi32, #tpu.memory_space<vmem>>) semaphore(%arg24 : memref<!tpu.dma_semaphore, #tpu.memory_space<semaphore_mem>>)
    %dma_start3A_82 = arith.constant 1 : i32
    %dma_start3A_83 = arith.constant 64 : i32
    %dma_start3A_84 = arith.constant 0 : i32
    %dma_start3A_85 = tpu.memref_slice %arg20[%dma_start3A_83, %dma_start3A_84] : memref<128x32xf32, #tpu.memory_space<vmem>> -> memref<64x32xf32, #tpu.memory_space<vmem>>
    %dma_start3A_86 = arith.constant 64 : i32
    %dma_start3A_87 = tpu.memref_slice %arg12[%dma_start3A_82, %dma_start3A_86] : memref<104x128xi32, #tpu.memory_space<vmem>> -> memref<1x64xi32, #tpu.memory_space<vmem>>
    %dma_start3A_88 = tpu.memref_squeeze %dma_start3A_87 : memref<1x64xi32, #tpu.memory_space<vmem>> -> memref<64xi32, #tpu.memory_space<vmem>>
    %dma_start3A_89 = arith.constant 0 : i32
    %dma_start3A_90 = arith.constant 0 : i32
    %dma_start3A_91 = tpu.memref_slice %arg2[%dma_start3A_89, %dma_start3A_90] : memref<20000x32xf32, #tpu.memory_space<hbm>> -> memref<20000x32xf32, #tpu.memory_space<hbm>>
    tpu.enqueue_indirect_dma source(%dma_start3A_91 : memref<20000x32xf32, #tpu.memory_space<hbm>>) target(%dma_start3A_85 : memref<64x32xf32, #tpu.memory_space<vmem>>) offsets(%dma_start3A_88 : memref<64xi32, #tpu.memory_space<vmem>>) semaphore(%arg26 : memref<!tpu.dma_semaphore, #tpu.memory_space<semaphore_mem>>)
    %eq3A_92 = arith.constant 0 : i32
    %eq3A_93 = arith.cmpi eq, %arg0, %eq3A_92 : i32
    %jit3A = arith.constant 52 : i32
    %jit3A_94 = arith.constant 28 : i32
    %select_n3A_95 = arith.select %eq3A_93, %jit3A, %jit3A_94 : i32
    %while3A = arith.constant 0 : i32
    %while3A_96 = arith.constant 0 : i32
    %while3A_97 = arith.subi %select_n3A_95, %while3A : i32
    %while3A_98 = arith.addi %while3A, %while3A_97 : i32
    %while3A_99 = arith.constant 1 : i32
    %while3A_100 = arith.divsi %while3A_97, %while3A_99 : i32
    %while3A_101 = arith.muli %while3A_100, %while3A_99 : i32
    %while3A_102 = arith.addi %while3A, %while3A_101 : i32
    %while3A_103 = arith.constant 1 : i32
    %while3A_104 = scf.for %while3A_117 = %while3A to %while3A_102 step %while3A_103 iter_args(%while3A_118 = %while3A_96) -> (i32)  : i32 {
      %mul3A_119 = arith.constant 2 : i32
      %mul3A_120 = arith.muli %while3A_117, %mul3A_119 : i32
      %add3A_121 = arith.constant 0 : i32
      %add3A_122 = arith.addi %mul3A_120, %add3A_121 : i32
      %dma_wait3A_123 = arith.constant 0 : i32
      %dma_wait3A_124 = arith.constant 0 : i32
      %dma_wait3A_125 = arith.constant 0 : i32
      %dma_wait3A_126 = tpu.memref_slice %arg19[%dma_wait3A_124, %dma_wait3A_125] : memref<128x32xf32, #tpu.memory_space<vmem>> -> memref<64x32xf32, #tpu.memory_space<vmem>>
      %dma_wait3A_127 = arith.constant 0 : i32
      %dma_wait3A_128 = tpu.memref_slice %arg12[%dma_wait3A_123, %dma_wait3A_127] : memref<104x128xi32, #tpu.memory_space<vmem>> -> memref<1x64xi32, #tpu.memory_space<vmem>>
      %dma_wait3A_129 = tpu.memref_squeeze %dma_wait3A_128 : memref<1x64xi32, #tpu.memory_space<vmem>> -> memref<64xi32, #tpu.memory_space<vmem>>
      %dma_wait3A_130 = arith.constant 0 : i32
      %dma_wait3A_131 = arith.constant 0 : i32
      %dma_wait3A_132 = tpu.memref_slice %arg2[%dma_wait3A_130, %dma_wait3A_131] : memref<20000x32xf32, #tpu.memory_space<hbm>> -> memref<20000x32xf32, #tpu.memory_space<hbm>>
      tpu.wait_indirect_dma semaphore(%arg23 : memref<!tpu.dma_semaphore, #tpu.memory_space<semaphore_mem>>) src(%dma_wait3A_132 : memref<20000x32xf32, #tpu.memory_space<hbm>>) dst(%dma_wait3A_126 : memref<64x32xf32, #tpu.memory_space<vmem>>)
      %dma_wait3A_133 = arith.constant 0 : i32
      %dma_wait3A_134 = arith.constant 64 : i32
      %dma_wait3A_135 = arith.constant 0 : i32
      %dma_wait3A_136 = tpu.memref_slice %arg19[%dma_wait3A_134, %dma_wait3A_135] : memref<128x32xf32, #tpu.memory_space<vmem>> -> memref<64x32xf32, #tpu.memory_space<vmem>>
      %dma_wait3A_137 = arith.constant 64 : i32
      %dma_wait3A_138 = tpu.memref_slice %arg12[%dma_wait3A_133, %dma_wait3A_137] : memref<104x128xi32, #tpu.memory_space<vmem>> -> memref<1x64xi32, #tpu.memory_space<vmem>>
      %dma_wait3A_139 = tpu.memref_squeeze %dma_wait3A_138 : memref<1x64xi32, #tpu.memory_space<vmem>> -> memref<64xi32, #tpu.memory_space<vmem>>
      %dma_wait3A_140 = arith.constant 0 : i32
      %dma_wait3A_141 = arith.constant 0 : i32
      %dma_wait3A_142 = tpu.memref_slice %arg2[%dma_wait3A_140, %dma_wait3A_141] : memref<20000x32xf32, #tpu.memory_space<hbm>> -> memref<20000x32xf32, #tpu.memory_space<hbm>>
      tpu.wait_indirect_dma semaphore(%arg25 : memref<!tpu.dma_semaphore, #tpu.memory_space<semaphore_mem>>) src(%dma_wait3A_142 : memref<20000x32xf32, #tpu.memory_space<hbm>>) dst(%dma_wait3A_136 : memref<64x32xf32, #tpu.memory_space<vmem>>)
      %gt3A = arith.constant 0 : i32
      %gt3A_143 = arith.cmpi sgt, %while3A_117, %gt3A : i32
      %convert_element_type3A_144 = arith.extui %gt3A_143 : i1 to i32
      %cond3A_145 = arith.constant 0 : i32
      %cond3A_146 = arith.cmpi ne, %convert_element_type3A_144, %cond3A_145 : i32
      scf.if %cond3A_146 {
        %dma_wait3A_226 = arith.constant 0 : i32
        %dma_wait3A_227 = arith.constant 0 : i32
        %dma_wait3A_228 = tpu.memref_slice %arg29[%dma_wait3A_226, %dma_wait3A_227] : memref<10000x32xf32, #tpu.memory_space<vmem_shared>> -> memref<10000x32xf32, #tpu.memory_space<vmem_shared>>
        tpu.wait_indirect_dma semaphore(%arg27 : memref<!tpu.dma_semaphore, #tpu.memory_space<semaphore_mem>>) src(%arg21 : memref<128x32xf32, #tpu.memory_space<vmem>>) dst(%dma_wait3A_228 : memref<10000x32xf32, #tpu.memory_space<vmem_shared>>)
      } else {
      }
      %scan3A_147 = arith.constant 0 : i32
      %scan3A_148 = arith.constant 0 : i32
      %scan3A_149 = arith.constant 8 : i32
      %scan3A_150 = arith.addi %scan3A_148, %scan3A_149 : i32
      %scan3A_151 = arith.constant 1 : i32
      %scan3A_152 = scf.for %scan3A_226 = %scan3A_148 to %scan3A_150 step %scan3A_151 iter_args(%scan3A_227 = %scan3A_147) -> (i32)  : i32 {
        %mul3A_228 = arith.constant 16 : i32
        %mul3A_229 = arith.muli %scan3A_226, %mul3A_228 : i32
        %get3A = arith.index_cast %add3A_122 : i32 to index
        %get3A_230 = arith.index_cast %mul3A_229 : i32 to index
        %get3A_231 = tpu.vector_load %arg14[%get3A, %get3A_230] {strides = array<i32>} : memref<104x128xi32, #tpu.memory_space<vmem>>, vector<16xi32>,
        %mul3A_232 = arith.constant 16 : i32
        %mul3A_233 = arith.muli %scan3A_226, %mul3A_232 : i32
        %swap3A_234 = arith.index_cast %mul3A_233 : i32 to index
        %swap3A_235 = tpu.vector_load %arg17[%swap3A_234] {strides = array<i32>} : memref<128xi32, #tpu.memory_space<vmem>>, vector<16xi32>,
        tpu.vector_store %arg17[%swap3A_234], %get3A_231 {strides = array<i32>} : memref<128xi32, #tpu.memory_space<vmem>>, vector<16xi32>,
        %scan3A_236 = arith.constant 0 : i32
        scf.yield %scan3A_236 : i32
      }
      %scan3A_153 = arith.constant 8 : i32
      %scan3A_154 = arith.constant 0 : i32
      %scan3A_155 = arith.constant 0 : i32
      %scan3A_156 = arith.constant 8 : i32
      %scan3A_157 = arith.addi %scan3A_155, %scan3A_156 : i32
      %scan3A_158 = arith.constant 1 : i32
      %scan3A_159 = scf.for %scan3A_226 = %scan3A_155 to %scan3A_157 step %scan3A_158 iter_args(%scan3A_227 = %scan3A_154) -> (i32)  : i32 {
        %mul3A_228 = arith.constant 16 : i32
        %mul3A_229 = arith.muli %scan3A_226, %mul3A_228 : i32
        %get3A = arith.index_cast %add3A_122 : i32 to index
        %get3A_230 = arith.index_cast %mul3A_229 : i32 to index
        %get3A_231 = tpu.vector_load %arg13[%get3A, %get3A_230] {strides = array<i32>} : memref<104x128xi32, #tpu.memory_space<vmem>>, vector<16xi32>,
        %mul3A_232 = arith.constant 16 : i32
        %mul3A_233 = arith.muli %scan3A_226, %mul3A_232 : i32
        %get3A_234 = arith.index_cast %add3A_122 : i32 to index
        %get3A_235 = arith.index_cast %mul3A_233 : i32 to index
        %get3A_236 = tpu.vector_load %arg12[%get3A_234, %get3A_235] {strides = array<i32>} : memref<104x128xi32, #tpu.memory_space<vmem>>, vector<16xi32>,
        %mul3A_237 = arith.constant 16 : i32
        %mul3A_238 = arith.muli %scan3A_226, %mul3A_237 : i32
        %get3A_239 = arith.index_cast %mul3A_238 : i32 to index
        %get3A_240 = tpu.vector_load %arg17[%get3A_239] {strides = array<i32>} : memref<128xi32, #tpu.memory_space<vmem>>, vector<16xi32>,
        %gather3A = tpu.vector_load_idx %arg10[%get3A_231] : memref<20008xf32, #tpu.memory_space<vmem>>[vector<16xi32>], vector<16xf32>,
        %gather3A_241 = tpu.vector_load_idx %arg11[%get3A_236] : memref<20008xf32, #tpu.memory_space<vmem>>[vector<16xi32>], vector<16xf32>,
        %add3A_242 = arith.addf %gather3A, %gather3A_241 : vector<16xf32>
        %mul3A_243 = arith.constant 2.000000e-01 : f32
        %mul3A_244 = vector.broadcast %mul3A_243 : f32 to vector<16xf32>
        %mul3A_245 = arith.mulf %mul3A_244, %add3A_242 : vector<16xf32>
        %max3A = arith.maximumf %add3A_242, %mul3A_245 : vector<16xf32>
        %exp3A = math.exp %max3A : vector<16xf32>
        %mul3A_246 = arith.constant 16 : i32
        %mul3A_247 = arith.muli %scan3A_226, %mul3A_246 : i32
        %swap3A_248 = arith.index_cast %mul3A_247 : i32 to index
        %swap3A_249 = tpu.vector_load %arg15[%swap3A_248] {strides = array<i32>} : memref<144xf32, #tpu.memory_space<vmem>>, vector<16xf32>,
        tpu.vector_store %arg15[%swap3A_248], %exp3A {strides = array<i32>} : memref<144xf32, #tpu.memory_space<vmem>>, vector<16xf32>,
        tpu.vector_store_idx %arg16[%get3A_240], %exp3A {add = true} : memref<10000xf32, #tpu.memory_space<vmem>>[vector<16xi32>], vector<16xf32>,
        %scan3A_250 = arith.constant 0 : i32
        scf.yield %scan3A_250 : i32
      }
      %scan3A_160 = arith.constant 8 : i32
      %parallel_loop3A = arith.constant 0 : i32
      %parallel_loop3A_161 = arith.constant 128 : i32
      %parallel_loop3A_162 = arith.constant 1 : i32
      scf.for %parallel_loop3A_226 = %parallel_loop3A to %parallel_loop3A_161 step %parallel_loop3A_162  : i32 {
        %parallel_loop3A_227 = arith.index_cast %parallel_loop3A_226 : i32 to index
        %parallel_loop3A_228 = tpu.vector_load %arg15[%parallel_loop3A_227] {strides = array<i32>} : memref<144xf32, #tpu.memory_space<vmem>>, vector<16xf32>,
        %parallel_loop3A_229 = vector.extract_strided_slice %parallel_loop3A_228 {offsets = [0], sizes = [1], strides = [1]} : vector<16xf32> to vector<1xf32>
        %parallel_loop3A_230 = vector.extract %parallel_loop3A_229[0] : f32 from vector<1xf32>
        %parallel_loop3A_231 = arith.index_cast %parallel_loop3A_226 : i32 to index
        %parallel_loop3A_232 = arith.constant 0 : index
        %parallel_loop3A_233 = tpu.vector_load %arg19[%parallel_loop3A_231, %parallel_loop3A_232] {strides = array<i32>} : memref<128x32xf32, #tpu.memory_space<vmem>>, vector<16xf32>,
        %parallel_loop3A_234 = vector.broadcast %parallel_loop3A_230 : f32 to vector<16xf32>
        %parallel_loop3A_235 = arith.mulf %parallel_loop3A_233, %parallel_loop3A_234 : vector<16xf32>
        %parallel_loop3A_236 = arith.index_cast %parallel_loop3A_226 : i32 to index
        %parallel_loop3A_237 = arith.constant 0 : index
        %parallel_loop3A_238 = tpu.vector_load %arg21[%parallel_loop3A_236, %parallel_loop3A_237] {strides = array<i32>} : memref<128x32xf32, #tpu.memory_space<vmem>>, vector<16xf32>,
        tpu.vector_store %arg21[%parallel_loop3A_236, %parallel_loop3A_237], %parallel_loop3A_235 {strides = array<i32>} : memref<128x32xf32, #tpu.memory_space<vmem>>, vector<16xf32>,
        %parallel_loop3A_239 = arith.index_cast %parallel_loop3A_226 : i32 to index
        %parallel_loop3A_240 = arith.constant 16 : index
        %parallel_loop3A_241 = tpu.vector_load %arg19[%parallel_loop3A_239, %parallel_loop3A_240] {strides = array<i32>} : memref<128x32xf32, #tpu.memory_space<vmem>>, vector<16xf32>,
        %parallel_loop3A_242 = vector.broadcast %parallel_loop3A_230 : f32 to vector<16xf32>
        %parallel_loop3A_243 = arith.mulf %parallel_loop3A_241, %parallel_loop3A_242 : vector<16xf32>
        %parallel_loop3A_244 = arith.index_cast %parallel_loop3A_226 : i32 to index
        %parallel_loop3A_245 = arith.constant 16 : index
        %parallel_loop3A_246 = tpu.vector_load %arg21[%parallel_loop3A_244, %parallel_loop3A_245] {strides = array<i32>} : memref<128x32xf32, #tpu.memory_space<vmem>>, vector<16xf32>,
        tpu.vector_store %arg21[%parallel_loop3A_244, %parallel_loop3A_245], %parallel_loop3A_243 {strides = array<i32>} : memref<128x32xf32, #tpu.memory_space<vmem>>, vector<16xf32>,
      } {sc.loop_unroll_factor = 8 : i64, sc.parallel_access}
      %sub3A = arith.constant 1 : i32
      %sub3A_163 = arith.subi %select_n3A_95, %sub3A : i32
      %lt3A = arith.cmpi slt, %while3A_117, %sub3A_163 : i32
      %convert_element_type3A_164 = arith.extui %lt3A : i1 to i32
      %cond3A_165 = arith.constant 0 : i32
      %cond3A_166 = arith.cmpi ne, %convert_element_type3A_164, %cond3A_165 : i32
      scf.if %cond3A_166 {
        %add3A_226 = arith.constant 2 : i32
        %add3A_227 = arith.addi %add3A_122, %add3A_226 : i32
        %dma_start3A_228 = arith.constant 0 : i32
        %dma_start3A_229 = arith.constant 0 : i32
        %dma_start3A_230 = tpu.memref_slice %arg19[%dma_start3A_228, %dma_start3A_229] : memref<128x32xf32, #tpu.memory_space<vmem>> -> memref<64x32xf32, #tpu.memory_space<vmem>>
        %dma_start3A_231 = arith.constant 0 : i32
        %dma_start3A_232 = tpu.memref_slice %arg12[%add3A_227, %dma_start3A_231] : memref<104x128xi32, #tpu.memory_space<vmem>> -> memref<1x64xi32, #tpu.memory_space<vmem>>
        %dma_start3A_233 = tpu.memref_squeeze %dma_start3A_232 : memref<1x64xi32, #tpu.memory_space<vmem>> -> memref<64xi32, #tpu.memory_space<vmem>>
        %dma_start3A_234 = arith.constant 0 : i32
        %dma_start3A_235 = arith.constant 0 : i32
        %dma_start3A_236 = tpu.memref_slice %arg2[%dma_start3A_234, %dma_start3A_235] : memref<20000x32xf32, #tpu.memory_space<hbm>> -> memref<20000x32xf32, #tpu.memory_space<hbm>>
        tpu.enqueue_indirect_dma source(%dma_start3A_236 : memref<20000x32xf32, #tpu.memory_space<hbm>>) target(%dma_start3A_230 : memref<64x32xf32, #tpu.memory_space<vmem>>) offsets(%dma_start3A_233 : memref<64xi32, #tpu.memory_space<vmem>>) semaphore(%arg23 : memref<!tpu.dma_semaphore, #tpu.memory_space<semaphore_mem>>)
        %add3A_237 = arith.constant 2 : i32
        %add3A_238 = arith.addi %add3A_122, %add3A_237 : i32
        %dma_start3A_239 = arith.constant 64 : i32
        %dma_start3A_240 = arith.constant 0 : i32
        %dma_start3A_241 = tpu.memref_slice %arg19[%dma_start3A_239, %dma_start3A_240] : memref<128x32xf32, #tpu.memory_space<vmem>> -> memref<64x32xf32, #tpu.memory_space<vmem>>
        %dma_start3A_242 = arith.constant 64 : i32
        %dma_start3A_243 = tpu.memref_slice %arg12[%add3A_238, %dma_start3A_242] : memref<104x128xi32, #tpu.memory_space<vmem>> -> memref<1x64xi32, #tpu.memory_space<vmem>>
        %dma_start3A_244 = tpu.memref_squeeze %dma_start3A_243 : memref<1x64xi32, #tpu.memory_space<vmem>> -> memref<64xi32, #tpu.memory_space<vmem>>
        %dma_start3A_245 = arith.constant 0 : i32
        %dma_start3A_246 = arith.constant 0 : i32
        %dma_start3A_247 = tpu.memref_slice %arg2[%dma_start3A_245, %dma_start3A_246] : memref<20000x32xf32, #tpu.memory_space<hbm>> -> memref<20000x32xf32, #tpu.memory_space<hbm>>
        tpu.enqueue_indirect_dma source(%dma_start3A_247 : memref<20000x32xf32, #tpu.memory_space<hbm>>) target(%dma_start3A_241 : memref<64x32xf32, #tpu.memory_space<vmem>>) offsets(%dma_start3A_244 : memref<64xi32, #tpu.memory_space<vmem>>) semaphore(%arg25 : memref<!tpu.dma_semaphore, #tpu.memory_space<semaphore_mem>>)
      } else {
      }
      %dma_start3A_167 = arith.constant 0 : i32
      %dma_start3A_168 = arith.constant 0 : i32
      %dma_start3A_169 = tpu.memref_slice %arg29[%dma_start3A_167, %dma_start3A_168] : memref<10000x32xf32, #tpu.memory_space<vmem_shared>> -> memref<10000x32xf32, #tpu.memory_space<vmem_shared>>
      tpu.enqueue_indirect_dma source(%arg21 : memref<128x32xf32, #tpu.memory_space<vmem>>) target(%dma_start3A_169 : memref<10000x32xf32, #tpu.memory_space<vmem_shared>>) offsets(%arg17 : memref<128xi32, #tpu.memory_space<vmem>>) semaphore(%arg27 : memref<!tpu.dma_semaphore, #tpu.memory_space<semaphore_mem>>) {add = true}
      %mul3A_170 = arith.constant 2 : i32
      %mul3A_171 = arith.muli %while3A_117, %mul3A_170 : i32
      %add3A_172 = arith.constant 1 : i32
      %add3A_173 = arith.addi %mul3A_171, %add3A_172 : i32
      %dma_wait3A_174 = arith.constant 1 : i32
      %dma_wait3A_175 = arith.constant 0 : i32
      %dma_wait3A_176 = arith.constant 0 : i32
      %dma_wait3A_177 = tpu.memref_slice %arg20[%dma_wait3A_175, %dma_wait3A_176] : memref<128x32xf32, #tpu.memory_space<vmem>> -> memref<64x32xf32, #tpu.memory_space<vmem>>
      %dma_wait3A_178 = arith.constant 0 : i32
      %dma_wait3A_179 = tpu.memref_slice %arg12[%dma_wait3A_174, %dma_wait3A_178] : memref<104x128xi32, #tpu.memory_space<vmem>> -> memref<1x64xi32, #tpu.memory_space<vmem>>
      %dma_wait3A_180 = tpu.memref_squeeze %dma_wait3A_179 : memref<1x64xi32, #tpu.memory_space<vmem>> -> memref<64xi32, #tpu.memory_space<vmem>>
      %dma_wait3A_181 = arith.constant 0 : i32
      %dma_wait3A_182 = arith.constant 0 : i32
      %dma_wait3A_183 = tpu.memref_slice %arg2[%dma_wait3A_181, %dma_wait3A_182] : memref<20000x32xf32, #tpu.memory_space<hbm>> -> memref<20000x32xf32, #tpu.memory_space<hbm>>
      tpu.wait_indirect_dma semaphore(%arg24 : memref<!tpu.dma_semaphore, #tpu.memory_space<semaphore_mem>>) src(%dma_wait3A_183 : memref<20000x32xf32, #tpu.memory_space<hbm>>) dst(%dma_wait3A_177 : memref<64x32xf32, #tpu.memory_space<vmem>>)
      %dma_wait3A_184 = arith.constant 1 : i32
      %dma_wait3A_185 = arith.constant 64 : i32
      %dma_wait3A_186 = arith.constant 0 : i32
      %dma_wait3A_187 = tpu.memref_slice %arg20[%dma_wait3A_185, %dma_wait3A_186] : memref<128x32xf32, #tpu.memory_space<vmem>> -> memref<64x32xf32, #tpu.memory_space<vmem>>
      %dma_wait3A_188 = arith.constant 64 : i32
      %dma_wait3A_189 = tpu.memref_slice %arg12[%dma_wait3A_184, %dma_wait3A_188] : memref<104x128xi32, #tpu.memory_space<vmem>> -> memref<1x64xi32, #tpu.memory_space<vmem>>
      %dma_wait3A_190 = tpu.memref_squeeze %dma_wait3A_189 : memref<1x64xi32, #tpu.memory_space<vmem>> -> memref<64xi32, #tpu.memory_space<vmem>>
      %dma_wait3A_191 = arith.constant 0 : i32
      %dma_wait3A_192 = arith.constant 0 : i32
      %dma_wait3A_193 = tpu.memref_slice %arg2[%dma_wait3A_191, %dma_wait3A_192] : memref<20000x32xf32, #tpu.memory_space<hbm>> -> memref<20000x32xf32, #tpu.memory_space<hbm>>
      tpu.wait_indirect_dma semaphore(%arg26 : memref<!tpu.dma_semaphore, #tpu.memory_space<semaphore_mem>>) src(%dma_wait3A_193 : memref<20000x32xf32, #tpu.memory_space<hbm>>) dst(%dma_wait3A_187 : memref<64x32xf32, #tpu.memory_space<vmem>>)
      %gt3A_194 = arith.constant 0 : i32
      %gt3A_195 = arith.cmpi sgt, %while3A_117, %gt3A_194 : i32
      %convert_element_type3A_196 = arith.extui %gt3A_195 : i1 to i32
      %cond3A_197 = arith.constant 0 : i32
      %cond3A_198 = arith.cmpi ne, %convert_element_type3A_196, %cond3A_197 : i32
      scf.if %cond3A_198 {
        %dma_wait3A_226 = arith.constant 0 : i32
        %dma_wait3A_227 = arith.constant 0 : i32
        %dma_wait3A_228 = tpu.memref_slice %arg29[%dma_wait3A_226, %dma_wait3A_227] : memref<10000x32xf32, #tpu.memory_space<vmem_shared>> -> memref<10000x32xf32, #tpu.memory_space<vmem_shared>>
        tpu.wait_indirect_dma semaphore(%arg28 : memref<!tpu.dma_semaphore, #tpu.memory_space<semaphore_mem>>) src(%arg22 : memref<128x32xf32, #tpu.memory_space<vmem>>) dst(%dma_wait3A_228 : memref<10000x32xf32, #tpu.memory_space<vmem_shared>>)
      } else {
      }
      %scan3A_199 = arith.constant 0 : i32
      %scan3A_200 = arith.constant 0 : i32
      %scan3A_201 = arith.constant 8 : i32
      %scan3A_202 = arith.addi %scan3A_200, %scan3A_201 : i32
      %scan3A_203 = arith.constant 1 : i32
      %scan3A_204 = scf.for %scan3A_226 = %scan3A_200 to %scan3A_202 step %scan3A_203 iter_args(%scan3A_227 = %scan3A_199) -> (i32)  : i32 {
        %mul3A_228 = arith.constant 16 : i32
        %mul3A_229 = arith.muli %scan3A_226, %mul3A_228 : i32
        %get3A = arith.index_cast %add3A_173 : i32 to index
        %get3A_230 = arith.index_cast %mul3A_229 : i32 to index
        %get3A_231 = tpu.vector_load %arg14[%get3A, %get3A_230] {strides = array<i32>} : memref<104x128xi32, #tpu.memory_space<vmem>>, vector<16xi32>,
        %mul3A_232 = arith.constant 16 : i32
        %mul3A_233 = arith.muli %scan3A_226, %mul3A_232 : i32
        %swap3A_234 = arith.index_cast %mul3A_233 : i32 to index
        %swap3A_235 = tpu.vector_load %arg18[%swap3A_234] {strides = array<i32>} : memref<128xi32, #tpu.memory_space<vmem>>, vector<16xi32>,
        tpu.vector_store %arg18[%swap3A_234], %get3A_231 {strides = array<i32>} : memref<128xi32, #tpu.memory_space<vmem>>, vector<16xi32>,
        %scan3A_236 = arith.constant 0 : i32
        scf.yield %scan3A_236 : i32
      }
      %scan3A_205 = arith.constant 8 : i32
      %scan3A_206 = arith.constant 0 : i32
      %scan3A_207 = arith.constant 0 : i32
      %scan3A_208 = arith.constant 8 : i32
      %scan3A_209 = arith.addi %scan3A_207, %scan3A_208 : i32
      %scan3A_210 = arith.constant 1 : i32
      %scan3A_211 = scf.for %scan3A_226 = %scan3A_207 to %scan3A_209 step %scan3A_210 iter_args(%scan3A_227 = %scan3A_206) -> (i32)  : i32 {
        %mul3A_228 = arith.constant 16 : i32
        %mul3A_229 = arith.muli %scan3A_226, %mul3A_228 : i32
        %get3A = arith.index_cast %add3A_173 : i32 to index
        %get3A_230 = arith.index_cast %mul3A_229 : i32 to index
        %get3A_231 = tpu.vector_load %arg13[%get3A, %get3A_230] {strides = array<i32>} : memref<104x128xi32, #tpu.memory_space<vmem>>, vector<16xi32>,
        %mul3A_232 = arith.constant 16 : i32
        %mul3A_233 = arith.muli %scan3A_226, %mul3A_232 : i32
        %get3A_234 = arith.index_cast %add3A_173 : i32 to index
        %get3A_235 = arith.index_cast %mul3A_233 : i32 to index
        %get3A_236 = tpu.vector_load %arg12[%get3A_234, %get3A_235] {strides = array<i32>} : memref<104x128xi32, #tpu.memory_space<vmem>>, vector<16xi32>,
        %mul3A_237 = arith.constant 16 : i32
        %mul3A_238 = arith.muli %scan3A_226, %mul3A_237 : i32
        %get3A_239 = arith.index_cast %mul3A_238 : i32 to index
        %get3A_240 = tpu.vector_load %arg18[%get3A_239] {strides = array<i32>} : memref<128xi32, #tpu.memory_space<vmem>>, vector<16xi32>,
        %gather3A = tpu.vector_load_idx %arg10[%get3A_231] : memref<20008xf32, #tpu.memory_space<vmem>>[vector<16xi32>], vector<16xf32>,
        %gather3A_241 = tpu.vector_load_idx %arg11[%get3A_236] : memref<20008xf32, #tpu.memory_space<vmem>>[vector<16xi32>], vector<16xf32>,
        %add3A_242 = arith.addf %gather3A, %gather3A_241 : vector<16xf32>
        %mul3A_243 = arith.constant 2.000000e-01 : f32
        %mul3A_244 = vector.broadcast %mul3A_243 : f32 to vector<16xf32>
        %mul3A_245 = arith.mulf %mul3A_244, %add3A_242 : vector<16xf32>
        %max3A = arith.maximumf %add3A_242, %mul3A_245 : vector<16xf32>
        %exp3A = math.exp %max3A : vector<16xf32>
        %mul3A_246 = arith.constant 16 : i32
        %mul3A_247 = arith.muli %scan3A_226, %mul3A_246 : i32
        %swap3A_248 = arith.index_cast %mul3A_247 : i32 to index
        %swap3A_249 = tpu.vector_load %arg15[%swap3A_248] {strides = array<i32>} : memref<144xf32, #tpu.memory_space<vmem>>, vector<16xf32>,
        tpu.vector_store %arg15[%swap3A_248], %exp3A {strides = array<i32>} : memref<144xf32, #tpu.memory_space<vmem>>, vector<16xf32>,
        tpu.vector_store_idx %arg16[%get3A_240], %exp3A {add = true} : memref<10000xf32, #tpu.memory_space<vmem>>[vector<16xi32>], vector<16xf32>,
        %scan3A_250 = arith.constant 0 : i32
        scf.yield %scan3A_250 : i32
      }
      %scan3A_212 = arith.constant 8 : i32
      %parallel_loop3A_213 = arith.constant 0 : i32
      %parallel_loop3A_214 = arith.constant 128 : i32
      %parallel_loop3A_215 = arith.constant 1 : i32
      scf.for %parallel_loop3A_226 = %parallel_loop3A_213 to %parallel_loop3A_214 step %parallel_loop3A_215  : i32 {
        %parallel_loop3A_227 = arith.index_cast %parallel_loop3A_226 : i32 to index
        %parallel_loop3A_228 = tpu.vector_load %arg15[%parallel_loop3A_227] {strides = array<i32>} : memref<144xf32, #tpu.memory_space<vmem>>, vector<16xf32>,
        %parallel_loop3A_229 = vector.extract_strided_slice %parallel_loop3A_228 {offsets = [0], sizes = [1], strides = [1]} : vector<16xf32> to vector<1xf32>
        %parallel_loop3A_230 = vector.extract %parallel_loop3A_229[0] : f32 from vector<1xf32>
        %parallel_loop3A_231 = arith.index_cast %parallel_loop3A_226 : i32 to index
        %parallel_loop3A_232 = arith.constant 0 : index
        %parallel_loop3A_233 = tpu.vector_load %arg20[%parallel_loop3A_231, %parallel_loop3A_232] {strides = array<i32>} : memref<128x32xf32, #tpu.memory_space<vmem>>, vector<16xf32>,
        %parallel_loop3A_234 = vector.broadcast %parallel_loop3A_230 : f32 to vector<16xf32>
        %parallel_loop3A_235 = arith.mulf %parallel_loop3A_233, %parallel_loop3A_234 : vector<16xf32>
        %parallel_loop3A_236 = arith.index_cast %parallel_loop3A_226 : i32 to index
        %parallel_loop3A_237 = arith.constant 0 : index
        %parallel_loop3A_238 = tpu.vector_load %arg22[%parallel_loop3A_236, %parallel_loop3A_237] {strides = array<i32>} : memref<128x32xf32, #tpu.memory_space<vmem>>, vector<16xf32>,
        tpu.vector_store %arg22[%parallel_loop3A_236, %parallel_loop3A_237], %parallel_loop3A_235 {strides = array<i32>} : memref<128x32xf32, #tpu.memory_space<vmem>>, vector<16xf32>,
        %parallel_loop3A_239 = arith.index_cast %parallel_loop3A_226 : i32 to index
        %parallel_loop3A_240 = arith.constant 16 : index
        %parallel_loop3A_241 = tpu.vector_load %arg20[%parallel_loop3A_239, %parallel_loop3A_240] {strides = array<i32>} : memref<128x32xf32, #tpu.memory_space<vmem>>, vector<16xf32>,
        %parallel_loop3A_242 = vector.broadcast %parallel_loop3A_230 : f32 to vector<16xf32>
        %parallel_loop3A_243 = arith.mulf %parallel_loop3A_241, %parallel_loop3A_242 : vector<16xf32>
        %parallel_loop3A_244 = arith.index_cast %parallel_loop3A_226 : i32 to index
        %parallel_loop3A_245 = arith.constant 16 : index
        %parallel_loop3A_246 = tpu.vector_load %arg22[%parallel_loop3A_244, %parallel_loop3A_245] {strides = array<i32>} : memref<128x32xf32, #tpu.memory_space<vmem>>, vector<16xf32>,
        tpu.vector_store %arg22[%parallel_loop3A_244, %parallel_loop3A_245], %parallel_loop3A_243 {strides = array<i32>} : memref<128x32xf32, #tpu.memory_space<vmem>>, vector<16xf32>,
      } {sc.loop_unroll_factor = 8 : i64, sc.parallel_access}
      %sub3A_216 = arith.constant 1 : i32
      %sub3A_217 = arith.subi %select_n3A_95, %sub3A_216 : i32
      %lt3A_218 = arith.cmpi slt, %while3A_117, %sub3A_217 : i32
      %convert_element_type3A_219 = arith.extui %lt3A_218 : i1 to i32
      %cond3A_220 = arith.constant 0 : i32
      %cond3A_221 = arith.cmpi ne, %convert_element_type3A_219, %cond3A_220 : i32
      scf.if %cond3A_221 {
        %add3A_226 = arith.constant 2 : i32
        %add3A_227 = arith.addi %add3A_173, %add3A_226 : i32
        %dma_start3A_228 = arith.constant 0 : i32
        %dma_start3A_229 = arith.constant 0 : i32
        %dma_start3A_230 = tpu.memref_slice %arg20[%dma_start3A_228, %dma_start3A_229] : memref<128x32xf32, #tpu.memory_space<vmem>> -> memref<64x32xf32, #tpu.memory_space<vmem>>
        %dma_start3A_231 = arith.constant 0 : i32
        %dma_start3A_232 = tpu.memref_slice %arg12[%add3A_227, %dma_start3A_231] : memref<104x128xi32, #tpu.memory_space<vmem>> -> memref<1x64xi32, #tpu.memory_space<vmem>>
        %dma_start3A_233 = tpu.memref_squeeze %dma_start3A_232 : memref<1x64xi32, #tpu.memory_space<vmem>> -> memref<64xi32, #tpu.memory_space<vmem>>
        %dma_start3A_234 = arith.constant 0 : i32
        %dma_start3A_235 = arith.constant 0 : i32
        %dma_start3A_236 = tpu.memref_slice %arg2[%dma_start3A_234, %dma_start3A_235] : memref<20000x32xf32, #tpu.memory_space<hbm>> -> memref<20000x32xf32, #tpu.memory_space<hbm>>
        tpu.enqueue_indirect_dma source(%dma_start3A_236 : memref<20000x32xf32, #tpu.memory_space<hbm>>) target(%dma_start3A_230 : memref<64x32xf32, #tpu.memory_space<vmem>>) offsets(%dma_start3A_233 : memref<64xi32, #tpu.memory_space<vmem>>) semaphore(%arg24 : memref<!tpu.dma_semaphore, #tpu.memory_space<semaphore_mem>>)
        %add3A_237 = arith.constant 2 : i32
        %add3A_238 = arith.addi %add3A_173, %add3A_237 : i32
        %dma_start3A_239 = arith.constant 64 : i32
        %dma_start3A_240 = arith.constant 0 : i32
        %dma_start3A_241 = tpu.memref_slice %arg20[%dma_start3A_239, %dma_start3A_240] : memref<128x32xf32, #tpu.memory_space<vmem>> -> memref<64x32xf32, #tpu.memory_space<vmem>>
        %dma_start3A_242 = arith.constant 64 : i32
        %dma_start3A_243 = tpu.memref_slice %arg12[%add3A_238, %dma_start3A_242] : memref<104x128xi32, #tpu.memory_space<vmem>> -> memref<1x64xi32, #tpu.memory_space<vmem>>
        %dma_start3A_244 = tpu.memref_squeeze %dma_start3A_243 : memref<1x64xi32, #tpu.memory_space<vmem>> -> memref<64xi32, #tpu.memory_space<vmem>>
        %dma_start3A_245 = arith.constant 0 : i32
        %dma_start3A_246 = arith.constant 0 : i32
        %dma_start3A_247 = tpu.memref_slice %arg2[%dma_start3A_245, %dma_start3A_246] : memref<20000x32xf32, #tpu.memory_space<hbm>> -> memref<20000x32xf32, #tpu.memory_space<hbm>>
        tpu.enqueue_indirect_dma source(%dma_start3A_247 : memref<20000x32xf32, #tpu.memory_space<hbm>>) target(%dma_start3A_241 : memref<64x32xf32, #tpu.memory_space<vmem>>) offsets(%dma_start3A_244 : memref<64xi32, #tpu.memory_space<vmem>>) semaphore(%arg26 : memref<!tpu.dma_semaphore, #tpu.memory_space<semaphore_mem>>)
      } else {
      }
      %dma_start3A_222 = arith.constant 0 : i32
      %dma_start3A_223 = arith.constant 0 : i32
      %dma_start3A_224 = tpu.memref_slice %arg29[%dma_start3A_222, %dma_start3A_223] : memref<10000x32xf32, #tpu.memory_space<vmem_shared>> -> memref<10000x32xf32, #tpu.memory_space<vmem_shared>>
      tpu.enqueue_indirect_dma source(%arg22 : memref<128x32xf32, #tpu.memory_space<vmem>>) target(%dma_start3A_224 : memref<10000x32xf32, #tpu.memory_space<vmem_shared>>) offsets(%arg18 : memref<128xi32, #tpu.memory_space<vmem>>) semaphore(%arg28 : memref<!tpu.dma_semaphore, #tpu.memory_space<semaphore_mem>>) {add = true}
      %while3A_225 = arith.constant 0 : i32
      scf.yield %while3A_225 : i32
    }
    %while3A_105 = arith.constant 1 : i32
    %while3A_106 = scf.for %while3A_117 = %while3A_102 to %while3A_98 step %while3A_105 iter_args(%while3A_118 = %while3A_104) -> (i32)  : i32 {
      %mul3A_119 = arith.constant 2 : i32
      %mul3A_120 = arith.muli %while3A_117, %mul3A_119 : i32
      %add3A_121 = arith.constant 0 : i32
      %add3A_122 = arith.addi %mul3A_120, %add3A_121 : i32
      %dma_wait3A_123 = arith.constant 0 : i32
      %dma_wait3A_124 = arith.constant 0 : i32
      %dma_wait3A_125 = arith.constant 0 : i32
      %dma_wait3A_126 = tpu.memref_slice %arg19[%dma_wait3A_124, %dma_wait3A_125] : memref<128x32xf32, #tpu.memory_space<vmem>> -> memref<64x32xf32, #tpu.memory_space<vmem>>
      %dma_wait3A_127 = arith.constant 0 : i32
      %dma_wait3A_128 = tpu.memref_slice %arg12[%dma_wait3A_123, %dma_wait3A_127] : memref<104x128xi32, #tpu.memory_space<vmem>> -> memref<1x64xi32, #tpu.memory_space<vmem>>
      %dma_wait3A_129 = tpu.memref_squeeze %dma_wait3A_128 : memref<1x64xi32, #tpu.memory_space<vmem>> -> memref<64xi32, #tpu.memory_space<vmem>>
      %dma_wait3A_130 = arith.constant 0 : i32
      %dma_wait3A_131 = arith.constant 0 : i32
      %dma_wait3A_132 = tpu.memref_slice %arg2[%dma_wait3A_130, %dma_wait3A_131] : memref<20000x32xf32, #tpu.memory_space<hbm>> -> memref<20000x32xf32, #tpu.memory_space<hbm>>
      tpu.wait_indirect_dma semaphore(%arg23 : memref<!tpu.dma_semaphore, #tpu.memory_space<semaphore_mem>>) src(%dma_wait3A_132 : memref<20000x32xf32, #tpu.memory_space<hbm>>) dst(%dma_wait3A_126 : memref<64x32xf32, #tpu.memory_space<vmem>>)
      %dma_wait3A_133 = arith.constant 0 : i32
      %dma_wait3A_134 = arith.constant 64 : i32
      %dma_wait3A_135 = arith.constant 0 : i32
      %dma_wait3A_136 = tpu.memref_slice %arg19[%dma_wait3A_134, %dma_wait3A_135] : memref<128x32xf32, #tpu.memory_space<vmem>> -> memref<64x32xf32, #tpu.memory_space<vmem>>
      %dma_wait3A_137 = arith.constant 64 : i32
      %dma_wait3A_138 = tpu.memref_slice %arg12[%dma_wait3A_133, %dma_wait3A_137] : memref<104x128xi32, #tpu.memory_space<vmem>> -> memref<1x64xi32, #tpu.memory_space<vmem>>
      %dma_wait3A_139 = tpu.memref_squeeze %dma_wait3A_138 : memref<1x64xi32, #tpu.memory_space<vmem>> -> memref<64xi32, #tpu.memory_space<vmem>>
      %dma_wait3A_140 = arith.constant 0 : i32
      %dma_wait3A_141 = arith.constant 0 : i32
      %dma_wait3A_142 = tpu.memref_slice %arg2[%dma_wait3A_140, %dma_wait3A_141] : memref<20000x32xf32, #tpu.memory_space<hbm>> -> memref<20000x32xf32, #tpu.memory_space<hbm>>
      tpu.wait_indirect_dma semaphore(%arg25 : memref<!tpu.dma_semaphore, #tpu.memory_space<semaphore_mem>>) src(%dma_wait3A_142 : memref<20000x32xf32, #tpu.memory_space<hbm>>) dst(%dma_wait3A_136 : memref<64x32xf32, #tpu.memory_space<vmem>>)
      %gt3A = arith.constant 0 : i32
      %gt3A_143 = arith.cmpi sgt, %while3A_117, %gt3A : i32
      %convert_element_type3A_144 = arith.extui %gt3A_143 : i1 to i32
      %cond3A_145 = arith.constant 0 : i32
      %cond3A_146 = arith.cmpi ne, %convert_element_type3A_144, %cond3A_145 : i32
      scf.if %cond3A_146 {
        %dma_wait3A_226 = arith.constant 0 : i32
        %dma_wait3A_227 = arith.constant 0 : i32
        %dma_wait3A_228 = tpu.memref_slice %arg29[%dma_wait3A_226, %dma_wait3A_227] : memref<10000x32xf32, #tpu.memory_space<vmem_shared>> -> memref<10000x32xf32, #tpu.memory_space<vmem_shared>>
        tpu.wait_indirect_dma semaphore(%arg27 : memref<!tpu.dma_semaphore, #tpu.memory_space<semaphore_mem>>) src(%arg21 : memref<128x32xf32, #tpu.memory_space<vmem>>) dst(%dma_wait3A_228 : memref<10000x32xf32, #tpu.memory_space<vmem_shared>>)
      } else {
      }
      %scan3A_147 = arith.constant 0 : i32
      %scan3A_148 = arith.constant 0 : i32
      %scan3A_149 = arith.constant 8 : i32
      %scan3A_150 = arith.addi %scan3A_148, %scan3A_149 : i32
      %scan3A_151 = arith.constant 1 : i32
      %scan3A_152 = scf.for %scan3A_226 = %scan3A_148 to %scan3A_150 step %scan3A_151 iter_args(%scan3A_227 = %scan3A_147) -> (i32)  : i32 {
        %mul3A_228 = arith.constant 16 : i32
        %mul3A_229 = arith.muli %scan3A_226, %mul3A_228 : i32
        %get3A = arith.index_cast %add3A_122 : i32 to index
        %get3A_230 = arith.index_cast %mul3A_229 : i32 to index
        %get3A_231 = tpu.vector_load %arg14[%get3A, %get3A_230] {strides = array<i32>} : memref<104x128xi32, #tpu.memory_space<vmem>>, vector<16xi32>,
        %mul3A_232 = arith.constant 16 : i32
        %mul3A_233 = arith.muli %scan3A_226, %mul3A_232 : i32
        %swap3A_234 = arith.index_cast %mul3A_233 : i32 to index
        %swap3A_235 = tpu.vector_load %arg17[%swap3A_234] {strides = array<i32>} : memref<128xi32, #tpu.memory_space<vmem>>, vector<16xi32>,
        tpu.vector_store %arg17[%swap3A_234], %get3A_231 {strides = array<i32>} : memref<128xi32, #tpu.memory_space<vmem>>, vector<16xi32>,
        %scan3A_236 = arith.constant 0 : i32
        scf.yield %scan3A_236 : i32
      }
      %scan3A_153 = arith.constant 8 : i32
      %scan3A_154 = arith.constant 0 : i32
      %scan3A_155 = arith.constant 0 : i32
      %scan3A_156 = arith.constant 8 : i32
      %scan3A_157 = arith.addi %scan3A_155, %scan3A_156 : i32
      %scan3A_158 = arith.constant 1 : i32
      %scan3A_159 = scf.for %scan3A_226 = %scan3A_155 to %scan3A_157 step %scan3A_158 iter_args(%scan3A_227 = %scan3A_154) -> (i32)  : i32 {
        %mul3A_228 = arith.constant 16 : i32
        %mul3A_229 = arith.muli %scan3A_226, %mul3A_228 : i32
        %get3A = arith.index_cast %add3A_122 : i32 to index
        %get3A_230 = arith.index_cast %mul3A_229 : i32 to index
        %get3A_231 = tpu.vector_load %arg13[%get3A, %get3A_230] {strides = array<i32>} : memref<104x128xi32, #tpu.memory_space<vmem>>, vector<16xi32>,
        %mul3A_232 = arith.constant 16 : i32
        %mul3A_233 = arith.muli %scan3A_226, %mul3A_232 : i32
        %get3A_234 = arith.index_cast %add3A_122 : i32 to index
        %get3A_235 = arith.index_cast %mul3A_233 : i32 to index
        %get3A_236 = tpu.vector_load %arg12[%get3A_234, %get3A_235] {strides = array<i32>} : memref<104x128xi32, #tpu.memory_space<vmem>>, vector<16xi32>,
        %mul3A_237 = arith.constant 16 : i32
        %mul3A_238 = arith.muli %scan3A_226, %mul3A_237 : i32
        %get3A_239 = arith.index_cast %mul3A_238 : i32 to index
        %get3A_240 = tpu.vector_load %arg17[%get3A_239] {strides = array<i32>} : memref<128xi32, #tpu.memory_space<vmem>>, vector<16xi32>,
        %gather3A = tpu.vector_load_idx %arg10[%get3A_231] : memref<20008xf32, #tpu.memory_space<vmem>>[vector<16xi32>], vector<16xf32>,
        %gather3A_241 = tpu.vector_load_idx %arg11[%get3A_236] : memref<20008xf32, #tpu.memory_space<vmem>>[vector<16xi32>], vector<16xf32>,
        %add3A_242 = arith.addf %gather3A, %gather3A_241 : vector<16xf32>
        %mul3A_243 = arith.constant 2.000000e-01 : f32
        %mul3A_244 = vector.broadcast %mul3A_243 : f32 to vector<16xf32>
        %mul3A_245 = arith.mulf %mul3A_244, %add3A_242 : vector<16xf32>
        %max3A = arith.maximumf %add3A_242, %mul3A_245 : vector<16xf32>
        %exp3A = math.exp %max3A : vector<16xf32>
        %mul3A_246 = arith.constant 16 : i32
        %mul3A_247 = arith.muli %scan3A_226, %mul3A_246 : i32
        %swap3A_248 = arith.index_cast %mul3A_247 : i32 to index
        %swap3A_249 = tpu.vector_load %arg15[%swap3A_248] {strides = array<i32>} : memref<144xf32, #tpu.memory_space<vmem>>, vector<16xf32>,
        tpu.vector_store %arg15[%swap3A_248], %exp3A {strides = array<i32>} : memref<144xf32, #tpu.memory_space<vmem>>, vector<16xf32>,
        tpu.vector_store_idx %arg16[%get3A_240], %exp3A {add = true} : memref<10000xf32, #tpu.memory_space<vmem>>[vector<16xi32>], vector<16xf32>,
        %scan3A_250 = arith.constant 0 : i32
        scf.yield %scan3A_250 : i32
      }
      %scan3A_160 = arith.constant 8 : i32
      %parallel_loop3A = arith.constant 0 : i32
      %parallel_loop3A_161 = arith.constant 128 : i32
      %parallel_loop3A_162 = arith.constant 1 : i32
      scf.for %parallel_loop3A_226 = %parallel_loop3A to %parallel_loop3A_161 step %parallel_loop3A_162  : i32 {
        %parallel_loop3A_227 = arith.index_cast %parallel_loop3A_226 : i32 to index
        %parallel_loop3A_228 = tpu.vector_load %arg15[%parallel_loop3A_227] {strides = array<i32>} : memref<144xf32, #tpu.memory_space<vmem>>, vector<16xf32>,
        %parallel_loop3A_229 = vector.extract_strided_slice %parallel_loop3A_228 {offsets = [0], sizes = [1], strides = [1]} : vector<16xf32> to vector<1xf32>
        %parallel_loop3A_230 = vector.extract %parallel_loop3A_229[0] : f32 from vector<1xf32>
        %parallel_loop3A_231 = arith.index_cast %parallel_loop3A_226 : i32 to index
        %parallel_loop3A_232 = arith.constant 0 : index
        %parallel_loop3A_233 = tpu.vector_load %arg19[%parallel_loop3A_231, %parallel_loop3A_232] {strides = array<i32>} : memref<128x32xf32, #tpu.memory_space<vmem>>, vector<16xf32>,
        %parallel_loop3A_234 = vector.broadcast %parallel_loop3A_230 : f32 to vector<16xf32>
        %parallel_loop3A_235 = arith.mulf %parallel_loop3A_233, %parallel_loop3A_234 : vector<16xf32>
        %parallel_loop3A_236 = arith.index_cast %parallel_loop3A_226 : i32 to index
        %parallel_loop3A_237 = arith.constant 0 : index
        %parallel_loop3A_238 = tpu.vector_load %arg21[%parallel_loop3A_236, %parallel_loop3A_237] {strides = array<i32>} : memref<128x32xf32, #tpu.memory_space<vmem>>, vector<16xf32>,
        tpu.vector_store %arg21[%parallel_loop3A_236, %parallel_loop3A_237], %parallel_loop3A_235 {strides = array<i32>} : memref<128x32xf32, #tpu.memory_space<vmem>>, vector<16xf32>,
        %parallel_loop3A_239 = arith.index_cast %parallel_loop3A_226 : i32 to index
        %parallel_loop3A_240 = arith.constant 16 : index
        %parallel_loop3A_241 = tpu.vector_load %arg19[%parallel_loop3A_239, %parallel_loop3A_240] {strides = array<i32>} : memref<128x32xf32, #tpu.memory_space<vmem>>, vector<16xf32>,
        %parallel_loop3A_242 = vector.broadcast %parallel_loop3A_230 : f32 to vector<16xf32>
        %parallel_loop3A_243 = arith.mulf %parallel_loop3A_241, %parallel_loop3A_242 : vector<16xf32>
        %parallel_loop3A_244 = arith.index_cast %parallel_loop3A_226 : i32 to index
        %parallel_loop3A_245 = arith.constant 16 : index
        %parallel_loop3A_246 = tpu.vector_load %arg21[%parallel_loop3A_244, %parallel_loop3A_245] {strides = array<i32>} : memref<128x32xf32, #tpu.memory_space<vmem>>, vector<16xf32>,
        tpu.vector_store %arg21[%parallel_loop3A_244, %parallel_loop3A_245], %parallel_loop3A_243 {strides = array<i32>} : memref<128x32xf32, #tpu.memory_space<vmem>>, vector<16xf32>,
      } {sc.loop_unroll_factor = 8 : i64, sc.parallel_access}
      %sub3A = arith.constant 1 : i32
      %sub3A_163 = arith.subi %select_n3A_95, %sub3A : i32
      %lt3A = arith.cmpi slt, %while3A_117, %sub3A_163 : i32
      %convert_element_type3A_164 = arith.extui %lt3A : i1 to i32
      %cond3A_165 = arith.constant 0 : i32
      %cond3A_166 = arith.cmpi ne, %convert_element_type3A_164, %cond3A_165 : i32
      scf.if %cond3A_166 {
        %add3A_226 = arith.constant 2 : i32
        %add3A_227 = arith.addi %add3A_122, %add3A_226 : i32
        %dma_start3A_228 = arith.constant 0 : i32
        %dma_start3A_229 = arith.constant 0 : i32
        %dma_start3A_230 = tpu.memref_slice %arg19[%dma_start3A_228, %dma_start3A_229] : memref<128x32xf32, #tpu.memory_space<vmem>> -> memref<64x32xf32, #tpu.memory_space<vmem>>
        %dma_start3A_231 = arith.constant 0 : i32
        %dma_start3A_232 = tpu.memref_slice %arg12[%add3A_227, %dma_start3A_231] : memref<104x128xi32, #tpu.memory_space<vmem>> -> memref<1x64xi32, #tpu.memory_space<vmem>>
        %dma_start3A_233 = tpu.memref_squeeze %dma_start3A_232 : memref<1x64xi32, #tpu.memory_space<vmem>> -> memref<64xi32, #tpu.memory_space<vmem>>
        %dma_start3A_234 = arith.constant 0 : i32
        %dma_start3A_235 = arith.constant 0 : i32
        %dma_start3A_236 = tpu.memref_slice %arg2[%dma_start3A_234, %dma_start3A_235] : memref<20000x32xf32, #tpu.memory_space<hbm>> -> memref<20000x32xf32, #tpu.memory_space<hbm>>
        tpu.enqueue_indirect_dma source(%dma_start3A_236 : memref<20000x32xf32, #tpu.memory_space<hbm>>) target(%dma_start3A_230 : memref<64x32xf32, #tpu.memory_space<vmem>>) offsets(%dma_start3A_233 : memref<64xi32, #tpu.memory_space<vmem>>) semaphore(%arg23 : memref<!tpu.dma_semaphore, #tpu.memory_space<semaphore_mem>>)
        %add3A_237 = arith.constant 2 : i32
        %add3A_238 = arith.addi %add3A_122, %add3A_237 : i32
        %dma_start3A_239 = arith.constant 64 : i32
        %dma_start3A_240 = arith.constant 0 : i32
        %dma_start3A_241 = tpu.memref_slice %arg19[%dma_start3A_239, %dma_start3A_240] : memref<128x32xf32, #tpu.memory_space<vmem>> -> memref<64x32xf32, #tpu.memory_space<vmem>>
        %dma_start3A_242 = arith.constant 64 : i32
        %dma_start3A_243 = tpu.memref_slice %arg12[%add3A_238, %dma_start3A_242] : memref<104x128xi32, #tpu.memory_space<vmem>> -> memref<1x64xi32, #tpu.memory_space<vmem>>
        %dma_start3A_244 = tpu.memref_squeeze %dma_start3A_243 : memref<1x64xi32, #tpu.memory_space<vmem>> -> memref<64xi32, #tpu.memory_space<vmem>>
        %dma_start3A_245 = arith.constant 0 : i32
        %dma_start3A_246 = arith.constant 0 : i32
        %dma_start3A_247 = tpu.memref_slice %arg2[%dma_start3A_245, %dma_start3A_246] : memref<20000x32xf32, #tpu.memory_space<hbm>> -> memref<20000x32xf32, #tpu.memory_space<hbm>>
        tpu.enqueue_indirect_dma source(%dma_start3A_247 : memref<20000x32xf32, #tpu.memory_space<hbm>>) target(%dma_start3A_241 : memref<64x32xf32, #tpu.memory_space<vmem>>) offsets(%dma_start3A_244 : memref<64xi32, #tpu.memory_space<vmem>>) semaphore(%arg25 : memref<!tpu.dma_semaphore, #tpu.memory_space<semaphore_mem>>)
      } else {
      }
      %dma_start3A_167 = arith.constant 0 : i32
      %dma_start3A_168 = arith.constant 0 : i32
      %dma_start3A_169 = tpu.memref_slice %arg29[%dma_start3A_167, %dma_start3A_168] : memref<10000x32xf32, #tpu.memory_space<vmem_shared>> -> memref<10000x32xf32, #tpu.memory_space<vmem_shared>>
      tpu.enqueue_indirect_dma source(%arg21 : memref<128x32xf32, #tpu.memory_space<vmem>>) target(%dma_start3A_169 : memref<10000x32xf32, #tpu.memory_space<vmem_shared>>) offsets(%arg17 : memref<128xi32, #tpu.memory_space<vmem>>) semaphore(%arg27 : memref<!tpu.dma_semaphore, #tpu.memory_space<semaphore_mem>>) {add = true}
      %mul3A_170 = arith.constant 2 : i32
      %mul3A_171 = arith.muli %while3A_117, %mul3A_170 : i32
      %add3A_172 = arith.constant 1 : i32
      %add3A_173 = arith.addi %mul3A_171, %add3A_172 : i32
      %dma_wait3A_174 = arith.constant 1 : i32
      %dma_wait3A_175 = arith.constant 0 : i32
      %dma_wait3A_176 = arith.constant 0 : i32
      %dma_wait3A_177 = tpu.memref_slice %arg20[%dma_wait3A_175, %dma_wait3A_176] : memref<128x32xf32, #tpu.memory_space<vmem>> -> memref<64x32xf32, #tpu.memory_space<vmem>>
      %dma_wait3A_178 = arith.constant 0 : i32
      %dma_wait3A_179 = tpu.memref_slice %arg12[%dma_wait3A_174, %dma_wait3A_178] : memref<104x128xi32, #tpu.memory_space<vmem>> -> memref<1x64xi32, #tpu.memory_space<vmem>>
      %dma_wait3A_180 = tpu.memref_squeeze %dma_wait3A_179 : memref<1x64xi32, #tpu.memory_space<vmem>> -> memref<64xi32, #tpu.memory_space<vmem>>
      %dma_wait3A_181 = arith.constant 0 : i32
      %dma_wait3A_182 = arith.constant 0 : i32
      %dma_wait3A_183 = tpu.memref_slice %arg2[%dma_wait3A_181, %dma_wait3A_182] : memref<20000x32xf32, #tpu.memory_space<hbm>> -> memref<20000x32xf32, #tpu.memory_space<hbm>>
      tpu.wait_indirect_dma semaphore(%arg24 : memref<!tpu.dma_semaphore, #tpu.memory_space<semaphore_mem>>) src(%dma_wait3A_183 : memref<20000x32xf32, #tpu.memory_space<hbm>>) dst(%dma_wait3A_177 : memref<64x32xf32, #tpu.memory_space<vmem>>)
      %dma_wait3A_184 = arith.constant 1 : i32
      %dma_wait3A_185 = arith.constant 64 : i32
      %dma_wait3A_186 = arith.constant 0 : i32
      %dma_wait3A_187 = tpu.memref_slice %arg20[%dma_wait3A_185, %dma_wait3A_186] : memref<128x32xf32, #tpu.memory_space<vmem>> -> memref<64x32xf32, #tpu.memory_space<vmem>>
      %dma_wait3A_188 = arith.constant 64 : i32
      %dma_wait3A_189 = tpu.memref_slice %arg12[%dma_wait3A_184, %dma_wait3A_188] : memref<104x128xi32, #tpu.memory_space<vmem>> -> memref<1x64xi32, #tpu.memory_space<vmem>>
      %dma_wait3A_190 = tpu.memref_squeeze %dma_wait3A_189 : memref<1x64xi32, #tpu.memory_space<vmem>> -> memref<64xi32, #tpu.memory_space<vmem>>
      %dma_wait3A_191 = arith.constant 0 : i32
      %dma_wait3A_192 = arith.constant 0 : i32
      %dma_wait3A_193 = tpu.memref_slice %arg2[%dma_wait3A_191, %dma_wait3A_192] : memref<20000x32xf32, #tpu.memory_space<hbm>> -> memref<20000x32xf32, #tpu.memory_space<hbm>>
      tpu.wait_indirect_dma semaphore(%arg26 : memref<!tpu.dma_semaphore, #tpu.memory_space<semaphore_mem>>) src(%dma_wait3A_193 : memref<20000x32xf32, #tpu.memory_space<hbm>>) dst(%dma_wait3A_187 : memref<64x32xf32, #tpu.memory_space<vmem>>)
      %gt3A_194 = arith.constant 0 : i32
      %gt3A_195 = arith.cmpi sgt, %while3A_117, %gt3A_194 : i32
      %convert_element_type3A_196 = arith.extui %gt3A_195 : i1 to i32
      %cond3A_197 = arith.constant 0 : i32
      %cond3A_198 = arith.cmpi ne, %convert_element_type3A_196, %cond3A_197 : i32
      scf.if %cond3A_198 {
        %dma_wait3A_226 = arith.constant 0 : i32
        %dma_wait3A_227 = arith.constant 0 : i32
        %dma_wait3A_228 = tpu.memref_slice %arg29[%dma_wait3A_226, %dma_wait3A_227] : memref<10000x32xf32, #tpu.memory_space<vmem_shared>> -> memref<10000x32xf32, #tpu.memory_space<vmem_shared>>
        tpu.wait_indirect_dma semaphore(%arg28 : memref<!tpu.dma_semaphore, #tpu.memory_space<semaphore_mem>>) src(%arg22 : memref<128x32xf32, #tpu.memory_space<vmem>>) dst(%dma_wait3A_228 : memref<10000x32xf32, #tpu.memory_space<vmem_shared>>)
      } else {
      }
      %scan3A_199 = arith.constant 0 : i32
      %scan3A_200 = arith.constant 0 : i32
      %scan3A_201 = arith.constant 8 : i32
      %scan3A_202 = arith.addi %scan3A_200, %scan3A_201 : i32
      %scan3A_203 = arith.constant 1 : i32
      %scan3A_204 = scf.for %scan3A_226 = %scan3A_200 to %scan3A_202 step %scan3A_203 iter_args(%scan3A_227 = %scan3A_199) -> (i32)  : i32 {
        %mul3A_228 = arith.constant 16 : i32
        %mul3A_229 = arith.muli %scan3A_226, %mul3A_228 : i32
        %get3A = arith.index_cast %add3A_173 : i32 to index
        %get3A_230 = arith.index_cast %mul3A_229 : i32 to index
        %get3A_231 = tpu.vector_load %arg14[%get3A, %get3A_230] {strides = array<i32>} : memref<104x128xi32, #tpu.memory_space<vmem>>, vector<16xi32>,
        %mul3A_232 = arith.constant 16 : i32
        %mul3A_233 = arith.muli %scan3A_226, %mul3A_232 : i32
        %swap3A_234 = arith.index_cast %mul3A_233 : i32 to index
        %swap3A_235 = tpu.vector_load %arg18[%swap3A_234] {strides = array<i32>} : memref<128xi32, #tpu.memory_space<vmem>>, vector<16xi32>,
        tpu.vector_store %arg18[%swap3A_234], %get3A_231 {strides = array<i32>} : memref<128xi32, #tpu.memory_space<vmem>>, vector<16xi32>,
        %scan3A_236 = arith.constant 0 : i32
        scf.yield %scan3A_236 : i32
      }
      %scan3A_205 = arith.constant 8 : i32
      %scan3A_206 = arith.constant 0 : i32
      %scan3A_207 = arith.constant 0 : i32
      %scan3A_208 = arith.constant 8 : i32
      %scan3A_209 = arith.addi %scan3A_207, %scan3A_208 : i32
      %scan3A_210 = arith.constant 1 : i32
      %scan3A_211 = scf.for %scan3A_226 = %scan3A_207 to %scan3A_209 step %scan3A_210 iter_args(%scan3A_227 = %scan3A_206) -> (i32)  : i32 {
        %mul3A_228 = arith.constant 16 : i32
        %mul3A_229 = arith.muli %scan3A_226, %mul3A_228 : i32
        %get3A = arith.index_cast %add3A_173 : i32 to index
        %get3A_230 = arith.index_cast %mul3A_229 : i32 to index
        %get3A_231 = tpu.vector_load %arg13[%get3A, %get3A_230] {strides = array<i32>} : memref<104x128xi32, #tpu.memory_space<vmem>>, vector<16xi32>,
        %mul3A_232 = arith.constant 16 : i32
        %mul3A_233 = arith.muli %scan3A_226, %mul3A_232 : i32
        %get3A_234 = arith.index_cast %add3A_173 : i32 to index
        %get3A_235 = arith.index_cast %mul3A_233 : i32 to index
        %get3A_236 = tpu.vector_load %arg12[%get3A_234, %get3A_235] {strides = array<i32>} : memref<104x128xi32, #tpu.memory_space<vmem>>, vector<16xi32>,
        %mul3A_237 = arith.constant 16 : i32
        %mul3A_238 = arith.muli %scan3A_226, %mul3A_237 : i32
        %get3A_239 = arith.index_cast %mul3A_238 : i32 to index
        %get3A_240 = tpu.vector_load %arg18[%get3A_239] {strides = array<i32>} : memref<128xi32, #tpu.memory_space<vmem>>, vector<16xi32>,
        %gather3A = tpu.vector_load_idx %arg10[%get3A_231] : memref<20008xf32, #tpu.memory_space<vmem>>[vector<16xi32>], vector<16xf32>,
        %gather3A_241 = tpu.vector_load_idx %arg11[%get3A_236] : memref<20008xf32, #tpu.memory_space<vmem>>[vector<16xi32>], vector<16xf32>,
        %add3A_242 = arith.addf %gather3A, %gather3A_241 : vector<16xf32>
        %mul3A_243 = arith.constant 2.000000e-01 : f32
        %mul3A_244 = vector.broadcast %mul3A_243 : f32 to vector<16xf32>
        %mul3A_245 = arith.mulf %mul3A_244, %add3A_242 : vector<16xf32>
        %max3A = arith.maximumf %add3A_242, %mul3A_245 : vector<16xf32>
        %exp3A = math.exp %max3A : vector<16xf32>
        %mul3A_246 = arith.constant 16 : i32
        %mul3A_247 = arith.muli %scan3A_226, %mul3A_246 : i32
        %swap3A_248 = arith.index_cast %mul3A_247 : i32 to index
        %swap3A_249 = tpu.vector_load %arg15[%swap3A_248] {strides = array<i32>} : memref<144xf32, #tpu.memory_space<vmem>>, vector<16xf32>,
        tpu.vector_store %arg15[%swap3A_248], %exp3A {strides = array<i32>} : memref<144xf32, #tpu.memory_space<vmem>>, vector<16xf32>,
        tpu.vector_store_idx %arg16[%get3A_240], %exp3A {add = true} : memref<10000xf32, #tpu.memory_space<vmem>>[vector<16xi32>], vector<16xf32>,
        %scan3A_250 = arith.constant 0 : i32
        scf.yield %scan3A_250 : i32
      }
      %scan3A_212 = arith.constant 8 : i32
      %parallel_loop3A_213 = arith.constant 0 : i32
      %parallel_loop3A_214 = arith.constant 128 : i32
      %parallel_loop3A_215 = arith.constant 1 : i32
      scf.for %parallel_loop3A_226 = %parallel_loop3A_213 to %parallel_loop3A_214 step %parallel_loop3A_215  : i32 {
        %parallel_loop3A_227 = arith.index_cast %parallel_loop3A_226 : i32 to index
        %parallel_loop3A_228 = tpu.vector_load %arg15[%parallel_loop3A_227] {strides = array<i32>} : memref<144xf32, #tpu.memory_space<vmem>>, vector<16xf32>,
        %parallel_loop3A_229 = vector.extract_strided_slice %parallel_loop3A_228 {offsets = [0], sizes = [1], strides = [1]} : vector<16xf32> to vector<1xf32>
        %parallel_loop3A_230 = vector.extract %parallel_loop3A_229[0] : f32 from vector<1xf32>
        %parallel_loop3A_231 = arith.index_cast %parallel_loop3A_226 : i32 to index
        %parallel_loop3A_232 = arith.constant 0 : index
        %parallel_loop3A_233 = tpu.vector_load %arg20[%parallel_loop3A_231, %parallel_loop3A_232] {strides = array<i32>} : memref<128x32xf32, #tpu.memory_space<vmem>>, vector<16xf32>,
        %parallel_loop3A_234 = vector.broadcast %parallel_loop3A_230 : f32 to vector<16xf32>
        %parallel_loop3A_235 = arith.mulf %parallel_loop3A_233, %parallel_loop3A_234 : vector<16xf32>
        %parallel_loop3A_236 = arith.index_cast %parallel_loop3A_226 : i32 to index
        %parallel_loop3A_237 = arith.constant 0 : index
        %parallel_loop3A_238 = tpu.vector_load %arg22[%parallel_loop3A_236, %parallel_loop3A_237] {strides = array<i32>} : memref<128x32xf32, #tpu.memory_space<vmem>>, vector<16xf32>,
        tpu.vector_store %arg22[%parallel_loop3A_236, %parallel_loop3A_237], %parallel_loop3A_235 {strides = array<i32>} : memref<128x32xf32, #tpu.memory_space<vmem>>, vector<16xf32>,
        %parallel_loop3A_239 = arith.index_cast %parallel_loop3A_226 : i32 to index
        %parallel_loop3A_240 = arith.constant 16 : index
        %parallel_loop3A_241 = tpu.vector_load %arg20[%parallel_loop3A_239, %parallel_loop3A_240] {strides = array<i32>} : memref<128x32xf32, #tpu.memory_space<vmem>>, vector<16xf32>,
        %parallel_loop3A_242 = vector.broadcast %parallel_loop3A_230 : f32 to vector<16xf32>
        %parallel_loop3A_243 = arith.mulf %parallel_loop3A_241, %parallel_loop3A_242 : vector<16xf32>
        %parallel_loop3A_244 = arith.index_cast %parallel_loop3A_226 : i32 to index
        %parallel_loop3A_245 = arith.constant 16 : index
        %parallel_loop3A_246 = tpu.vector_load %arg22[%parallel_loop3A_244, %parallel_loop3A_245] {strides = array<i32>} : memref<128x32xf32, #tpu.memory_space<vmem>>, vector<16xf32>,
        tpu.vector_store %arg22[%parallel_loop3A_244, %parallel_loop3A_245], %parallel_loop3A_243 {strides = array<i32>} : memref<128x32xf32, #tpu.memory_space<vmem>>, vector<16xf32>,
      } {sc.loop_unroll_factor = 8 : i64, sc.parallel_access}
      %sub3A_216 = arith.constant 1 : i32
      %sub3A_217 = arith.subi %select_n3A_95, %sub3A_216 : i32
      %lt3A_218 = arith.cmpi slt, %while3A_117, %sub3A_217 : i32
      %convert_element_type3A_219 = arith.extui %lt3A_218 : i1 to i32
      %cond3A_220 = arith.constant 0 : i32
      %cond3A_221 = arith.cmpi ne, %convert_element_type3A_219, %cond3A_220 : i32
      scf.if %cond3A_221 {
        %add3A_226 = arith.constant 2 : i32
        %add3A_227 = arith.addi %add3A_173, %add3A_226 : i32
        %dma_start3A_228 = arith.constant 0 : i32
        %dma_start3A_229 = arith.constant 0 : i32
        %dma_start3A_230 = tpu.memref_slice %arg20[%dma_start3A_228, %dma_start3A_229] : memref<128x32xf32, #tpu.memory_space<vmem>> -> memref<64x32xf32, #tpu.memory_space<vmem>>
        %dma_start3A_231 = arith.constant 0 : i32
        %dma_start3A_232 = tpu.memref_slice %arg12[%add3A_227, %dma_start3A_231] : memref<104x128xi32, #tpu.memory_space<vmem>> -> memref<1x64xi32, #tpu.memory_space<vmem>>
        %dma_start3A_233 = tpu.memref_squeeze %dma_start3A_232 : memref<1x64xi32, #tpu.memory_space<vmem>> -> memref<64xi32, #tpu.memory_space<vmem>>
        %dma_start3A_234 = arith.constant 0 : i32
        %dma_start3A_235 = arith.constant 0 : i32
        %dma_start3A_236 = tpu.memref_slice %arg2[%dma_start3A_234, %dma_start3A_235] : memref<20000x32xf32, #tpu.memory_space<hbm>> -> memref<20000x32xf32, #tpu.memory_space<hbm>>
        tpu.enqueue_indirect_dma source(%dma_start3A_236 : memref<20000x32xf32, #tpu.memory_space<hbm>>) target(%dma_start3A_230 : memref<64x32xf32, #tpu.memory_space<vmem>>) offsets(%dma_start3A_233 : memref<64xi32, #tpu.memory_space<vmem>>) semaphore(%arg24 : memref<!tpu.dma_semaphore, #tpu.memory_space<semaphore_mem>>)
        %add3A_237 = arith.constant 2 : i32
        %add3A_238 = arith.addi %add3A_173, %add3A_237 : i32
        %dma_start3A_239 = arith.constant 64 : i32
        %dma_start3A_240 = arith.constant 0 : i32
        %dma_start3A_241 = tpu.memref_slice %arg20[%dma_start3A_239, %dma_start3A_240] : memref<128x32xf32, #tpu.memory_space<vmem>> -> memref<64x32xf32, #tpu.memory_space<vmem>>
        %dma_start3A_242 = arith.constant 64 : i32
        %dma_start3A_243 = tpu.memref_slice %arg12[%add3A_238, %dma_start3A_242] : memref<104x128xi32, #tpu.memory_space<vmem>> -> memref<1x64xi32, #tpu.memory_space<vmem>>
        %dma_start3A_244 = tpu.memref_squeeze %dma_start3A_243 : memref<1x64xi32, #tpu.memory_space<vmem>> -> memref<64xi32, #tpu.memory_space<vmem>>
        %dma_start3A_245 = arith.constant 0 : i32
        %dma_start3A_246 = arith.constant 0 : i32
        %dma_start3A_247 = tpu.memref_slice %arg2[%dma_start3A_245, %dma_start3A_246] : memref<20000x32xf32, #tpu.memory_space<hbm>> -> memref<20000x32xf32, #tpu.memory_space<hbm>>
        tpu.enqueue_indirect_dma source(%dma_start3A_247 : memref<20000x32xf32, #tpu.memory_space<hbm>>) target(%dma_start3A_241 : memref<64x32xf32, #tpu.memory_space<vmem>>) offsets(%dma_start3A_244 : memref<64xi32, #tpu.memory_space<vmem>>) semaphore(%arg26 : memref<!tpu.dma_semaphore, #tpu.memory_space<semaphore_mem>>)
      } else {
      }
      %dma_start3A_222 = arith.constant 0 : i32
      %dma_start3A_223 = arith.constant 0 : i32
      %dma_start3A_224 = tpu.memref_slice %arg29[%dma_start3A_222, %dma_start3A_223] : memref<10000x32xf32, #tpu.memory_space<vmem_shared>> -> memref<10000x32xf32, #tpu.memory_space<vmem_shared>>
      tpu.enqueue_indirect_dma source(%arg22 : memref<128x32xf32, #tpu.memory_space<vmem>>) target(%dma_start3A_224 : memref<10000x32xf32, #tpu.memory_space<vmem_shared>>) offsets(%arg18 : memref<128xi32, #tpu.memory_space<vmem>>) semaphore(%arg28 : memref<!tpu.dma_semaphore, #tpu.memory_space<semaphore_mem>>) {add = true}
      %while3A_225 = arith.constant 0 : i32
      scf.yield %while3A_225 : i32
    }
    %dma_wait3A_107 = arith.constant 0 : i32
    %dma_wait3A_108 = arith.constant 0 : i32
    %dma_wait3A_109 = tpu.memref_slice %arg29[%dma_wait3A_107, %dma_wait3A_108] : memref<10000x32xf32, #tpu.memory_space<vmem_shared>> -> memref<10000x32xf32, #tpu.memory_space<vmem_shared>>
    tpu.wait_indirect_dma semaphore(%arg27 : memref<!tpu.dma_semaphore, #tpu.memory_space<semaphore_mem>>) src(%arg21 : memref<128x32xf32, #tpu.memory_space<vmem>>) dst(%dma_wait3A_109 : memref<10000x32xf32, #tpu.memory_space<vmem_shared>>)
    %dma_wait3A_110 = arith.constant 0 : i32
    %dma_wait3A_111 = arith.constant 0 : i32
    %dma_wait3A_112 = tpu.memref_slice %arg29[%dma_wait3A_110, %dma_wait3A_111] : memref<10000x32xf32, #tpu.memory_space<vmem_shared>> -> memref<10000x32xf32, #tpu.memory_space<vmem_shared>>
    tpu.wait_indirect_dma semaphore(%arg28 : memref<!tpu.dma_semaphore, #tpu.memory_space<semaphore_mem>>) src(%arg22 : memref<128x32xf32, #tpu.memory_space<vmem>>) dst(%dma_wait3A_112 : memref<10000x32xf32, #tpu.memory_space<vmem_shared>>)
    "tpu.region"() ({
      %run_scoped3A = tpu.sem_alloc : memref<!tpu.dma_semaphore, #tpu.memory_space<semaphore_mem>>
      %dma_start3A_117 = arith.constant 0 : i32
      %dma_start3A_118 = tpu.memref_slice %arg9[%add3A, %dma_start3A_117] : memref<32x10000xf32, #tpu.memory_space<hbm>> -> memref<1x10000xf32, #tpu.memory_space<hbm>>
      %dma_start3A_119 = tpu.memref_squeeze %dma_start3A_118 : memref<1x10000xf32, #tpu.memory_space<hbm>> -> memref<10000xf32, #tpu.memory_space<hbm>>
      %dma_start3A_120 = arith.constant 0 : i32
      %dma_start3A_121 = tpu.memref_slice %arg9[%add3A, %dma_start3A_120] : memref<32x10000xf32, #tpu.memory_space<hbm>> -> memref<1x10000xf32, #tpu.memory_space<hbm>>
      %dma_start3A_122 = tpu.memref_squeeze %dma_start3A_121 : memref<1x10000xf32, #tpu.memory_space<hbm>> -> memref<10000xf32, #tpu.memory_space<hbm>>
      tpu.enqueue_dma source(%arg16 : memref<10000xf32, #tpu.memory_space<vmem>>) target(%dma_start3A_122 : memref<10000xf32, #tpu.memory_space<hbm>>) target_semaphore(%run_scoped3A : memref<!tpu.dma_semaphore, #tpu.memory_space<semaphore_mem>>)
      %dma_wait3A_123 = arith.constant 0 : i32
      %dma_wait3A_124 = tpu.memref_slice %arg9[%add3A, %dma_wait3A_123] : memref<32x10000xf32, #tpu.memory_space<hbm>> -> memref<1x10000xf32, #tpu.memory_space<hbm>>
      %dma_wait3A_125 = tpu.memref_squeeze %dma_wait3A_124 : memref<1x10000xf32, #tpu.memory_space<hbm>> -> memref<10000xf32, #tpu.memory_space<hbm>>
      %dma_wait3A_126 = arith.constant 0 : i32
      %dma_wait3A_127 = tpu.memref_slice %arg9[%add3A, %dma_wait3A_126] : memref<32x10000xf32, #tpu.memory_space<hbm>> -> memref<1x10000xf32, #tpu.memory_space<hbm>>
      %dma_wait3A_128 = tpu.memref_squeeze %dma_wait3A_127 : memref<1x10000xf32, #tpu.memory_space<hbm>> -> memref<10000xf32, #tpu.memory_space<hbm>>
      tpu.wait_dma2 semaphore(%run_scoped3A : memref<!tpu.dma_semaphore, #tpu.memory_space<semaphore_mem>>) src(%arg16 : memref<10000xf32, #tpu.memory_space<vmem>>) dst(%dma_wait3A_128 : memref<10000xf32, #tpu.memory_space<hbm>>)
      tpu.yield
    }) : () -> ()
    %barrier3A_113 = arith.constant 0 : index
    tpu.barrier barrier_id(%barrier3A_113)
    %eq3A_114 = arith.constant 0 : i32
    %eq3A_115 = arith.cmpi eq, %arg1, %eq3A_114 : i32
    %convert_element_type3A = arith.extui %eq3A_115 : i1 to i32
    %cond3A = arith.constant 0 : i32
    %cond3A_116 = arith.cmpi ne, %convert_element_type3A, %cond3A : i32
    scf.if %cond3A_116 {
      %mul3A_117 = arith.constant 10000 : i32
      %mul3A_118 = arith.muli %arg0, %mul3A_117 : i32
      "tpu.region"() ({
        %run_scoped3A = tpu.sem_alloc : memref<!tpu.dma_semaphore, #tpu.memory_space<semaphore_mem>>
        %dma_start3A_119 = arith.constant 0 : i32
        %dma_start3A_120 = tpu.memref_slice %arg8[%mul3A_118, %dma_start3A_119] : memref<20000x32xf32, #tpu.memory_space<hbm>> -> memref<10000x32xf32, #tpu.memory_space<hbm>>
        tpu.enqueue_dma source(%arg29 : memref<10000x32xf32, #tpu.memory_space<vmem_shared>>) target(%dma_start3A_120 : memref<10000x32xf32, #tpu.memory_space<hbm>>) target_semaphore(%run_scoped3A : memref<!tpu.dma_semaphore, #tpu.memory_space<semaphore_mem>>)
        %dma_wait3A_121 = arith.constant 0 : i32
        %dma_wait3A_122 = tpu.memref_slice %arg8[%mul3A_118, %dma_wait3A_121] : memref<20000x32xf32, #tpu.memory_space<hbm>> -> memref<10000x32xf32, #tpu.memory_space<hbm>>
        tpu.wait_dma2 semaphore(%run_scoped3A : memref<!tpu.dma_semaphore, #tpu.memory_space<semaphore_mem>>) src(%arg29 : memref<10000x32xf32, #tpu.memory_space<vmem_shared>>) dst(%dma_wait3A_122 : memref<10000x32xf32, #tpu.memory_space<hbm>>)
        tpu.yield
      }) : () -> ()
    } else {
    }
    return
  }
}

#map = affine_map<(d0, d1) -> (0, 0)>
#map1 = affine_map<(d0, d1) -> (0)>
module attributes {stable_mosaic.version = 14 : i64} {
  func.func @_edge_kernel(%arg0: i32, %arg1: i32, %arg2: memref<20000x32xf32, #tpu.memory_space<hbm>>, %arg3: memref<20008xf32, #tpu.memory_space<hbm>>, %arg4: memref<20008xf32, #tpu.memory_space<hbm>>, %arg5: memref<2560x128xi32, #tpu.memory_space<hbm>>, %arg6: memref<2560x128xi32, #tpu.memory_space<hbm>>, %arg7: memref<2560x128xi32, #tpu.memory_space<hbm>>, %arg8: memref<20000x32xf32, #tpu.memory_space<hbm>>, %arg9: memref<32x10000xf32, #tpu.memory_space<hbm>>, %arg10: memref<20008xf32, #tpu.memory_space<vmem>>, %arg11: memref<20008xf32, #tpu.memory_space<vmem>>, %arg12: memref<104x128xi32, #tpu.memory_space<vmem>>, %arg13: memref<104x128xi32, #tpu.memory_space<vmem>>, %arg14: memref<104x128xi32, #tpu.memory_space<vmem>>, %arg15: memref<144xf32, #tpu.memory_space<vmem>>, %arg16: memref<10000xf32, #tpu.memory_space<vmem>>, %arg17: memref<128xi32, #tpu.memory_space<vmem>>, %arg18: memref<128xi32, #tpu.memory_space<vmem>>, %arg19: memref<128x32xf32, #tpu.memory_space<vmem>>, %arg20: memref<128x32xf32, #tpu.memory_space<vmem>>, %arg21: memref<128x32xf32, #tpu.memory_space<vmem>>, %arg22: memref<128x32xf32, #tpu.memory_space<vmem>>, %arg23: memref<!tpu.dma_semaphore, #tpu.memory_space<semaphore_mem>>, %arg24: memref<!tpu.dma_semaphore, #tpu.memory_space<semaphore_mem>>, %arg25: memref<!tpu.dma_semaphore, #tpu.memory_space<semaphore_mem>>, %arg26: memref<!tpu.dma_semaphore, #tpu.memory_space<semaphore_mem>>, %arg27: memref<!tpu.dma_semaphore, #tpu.memory_space<semaphore_mem>>, %arg28: memref<!tpu.dma_semaphore, #tpu.memory_space<semaphore_mem>>, %arg29: memref<10000x32xf32, #tpu.memory_space<vmem_shared>>) attributes {dimension_semantics = [#tpu.dimension_semantics<core_parallel>, #tpu.dimension_semantics<subcore_parallel>], iteration_bounds = array<i64: 2, 16>, scalar_prefetch = 0 : i64, scratch_operands = 20 : i64, tpu.core_type = #tpu.core_type<sc_vector_subcore>, window_params = [{transform_indices = #map}, {transform_indices = #map1}, {transform_indices = #map1}, {transform_indices = #map}, {transform_indices = #map}, {transform_indices = #map}, {transform_indices = #map}, {transform_indices = #map}]} {
    %mul3A = arith.constant 16 : i32
    %mul3A_0 = arith.muli %arg0, %mul3A : i32
    %add3A = arith.addi %mul3A_0, %arg1 : i32
    %eq3A = arith.constant 0 : i32
    %eq3A_1 = arith.cmpi eq, %arg0, %eq3A : i32
    %mul3A_2 = arith.constant 104 : i32
    %mul3A_3 = arith.muli %arg1, %mul3A_2 : i32
    %mul3A_4 = arith.constant 56 : i32
    %mul3A_5 = arith.muli %arg1, %mul3A_4 : i32
    %add3A_6 = arith.constant 1664 : i32
    %add3A_7 = arith.addi %add3A_6, %mul3A_5 : i32
    %select_n3A = arith.select %eq3A_1, %mul3A_3, %add3A_7 : i32
    tpu.enqueue_dma source(%arg3 : memref<20008xf32, #tpu.memory_space<hbm>>) target(%arg10 : memref<20008xf32, #tpu.memory_space<vmem>>) target_semaphore(%arg23 : memref<!tpu.dma_semaphore, #tpu.memory_space<semaphore_mem>>)
    tpu.enqueue_dma source(%arg4 : memref<20008xf32, #tpu.memory_space<hbm>>) target(%arg11 : memref<20008xf32, #tpu.memory_space<vmem>>) target_semaphore(%arg24 : memref<!tpu.dma_semaphore, #tpu.memory_space<semaphore_mem>>)
    %dma_start3A = arith.constant 0 : i32
    %dma_start3A_8 = tpu.memref_slice %arg5[%select_n3A, %dma_start3A] : memref<2560x128xi32, #tpu.memory_space<hbm>> -> memref<104x128xi32, #tpu.memory_space<hbm>>
    %dma_start3A_9 = arith.constant 0 : i32
    %dma_start3A_10 = tpu.memref_slice %arg5[%select_n3A, %dma_start3A_9] : memref<2560x128xi32, #tpu.memory_space<hbm>> -> memref<104x128xi32, #tpu.memory_space<hbm>>
    tpu.enqueue_dma source(%dma_start3A_10 : memref<104x128xi32, #tpu.memory_space<hbm>>) target(%arg12 : memref<104x128xi32, #tpu.memory_space<vmem>>) target_semaphore(%arg25 : memref<!tpu.dma_semaphore, #tpu.memory_space<semaphore_mem>>)
    %dma_start3A_11 = arith.constant 0 : i32
    %dma_start3A_12 = tpu.memref_slice %arg6[%select_n3A, %dma_start3A_11] : memref<2560x128xi32, #tpu.memory_space<hbm>> -> memref<104x128xi32, #tpu.memory_space<hbm>>
    %dma_start3A_13 = arith.constant 0 : i32
    %dma_start3A_14 = tpu.memref_slice %arg6[%select_n3A, %dma_start3A_13] : memref<2560x128xi32, #tpu.memory_space<hbm>> -> memref<104x128xi32, #tpu.memory_space<hbm>>
    tpu.enqueue_dma source(%dma_start3A_14 : memref<104x128xi32, #tpu.memory_space<hbm>>) target(%arg13 : memref<104x128xi32, #tpu.memory_space<vmem>>) target_semaphore(%arg26 : memref<!tpu.dma_semaphore, #tpu.memory_space<semaphore_mem>>)
    %dma_start3A_15 = arith.constant 0 : i32
    %dma_start3A_16 = tpu.memref_slice %arg7[%select_n3A, %dma_start3A_15] : memref<2560x128xi32, #tpu.memory_space<hbm>> -> memref<104x128xi32, #tpu.memory_space<hbm>>
    %dma_start3A_17 = arith.constant 0 : i32
    %dma_start3A_18 = tpu.memref_slice %arg7[%select_n3A, %dma_start3A_17] : memref<2560x128xi32, #tpu.memory_space<hbm>> -> memref<104x128xi32, #tpu.memory_space<hbm>>
    tpu.enqueue_dma source(%dma_start3A_18 : memref<104x128xi32, #tpu.memory_space<hbm>>) target(%arg14 : memref<104x128xi32, #tpu.memory_space<vmem>>) target_semaphore(%arg27 : memref<!tpu.dma_semaphore, #tpu.memory_space<semaphore_mem>>)
    tpu.wait_dma2 semaphore(%arg23 : memref<!tpu.dma_semaphore, #tpu.memory_space<semaphore_mem>>) src(%arg3 : memref<20008xf32, #tpu.memory_space<hbm>>) dst(%arg10 : memref<20008xf32, #tpu.memory_space<vmem>>)
    tpu.wait_dma2 semaphore(%arg24 : memref<!tpu.dma_semaphore, #tpu.memory_space<semaphore_mem>>) src(%arg4 : memref<20008xf32, #tpu.memory_space<hbm>>) dst(%arg11 : memref<20008xf32, #tpu.memory_space<vmem>>)
    %dma_wait3A = arith.constant 0 : i32
    %dma_wait3A_19 = tpu.memref_slice %arg5[%select_n3A, %dma_wait3A] : memref<2560x128xi32, #tpu.memory_space<hbm>> -> memref<104x128xi32, #tpu.memory_space<hbm>>
    %dma_wait3A_20 = arith.constant 0 : i32
    %dma_wait3A_21 = tpu.memref_slice %arg5[%select_n3A, %dma_wait3A_20] : memref<2560x128xi32, #tpu.memory_space<hbm>> -> memref<104x128xi32, #tpu.memory_space<hbm>>
    tpu.wait_dma2 semaphore(%arg25 : memref<!tpu.dma_semaphore, #tpu.memory_space<semaphore_mem>>) src(%dma_wait3A_21 : memref<104x128xi32, #tpu.memory_space<hbm>>) dst(%arg12 : memref<104x128xi32, #tpu.memory_space<vmem>>)
    %dma_wait3A_22 = arith.constant 0 : i32
    %dma_wait3A_23 = tpu.memref_slice %arg6[%select_n3A, %dma_wait3A_22] : memref<2560x128xi32, #tpu.memory_space<hbm>> -> memref<104x128xi32, #tpu.memory_space<hbm>>
    %dma_wait3A_24 = arith.constant 0 : i32
    %dma_wait3A_25 = tpu.memref_slice %arg6[%select_n3A, %dma_wait3A_24] : memref<2560x128xi32, #tpu.memory_space<hbm>> -> memref<104x128xi32, #tpu.memory_space<hbm>>
    tpu.wait_dma2 semaphore(%arg26 : memref<!tpu.dma_semaphore, #tpu.memory_space<semaphore_mem>>) src(%dma_wait3A_25 : memref<104x128xi32, #tpu.memory_space<hbm>>) dst(%arg13 : memref<104x128xi32, #tpu.memory_space<vmem>>)
    %dma_wait3A_26 = arith.constant 0 : i32
    %dma_wait3A_27 = tpu.memref_slice %arg7[%select_n3A, %dma_wait3A_26] : memref<2560x128xi32, #tpu.memory_space<hbm>> -> memref<104x128xi32, #tpu.memory_space<hbm>>
    %dma_wait3A_28 = arith.constant 0 : i32
    %dma_wait3A_29 = tpu.memref_slice %arg7[%select_n3A, %dma_wait3A_28] : memref<2560x128xi32, #tpu.memory_space<hbm>> -> memref<104x128xi32, #tpu.memory_space<hbm>>
    tpu.wait_dma2 semaphore(%arg27 : memref<!tpu.dma_semaphore, #tpu.memory_space<semaphore_mem>>) src(%dma_wait3A_29 : memref<104x128xi32, #tpu.memory_space<hbm>>) dst(%arg14 : memref<104x128xi32, #tpu.memory_space<vmem>>)
    %broadcast_in_dim3A = arith.constant 0.000000e+00 : f32
    %broadcast_in_dim3A_30 = vector.broadcast %broadcast_in_dim3A : f32 to vector<16xf32>
    %scan3A = arith.constant 0 : i32
    %scan3A_31 = arith.constant 0 : i32
    %scan3A_32 = arith.constant 625 : i32
    %scan3A_33 = arith.addi %scan3A_31, %scan3A_32 : i32
    %scan3A_34 = arith.constant 1 : i32
    %scan3A_35 = scf.for %scan3A_117 = %scan3A_31 to %scan3A_33 step %scan3A_34 iter_args(%scan3A_118 = %scan3A) -> (i32)  : i32 {
      %mul3A_119 = arith.constant 16 : i32
      %mul3A_120 = arith.muli %scan3A_117, %mul3A_119 : i32
      %swap3A_121 = arith.index_cast %mul3A_120 : i32 to index
      %swap3A_122 = tpu.vector_load %arg16[%swap3A_121] {strides = array<i32>} : memref<10000xf32, #tpu.memory_space<vmem>>, vector<16xf32>,
      tpu.vector_store %arg16[%swap3A_121], %broadcast_in_dim3A_30 {strides = array<i32>} : memref<10000xf32, #tpu.memory_space<vmem>>, vector<16xf32>,
      %scan3A_123 = arith.constant 0 : i32
      scf.yield %scan3A_123 : i32
    }
    %scan3A_36 = arith.constant 625 : i32
    %swap3A = arith.constant 128 : index
    %swap3A_37 = tpu.vector_load %arg15[%swap3A] {strides = array<i32>} : memref<144xf32, #tpu.memory_space<vmem>>, vector<16xf32>,
    tpu.vector_store %arg15[%swap3A], %broadcast_in_dim3A_30 {strides = array<i32>} : memref<144xf32, #tpu.memory_space<vmem>>, vector<16xf32>,
    %scan3A_38 = arith.constant 0 : i32
    %scan3A_39 = arith.constant 0 : i32
    %scan3A_40 = arith.constant 128 : i32
    %scan3A_41 = arith.addi %scan3A_39, %scan3A_40 : i32
    %scan3A_42 = arith.constant 1 : i32
    %scan3A_43 = scf.for %scan3A_117 = %scan3A_39 to %scan3A_41 step %scan3A_42 iter_args(%scan3A_118 = %scan3A_38) -> (i32)  : i32 {
      %swap3A_119 = arith.index_cast %scan3A_117 : i32 to index
      %swap3A_120 = arith.constant 0 : index
      %swap3A_121 = tpu.vector_load %arg21[%swap3A_119, %swap3A_120] {strides = array<i32>} : memref<128x32xf32, #tpu.memory_space<vmem>>, vector<16xf32>,
      tpu.vector_store %arg21[%swap3A_119, %swap3A_120], %broadcast_in_dim3A_30 {strides = array<i32>} : memref<128x32xf32, #tpu.memory_space<vmem>>, vector<16xf32>,
      %swap3A_122 = arith.index_cast %scan3A_117 : i32 to index
      %swap3A_123 = arith.constant 16 : index
      %swap3A_124 = tpu.vector_load %arg21[%swap3A_122, %swap3A_123] {strides = array<i32>} : memref<128x32xf32, #tpu.memory_space<vmem>>, vector<16xf32>,
      tpu.vector_store %arg21[%swap3A_122, %swap3A_123], %broadcast_in_dim3A_30 {strides = array<i32>} : memref<128x32xf32, #tpu.memory_space<vmem>>, vector<16xf32>,
      %scan3A_125 = arith.constant 0 : i32
      scf.yield %scan3A_125 : i32
    }
    %scan3A_44 = arith.constant 128 : i32
    %scan3A_45 = arith.constant 0 : i32
    %scan3A_46 = arith.constant 0 : i32
    %scan3A_47 = arith.constant 5 : i32
    %scan3A_48 = arith.addi %scan3A_46, %scan3A_47 : i32
    %scan3A_49 = arith.constant 1 : i32
    %scan3A_50 = scf.for %scan3A_117 = %scan3A_46 to %scan3A_48 step %scan3A_49 iter_args(%scan3A_118 = %scan3A_45) -> (i32)  : i32 {
      %mul3A_119 = arith.constant 16 : i32
      %mul3A_120 = arith.muli %scan3A_117, %mul3A_119 : i32
      %add3A_121 = arith.addi %arg1, %mul3A_120 : i32
      %lt3A = arith.constant 78 : i32
      %lt3A_122 = arith.cmpi slt, %add3A_121, %lt3A : i32
      %convert_element_type3A_123 = arith.extui %lt3A_122 : i1 to i32
      %cond3A_124 = arith.constant 0 : i32
      %cond3A_125 = arith.cmpi ne, %convert_element_type3A_123, %cond3A_124 : i32
      scf.if %cond3A_125 {
        %mul3A_132 = arith.constant 128 : i32
        %mul3A_133 = arith.muli %add3A_121, %mul3A_132 : i32
        "tpu.region"() ({
          %run_scoped3A = tpu.sem_alloc : memref<!tpu.dma_semaphore, #tpu.memory_space<semaphore_mem>>
          %dma_start3A_134 = arith.constant 0 : i32
          %dma_start3A_135 = tpu.memref_slice %arg29[%mul3A_133, %dma_start3A_134] : memref<10000x32xf32, #tpu.memory_space<vmem_shared>> -> memref<128x32xf32, #tpu.memory_space<vmem_shared>>
          %dma_start3A_136 = arith.constant 0 : i32
          %dma_start3A_137 = tpu.memref_slice %arg29[%mul3A_133, %dma_start3A_136] : memref<10000x32xf32, #tpu.memory_space<vmem_shared>> -> memref<128x32xf32, #tpu.memory_space<vmem_shared>>
          tpu.enqueue_dma source(%arg21 : memref<128x32xf32, #tpu.memory_space<vmem>>) target(%dma_start3A_137 : memref<128x32xf32, #tpu.memory_space<vmem_shared>>) target_semaphore(%run_scoped3A : memref<!tpu.dma_semaphore, #tpu.memory_space<semaphore_mem>>)
          %dma_wait3A_138 = arith.constant 0 : i32
          %dma_wait3A_139 = tpu.memref_slice %arg29[%mul3A_133, %dma_wait3A_138] : memref<10000x32xf32, #tpu.memory_space<vmem_shared>> -> memref<128x32xf32, #tpu.memory_space<vmem_shared>>
          %dma_wait3A_140 = arith.constant 0 : i32
          %dma_wait3A_141 = tpu.memref_slice %arg29[%mul3A_133, %dma_wait3A_140] : memref<10000x32xf32, #tpu.memory_space<vmem_shared>> -> memref<128x32xf32, #tpu.memory_space<vmem_shared>>
          tpu.wait_dma2 semaphore(%run_scoped3A : memref<!tpu.dma_semaphore, #tpu.memory_space<semaphore_mem>>) src(%arg21 : memref<128x32xf32, #tpu.memory_space<vmem>>) dst(%dma_wait3A_141 : memref<128x32xf32, #tpu.memory_space<vmem_shared>>)
          tpu.yield
        }) : () -> ()
      } else {
      }
      %eq3A_126 = arith.constant 78 : i32
      %eq3A_127 = arith.cmpi eq, %add3A_121, %eq3A_126 : i32
      %convert_element_type3A_128 = arith.extui %eq3A_127 : i1 to i32
      %cond3A_129 = arith.constant 0 : i32
      %cond3A_130 = arith.cmpi ne, %convert_element_type3A_128, %cond3A_129 : i32
      scf.if %cond3A_130 {
        "tpu.region"() ({
          %run_scoped3A = tpu.sem_alloc : memref<!tpu.dma_semaphore, #tpu.memory_space<semaphore_mem>>
          %dma_start3A_132 = arith.constant 0 : i32
          %dma_start3A_133 = arith.constant 0 : i32
          %dma_start3A_134 = tpu.memref_slice %arg21[%dma_start3A_132, %dma_start3A_133] : memref<128x32xf32, #tpu.memory_space<vmem>> -> memref<16x32xf32, #tpu.memory_space<vmem>>
          %dma_start3A_135 = arith.constant 9984 : i32
          %dma_start3A_136 = arith.constant 0 : i32
          %dma_start3A_137 = tpu.memref_slice %arg29[%dma_start3A_135, %dma_start3A_136] : memref<10000x32xf32, #tpu.memory_space<vmem_shared>> -> memref<16x32xf32, #tpu.memory_space<vmem_shared>>
          %dma_start3A_138 = arith.constant 9984 : i32
          %dma_start3A_139 = arith.constant 0 : i32
          %dma_start3A_140 = tpu.memref_slice %arg29[%dma_start3A_138, %dma_start3A_139] : memref<10000x32xf32, #tpu.memory_space<vmem_shared>> -> memref<16x32xf32, #tpu.memory_space<vmem_shared>>
          %dma_start3A_141 = arith.constant 0 : i32
          %dma_start3A_142 = arith.constant 0 : i32
          %dma_start3A_143 = tpu.memref_slice %arg21[%dma_start3A_141, %dma_start3A_142] : memref<128x32xf32, #tpu.memory_space<vmem>> -> memref<16x32xf32, #tpu.memory_space<vmem>>
          tpu.enqueue_dma source(%dma_start3A_143 : memref<16x32xf32, #tpu.memory_space<vmem>>) target(%dma_start3A_140 : memref<16x32xf32, #tpu.memory_space<vmem_shared>>) target_semaphore(%run_scoped3A : memref<!tpu.dma_semaphore, #tpu.memory_space<semaphore_mem>>)
          %dma_wait3A_144 = arith.constant 0 : i32
          %dma_wait3A_145 = arith.constant 0 : i32
          %dma_wait3A_146 = tpu.memref_slice %arg21[%dma_wait3A_144, %dma_wait3A_145] : memref<128x32xf32, #tpu.memory_space<vmem>> -> memref<16x32xf32, #tpu.memory_space<vmem>>
          %dma_wait3A_147 = arith.constant 9984 : i32
          %dma_wait3A_148 = arith.constant 0 : i32
          %dma_wait3A_149 = tpu.memref_slice %arg29[%dma_wait3A_147, %dma_wait3A_148] : memref<10000x32xf32, #tpu.memory_space<vmem_shared>> -> memref<16x32xf32, #tpu.memory_space<vmem_shared>>
          %dma_wait3A_150 = arith.constant 9984 : i32
          %dma_wait3A_151 = arith.constant 0 : i32
          %dma_wait3A_152 = tpu.memref_slice %arg29[%dma_wait3A_150, %dma_wait3A_151] : memref<10000x32xf32, #tpu.memory_space<vmem_shared>> -> memref<16x32xf32, #tpu.memory_space<vmem_shared>>
          %dma_wait3A_153 = arith.constant 0 : i32
          %dma_wait3A_154 = arith.constant 0 : i32
          %dma_wait3A_155 = tpu.memref_slice %arg21[%dma_wait3A_153, %dma_wait3A_154] : memref<128x32xf32, #tpu.memory_space<vmem>> -> memref<16x32xf32, #tpu.memory_space<vmem>>
          tpu.wait_dma2 semaphore(%run_scoped3A : memref<!tpu.dma_semaphore, #tpu.memory_space<semaphore_mem>>) src(%dma_wait3A_155 : memref<16x32xf32, #tpu.memory_space<vmem>>) dst(%dma_wait3A_152 : memref<16x32xf32, #tpu.memory_space<vmem_shared>>)
          tpu.yield
        }) : () -> ()
      } else {
      }
      %scan3A_131 = arith.constant 0 : i32
      scf.yield %scan3A_131 : i32
    }
    %scan3A_51 = arith.constant 5 : i32
    %barrier3A = arith.constant 0 : index
    tpu.barrier barrier_id(%barrier3A)
    %dma_start3A_52 = arith.constant 0 : i32
    %dma_start3A_53 = arith.constant 0 : i32
    %dma_start3A_54 = arith.constant 0 : i32
    %dma_start3A_55 = tpu.memref_slice %arg19[%dma_start3A_53, %dma_start3A_54] : memref<128x32xf32, #tpu.memory_space<vmem>> -> memref<64x32xf32, #tpu.memory_space<vmem>>
    %dma_start3A_56 = arith.constant 0 : i32
    %dma_start3A_57 = tpu.memref_slice %arg12[%dma_start3A_52, %dma_start3A_56] : memref<104x128xi32, #tpu.memory_space<vmem>> -> memref<1x64xi32, #tpu.memory_space<vmem>>
    %dma_start3A_58 = tpu.memref_squeeze %dma_start3A_57 : memref<1x64xi32, #tpu.memory_space<vmem>> -> memref<64xi32, #tpu.memory_space<vmem>>
    %dma_start3A_59 = arith.constant 0 : i32
    %dma_start3A_60 = arith.constant 0 : i32
    %dma_start3A_61 = tpu.memref_slice %arg2[%dma_start3A_59, %dma_start3A_60] : memref<20000x32xf32, #tpu.memory_space<hbm>> -> memref<20000x32xf32, #tpu.memory_space<hbm>>
    tpu.enqueue_indirect_dma source(%dma_start3A_61 : memref<20000x32xf32, #tpu.memory_space<hbm>>) target(%dma_start3A_55 : memref<64x32xf32, #tpu.memory_space<vmem>>) offsets(%dma_start3A_58 : memref<64xi32, #tpu.memory_space<vmem>>) semaphore(%arg23 : memref<!tpu.dma_semaphore, #tpu.memory_space<semaphore_mem>>)
    %dma_start3A_62 = arith.constant 0 : i32
    %dma_start3A_63 = arith.constant 64 : i32
    %dma_start3A_64 = arith.constant 0 : i32
    %dma_start3A_65 = tpu.memref_slice %arg19[%dma_start3A_63, %dma_start3A_64] : memref<128x32xf32, #tpu.memory_space<vmem>> -> memref<64x32xf32, #tpu.memory_space<vmem>>
    %dma_start3A_66 = arith.constant 64 : i32
    %dma_start3A_67 = tpu.memref_slice %arg12[%dma_start3A_62, %dma_start3A_66] : memref<104x128xi32, #tpu.memory_space<vmem>> -> memref<1x64xi32, #tpu.memory_space<vmem>>
    %dma_start3A_68 = tpu.memref_squeeze %dma_start3A_67 : memref<1x64xi32, #tpu.memory_space<vmem>> -> memref<64xi32, #tpu.memory_space<vmem>>
    %dma_start3A_69 = arith.constant 0 : i32
    %dma_start3A_70 = arith.constant 0 : i32
    %dma_start3A_71 = tpu.memref_slice %arg2[%dma_start3A_69, %dma_start3A_70] : memref<20000x32xf32, #tpu.memory_space<hbm>> -> memref<20000x32xf32, #tpu.memory_space<hbm>>
    tpu.enqueue_indirect_dma source(%dma_start3A_71 : memref<20000x32xf32, #tpu.memory_space<hbm>>) target(%dma_start3A_65 : memref<64x32xf32, #tpu.memory_space<vmem>>) offsets(%dma_start3A_68 : memref<64xi32, #tpu.memory_space<vmem>>) semaphore(%arg25 : memref<!tpu.dma_semaphore, #tpu.memory_space<semaphore_mem>>)
    %dma_start3A_72 = arith.constant 1 : i32
    %dma_start3A_73 = arith.constant 0 : i32
    %dma_start3A_74 = arith.constant 0 : i32
    %dma_start3A_75 = tpu.memref_slice %arg20[%dma_start3A_73, %dma_start3A_74] : memref<128x32xf32, #tpu.memory_space<vmem>> -> memref<64x32xf32, #tpu.memory_space<vmem>>
    %dma_start3A_76 = arith.constant 0 : i32
    %dma_start3A_77 = tpu.memref_slice %arg12[%dma_start3A_72, %dma_start3A_76] : memref<104x128xi32, #tpu.memory_space<vmem>> -> memref<1x64xi32, #tpu.memory_space<vmem>>
    %dma_start3A_78 = tpu.memref_squeeze %dma_start3A_77 : memref<1x64xi32, #tpu.memory_space<vmem>> -> memref<64xi32, #tpu.memory_space<vmem>>
    %dma_start3A_79 = arith.constant 0 : i32
    %dma_start3A_80 = arith.constant 0 : i32
    %dma_start3A_81 = tpu.memref_slice %arg2[%dma_start3A_79, %dma_start3A_80] : memref<20000x32xf32, #tpu.memory_space<hbm>> -> memref<20000x32xf32, #tpu.memory_space<hbm>>
    tpu.enqueue_indirect_dma source(%dma_start3A_81 : memref<20000x32xf32, #tpu.memory_space<hbm>>) target(%dma_start3A_75 : memref<64x32xf32, #tpu.memory_space<vmem>>) offsets(%dma_start3A_78 : memref<64xi32, #tpu.memory_space<vmem>>) semaphore(%arg24 : memref<!tpu.dma_semaphore, #tpu.memory_space<semaphore_mem>>)
    %dma_start3A_82 = arith.constant 1 : i32
    %dma_start3A_83 = arith.constant 64 : i32
    %dma_start3A_84 = arith.constant 0 : i32
    %dma_start3A_85 = tpu.memref_slice %arg20[%dma_start3A_83, %dma_start3A_84] : memref<128x32xf32, #tpu.memory_space<vmem>> -> memref<64x32xf32, #tpu.memory_space<vmem>>
    %dma_start3A_86 = arith.constant 64 : i32
    %dma_start3A_87 = tpu.memref_slice %arg12[%dma_start3A_82, %dma_start3A_86] : memref<104x128xi32, #tpu.memory_space<vmem>> -> memref<1x64xi32, #tpu.memory_space<vmem>>
    %dma_start3A_88 = tpu.memref_squeeze %dma_start3A_87 : memref<1x64xi32, #tpu.memory_space<vmem>> -> memref<64xi32, #tpu.memory_space<vmem>>
    %dma_start3A_89 = arith.constant 0 : i32
    %dma_start3A_90 = arith.constant 0 : i32
    %dma_start3A_91 = tpu.memref_slice %arg2[%dma_start3A_89, %dma_start3A_90] : memref<20000x32xf32, #tpu.memory_space<hbm>> -> memref<20000x32xf32, #tpu.memory_space<hbm>>
    tpu.enqueue_indirect_dma source(%dma_start3A_91 : memref<20000x32xf32, #tpu.memory_space<hbm>>) target(%dma_start3A_85 : memref<64x32xf32, #tpu.memory_space<vmem>>) offsets(%dma_start3A_88 : memref<64xi32, #tpu.memory_space<vmem>>) semaphore(%arg26 : memref<!tpu.dma_semaphore, #tpu.memory_space<semaphore_mem>>)
    %eq3A_92 = arith.constant 0 : i32
    %eq3A_93 = arith.cmpi eq, %arg0, %eq3A_92 : i32
    %jit3A = arith.constant 52 : i32
    %jit3A_94 = arith.constant 28 : i32
    %select_n3A_95 = arith.select %eq3A_93, %jit3A, %jit3A_94 : i32
    %while3A = arith.constant 0 : i32
    %while3A_96 = arith.constant 0 : i32
    %while3A_97 = arith.subi %select_n3A_95, %while3A : i32
    %while3A_98 = arith.addi %while3A, %while3A_97 : i32
    %while3A_99 = arith.constant 1 : i32
    %while3A_100 = arith.divsi %while3A_97, %while3A_99 : i32
    %while3A_101 = arith.muli %while3A_100, %while3A_99 : i32
    %while3A_102 = arith.addi %while3A, %while3A_101 : i32
    %while3A_103 = arith.constant 1 : i32
    %while3A_104 = scf.for %while3A_117 = %while3A to %while3A_102 step %while3A_103 iter_args(%while3A_118 = %while3A_96) -> (i32)  : i32 {
      %mul3A_119 = arith.constant 2 : i32
      %mul3A_120 = arith.muli %while3A_117, %mul3A_119 : i32
      %add3A_121 = arith.constant 0 : i32
      %add3A_122 = arith.addi %mul3A_120, %add3A_121 : i32
      %dma_wait3A_123 = arith.constant 0 : i32
      %dma_wait3A_124 = arith.constant 0 : i32
      %dma_wait3A_125 = arith.constant 0 : i32
      %dma_wait3A_126 = tpu.memref_slice %arg19[%dma_wait3A_124, %dma_wait3A_125] : memref<128x32xf32, #tpu.memory_space<vmem>> -> memref<64x32xf32, #tpu.memory_space<vmem>>
      %dma_wait3A_127 = arith.constant 0 : i32
      %dma_wait3A_128 = tpu.memref_slice %arg12[%dma_wait3A_123, %dma_wait3A_127] : memref<104x128xi32, #tpu.memory_space<vmem>> -> memref<1x64xi32, #tpu.memory_space<vmem>>
      %dma_wait3A_129 = tpu.memref_squeeze %dma_wait3A_128 : memref<1x64xi32, #tpu.memory_space<vmem>> -> memref<64xi32, #tpu.memory_space<vmem>>
      %dma_wait3A_130 = arith.constant 0 : i32
      %dma_wait3A_131 = arith.constant 0 : i32
      %dma_wait3A_132 = tpu.memref_slice %arg2[%dma_wait3A_130, %dma_wait3A_131] : memref<20000x32xf32, #tpu.memory_space<hbm>> -> memref<20000x32xf32, #tpu.memory_space<hbm>>
      tpu.wait_indirect_dma semaphore(%arg23 : memref<!tpu.dma_semaphore, #tpu.memory_space<semaphore_mem>>) src(%dma_wait3A_132 : memref<20000x32xf32, #tpu.memory_space<hbm>>) dst(%dma_wait3A_126 : memref<64x32xf32, #tpu.memory_space<vmem>>)
      %dma_wait3A_133 = arith.constant 0 : i32
      %dma_wait3A_134 = arith.constant 64 : i32
      %dma_wait3A_135 = arith.constant 0 : i32
      %dma_wait3A_136 = tpu.memref_slice %arg19[%dma_wait3A_134, %dma_wait3A_135] : memref<128x32xf32, #tpu.memory_space<vmem>> -> memref<64x32xf32, #tpu.memory_space<vmem>>
      %dma_wait3A_137 = arith.constant 64 : i32
      %dma_wait3A_138 = tpu.memref_slice %arg12[%dma_wait3A_133, %dma_wait3A_137] : memref<104x128xi32, #tpu.memory_space<vmem>> -> memref<1x64xi32, #tpu.memory_space<vmem>>
      %dma_wait3A_139 = tpu.memref_squeeze %dma_wait3A_138 : memref<1x64xi32, #tpu.memory_space<vmem>> -> memref<64xi32, #tpu.memory_space<vmem>>
      %dma_wait3A_140 = arith.constant 0 : i32
      %dma_wait3A_141 = arith.constant 0 : i32
      %dma_wait3A_142 = tpu.memref_slice %arg2[%dma_wait3A_140, %dma_wait3A_141] : memref<20000x32xf32, #tpu.memory_space<hbm>> -> memref<20000x32xf32, #tpu.memory_space<hbm>>
      tpu.wait_indirect_dma semaphore(%arg25 : memref<!tpu.dma_semaphore, #tpu.memory_space<semaphore_mem>>) src(%dma_wait3A_142 : memref<20000x32xf32, #tpu.memory_space<hbm>>) dst(%dma_wait3A_136 : memref<64x32xf32, #tpu.memory_space<vmem>>)
      %gt3A = arith.constant 0 : i32
      %gt3A_143 = arith.cmpi sgt, %while3A_117, %gt3A : i32
      %convert_element_type3A_144 = arith.extui %gt3A_143 : i1 to i32
      %cond3A_145 = arith.constant 0 : i32
      %cond3A_146 = arith.cmpi ne, %convert_element_type3A_144, %cond3A_145 : i32
      scf.if %cond3A_146 {
        %dma_wait3A_226 = arith.constant 0 : i32
        %dma_wait3A_227 = arith.constant 0 : i32
        %dma_wait3A_228 = tpu.memref_slice %arg29[%dma_wait3A_226, %dma_wait3A_227] : memref<10000x32xf32, #tpu.memory_space<vmem_shared>> -> memref<10000x32xf32, #tpu.memory_space<vmem_shared>>
        tpu.wait_indirect_dma semaphore(%arg27 : memref<!tpu.dma_semaphore, #tpu.memory_space<semaphore_mem>>) src(%arg21 : memref<128x32xf32, #tpu.memory_space<vmem>>) dst(%dma_wait3A_228 : memref<10000x32xf32, #tpu.memory_space<vmem_shared>>)
      } else {
      }
      %scan3A_147 = arith.constant 0 : i32
      %scan3A_148 = arith.constant 0 : i32
      %scan3A_149 = arith.constant 8 : i32
      %scan3A_150 = arith.addi %scan3A_148, %scan3A_149 : i32
      %scan3A_151 = arith.constant 1 : i32
      %scan3A_152 = scf.for %scan3A_226 = %scan3A_148 to %scan3A_150 step %scan3A_151 iter_args(%scan3A_227 = %scan3A_147) -> (i32)  : i32 {
        %mul3A_228 = arith.constant 16 : i32
        %mul3A_229 = arith.muli %scan3A_226, %mul3A_228 : i32
        %get3A = arith.index_cast %add3A_122 : i32 to index
        %get3A_230 = arith.index_cast %mul3A_229 : i32 to index
        %get3A_231 = tpu.vector_load %arg14[%get3A, %get3A_230] {strides = array<i32>} : memref<104x128xi32, #tpu.memory_space<vmem>>, vector<16xi32>,
        %mul3A_232 = arith.constant 16 : i32
        %mul3A_233 = arith.muli %scan3A_226, %mul3A_232 : i32
        %swap3A_234 = arith.index_cast %mul3A_233 : i32 to index
        %swap3A_235 = tpu.vector_load %arg17[%swap3A_234] {strides = array<i32>} : memref<128xi32, #tpu.memory_space<vmem>>, vector<16xi32>,
        tpu.vector_store %arg17[%swap3A_234], %get3A_231 {strides = array<i32>} : memref<128xi32, #tpu.memory_space<vmem>>, vector<16xi32>,
        %scan3A_236 = arith.constant 0 : i32
        scf.yield %scan3A_236 : i32
      }
      %scan3A_153 = arith.constant 8 : i32
      %scan3A_154 = arith.constant 0 : i32
      %scan3A_155 = arith.constant 0 : i32
      %scan3A_156 = arith.constant 8 : i32
      %scan3A_157 = arith.addi %scan3A_155, %scan3A_156 : i32
      %scan3A_158 = arith.constant 1 : i32
      %scan3A_159 = scf.for %scan3A_226 = %scan3A_155 to %scan3A_157 step %scan3A_158 iter_args(%scan3A_227 = %scan3A_154) -> (i32)  : i32 {
        %mul3A_228 = arith.constant 16 : i32
        %mul3A_229 = arith.muli %scan3A_226, %mul3A_228 : i32
        %get3A = arith.index_cast %add3A_122 : i32 to index
        %get3A_230 = arith.index_cast %mul3A_229 : i32 to index
        %get3A_231 = tpu.vector_load %arg13[%get3A, %get3A_230] {strides = array<i32>} : memref<104x128xi32, #tpu.memory_space<vmem>>, vector<16xi32>,
        %mul3A_232 = arith.constant 16 : i32
        %mul3A_233 = arith.muli %scan3A_226, %mul3A_232 : i32
        %get3A_234 = arith.index_cast %add3A_122 : i32 to index
        %get3A_235 = arith.index_cast %mul3A_233 : i32 to index
        %get3A_236 = tpu.vector_load %arg12[%get3A_234, %get3A_235] {strides = array<i32>} : memref<104x128xi32, #tpu.memory_space<vmem>>, vector<16xi32>,
        %mul3A_237 = arith.constant 16 : i32
        %mul3A_238 = arith.muli %scan3A_226, %mul3A_237 : i32
        %get3A_239 = arith.index_cast %mul3A_238 : i32 to index
        %get3A_240 = tpu.vector_load %arg17[%get3A_239] {strides = array<i32>} : memref<128xi32, #tpu.memory_space<vmem>>, vector<16xi32>,
        %gather3A = tpu.vector_load_idx %arg10[%get3A_231] : memref<20008xf32, #tpu.memory_space<vmem>>[vector<16xi32>], vector<16xf32>,
        %gather3A_241 = tpu.vector_load_idx %arg11[%get3A_236] : memref<20008xf32, #tpu.memory_space<vmem>>[vector<16xi32>], vector<16xf32>,
        %add3A_242 = arith.addf %gather3A, %gather3A_241 : vector<16xf32>
        %mul3A_243 = arith.constant 2.000000e-01 : f32
        %mul3A_244 = vector.broadcast %mul3A_243 : f32 to vector<16xf32>
        %mul3A_245 = arith.mulf %mul3A_244, %add3A_242 : vector<16xf32>
        %max3A = arith.maximumf %add3A_242, %mul3A_245 : vector<16xf32>
        %exp3A = math.exp %max3A : vector<16xf32>
        %mul3A_246 = arith.constant 16 : i32
        %mul3A_247 = arith.muli %scan3A_226, %mul3A_246 : i32
        %swap3A_248 = arith.index_cast %mul3A_247 : i32 to index
        %swap3A_249 = tpu.vector_load %arg15[%swap3A_248] {strides = array<i32>} : memref<144xf32, #tpu.memory_space<vmem>>, vector<16xf32>,
        tpu.vector_store %arg15[%swap3A_248], %exp3A {strides = array<i32>} : memref<144xf32, #tpu.memory_space<vmem>>, vector<16xf32>,
        tpu.vector_store_idx %arg16[%get3A_240], %exp3A {add = true} : memref<10000xf32, #tpu.memory_space<vmem>>[vector<16xi32>], vector<16xf32>,
        %scan3A_250 = arith.constant 0 : i32
        scf.yield %scan3A_250 : i32
      }
      %scan3A_160 = arith.constant 8 : i32
      %parallel_loop3A = arith.constant 0 : i32
      %parallel_loop3A_161 = arith.constant 128 : i32
      %parallel_loop3A_162 = arith.constant 1 : i32
      scf.for %parallel_loop3A_226 = %parallel_loop3A to %parallel_loop3A_161 step %parallel_loop3A_162  : i32 {
        %parallel_loop3A_227 = arith.index_cast %parallel_loop3A_226 : i32 to index
        %parallel_loop3A_228 = tpu.vector_load %arg15[%parallel_loop3A_227] {strides = array<i32>} : memref<144xf32, #tpu.memory_space<vmem>>, vector<16xf32>,
        %parallel_loop3A_229 = vector.extract_strided_slice %parallel_loop3A_228 {offsets = [0], sizes = [1], strides = [1]} : vector<16xf32> to vector<1xf32>
        %parallel_loop3A_230 = vector.extract %parallel_loop3A_229[0] : f32 from vector<1xf32>
        %parallel_loop3A_231 = arith.index_cast %parallel_loop3A_226 : i32 to index
        %parallel_loop3A_232 = arith.constant 0 : index
        %parallel_loop3A_233 = tpu.vector_load %arg19[%parallel_loop3A_231, %parallel_loop3A_232] {strides = array<i32>} : memref<128x32xf32, #tpu.memory_space<vmem>>, vector<16xf32>,
        %parallel_loop3A_234 = vector.broadcast %parallel_loop3A_230 : f32 to vector<16xf32>
        %parallel_loop3A_235 = arith.mulf %parallel_loop3A_233, %parallel_loop3A_234 : vector<16xf32>
        %parallel_loop3A_236 = arith.index_cast %parallel_loop3A_226 : i32 to index
        %parallel_loop3A_237 = arith.constant 0 : index
        %parallel_loop3A_238 = tpu.vector_load %arg21[%parallel_loop3A_236, %parallel_loop3A_237] {strides = array<i32>} : memref<128x32xf32, #tpu.memory_space<vmem>>, vector<16xf32>,
        tpu.vector_store %arg21[%parallel_loop3A_236, %parallel_loop3A_237], %parallel_loop3A_235 {strides = array<i32>} : memref<128x32xf32, #tpu.memory_space<vmem>>, vector<16xf32>,
        %parallel_loop3A_239 = arith.index_cast %parallel_loop3A_226 : i32 to index
        %parallel_loop3A_240 = arith.constant 16 : index
        %parallel_loop3A_241 = tpu.vector_load %arg19[%parallel_loop3A_239, %parallel_loop3A_240] {strides = array<i32>} : memref<128x32xf32, #tpu.memory_space<vmem>>, vector<16xf32>,
        %parallel_loop3A_242 = vector.broadcast %parallel_loop3A_230 : f32 to vector<16xf32>
        %parallel_loop3A_243 = arith.mulf %parallel_loop3A_241, %parallel_loop3A_242 : vector<16xf32>
        %parallel_loop3A_244 = arith.index_cast %parallel_loop3A_226 : i32 to index
        %parallel_loop3A_245 = arith.constant 16 : index
        %parallel_loop3A_246 = tpu.vector_load %arg21[%parallel_loop3A_244, %parallel_loop3A_245] {strides = array<i32>} : memref<128x32xf32, #tpu.memory_space<vmem>>, vector<16xf32>,
        tpu.vector_store %arg21[%parallel_loop3A_244, %parallel_loop3A_245], %parallel_loop3A_243 {strides = array<i32>} : memref<128x32xf32, #tpu.memory_space<vmem>>, vector<16xf32>,
      } {sc.loop_unroll_factor = 8 : i64, sc.parallel_access}
      %sub3A = arith.constant 1 : i32
      %sub3A_163 = arith.subi %select_n3A_95, %sub3A : i32
      %lt3A = arith.cmpi slt, %while3A_117, %sub3A_163 : i32
      %convert_element_type3A_164 = arith.extui %lt3A : i1 to i32
      %cond3A_165 = arith.constant 0 : i32
      %cond3A_166 = arith.cmpi ne, %convert_element_type3A_164, %cond3A_165 : i32
      scf.if %cond3A_166 {
        %add3A_226 = arith.constant 2 : i32
        %add3A_227 = arith.addi %add3A_122, %add3A_226 : i32
        %dma_start3A_228 = arith.constant 0 : i32
        %dma_start3A_229 = arith.constant 0 : i32
        %dma_start3A_230 = tpu.memref_slice %arg19[%dma_start3A_228, %dma_start3A_229] : memref<128x32xf32, #tpu.memory_space<vmem>> -> memref<64x32xf32, #tpu.memory_space<vmem>>
        %dma_start3A_231 = arith.constant 0 : i32
        %dma_start3A_232 = tpu.memref_slice %arg12[%add3A_227, %dma_start3A_231] : memref<104x128xi32, #tpu.memory_space<vmem>> -> memref<1x64xi32, #tpu.memory_space<vmem>>
        %dma_start3A_233 = tpu.memref_squeeze %dma_start3A_232 : memref<1x64xi32, #tpu.memory_space<vmem>> -> memref<64xi32, #tpu.memory_space<vmem>>
        %dma_start3A_234 = arith.constant 0 : i32
        %dma_start3A_235 = arith.constant 0 : i32
        %dma_start3A_236 = tpu.memref_slice %arg2[%dma_start3A_234, %dma_start3A_235] : memref<20000x32xf32, #tpu.memory_space<hbm>> -> memref<20000x32xf32, #tpu.memory_space<hbm>>
        tpu.enqueue_indirect_dma source(%dma_start3A_236 : memref<20000x32xf32, #tpu.memory_space<hbm>>) target(%dma_start3A_230 : memref<64x32xf32, #tpu.memory_space<vmem>>) offsets(%dma_start3A_233 : memref<64xi32, #tpu.memory_space<vmem>>) semaphore(%arg23 : memref<!tpu.dma_semaphore, #tpu.memory_space<semaphore_mem>>)
        %add3A_237 = arith.constant 2 : i32
        %add3A_238 = arith.addi %add3A_122, %add3A_237 : i32
        %dma_start3A_239 = arith.constant 64 : i32
        %dma_start3A_240 = arith.constant 0 : i32
        %dma_start3A_241 = tpu.memref_slice %arg19[%dma_start3A_239, %dma_start3A_240] : memref<128x32xf32, #tpu.memory_space<vmem>> -> memref<64x32xf32, #tpu.memory_space<vmem>>
        %dma_start3A_242 = arith.constant 64 : i32
        %dma_start3A_243 = tpu.memref_slice %arg12[%add3A_238, %dma_start3A_242] : memref<104x128xi32, #tpu.memory_space<vmem>> -> memref<1x64xi32, #tpu.memory_space<vmem>>
        %dma_start3A_244 = tpu.memref_squeeze %dma_start3A_243 : memref<1x64xi32, #tpu.memory_space<vmem>> -> memref<64xi32, #tpu.memory_space<vmem>>
        %dma_start3A_245 = arith.constant 0 : i32
        %dma_start3A_246 = arith.constant 0 : i32
        %dma_start3A_247 = tpu.memref_slice %arg2[%dma_start3A_245, %dma_start3A_246] : memref<20000x32xf32, #tpu.memory_space<hbm>> -> memref<20000x32xf32, #tpu.memory_space<hbm>>
        tpu.enqueue_indirect_dma source(%dma_start3A_247 : memref<20000x32xf32, #tpu.memory_space<hbm>>) target(%dma_start3A_241 : memref<64x32xf32, #tpu.memory_space<vmem>>) offsets(%dma_start3A_244 : memref<64xi32, #tpu.memory_space<vmem>>) semaphore(%arg25 : memref<!tpu.dma_semaphore, #tpu.memory_space<semaphore_mem>>)
      } else {
      }
      %dma_start3A_167 = arith.constant 0 : i32
      %dma_start3A_168 = arith.constant 0 : i32
      %dma_start3A_169 = tpu.memref_slice %arg29[%dma_start3A_167, %dma_start3A_168] : memref<10000x32xf32, #tpu.memory_space<vmem_shared>> -> memref<10000x32xf32, #tpu.memory_space<vmem_shared>>
      tpu.enqueue_indirect_dma source(%arg21 : memref<128x32xf32, #tpu.memory_space<vmem>>) target(%dma_start3A_169 : memref<10000x32xf32, #tpu.memory_space<vmem_shared>>) offsets(%arg17 : memref<128xi32, #tpu.memory_space<vmem>>) semaphore(%arg27 : memref<!tpu.dma_semaphore, #tpu.memory_space<semaphore_mem>>) {add = true}
      %mul3A_170 = arith.constant 2 : i32
      %mul3A_171 = arith.muli %while3A_117, %mul3A_170 : i32
      %add3A_172 = arith.constant 1 : i32
      %add3A_173 = arith.addi %mul3A_171, %add3A_172 : i32
      %dma_wait3A_174 = arith.constant 1 : i32
      %dma_wait3A_175 = arith.constant 0 : i32
      %dma_wait3A_176 = arith.constant 0 : i32
      %dma_wait3A_177 = tpu.memref_slice %arg20[%dma_wait3A_175, %dma_wait3A_176] : memref<128x32xf32, #tpu.memory_space<vmem>> -> memref<64x32xf32, #tpu.memory_space<vmem>>
      %dma_wait3A_178 = arith.constant 0 : i32
      %dma_wait3A_179 = tpu.memref_slice %arg12[%dma_wait3A_174, %dma_wait3A_178] : memref<104x128xi32, #tpu.memory_space<vmem>> -> memref<1x64xi32, #tpu.memory_space<vmem>>
      %dma_wait3A_180 = tpu.memref_squeeze %dma_wait3A_179 : memref<1x64xi32, #tpu.memory_space<vmem>> -> memref<64xi32, #tpu.memory_space<vmem>>
      %dma_wait3A_181 = arith.constant 0 : i32
      %dma_wait3A_182 = arith.constant 0 : i32
      %dma_wait3A_183 = tpu.memref_slice %arg2[%dma_wait3A_181, %dma_wait3A_182] : memref<20000x32xf32, #tpu.memory_space<hbm>> -> memref<20000x32xf32, #tpu.memory_space<hbm>>
      tpu.wait_indirect_dma semaphore(%arg24 : memref<!tpu.dma_semaphore, #tpu.memory_space<semaphore_mem>>) src(%dma_wait3A_183 : memref<20000x32xf32, #tpu.memory_space<hbm>>) dst(%dma_wait3A_177 : memref<64x32xf32, #tpu.memory_space<vmem>>)
      %dma_wait3A_184 = arith.constant 1 : i32
      %dma_wait3A_185 = arith.constant 64 : i32
      %dma_wait3A_186 = arith.constant 0 : i32
      %dma_wait3A_187 = tpu.memref_slice %arg20[%dma_wait3A_185, %dma_wait3A_186] : memref<128x32xf32, #tpu.memory_space<vmem>> -> memref<64x32xf32, #tpu.memory_space<vmem>>
      %dma_wait3A_188 = arith.constant 64 : i32
      %dma_wait3A_189 = tpu.memref_slice %arg12[%dma_wait3A_184, %dma_wait3A_188] : memref<104x128xi32, #tpu.memory_space<vmem>> -> memref<1x64xi32, #tpu.memory_space<vmem>>
      %dma_wait3A_190 = tpu.memref_squeeze %dma_wait3A_189 : memref<1x64xi32, #tpu.memory_space<vmem>> -> memref<64xi32, #tpu.memory_space<vmem>>
      %dma_wait3A_191 = arith.constant 0 : i32
      %dma_wait3A_192 = arith.constant 0 : i32
      %dma_wait3A_193 = tpu.memref_slice %arg2[%dma_wait3A_191, %dma_wait3A_192] : memref<20000x32xf32, #tpu.memory_space<hbm>> -> memref<20000x32xf32, #tpu.memory_space<hbm>>
      tpu.wait_indirect_dma semaphore(%arg26 : memref<!tpu.dma_semaphore, #tpu.memory_space<semaphore_mem>>) src(%dma_wait3A_193 : memref<20000x32xf32, #tpu.memory_space<hbm>>) dst(%dma_wait3A_187 : memref<64x32xf32, #tpu.memory_space<vmem>>)
      %gt3A_194 = arith.constant 0 : i32
      %gt3A_195 = arith.cmpi sgt, %while3A_117, %gt3A_194 : i32
      %convert_element_type3A_196 = arith.extui %gt3A_195 : i1 to i32
      %cond3A_197 = arith.constant 0 : i32
      %cond3A_198 = arith.cmpi ne, %convert_element_type3A_196, %cond3A_197 : i32
      scf.if %cond3A_198 {
        %dma_wait3A_226 = arith.constant 0 : i32
        %dma_wait3A_227 = arith.constant 0 : i32
        %dma_wait3A_228 = tpu.memref_slice %arg29[%dma_wait3A_226, %dma_wait3A_227] : memref<10000x32xf32, #tpu.memory_space<vmem_shared>> -> memref<10000x32xf32, #tpu.memory_space<vmem_shared>>
        tpu.wait_indirect_dma semaphore(%arg28 : memref<!tpu.dma_semaphore, #tpu.memory_space<semaphore_mem>>) src(%arg22 : memref<128x32xf32, #tpu.memory_space<vmem>>) dst(%dma_wait3A_228 : memref<10000x32xf32, #tpu.memory_space<vmem_shared>>)
      } else {
      }
      %scan3A_199 = arith.constant 0 : i32
      %scan3A_200 = arith.constant 0 : i32
      %scan3A_201 = arith.constant 8 : i32
      %scan3A_202 = arith.addi %scan3A_200, %scan3A_201 : i32
      %scan3A_203 = arith.constant 1 : i32
      %scan3A_204 = scf.for %scan3A_226 = %scan3A_200 to %scan3A_202 step %scan3A_203 iter_args(%scan3A_227 = %scan3A_199) -> (i32)  : i32 {
        %mul3A_228 = arith.constant 16 : i32
        %mul3A_229 = arith.muli %scan3A_226, %mul3A_228 : i32
        %get3A = arith.index_cast %add3A_173 : i32 to index
        %get3A_230 = arith.index_cast %mul3A_229 : i32 to index
        %get3A_231 = tpu.vector_load %arg14[%get3A, %get3A_230] {strides = array<i32>} : memref<104x128xi32, #tpu.memory_space<vmem>>, vector<16xi32>,
        %mul3A_232 = arith.constant 16 : i32
        %mul3A_233 = arith.muli %scan3A_226, %mul3A_232 : i32
        %swap3A_234 = arith.index_cast %mul3A_233 : i32 to index
        %swap3A_235 = tpu.vector_load %arg18[%swap3A_234] {strides = array<i32>} : memref<128xi32, #tpu.memory_space<vmem>>, vector<16xi32>,
        tpu.vector_store %arg18[%swap3A_234], %get3A_231 {strides = array<i32>} : memref<128xi32, #tpu.memory_space<vmem>>, vector<16xi32>,
        %scan3A_236 = arith.constant 0 : i32
        scf.yield %scan3A_236 : i32
      }
      %scan3A_205 = arith.constant 8 : i32
      %scan3A_206 = arith.constant 0 : i32
      %scan3A_207 = arith.constant 0 : i32
      %scan3A_208 = arith.constant 8 : i32
      %scan3A_209 = arith.addi %scan3A_207, %scan3A_208 : i32
      %scan3A_210 = arith.constant 1 : i32
      %scan3A_211 = scf.for %scan3A_226 = %scan3A_207 to %scan3A_209 step %scan3A_210 iter_args(%scan3A_227 = %scan3A_206) -> (i32)  : i32 {
        %mul3A_228 = arith.constant 16 : i32
        %mul3A_229 = arith.muli %scan3A_226, %mul3A_228 : i32
        %get3A = arith.index_cast %add3A_173 : i32 to index
        %get3A_230 = arith.index_cast %mul3A_229 : i32 to index
        %get3A_231 = tpu.vector_load %arg13[%get3A, %get3A_230] {strides = array<i32>} : memref<104x128xi32, #tpu.memory_space<vmem>>, vector<16xi32>,
        %mul3A_232 = arith.constant 16 : i32
        %mul3A_233 = arith.muli %scan3A_226, %mul3A_232 : i32
        %get3A_234 = arith.index_cast %add3A_173 : i32 to index
        %get3A_235 = arith.index_cast %mul3A_233 : i32 to index
        %get3A_236 = tpu.vector_load %arg12[%get3A_234, %get3A_235] {strides = array<i32>} : memref<104x128xi32, #tpu.memory_space<vmem>>, vector<16xi32>,
        %mul3A_237 = arith.constant 16 : i32
        %mul3A_238 = arith.muli %scan3A_226, %mul3A_237 : i32
        %get3A_239 = arith.index_cast %mul3A_238 : i32 to index
        %get3A_240 = tpu.vector_load %arg18[%get3A_239] {strides = array<i32>} : memref<128xi32, #tpu.memory_space<vmem>>, vector<16xi32>,
        %gather3A = tpu.vector_load_idx %arg10[%get3A_231] : memref<20008xf32, #tpu.memory_space<vmem>>[vector<16xi32>], vector<16xf32>,
        %gather3A_241 = tpu.vector_load_idx %arg11[%get3A_236] : memref<20008xf32, #tpu.memory_space<vmem>>[vector<16xi32>], vector<16xf32>,
        %add3A_242 = arith.addf %gather3A, %gather3A_241 : vector<16xf32>
        %mul3A_243 = arith.constant 2.000000e-01 : f32
        %mul3A_244 = vector.broadcast %mul3A_243 : f32 to vector<16xf32>
        %mul3A_245 = arith.mulf %mul3A_244, %add3A_242 : vector<16xf32>
        %max3A = arith.maximumf %add3A_242, %mul3A_245 : vector<16xf32>
        %exp3A = math.exp %max3A : vector<16xf32>
        %mul3A_246 = arith.constant 16 : i32
        %mul3A_247 = arith.muli %scan3A_226, %mul3A_246 : i32
        %swap3A_248 = arith.index_cast %mul3A_247 : i32 to index
        %swap3A_249 = tpu.vector_load %arg15[%swap3A_248] {strides = array<i32>} : memref<144xf32, #tpu.memory_space<vmem>>, vector<16xf32>,
        tpu.vector_store %arg15[%swap3A_248], %exp3A {strides = array<i32>} : memref<144xf32, #tpu.memory_space<vmem>>, vector<16xf32>,
        tpu.vector_store_idx %arg16[%get3A_240], %exp3A {add = true} : memref<10000xf32, #tpu.memory_space<vmem>>[vector<16xi32>], vector<16xf32>,
        %scan3A_250 = arith.constant 0 : i32
        scf.yield %scan3A_250 : i32
      }
      %scan3A_212 = arith.constant 8 : i32
      %parallel_loop3A_213 = arith.constant 0 : i32
      %parallel_loop3A_214 = arith.constant 128 : i32
      %parallel_loop3A_215 = arith.constant 1 : i32
      scf.for %parallel_loop3A_226 = %parallel_loop3A_213 to %parallel_loop3A_214 step %parallel_loop3A_215  : i32 {
        %parallel_loop3A_227 = arith.index_cast %parallel_loop3A_226 : i32 to index
        %parallel_loop3A_228 = tpu.vector_load %arg15[%parallel_loop3A_227] {strides = array<i32>} : memref<144xf32, #tpu.memory_space<vmem>>, vector<16xf32>,
        %parallel_loop3A_229 = vector.extract_strided_slice %parallel_loop3A_228 {offsets = [0], sizes = [1], strides = [1]} : vector<16xf32> to vector<1xf32>
        %parallel_loop3A_230 = vector.extract %parallel_loop3A_229[0] : f32 from vector<1xf32>
        %parallel_loop3A_231 = arith.index_cast %parallel_loop3A_226 : i32 to index
        %parallel_loop3A_232 = arith.constant 0 : index
        %parallel_loop3A_233 = tpu.vector_load %arg20[%parallel_loop3A_231, %parallel_loop3A_232] {strides = array<i32>} : memref<128x32xf32, #tpu.memory_space<vmem>>, vector<16xf32>,
        %parallel_loop3A_234 = vector.broadcast %parallel_loop3A_230 : f32 to vector<16xf32>
        %parallel_loop3A_235 = arith.mulf %parallel_loop3A_233, %parallel_loop3A_234 : vector<16xf32>
        %parallel_loop3A_236 = arith.index_cast %parallel_loop3A_226 : i32 to index
        %parallel_loop3A_237 = arith.constant 0 : index
        %parallel_loop3A_238 = tpu.vector_load %arg22[%parallel_loop3A_236, %parallel_loop3A_237] {strides = array<i32>} : memref<128x32xf32, #tpu.memory_space<vmem>>, vector<16xf32>,
        tpu.vector_store %arg22[%parallel_loop3A_236, %parallel_loop3A_237], %parallel_loop3A_235 {strides = array<i32>} : memref<128x32xf32, #tpu.memory_space<vmem>>, vector<16xf32>,
        %parallel_loop3A_239 = arith.index_cast %parallel_loop3A_226 : i32 to index
        %parallel_loop3A_240 = arith.constant 16 : index
        %parallel_loop3A_241 = tpu.vector_load %arg20[%parallel_loop3A_239, %parallel_loop3A_240] {strides = array<i32>} : memref<128x32xf32, #tpu.memory_space<vmem>>, vector<16xf32>,
        %parallel_loop3A_242 = vector.broadcast %parallel_loop3A_230 : f32 to vector<16xf32>
        %parallel_loop3A_243 = arith.mulf %parallel_loop3A_241, %parallel_loop3A_242 : vector<16xf32>
        %parallel_loop3A_244 = arith.index_cast %parallel_loop3A_226 : i32 to index
        %parallel_loop3A_245 = arith.constant 16 : index
        %parallel_loop3A_246 = tpu.vector_load %arg22[%parallel_loop3A_244, %parallel_loop3A_245] {strides = array<i32>} : memref<128x32xf32, #tpu.memory_space<vmem>>, vector<16xf32>,
        tpu.vector_store %arg22[%parallel_loop3A_244, %parallel_loop3A_245], %parallel_loop3A_243 {strides = array<i32>} : memref<128x32xf32, #tpu.memory_space<vmem>>, vector<16xf32>,
      } {sc.loop_unroll_factor = 8 : i64, sc.parallel_access}
      %sub3A_216 = arith.constant 1 : i32
      %sub3A_217 = arith.subi %select_n3A_95, %sub3A_216 : i32
      %lt3A_218 = arith.cmpi slt, %while3A_117, %sub3A_217 : i32
      %convert_element_type3A_219 = arith.extui %lt3A_218 : i1 to i32
      %cond3A_220 = arith.constant 0 : i32
      %cond3A_221 = arith.cmpi ne, %convert_element_type3A_219, %cond3A_220 : i32
      scf.if %cond3A_221 {
        %add3A_226 = arith.constant 2 : i32
        %add3A_227 = arith.addi %add3A_173, %add3A_226 : i32
        %dma_start3A_228 = arith.constant 0 : i32
        %dma_start3A_229 = arith.constant 0 : i32
        %dma_start3A_230 = tpu.memref_slice %arg20[%dma_start3A_228, %dma_start3A_229] : memref<128x32xf32, #tpu.memory_space<vmem>> -> memref<64x32xf32, #tpu.memory_space<vmem>>
        %dma_start3A_231 = arith.constant 0 : i32
        %dma_start3A_232 = tpu.memref_slice %arg12[%add3A_227, %dma_start3A_231] : memref<104x128xi32, #tpu.memory_space<vmem>> -> memref<1x64xi32, #tpu.memory_space<vmem>>
        %dma_start3A_233 = tpu.memref_squeeze %dma_start3A_232 : memref<1x64xi32, #tpu.memory_space<vmem>> -> memref<64xi32, #tpu.memory_space<vmem>>
        %dma_start3A_234 = arith.constant 0 : i32
        %dma_start3A_235 = arith.constant 0 : i32
        %dma_start3A_236 = tpu.memref_slice %arg2[%dma_start3A_234, %dma_start3A_235] : memref<20000x32xf32, #tpu.memory_space<hbm>> -> memref<20000x32xf32, #tpu.memory_space<hbm>>
        tpu.enqueue_indirect_dma source(%dma_start3A_236 : memref<20000x32xf32, #tpu.memory_space<hbm>>) target(%dma_start3A_230 : memref<64x32xf32, #tpu.memory_space<vmem>>) offsets(%dma_start3A_233 : memref<64xi32, #tpu.memory_space<vmem>>) semaphore(%arg24 : memref<!tpu.dma_semaphore, #tpu.memory_space<semaphore_mem>>)
        %add3A_237 = arith.constant 2 : i32
        %add3A_238 = arith.addi %add3A_173, %add3A_237 : i32
        %dma_start3A_239 = arith.constant 64 : i32
        %dma_start3A_240 = arith.constant 0 : i32
        %dma_start3A_241 = tpu.memref_slice %arg20[%dma_start3A_239, %dma_start3A_240] : memref<128x32xf32, #tpu.memory_space<vmem>> -> memref<64x32xf32, #tpu.memory_space<vmem>>
        %dma_start3A_242 = arith.constant 64 : i32
        %dma_start3A_243 = tpu.memref_slice %arg12[%add3A_238, %dma_start3A_242] : memref<104x128xi32, #tpu.memory_space<vmem>> -> memref<1x64xi32, #tpu.memory_space<vmem>>
        %dma_start3A_244 = tpu.memref_squeeze %dma_start3A_243 : memref<1x64xi32, #tpu.memory_space<vmem>> -> memref<64xi32, #tpu.memory_space<vmem>>
        %dma_start3A_245 = arith.constant 0 : i32
        %dma_start3A_246 = arith.constant 0 : i32
        %dma_start3A_247 = tpu.memref_slice %arg2[%dma_start3A_245, %dma_start3A_246] : memref<20000x32xf32, #tpu.memory_space<hbm>> -> memref<20000x32xf32, #tpu.memory_space<hbm>>
        tpu.enqueue_indirect_dma source(%dma_start3A_247 : memref<20000x32xf32, #tpu.memory_space<hbm>>) target(%dma_start3A_241 : memref<64x32xf32, #tpu.memory_space<vmem>>) offsets(%dma_start3A_244 : memref<64xi32, #tpu.memory_space<vmem>>) semaphore(%arg26 : memref<!tpu.dma_semaphore, #tpu.memory_space<semaphore_mem>>)
      } else {
      }
      %dma_start3A_222 = arith.constant 0 : i32
      %dma_start3A_223 = arith.constant 0 : i32
      %dma_start3A_224 = tpu.memref_slice %arg29[%dma_start3A_222, %dma_start3A_223] : memref<10000x32xf32, #tpu.memory_space<vmem_shared>> -> memref<10000x32xf32, #tpu.memory_space<vmem_shared>>
      tpu.enqueue_indirect_dma source(%arg22 : memref<128x32xf32, #tpu.memory_space<vmem>>) target(%dma_start3A_224 : memref<10000x32xf32, #tpu.memory_space<vmem_shared>>) offsets(%arg18 : memref<128xi32, #tpu.memory_space<vmem>>) semaphore(%arg28 : memref<!tpu.dma_semaphore, #tpu.memory_space<semaphore_mem>>) {add = true}
      %while3A_225 = arith.constant 0 : i32
      scf.yield %while3A_225 : i32
    }
    %while3A_105 = arith.constant 1 : i32
    %while3A_106 = scf.for %while3A_117 = %while3A_102 to %while3A_98 step %while3A_105 iter_args(%while3A_118 = %while3A_104) -> (i32)  : i32 {
      %mul3A_119 = arith.constant 2 : i32
      %mul3A_120 = arith.muli %while3A_117, %mul3A_119 : i32
      %add3A_121 = arith.constant 0 : i32
      %add3A_122 = arith.addi %mul3A_120, %add3A_121 : i32
      %dma_wait3A_123 = arith.constant 0 : i32
      %dma_wait3A_124 = arith.constant 0 : i32
      %dma_wait3A_125 = arith.constant 0 : i32
      %dma_wait3A_126 = tpu.memref_slice %arg19[%dma_wait3A_124, %dma_wait3A_125] : memref<128x32xf32, #tpu.memory_space<vmem>> -> memref<64x32xf32, #tpu.memory_space<vmem>>
      %dma_wait3A_127 = arith.constant 0 : i32
      %dma_wait3A_128 = tpu.memref_slice %arg12[%dma_wait3A_123, %dma_wait3A_127] : memref<104x128xi32, #tpu.memory_space<vmem>> -> memref<1x64xi32, #tpu.memory_space<vmem>>
      %dma_wait3A_129 = tpu.memref_squeeze %dma_wait3A_128 : memref<1x64xi32, #tpu.memory_space<vmem>> -> memref<64xi32, #tpu.memory_space<vmem>>
      %dma_wait3A_130 = arith.constant 0 : i32
      %dma_wait3A_131 = arith.constant 0 : i32
      %dma_wait3A_132 = tpu.memref_slice %arg2[%dma_wait3A_130, %dma_wait3A_131] : memref<20000x32xf32, #tpu.memory_space<hbm>> -> memref<20000x32xf32, #tpu.memory_space<hbm>>
      tpu.wait_indirect_dma semaphore(%arg23 : memref<!tpu.dma_semaphore, #tpu.memory_space<semaphore_mem>>) src(%dma_wait3A_132 : memref<20000x32xf32, #tpu.memory_space<hbm>>) dst(%dma_wait3A_126 : memref<64x32xf32, #tpu.memory_space<vmem>>)
      %dma_wait3A_133 = arith.constant 0 : i32
      %dma_wait3A_134 = arith.constant 64 : i32
      %dma_wait3A_135 = arith.constant 0 : i32
      %dma_wait3A_136 = tpu.memref_slice %arg19[%dma_wait3A_134, %dma_wait3A_135] : memref<128x32xf32, #tpu.memory_space<vmem>> -> memref<64x32xf32, #tpu.memory_space<vmem>>
      %dma_wait3A_137 = arith.constant 64 : i32
      %dma_wait3A_138 = tpu.memref_slice %arg12[%dma_wait3A_133, %dma_wait3A_137] : memref<104x128xi32, #tpu.memory_space<vmem>> -> memref<1x64xi32, #tpu.memory_space<vmem>>
      %dma_wait3A_139 = tpu.memref_squeeze %dma_wait3A_138 : memref<1x64xi32, #tpu.memory_space<vmem>> -> memref<64xi32, #tpu.memory_space<vmem>>
      %dma_wait3A_140 = arith.constant 0 : i32
      %dma_wait3A_141 = arith.constant 0 : i32
      %dma_wait3A_142 = tpu.memref_slice %arg2[%dma_wait3A_140, %dma_wait3A_141] : memref<20000x32xf32, #tpu.memory_space<hbm>> -> memref<20000x32xf32, #tpu.memory_space<hbm>>
      tpu.wait_indirect_dma semaphore(%arg25 : memref<!tpu.dma_semaphore, #tpu.memory_space<semaphore_mem>>) src(%dma_wait3A_142 : memref<20000x32xf32, #tpu.memory_space<hbm>>) dst(%dma_wait3A_136 : memref<64x32xf32, #tpu.memory_space<vmem>>)
      %gt3A = arith.constant 0 : i32
      %gt3A_143 = arith.cmpi sgt, %while3A_117, %gt3A : i32
      %convert_element_type3A_144 = arith.extui %gt3A_143 : i1 to i32
      %cond3A_145 = arith.constant 0 : i32
      %cond3A_146 = arith.cmpi ne, %convert_element_type3A_144, %cond3A_145 : i32
      scf.if %cond3A_146 {
        %dma_wait3A_226 = arith.constant 0 : i32
        %dma_wait3A_227 = arith.constant 0 : i32
        %dma_wait3A_228 = tpu.memref_slice %arg29[%dma_wait3A_226, %dma_wait3A_227] : memref<10000x32xf32, #tpu.memory_space<vmem_shared>> -> memref<10000x32xf32, #tpu.memory_space<vmem_shared>>
        tpu.wait_indirect_dma semaphore(%arg27 : memref<!tpu.dma_semaphore, #tpu.memory_space<semaphore_mem>>) src(%arg21 : memref<128x32xf32, #tpu.memory_space<vmem>>) dst(%dma_wait3A_228 : memref<10000x32xf32, #tpu.memory_space<vmem_shared>>)
      } else {
      }
      %scan3A_147 = arith.constant 0 : i32
      %scan3A_148 = arith.constant 0 : i32
      %scan3A_149 = arith.constant 8 : i32
      %scan3A_150 = arith.addi %scan3A_148, %scan3A_149 : i32
      %scan3A_151 = arith.constant 1 : i32
      %scan3A_152 = scf.for %scan3A_226 = %scan3A_148 to %scan3A_150 step %scan3A_151 iter_args(%scan3A_227 = %scan3A_147) -> (i32)  : i32 {
        %mul3A_228 = arith.constant 16 : i32
        %mul3A_229 = arith.muli %scan3A_226, %mul3A_228 : i32
        %get3A = arith.index_cast %add3A_122 : i32 to index
        %get3A_230 = arith.index_cast %mul3A_229 : i32 to index
        %get3A_231 = tpu.vector_load %arg14[%get3A, %get3A_230] {strides = array<i32>} : memref<104x128xi32, #tpu.memory_space<vmem>>, vector<16xi32>,
        %mul3A_232 = arith.constant 16 : i32
        %mul3A_233 = arith.muli %scan3A_226, %mul3A_232 : i32
        %swap3A_234 = arith.index_cast %mul3A_233 : i32 to index
        %swap3A_235 = tpu.vector_load %arg17[%swap3A_234] {strides = array<i32>} : memref<128xi32, #tpu.memory_space<vmem>>, vector<16xi32>,
        tpu.vector_store %arg17[%swap3A_234], %get3A_231 {strides = array<i32>} : memref<128xi32, #tpu.memory_space<vmem>>, vector<16xi32>,
        %scan3A_236 = arith.constant 0 : i32
        scf.yield %scan3A_236 : i32
      }
      %scan3A_153 = arith.constant 8 : i32
      %scan3A_154 = arith.constant 0 : i32
      %scan3A_155 = arith.constant 0 : i32
      %scan3A_156 = arith.constant 8 : i32
      %scan3A_157 = arith.addi %scan3A_155, %scan3A_156 : i32
      %scan3A_158 = arith.constant 1 : i32
      %scan3A_159 = scf.for %scan3A_226 = %scan3A_155 to %scan3A_157 step %scan3A_158 iter_args(%scan3A_227 = %scan3A_154) -> (i32)  : i32 {
        %mul3A_228 = arith.constant 16 : i32
        %mul3A_229 = arith.muli %scan3A_226, %mul3A_228 : i32
        %get3A = arith.index_cast %add3A_122 : i32 to index
        %get3A_230 = arith.index_cast %mul3A_229 : i32 to index
        %get3A_231 = tpu.vector_load %arg13[%get3A, %get3A_230] {strides = array<i32>} : memref<104x128xi32, #tpu.memory_space<vmem>>, vector<16xi32>,
        %mul3A_232 = arith.constant 16 : i32
        %mul3A_233 = arith.muli %scan3A_226, %mul3A_232 : i32
        %get3A_234 = arith.index_cast %add3A_122 : i32 to index
        %get3A_235 = arith.index_cast %mul3A_233 : i32 to index
        %get3A_236 = tpu.vector_load %arg12[%get3A_234, %get3A_235] {strides = array<i32>} : memref<104x128xi32, #tpu.memory_space<vmem>>, vector<16xi32>,
        %mul3A_237 = arith.constant 16 : i32
        %mul3A_238 = arith.muli %scan3A_226, %mul3A_237 : i32
        %get3A_239 = arith.index_cast %mul3A_238 : i32 to index
        %get3A_240 = tpu.vector_load %arg17[%get3A_239] {strides = array<i32>} : memref<128xi32, #tpu.memory_space<vmem>>, vector<16xi32>,
        %gather3A = tpu.vector_load_idx %arg10[%get3A_231] : memref<20008xf32, #tpu.memory_space<vmem>>[vector<16xi32>], vector<16xf32>,
        %gather3A_241 = tpu.vector_load_idx %arg11[%get3A_236] : memref<20008xf32, #tpu.memory_space<vmem>>[vector<16xi32>], vector<16xf32>,
        %add3A_242 = arith.addf %gather3A, %gather3A_241 : vector<16xf32>
        %mul3A_243 = arith.constant 2.000000e-01 : f32
        %mul3A_244 = vector.broadcast %mul3A_243 : f32 to vector<16xf32>
        %mul3A_245 = arith.mulf %mul3A_244, %add3A_242 : vector<16xf32>
        %max3A = arith.maximumf %add3A_242, %mul3A_245 : vector<16xf32>
        %exp3A = math.exp %max3A : vector<16xf32>
        %mul3A_246 = arith.constant 16 : i32
        %mul3A_247 = arith.muli %scan3A_226, %mul3A_246 : i32
        %swap3A_248 = arith.index_cast %mul3A_247 : i32 to index
        %swap3A_249 = tpu.vector_load %arg15[%swap3A_248] {strides = array<i32>} : memref<144xf32, #tpu.memory_space<vmem>>, vector<16xf32>,
        tpu.vector_store %arg15[%swap3A_248], %exp3A {strides = array<i32>} : memref<144xf32, #tpu.memory_space<vmem>>, vector<16xf32>,
        tpu.vector_store_idx %arg16[%get3A_240], %exp3A {add = true} : memref<10000xf32, #tpu.memory_space<vmem>>[vector<16xi32>], vector<16xf32>,
        %scan3A_250 = arith.constant 0 : i32
        scf.yield %scan3A_250 : i32
      }
      %scan3A_160 = arith.constant 8 : i32
      %parallel_loop3A = arith.constant 0 : i32
      %parallel_loop3A_161 = arith.constant 128 : i32
      %parallel_loop3A_162 = arith.constant 1 : i32
      scf.for %parallel_loop3A_226 = %parallel_loop3A to %parallel_loop3A_161 step %parallel_loop3A_162  : i32 {
        %parallel_loop3A_227 = arith.index_cast %parallel_loop3A_226 : i32 to index
        %parallel_loop3A_228 = tpu.vector_load %arg15[%parallel_loop3A_227] {strides = array<i32>} : memref<144xf32, #tpu.memory_space<vmem>>, vector<16xf32>,
        %parallel_loop3A_229 = vector.extract_strided_slice %parallel_loop3A_228 {offsets = [0], sizes = [1], strides = [1]} : vector<16xf32> to vector<1xf32>
        %parallel_loop3A_230 = vector.extract %parallel_loop3A_229[0] : f32 from vector<1xf32>
        %parallel_loop3A_231 = arith.index_cast %parallel_loop3A_226 : i32 to index
        %parallel_loop3A_232 = arith.constant 0 : index
        %parallel_loop3A_233 = tpu.vector_load %arg19[%parallel_loop3A_231, %parallel_loop3A_232] {strides = array<i32>} : memref<128x32xf32, #tpu.memory_space<vmem>>, vector<16xf32>,
        %parallel_loop3A_234 = vector.broadcast %parallel_loop3A_230 : f32 to vector<16xf32>
        %parallel_loop3A_235 = arith.mulf %parallel_loop3A_233, %parallel_loop3A_234 : vector<16xf32>
        %parallel_loop3A_236 = arith.index_cast %parallel_loop3A_226 : i32 to index
        %parallel_loop3A_237 = arith.constant 0 : index
        %parallel_loop3A_238 = tpu.vector_load %arg21[%parallel_loop3A_236, %parallel_loop3A_237] {strides = array<i32>} : memref<128x32xf32, #tpu.memory_space<vmem>>, vector<16xf32>,
        tpu.vector_store %arg21[%parallel_loop3A_236, %parallel_loop3A_237], %parallel_loop3A_235 {strides = array<i32>} : memref<128x32xf32, #tpu.memory_space<vmem>>, vector<16xf32>,
        %parallel_loop3A_239 = arith.index_cast %parallel_loop3A_226 : i32 to index
        %parallel_loop3A_240 = arith.constant 16 : index
        %parallel_loop3A_241 = tpu.vector_load %arg19[%parallel_loop3A_239, %parallel_loop3A_240] {strides = array<i32>} : memref<128x32xf32, #tpu.memory_space<vmem>>, vector<16xf32>,
        %parallel_loop3A_242 = vector.broadcast %parallel_loop3A_230 : f32 to vector<16xf32>
        %parallel_loop3A_243 = arith.mulf %parallel_loop3A_241, %parallel_loop3A_242 : vector<16xf32>
        %parallel_loop3A_244 = arith.index_cast %parallel_loop3A_226 : i32 to index
        %parallel_loop3A_245 = arith.constant 16 : index
        %parallel_loop3A_246 = tpu.vector_load %arg21[%parallel_loop3A_244, %parallel_loop3A_245] {strides = array<i32>} : memref<128x32xf32, #tpu.memory_space<vmem>>, vector<16xf32>,
        tpu.vector_store %arg21[%parallel_loop3A_244, %parallel_loop3A_245], %parallel_loop3A_243 {strides = array<i32>} : memref<128x32xf32, #tpu.memory_space<vmem>>, vector<16xf32>,
      } {sc.loop_unroll_factor = 8 : i64, sc.parallel_access}
      %sub3A = arith.constant 1 : i32
      %sub3A_163 = arith.subi %select_n3A_95, %sub3A : i32
      %lt3A = arith.cmpi slt, %while3A_117, %sub3A_163 : i32
      %convert_element_type3A_164 = arith.extui %lt3A : i1 to i32
      %cond3A_165 = arith.constant 0 : i32
      %cond3A_166 = arith.cmpi ne, %convert_element_type3A_164, %cond3A_165 : i32
      scf.if %cond3A_166 {
        %add3A_226 = arith.constant 2 : i32
        %add3A_227 = arith.addi %add3A_122, %add3A_226 : i32
        %dma_start3A_228 = arith.constant 0 : i32
        %dma_start3A_229 = arith.constant 0 : i32
        %dma_start3A_230 = tpu.memref_slice %arg19[%dma_start3A_228, %dma_start3A_229] : memref<128x32xf32, #tpu.memory_space<vmem>> -> memref<64x32xf32, #tpu.memory_space<vmem>>
        %dma_start3A_231 = arith.constant 0 : i32
        %dma_start3A_232 = tpu.memref_slice %arg12[%add3A_227, %dma_start3A_231] : memref<104x128xi32, #tpu.memory_space<vmem>> -> memref<1x64xi32, #tpu.memory_space<vmem>>
        %dma_start3A_233 = tpu.memref_squeeze %dma_start3A_232 : memref<1x64xi32, #tpu.memory_space<vmem>> -> memref<64xi32, #tpu.memory_space<vmem>>
        %dma_start3A_234 = arith.constant 0 : i32
        %dma_start3A_235 = arith.constant 0 : i32
        %dma_start3A_236 = tpu.memref_slice %arg2[%dma_start3A_234, %dma_start3A_235] : memref<20000x32xf32, #tpu.memory_space<hbm>> -> memref<20000x32xf32, #tpu.memory_space<hbm>>
        tpu.enqueue_indirect_dma source(%dma_start3A_236 : memref<20000x32xf32, #tpu.memory_space<hbm>>) target(%dma_start3A_230 : memref<64x32xf32, #tpu.memory_space<vmem>>) offsets(%dma_start3A_233 : memref<64xi32, #tpu.memory_space<vmem>>) semaphore(%arg23 : memref<!tpu.dma_semaphore, #tpu.memory_space<semaphore_mem>>)
        %add3A_237 = arith.constant 2 : i32
        %add3A_238 = arith.addi %add3A_122, %add3A_237 : i32
        %dma_start3A_239 = arith.constant 64 : i32
        %dma_start3A_240 = arith.constant 0 : i32
        %dma_start3A_241 = tpu.memref_slice %arg19[%dma_start3A_239, %dma_start3A_240] : memref<128x32xf32, #tpu.memory_space<vmem>> -> memref<64x32xf32, #tpu.memory_space<vmem>>
        %dma_start3A_242 = arith.constant 64 : i32
        %dma_start3A_243 = tpu.memref_slice %arg12[%add3A_238, %dma_start3A_242] : memref<104x128xi32, #tpu.memory_space<vmem>> -> memref<1x64xi32, #tpu.memory_space<vmem>>
        %dma_start3A_244 = tpu.memref_squeeze %dma_start3A_243 : memref<1x64xi32, #tpu.memory_space<vmem>> -> memref<64xi32, #tpu.memory_space<vmem>>
        %dma_start3A_245 = arith.constant 0 : i32
        %dma_start3A_246 = arith.constant 0 : i32
        %dma_start3A_247 = tpu.memref_slice %arg2[%dma_start3A_245, %dma_start3A_246] : memref<20000x32xf32, #tpu.memory_space<hbm>> -> memref<20000x32xf32, #tpu.memory_space<hbm>>
        tpu.enqueue_indirect_dma source(%dma_start3A_247 : memref<20000x32xf32, #tpu.memory_space<hbm>>) target(%dma_start3A_241 : memref<64x32xf32, #tpu.memory_space<vmem>>) offsets(%dma_start3A_244 : memref<64xi32, #tpu.memory_space<vmem>>) semaphore(%arg25 : memref<!tpu.dma_semaphore, #tpu.memory_space<semaphore_mem>>)
      } else {
      }
      %dma_start3A_167 = arith.constant 0 : i32
      %dma_start3A_168 = arith.constant 0 : i32
      %dma_start3A_169 = tpu.memref_slice %arg29[%dma_start3A_167, %dma_start3A_168] : memref<10000x32xf32, #tpu.memory_space<vmem_shared>> -> memref<10000x32xf32, #tpu.memory_space<vmem_shared>>
      tpu.enqueue_indirect_dma source(%arg21 : memref<128x32xf32, #tpu.memory_space<vmem>>) target(%dma_start3A_169 : memref<10000x32xf32, #tpu.memory_space<vmem_shared>>) offsets(%arg17 : memref<128xi32, #tpu.memory_space<vmem>>) semaphore(%arg27 : memref<!tpu.dma_semaphore, #tpu.memory_space<semaphore_mem>>) {add = true}
      %mul3A_170 = arith.constant 2 : i32
      %mul3A_171 = arith.muli %while3A_117, %mul3A_170 : i32
      %add3A_172 = arith.constant 1 : i32
      %add3A_173 = arith.addi %mul3A_171, %add3A_172 : i32
      %dma_wait3A_174 = arith.constant 1 : i32
      %dma_wait3A_175 = arith.constant 0 : i32
      %dma_wait3A_176 = arith.constant 0 : i32
      %dma_wait3A_177 = tpu.memref_slice %arg20[%dma_wait3A_175, %dma_wait3A_176] : memref<128x32xf32, #tpu.memory_space<vmem>> -> memref<64x32xf32, #tpu.memory_space<vmem>>
      %dma_wait3A_178 = arith.constant 0 : i32
      %dma_wait3A_179 = tpu.memref_slice %arg12[%dma_wait3A_174, %dma_wait3A_178] : memref<104x128xi32, #tpu.memory_space<vmem>> -> memref<1x64xi32, #tpu.memory_space<vmem>>
      %dma_wait3A_180 = tpu.memref_squeeze %dma_wait3A_179 : memref<1x64xi32, #tpu.memory_space<vmem>> -> memref<64xi32, #tpu.memory_space<vmem>>
      %dma_wait3A_181 = arith.constant 0 : i32
      %dma_wait3A_182 = arith.constant 0 : i32
      %dma_wait3A_183 = tpu.memref_slice %arg2[%dma_wait3A_181, %dma_wait3A_182] : memref<20000x32xf32, #tpu.memory_space<hbm>> -> memref<20000x32xf32, #tpu.memory_space<hbm>>
      tpu.wait_indirect_dma semaphore(%arg24 : memref<!tpu.dma_semaphore, #tpu.memory_space<semaphore_mem>>) src(%dma_wait3A_183 : memref<20000x32xf32, #tpu.memory_space<hbm>>) dst(%dma_wait3A_177 : memref<64x32xf32, #tpu.memory_space<vmem>>)
      %dma_wait3A_184 = arith.constant 1 : i32
      %dma_wait3A_185 = arith.constant 64 : i32
      %dma_wait3A_186 = arith.constant 0 : i32
      %dma_wait3A_187 = tpu.memref_slice %arg20[%dma_wait3A_185, %dma_wait3A_186] : memref<128x32xf32, #tpu.memory_space<vmem>> -> memref<64x32xf32, #tpu.memory_space<vmem>>
      %dma_wait3A_188 = arith.constant 64 : i32
      %dma_wait3A_189 = tpu.memref_slice %arg12[%dma_wait3A_184, %dma_wait3A_188] : memref<104x128xi32, #tpu.memory_space<vmem>> -> memref<1x64xi32, #tpu.memory_space<vmem>>
      %dma_wait3A_190 = tpu.memref_squeeze %dma_wait3A_189 : memref<1x64xi32, #tpu.memory_space<vmem>> -> memref<64xi32, #tpu.memory_space<vmem>>
      %dma_wait3A_191 = arith.constant 0 : i32
      %dma_wait3A_192 = arith.constant 0 : i32
      %dma_wait3A_193 = tpu.memref_slice %arg2[%dma_wait3A_191, %dma_wait3A_192] : memref<20000x32xf32, #tpu.memory_space<hbm>> -> memref<20000x32xf32, #tpu.memory_space<hbm>>
      tpu.wait_indirect_dma semaphore(%arg26 : memref<!tpu.dma_semaphore, #tpu.memory_space<semaphore_mem>>) src(%dma_wait3A_193 : memref<20000x32xf32, #tpu.memory_space<hbm>>) dst(%dma_wait3A_187 : memref<64x32xf32, #tpu.memory_space<vmem>>)
      %gt3A_194 = arith.constant 0 : i32
      %gt3A_195 = arith.cmpi sgt, %while3A_117, %gt3A_194 : i32
      %convert_element_type3A_196 = arith.extui %gt3A_195 : i1 to i32
      %cond3A_197 = arith.constant 0 : i32
      %cond3A_198 = arith.cmpi ne, %convert_element_type3A_196, %cond3A_197 : i32
      scf.if %cond3A_198 {
        %dma_wait3A_226 = arith.constant 0 : i32
        %dma_wait3A_227 = arith.constant 0 : i32
        %dma_wait3A_228 = tpu.memref_slice %arg29[%dma_wait3A_226, %dma_wait3A_227] : memref<10000x32xf32, #tpu.memory_space<vmem_shared>> -> memref<10000x32xf32, #tpu.memory_space<vmem_shared>>
        tpu.wait_indirect_dma semaphore(%arg28 : memref<!tpu.dma_semaphore, #tpu.memory_space<semaphore_mem>>) src(%arg22 : memref<128x32xf32, #tpu.memory_space<vmem>>) dst(%dma_wait3A_228 : memref<10000x32xf32, #tpu.memory_space<vmem_shared>>)
      } else {
      }
      %scan3A_199 = arith.constant 0 : i32
      %scan3A_200 = arith.constant 0 : i32
      %scan3A_201 = arith.constant 8 : i32
      %scan3A_202 = arith.addi %scan3A_200, %scan3A_201 : i32
      %scan3A_203 = arith.constant 1 : i32
      %scan3A_204 = scf.for %scan3A_226 = %scan3A_200 to %scan3A_202 step %scan3A_203 iter_args(%scan3A_227 = %scan3A_199) -> (i32)  : i32 {
        %mul3A_228 = arith.constant 16 : i32
        %mul3A_229 = arith.muli %scan3A_226, %mul3A_228 : i32
        %get3A = arith.index_cast %add3A_173 : i32 to index
        %get3A_230 = arith.index_cast %mul3A_229 : i32 to index
        %get3A_231 = tpu.vector_load %arg14[%get3A, %get3A_230] {strides = array<i32>} : memref<104x128xi32, #tpu.memory_space<vmem>>, vector<16xi32>,
        %mul3A_232 = arith.constant 16 : i32
        %mul3A_233 = arith.muli %scan3A_226, %mul3A_232 : i32
        %swap3A_234 = arith.index_cast %mul3A_233 : i32 to index
        %swap3A_235 = tpu.vector_load %arg18[%swap3A_234] {strides = array<i32>} : memref<128xi32, #tpu.memory_space<vmem>>, vector<16xi32>,
        tpu.vector_store %arg18[%swap3A_234], %get3A_231 {strides = array<i32>} : memref<128xi32, #tpu.memory_space<vmem>>, vector<16xi32>,
        %scan3A_236 = arith.constant 0 : i32
        scf.yield %scan3A_236 : i32
      }
      %scan3A_205 = arith.constant 8 : i32
      %scan3A_206 = arith.constant 0 : i32
      %scan3A_207 = arith.constant 0 : i32
      %scan3A_208 = arith.constant 8 : i32
      %scan3A_209 = arith.addi %scan3A_207, %scan3A_208 : i32
      %scan3A_210 = arith.constant 1 : i32
      %scan3A_211 = scf.for %scan3A_226 = %scan3A_207 to %scan3A_209 step %scan3A_210 iter_args(%scan3A_227 = %scan3A_206) -> (i32)  : i32 {
        %mul3A_228 = arith.constant 16 : i32
        %mul3A_229 = arith.muli %scan3A_226, %mul3A_228 : i32
        %get3A = arith.index_cast %add3A_173 : i32 to index
        %get3A_230 = arith.index_cast %mul3A_229 : i32 to index
        %get3A_231 = tpu.vector_load %arg13[%get3A, %get3A_230] {strides = array<i32>} : memref<104x128xi32, #tpu.memory_space<vmem>>, vector<16xi32>,
        %mul3A_232 = arith.constant 16 : i32
        %mul3A_233 = arith.muli %scan3A_226, %mul3A_232 : i32
        %get3A_234 = arith.index_cast %add3A_173 : i32 to index
        %get3A_235 = arith.index_cast %mul3A_233 : i32 to index
        %get3A_236 = tpu.vector_load %arg12[%get3A_234, %get3A_235] {strides = array<i32>} : memref<104x128xi32, #tpu.memory_space<vmem>>, vector<16xi32>,
        %mul3A_237 = arith.constant 16 : i32
        %mul3A_238 = arith.muli %scan3A_226, %mul3A_237 : i32
        %get3A_239 = arith.index_cast %mul3A_238 : i32 to index
        %get3A_240 = tpu.vector_load %arg18[%get3A_239] {strides = array<i32>} : memref<128xi32, #tpu.memory_space<vmem>>, vector<16xi32>,
        %gather3A = tpu.vector_load_idx %arg10[%get3A_231] : memref<20008xf32, #tpu.memory_space<vmem>>[vector<16xi32>], vector<16xf32>,
        %gather3A_241 = tpu.vector_load_idx %arg11[%get3A_236] : memref<20008xf32, #tpu.memory_space<vmem>>[vector<16xi32>], vector<16xf32>,
        %add3A_242 = arith.addf %gather3A, %gather3A_241 : vector<16xf32>
        %mul3A_243 = arith.constant 2.000000e-01 : f32
        %mul3A_244 = vector.broadcast %mul3A_243 : f32 to vector<16xf32>
        %mul3A_245 = arith.mulf %mul3A_244, %add3A_242 : vector<16xf32>
        %max3A = arith.maximumf %add3A_242, %mul3A_245 : vector<16xf32>
        %exp3A = math.exp %max3A : vector<16xf32>
        %mul3A_246 = arith.constant 16 : i32
        %mul3A_247 = arith.muli %scan3A_226, %mul3A_246 : i32
        %swap3A_248 = arith.index_cast %mul3A_247 : i32 to index
        %swap3A_249 = tpu.vector_load %arg15[%swap3A_248] {strides = array<i32>} : memref<144xf32, #tpu.memory_space<vmem>>, vector<16xf32>,
        tpu.vector_store %arg15[%swap3A_248], %exp3A {strides = array<i32>} : memref<144xf32, #tpu.memory_space<vmem>>, vector<16xf32>,
        tpu.vector_store_idx %arg16[%get3A_240], %exp3A {add = true} : memref<10000xf32, #tpu.memory_space<vmem>>[vector<16xi32>], vector<16xf32>,
        %scan3A_250 = arith.constant 0 : i32
        scf.yield %scan3A_250 : i32
      }
      %scan3A_212 = arith.constant 8 : i32
      %parallel_loop3A_213 = arith.constant 0 : i32
      %parallel_loop3A_214 = arith.constant 128 : i32
      %parallel_loop3A_215 = arith.constant 1 : i32
      scf.for %parallel_loop3A_226 = %parallel_loop3A_213 to %parallel_loop3A_214 step %parallel_loop3A_215  : i32 {
        %parallel_loop3A_227 = arith.index_cast %parallel_loop3A_226 : i32 to index
        %parallel_loop3A_228 = tpu.vector_load %arg15[%parallel_loop3A_227] {strides = array<i32>} : memref<144xf32, #tpu.memory_space<vmem>>, vector<16xf32>,
        %parallel_loop3A_229 = vector.extract_strided_slice %parallel_loop3A_228 {offsets = [0], sizes = [1], strides = [1]} : vector<16xf32> to vector<1xf32>
        %parallel_loop3A_230 = vector.extract %parallel_loop3A_229[0] : f32 from vector<1xf32>
        %parallel_loop3A_231 = arith.index_cast %parallel_loop3A_226 : i32 to index
        %parallel_loop3A_232 = arith.constant 0 : index
        %parallel_loop3A_233 = tpu.vector_load %arg20[%parallel_loop3A_231, %parallel_loop3A_232] {strides = array<i32>} : memref<128x32xf32, #tpu.memory_space<vmem>>, vector<16xf32>,
        %parallel_loop3A_234 = vector.broadcast %parallel_loop3A_230 : f32 to vector<16xf32>
        %parallel_loop3A_235 = arith.mulf %parallel_loop3A_233, %parallel_loop3A_234 : vector<16xf32>
        %parallel_loop3A_236 = arith.index_cast %parallel_loop3A_226 : i32 to index
        %parallel_loop3A_237 = arith.constant 0 : index
        %parallel_loop3A_238 = tpu.vector_load %arg22[%parallel_loop3A_236, %parallel_loop3A_237] {strides = array<i32>} : memref<128x32xf32, #tpu.memory_space<vmem>>, vector<16xf32>,
        tpu.vector_store %arg22[%parallel_loop3A_236, %parallel_loop3A_237], %parallel_loop3A_235 {strides = array<i32>} : memref<128x32xf32, #tpu.memory_space<vmem>>, vector<16xf32>,
        %parallel_loop3A_239 = arith.index_cast %parallel_loop3A_226 : i32 to index
        %parallel_loop3A_240 = arith.constant 16 : index
        %parallel_loop3A_241 = tpu.vector_load %arg20[%parallel_loop3A_239, %parallel_loop3A_240] {strides = array<i32>} : memref<128x32xf32, #tpu.memory_space<vmem>>, vector<16xf32>,
        %parallel_loop3A_242 = vector.broadcast %parallel_loop3A_230 : f32 to vector<16xf32>
        %parallel_loop3A_243 = arith.mulf %parallel_loop3A_241, %parallel_loop3A_242 : vector<16xf32>
        %parallel_loop3A_244 = arith.index_cast %parallel_loop3A_226 : i32 to index
        %parallel_loop3A_245 = arith.constant 16 : index
        %parallel_loop3A_246 = tpu.vector_load %arg22[%parallel_loop3A_244, %parallel_loop3A_245] {strides = array<i32>} : memref<128x32xf32, #tpu.memory_space<vmem>>, vector<16xf32>,
        tpu.vector_store %arg22[%parallel_loop3A_244, %parallel_loop3A_245], %parallel_loop3A_243 {strides = array<i32>} : memref<128x32xf32, #tpu.memory_space<vmem>>, vector<16xf32>,
      } {sc.loop_unroll_factor = 8 : i64, sc.parallel_access}
      %sub3A_216 = arith.constant 1 : i32
      %sub3A_217 = arith.subi %select_n3A_95, %sub3A_216 : i32
      %lt3A_218 = arith.cmpi slt, %while3A_117, %sub3A_217 : i32
      %convert_element_type3A_219 = arith.extui %lt3A_218 : i1 to i32
      %cond3A_220 = arith.constant 0 : i32
      %cond3A_221 = arith.cmpi ne, %convert_element_type3A_219, %cond3A_220 : i32
      scf.if %cond3A_221 {
        %add3A_226 = arith.constant 2 : i32
        %add3A_227 = arith.addi %add3A_173, %add3A_226 : i32
        %dma_start3A_228 = arith.constant 0 : i32
        %dma_start3A_229 = arith.constant 0 : i32
        %dma_start3A_230 = tpu.memref_slice %arg20[%dma_start3A_228, %dma_start3A_229] : memref<128x32xf32, #tpu.memory_space<vmem>> -> memref<64x32xf32, #tpu.memory_space<vmem>>
        %dma_start3A_231 = arith.constant 0 : i32
        %dma_start3A_232 = tpu.memref_slice %arg12[%add3A_227, %dma_start3A_231] : memref<104x128xi32, #tpu.memory_space<vmem>> -> memref<1x64xi32, #tpu.memory_space<vmem>>
        %dma_start3A_233 = tpu.memref_squeeze %dma_start3A_232 : memref<1x64xi32, #tpu.memory_space<vmem>> -> memref<64xi32, #tpu.memory_space<vmem>>
        %dma_start3A_234 = arith.constant 0 : i32
        %dma_start3A_235 = arith.constant 0 : i32
        %dma_start3A_236 = tpu.memref_slice %arg2[%dma_start3A_234, %dma_start3A_235] : memref<20000x32xf32, #tpu.memory_space<hbm>> -> memref<20000x32xf32, #tpu.memory_space<hbm>>
        tpu.enqueue_indirect_dma source(%dma_start3A_236 : memref<20000x32xf32, #tpu.memory_space<hbm>>) target(%dma_start3A_230 : memref<64x32xf32, #tpu.memory_space<vmem>>) offsets(%dma_start3A_233 : memref<64xi32, #tpu.memory_space<vmem>>) semaphore(%arg24 : memref<!tpu.dma_semaphore, #tpu.memory_space<semaphore_mem>>)
        %add3A_237 = arith.constant 2 : i32
        %add3A_238 = arith.addi %add3A_173, %add3A_237 : i32
        %dma_start3A_239 = arith.constant 64 : i32
        %dma_start3A_240 = arith.constant 0 : i32
        %dma_start3A_241 = tpu.memref_slice %arg20[%dma_start3A_239, %dma_start3A_240] : memref<128x32xf32, #tpu.memory_space<vmem>> -> memref<64x32xf32, #tpu.memory_space<vmem>>
        %dma_start3A_242 = arith.constant 64 : i32
        %dma_start3A_243 = tpu.memref_slice %arg12[%add3A_238, %dma_start3A_242] : memref<104x128xi32, #tpu.memory_space<vmem>> -> memref<1x64xi32, #tpu.memory_space<vmem>>
        %dma_start3A_244 = tpu.memref_squeeze %dma_start3A_243 : memref<1x64xi32, #tpu.memory_space<vmem>> -> memref<64xi32, #tpu.memory_space<vmem>>
        %dma_start3A_245 = arith.constant 0 : i32
        %dma_start3A_246 = arith.constant 0 : i32
        %dma_start3A_247 = tpu.memref_slice %arg2[%dma_start3A_245, %dma_start3A_246] : memref<20000x32xf32, #tpu.memory_space<hbm>> -> memref<20000x32xf32, #tpu.memory_space<hbm>>
        tpu.enqueue_indirect_dma source(%dma_start3A_247 : memref<20000x32xf32, #tpu.memory_space<hbm>>) target(%dma_start3A_241 : memref<64x32xf32, #tpu.memory_space<vmem>>) offsets(%dma_start3A_244 : memref<64xi32, #tpu.memory_space<vmem>>) semaphore(%arg26 : memref<!tpu.dma_semaphore, #tpu.memory_space<semaphore_mem>>)
      } else {
      }
      %dma_start3A_222 = arith.constant 0 : i32
      %dma_start3A_223 = arith.constant 0 : i32
      %dma_start3A_224 = tpu.memref_slice %arg29[%dma_start3A_222, %dma_start3A_223] : memref<10000x32xf32, #tpu.memory_space<vmem_shared>> -> memref<10000x32xf32, #tpu.memory_space<vmem_shared>>
      tpu.enqueue_indirect_dma source(%arg22 : memref<128x32xf32, #tpu.memory_space<vmem>>) target(%dma_start3A_224 : memref<10000x32xf32, #tpu.memory_space<vmem_shared>>) offsets(%arg18 : memref<128xi32, #tpu.memory_space<vmem>>) semaphore(%arg28 : memref<!tpu.dma_semaphore, #tpu.memory_space<semaphore_mem>>) {add = true}
      %while3A_225 = arith.constant 0 : i32
      scf.yield %while3A_225 : i32
    }
    %dma_wait3A_107 = arith.constant 0 : i32
    %dma_wait3A_108 = arith.constant 0 : i32
    %dma_wait3A_109 = tpu.memref_slice %arg29[%dma_wait3A_107, %dma_wait3A_108] : memref<10000x32xf32, #tpu.memory_space<vmem_shared>> -> memref<10000x32xf32, #tpu.memory_space<vmem_shared>>
    tpu.wait_indirect_dma semaphore(%arg27 : memref<!tpu.dma_semaphore, #tpu.memory_space<semaphore_mem>>) src(%arg21 : memref<128x32xf32, #tpu.memory_space<vmem>>) dst(%dma_wait3A_109 : memref<10000x32xf32, #tpu.memory_space<vmem_shared>>)
    %dma_wait3A_110 = arith.constant 0 : i32
    %dma_wait3A_111 = arith.constant 0 : i32
    %dma_wait3A_112 = tpu.memref_slice %arg29[%dma_wait3A_110, %dma_wait3A_111] : memref<10000x32xf32, #tpu.memory_space<vmem_shared>> -> memref<10000x32xf32, #tpu.memory_space<vmem_shared>>
    tpu.wait_indirect_dma semaphore(%arg28 : memref<!tpu.dma_semaphore, #tpu.memory_space<semaphore_mem>>) src(%arg22 : memref<128x32xf32, #tpu.memory_space<vmem>>) dst(%dma_wait3A_112 : memref<10000x32xf32, #tpu.memory_space<vmem_shared>>)
    "tpu.region"() ({
      %run_scoped3A = tpu.sem_alloc : memref<!tpu.dma_semaphore, #tpu.memory_space<semaphore_mem>>
      %dma_start3A_117 = arith.constant 0 : i32
      %dma_start3A_118 = tpu.memref_slice %arg9[%add3A, %dma_start3A_117] : memref<32x10000xf32, #tpu.memory_space<hbm>> -> memref<1x10000xf32, #tpu.memory_space<hbm>>
      %dma_start3A_119 = tpu.memref_squeeze %dma_start3A_118 : memref<1x10000xf32, #tpu.memory_space<hbm>> -> memref<10000xf32, #tpu.memory_space<hbm>>
      %dma_start3A_120 = arith.constant 0 : i32
      %dma_start3A_121 = tpu.memref_slice %arg9[%add3A, %dma_start3A_120] : memref<32x10000xf32, #tpu.memory_space<hbm>> -> memref<1x10000xf32, #tpu.memory_space<hbm>>
      %dma_start3A_122 = tpu.memref_squeeze %dma_start3A_121 : memref<1x10000xf32, #tpu.memory_space<hbm>> -> memref<10000xf32, #tpu.memory_space<hbm>>
      tpu.enqueue_dma source(%arg16 : memref<10000xf32, #tpu.memory_space<vmem>>) target(%dma_start3A_122 : memref<10000xf32, #tpu.memory_space<hbm>>) target_semaphore(%run_scoped3A : memref<!tpu.dma_semaphore, #tpu.memory_space<semaphore_mem>>)
      %dma_wait3A_123 = arith.constant 0 : i32
      %dma_wait3A_124 = tpu.memref_slice %arg9[%add3A, %dma_wait3A_123] : memref<32x10000xf32, #tpu.memory_space<hbm>> -> memref<1x10000xf32, #tpu.memory_space<hbm>>
      %dma_wait3A_125 = tpu.memref_squeeze %dma_wait3A_124 : memref<1x10000xf32, #tpu.memory_space<hbm>> -> memref<10000xf32, #tpu.memory_space<hbm>>
      %dma_wait3A_126 = arith.constant 0 : i32
      %dma_wait3A_127 = tpu.memref_slice %arg9[%add3A, %dma_wait3A_126] : memref<32x10000xf32, #tpu.memory_space<hbm>> -> memref<1x10000xf32, #tpu.memory_space<hbm>>
      %dma_wait3A_128 = tpu.memref_squeeze %dma_wait3A_127 : memref<1x10000xf32, #tpu.memory_space<hbm>> -> memref<10000xf32, #tpu.memory_space<hbm>>
      tpu.wait_dma2 semaphore(%run_scoped3A : memref<!tpu.dma_semaphore, #tpu.memory_space<semaphore_mem>>) src(%arg16 : memref<10000xf32, #tpu.memory_space<vmem>>) dst(%dma_wait3A_128 : memref<10000xf32, #tpu.memory_space<hbm>>)
      tpu.yield
    }) : () -> ()
    %barrier3A_113 = arith.constant 0 : index
    tpu.barrier barrier_id(%barrier3A_113)
    %eq3A_114 = arith.constant 0 : i32
    %eq3A_115 = arith.cmpi eq, %arg1, %eq3A_114 : i32
    %convert_element_type3A = arith.extui %eq3A_115 : i1 to i32
    %cond3A = arith.constant 0 : i32
    %cond3A_116 = arith.cmpi ne, %convert_element_type3A, %cond3A : i32
    scf.if %cond3A_116 {
      %mul3A_117 = arith.constant 10000 : i32
      %mul3A_118 = arith.muli %arg0, %mul3A_117 : i32
      "tpu.region"() ({
        %run_scoped3A = tpu.sem_alloc : memref<!tpu.dma_semaphore, #tpu.memory_space<semaphore_mem>>
        %dma_start3A_119 = arith.constant 0 : i32
        %dma_start3A_120 = tpu.memref_slice %arg8[%mul3A_118, %dma_start3A_119] : memref<20000x32xf32, #tpu.memory_space<hbm>> -> memref<10000x32xf32, #tpu.memory_space<hbm>>
        tpu.enqueue_dma source(%arg29 : memref<10000x32xf32, #tpu.memory_space<vmem_shared>>) target(%dma_start3A_120 : memref<10000x32xf32, #tpu.memory_space<hbm>>) target_semaphore(%run_scoped3A : memref<!tpu.dma_semaphore, #tpu.memory_space<semaphore_mem>>)
        %dma_wait3A_121 = arith.constant 0 : i32
        %dma_wait3A_122 = tpu.memref_slice %arg8[%mul3A_118, %dma_wait3A_121] : memref<20000x32xf32, #tpu.memory_space<hbm>> -> memref<10000x32xf32, #tpu.memory_space<hbm>>
        tpu.wait_dma2 semaphore(%run_scoped3A : memref<!tpu.dma_semaphore, #tpu.memory_space<semaphore_mem>>) src(%arg29 : memref<10000x32xf32, #tpu.memory_space<vmem_shared>>) dst(%dma_wait3A_122 : memref<10000x32xf32, #tpu.memory_space<hbm>>)
        tpu.yield
      }) : () -> ()
    } else {
    }
    return
  }
}

module attributes {stable_mosaic.version = 14 : i64} {
  func.func @_proj0_body(%arg0: memref<10000x128xf32, #tpu.memory_space<vmem>>, %arg1: memref<2x128x32xf32, #tpu.memory_space<vmem>>, %arg2: memref<32x1xf32, #tpu.memory_space<vmem>>, %arg3: memref<32x1xf32, #tpu.memory_space<vmem>>, %arg4: memref<2x10000x32xf32, #tpu.memory_space<vmem>>, %arg5: memref<2x10000xf32, #tpu.memory_space<vmem>>, %arg6: memref<2x10000xf32, #tpu.memory_space<vmem>>) attributes {dimension_semantics = [], scalar_prefetch = 0 : i64, scratch_operands = 0 : i64, tpu.core_type = #tpu.core_type<tc>} {
    %get3A = arith.constant 0 : index
    %get3A_0 = arith.constant 0 : index
    %get3A_1 = vector.load %arg0[%get3A, %get3A_0] : memref<10000x128xf32, #tpu.memory_space<vmem>>, vector<10000x128xf32>
    %get3A_2 = arith.constant 0 : index
    %get3A_3 = arith.constant 0 : index
    %get3A_4 = arith.constant 0 : index
    %get3A_5 = vector.load %arg1[%get3A_2, %get3A_3, %get3A_4] : memref<2x128x32xf32, #tpu.memory_space<vmem>>, vector<2x128x32xf32>
    %get3A_6 = arith.constant 0 : index
    %get3A_7 = arith.constant 0 : index
    %get3A_8 = vector.load %arg2[%get3A_6, %get3A_7] : memref<32x1xf32, #tpu.memory_space<vmem>>, vector<32x1xf32>
    %get3A_9 = arith.constant 0 : index
    %get3A_10 = arith.constant 0 : index
    %get3A_11 = vector.load %arg3[%get3A_9, %get3A_10] : memref<32x1xf32, #tpu.memory_space<vmem>>, vector<32x1xf32>
    %slice3A = vector.extract_strided_slice %get3A_5 {offsets = [0, 0, 0], sizes = [1, 128, 32], strides = [1, 1, 1]} : vector<2x128x32xf32> to vector<1x128x32xf32>
    %squeeze3A = vector.shape_cast %slice3A : vector<1x128x32xf32> to vector<128x32xf32>
    %dot_general3A = arith.constant dense<0.000000e+00> : vector<10000x32xf32>
    %dot_general3A_12 = tpu.matmul %get3A_1, %squeeze3A, %dot_general3A {dimension_numbers = #tpu.dot_dimension_numbers<[1], [0], [0], [1], [0, 0, 1, 1], [], []>, transpose_lhs_hint = false} : vector<10000x128xf32>, vector<128x32xf32>, vector<10000x32xf32> -> vector<10000x32xf32>
    %swap3A = arith.constant 0 : index
    %swap3A_13 = arith.constant 0 : index
    %swap3A_14 = arith.constant 0 : index
    %swap3A_15 = vector.load %arg4[%swap3A, %swap3A_13, %swap3A_14] : memref<2x10000x32xf32, #tpu.memory_space<vmem>>, vector<1x10000x32xf32>
    %swap3A_16 = vector.shape_cast %swap3A_15 : vector<1x10000x32xf32> to vector<10000x32xf32>
    %swap3A_17 = vector.shape_cast %dot_general3A_12 : vector<10000x32xf32> to vector<1x10000x32xf32>
    tpu.vector_store %arg4[%swap3A, %swap3A_13, %swap3A_14], %swap3A_17 {strides = array<i32>} : memref<2x10000x32xf32, #tpu.memory_space<vmem>>, vector<1x10000x32xf32>,
    %dot_general3A_18 = arith.constant dense<0.000000e+00> : vector<1x10000xf32>
    %dot_general3A_19 = tpu.matmul %get3A_8, %dot_general3A_12, %dot_general3A_18 {dimension_numbers = #tpu.dot_dimension_numbers<[0], [1], [1], [0], [0, 1, 1, 0], [], []>, transpose_lhs_hint = false} : vector<32x1xf32>, vector<10000x32xf32>, vector<1x10000xf32> -> vector<1x10000xf32>
    %swap3A_20 = arith.constant 0 : index
    %swap3A_21 = arith.constant 0 : index
    %swap3A_22 = vector.load %arg5[%swap3A_20, %swap3A_21] : memref<2x10000xf32, #tpu.memory_space<vmem>>, vector<1x10000xf32>
    tpu.vector_store %arg5[%swap3A_20, %swap3A_21], %dot_general3A_19 {strides = array<i32>} : memref<2x10000xf32, #tpu.memory_space<vmem>>, vector<1x10000xf32>,
    %dot_general3A_23 = arith.constant dense<0.000000e+00> : vector<1x10000xf32>
    %dot_general3A_24 = tpu.matmul %get3A_11, %dot_general3A_12, %dot_general3A_23 {dimension_numbers = #tpu.dot_dimension_numbers<[0], [1], [1], [0], [0, 1, 1, 0], [], []>, transpose_lhs_hint = false} : vector<32x1xf32>, vector<10000x32xf32>, vector<1x10000xf32> -> vector<1x10000xf32>
    %swap3A_25 = arith.constant 0 : index
    %swap3A_26 = arith.constant 0 : index
    %swap3A_27 = vector.load %arg6[%swap3A_25, %swap3A_26] : memref<2x10000xf32, #tpu.memory_space<vmem>>, vector<1x10000xf32>
    tpu.vector_store %arg6[%swap3A_25, %swap3A_26], %dot_general3A_24 {strides = array<i32>} : memref<2x10000xf32, #tpu.memory_space<vmem>>, vector<1x10000xf32>,
    %slice3A_28 = vector.extract_strided_slice %get3A_5 {offsets = [1, 0, 0], sizes = [1, 128, 32], strides = [1, 1, 1]} : vector<2x128x32xf32> to vector<1x128x32xf32>
    %squeeze3A_29 = vector.shape_cast %slice3A_28 : vector<1x128x32xf32> to vector<128x32xf32>
    %dot_general3A_30 = arith.constant dense<0.000000e+00> : vector<10000x32xf32>
    %dot_general3A_31 = tpu.matmul %get3A_1, %squeeze3A_29, %dot_general3A_30 {dimension_numbers = #tpu.dot_dimension_numbers<[1], [0], [0], [1], [0, 0, 1, 1], [], []>, transpose_lhs_hint = false} : vector<10000x128xf32>, vector<128x32xf32>, vector<10000x32xf32> -> vector<10000x32xf32>
    %swap3A_32 = arith.constant 1 : index
    %swap3A_33 = arith.constant 0 : index
    %swap3A_34 = arith.constant 0 : index
    %swap3A_35 = vector.load %arg4[%swap3A_32, %swap3A_33, %swap3A_34] : memref<2x10000x32xf32, #tpu.memory_space<vmem>>, vector<1x10000x32xf32>
    %swap3A_36 = vector.shape_cast %swap3A_35 : vector<1x10000x32xf32> to vector<10000x32xf32>
    %swap3A_37 = vector.shape_cast %dot_general3A_31 : vector<10000x32xf32> to vector<1x10000x32xf32>
    tpu.vector_store %arg4[%swap3A_32, %swap3A_33, %swap3A_34], %swap3A_37 {strides = array<i32>} : memref<2x10000x32xf32, #tpu.memory_space<vmem>>, vector<1x10000x32xf32>,
    %dot_general3A_38 = arith.constant dense<0.000000e+00> : vector<1x10000xf32>
    %dot_general3A_39 = tpu.matmul %get3A_8, %dot_general3A_31, %dot_general3A_38 {dimension_numbers = #tpu.dot_dimension_numbers<[0], [1], [1], [0], [0, 1, 1, 0], [], []>, transpose_lhs_hint = false} : vector<32x1xf32>, vector<10000x32xf32>, vector<1x10000xf32> -> vector<1x10000xf32>
    %swap3A_40 = arith.constant 1 : index
    %swap3A_41 = arith.constant 0 : index
    %swap3A_42 = vector.load %arg5[%swap3A_40, %swap3A_41] : memref<2x10000xf32, #tpu.memory_space<vmem>>, vector<1x10000xf32>
    tpu.vector_store %arg5[%swap3A_40, %swap3A_41], %dot_general3A_39 {strides = array<i32>} : memref<2x10000xf32, #tpu.memory_space<vmem>>, vector<1x10000xf32>,
    %dot_general3A_43 = arith.constant dense<0.000000e+00> : vector<1x10000xf32>
    %dot_general3A_44 = tpu.matmul %get3A_11, %dot_general3A_31, %dot_general3A_43 {dimension_numbers = #tpu.dot_dimension_numbers<[0], [1], [1], [0], [0, 1, 1, 0], [], []>, transpose_lhs_hint = false} : vector<32x1xf32>, vector<10000x32xf32>, vector<1x10000xf32> -> vector<1x10000xf32>
    %swap3A_45 = arith.constant 1 : index
    %swap3A_46 = arith.constant 0 : index
    %swap3A_47 = vector.load %arg6[%swap3A_45, %swap3A_46] : memref<2x10000xf32, #tpu.memory_space<vmem>>, vector<1x10000xf32>
    tpu.vector_store %arg6[%swap3A_45, %swap3A_46], %dot_general3A_44 {strides = array<i32>} : memref<2x10000xf32, #tpu.memory_space<vmem>>, vector<1x10000xf32>,
    return
  }
}

module attributes {stable_mosaic.version = 14 : i64} {
  func.func @_prep_body(%arg0: memref<2560x128xi32, #tpu.memory_space<vmem>>, %arg1: memref<2560x128xi32, #tpu.memory_space<vmem>>, %arg2: memref<2560x128xi32, #tpu.memory_space<vmem>>, %arg3: memref<2560x128xi32, #tpu.memory_space<vmem>>, %arg4: memref<2560x128xi32, #tpu.memory_space<vmem>>, %arg5: memref<2560x128xi32, #tpu.memory_space<vmem>>) attributes {dimension_semantics = [], scalar_prefetch = 0 : i64, scratch_operands = 0 : i64, tpu.core_type = #tpu.core_type<tc>} {
    %get3A = arith.constant 0 : index
    %get3A_0 = arith.constant 0 : index
    %get3A_1 = vector.load %arg0[%get3A, %get3A_0] : memref<2560x128xi32, #tpu.memory_space<vmem>>, vector<2560x128xi32>
    %get3A_2 = arith.constant 0 : index
    %get3A_3 = arith.constant 0 : index
    %get3A_4 = vector.load %arg1[%get3A_2, %get3A_3] : memref<2560x128xi32, #tpu.memory_space<vmem>>, vector<2560x128xi32>
    %get3A_5 = arith.constant 0 : index
    %get3A_6 = arith.constant 0 : index
    %get3A_7 = vector.load %arg2[%get3A_5, %get3A_6] : memref<2560x128xi32, #tpu.memory_space<vmem>>, vector<2560x128xi32>
    %iota3A = tpu.iota {dimensions = array<i32: 0>} : vector<2560x128xi32>
    %lt3A = arith.constant 2500 : i32
    %lt3A_8 = vector.broadcast %lt3A : i32 to vector<2560x128xi32>
    %lt3A_9 = arith.cmpi slt, %iota3A, %lt3A_8 : vector<2560x128xi32>
    %mul3A = arith.constant 10000 : i32
    %mul3A_10 = vector.broadcast %mul3A : i32 to vector<2560x128xi32>
    %mul3A_11 = arith.muli %get3A_7, %mul3A_10 : vector<2560x128xi32>
    %add3A = arith.addi %mul3A_11, %get3A_1 : vector<2560x128xi32>
    %jit3A = arith.constant 0 : i32
    %broadcast_in_dim3A = vector.broadcast %jit3A : i32 to vector<2560x128xi32>
    %select_n3A = arith.select %lt3A_9, %add3A, %broadcast_in_dim3A : vector<2560x128xi1>, vector<2560x128xi32>
    %swap3A = arith.constant 0 : index
    %swap3A_12 = arith.constant 0 : index
    %swap3A_13 = vector.load %arg3[%swap3A, %swap3A_12] : memref<2560x128xi32, #tpu.memory_space<vmem>>, vector<2560x128xi32>
    tpu.vector_store %arg3[%swap3A, %swap3A_12], %select_n3A {strides = array<i32>} : memref<2560x128xi32, #tpu.memory_space<vmem>>, vector<2560x128xi32>,
    %mul3A_14 = arith.constant 10000 : i32
    %mul3A_15 = vector.broadcast %mul3A_14 : i32 to vector<2560x128xi32>
    %mul3A_16 = arith.muli %get3A_7, %mul3A_15 : vector<2560x128xi32>
    %add3A_17 = arith.addi %mul3A_16, %get3A_4 : vector<2560x128xi32>
    %jit3A_18 = arith.constant 20000 : i32
    %broadcast_in_dim3A_19 = vector.broadcast %jit3A_18 : i32 to vector<2560x128xi32>
    %select_n3A_20 = arith.select %lt3A_9, %add3A_17, %broadcast_in_dim3A_19 : vector<2560x128xi1>, vector<2560x128xi32>
    %swap3A_21 = arith.constant 0 : index
    %swap3A_22 = arith.constant 0 : index
    %swap3A_23 = vector.load %arg4[%swap3A_21, %swap3A_22] : memref<2560x128xi32, #tpu.memory_space<vmem>>, vector<2560x128xi32>
    tpu.vector_store %arg4[%swap3A_21, %swap3A_22], %select_n3A_20 {strides = array<i32>} : memref<2560x128xi32, #tpu.memory_space<vmem>>, vector<2560x128xi32>,
    %jit3A_24 = arith.constant 0 : i32
    %broadcast_in_dim3A_25 = vector.broadcast %jit3A_24 : i32 to vector<2560x128xi32>
    %select_n3A_26 = arith.select %lt3A_9, %get3A_4, %broadcast_in_dim3A_25 : vector<2560x128xi1>, vector<2560x128xi32>
    %swap3A_27 = arith.constant 0 : index
    %swap3A_28 = arith.constant 0 : index
    %swap3A_29 = vector.load %arg5[%swap3A_27, %swap3A_28] : memref<2560x128xi32, #tpu.memory_space<vmem>>, vector<2560x128xi32>
    tpu.vector_store %arg5[%swap3A_27, %swap3A_28], %select_n3A_26 {strides = array<i32>} : memref<2560x128xi32, #tpu.memory_space<vmem>>, vector<2560x128xi32>,
    return
  }
}

module attributes {stable_mosaic.version = 14 : i64} {
  func.func @_finproj_body(%arg0: memref<2x10000x32xf32, #tpu.memory_space<vmem>>, %arg1: memref<32x10000xf32, #tpu.memory_space<vmem>>, %arg2: memref<1x32xf32, #tpu.memory_space<vmem>>, %arg3: memref<1x32xf32, #tpu.memory_space<vmem>>, %arg4: memref<1x32xf32, #tpu.memory_space<vmem>>, %arg5: memref<2x32x32xf32, #tpu.memory_space<vmem>>, %arg6: memref<32x1xf32, #tpu.memory_space<vmem>>, %arg7: memref<32x1xf32, #tpu.memory_space<vmem>>, %arg8: memref<2x10000x32xf32, #tpu.memory_space<vmem>>, %arg9: memref<2x10000xf32, #tpu.memory_space<vmem>>, %arg10: memref<2x10000xf32, #tpu.memory_space<vmem>>) attributes {dimension_semantics = [], scalar_prefetch = 0 : i64, scratch_operands = 0 : i64, tpu.core_type = #tpu.core_type<tc>} {
    %get3A = arith.constant 0 : index
    %get3A_0 = arith.constant 0 : index
    %get3A_1 = arith.constant 0 : index
    %get3A_2 = vector.load %arg0[%get3A, %get3A_0, %get3A_1] : memref<2x10000x32xf32, #tpu.memory_space<vmem>>, vector<1x10000x32xf32>
    %get3A_3 = vector.shape_cast %get3A_2 : vector<1x10000x32xf32> to vector<10000x32xf32>
    %get3A_4 = arith.constant 1 : index
    %get3A_5 = arith.constant 0 : index
    %get3A_6 = arith.constant 0 : index
    %get3A_7 = vector.load %arg0[%get3A_4, %get3A_5, %get3A_6] : memref<2x10000x32xf32, #tpu.memory_space<vmem>>, vector<1x10000x32xf32>
    %get3A_8 = vector.shape_cast %get3A_7 : vector<1x10000x32xf32> to vector<10000x32xf32>
    %add3A = arith.addf %get3A_3, %get3A_8 : vector<10000x32xf32>
    %broadcast_in_dim3A = arith.constant 1.000000e+00 : f32
    %broadcast_in_dim3A_9 = vector.broadcast %broadcast_in_dim3A : f32 to vector<32x1xf32>
    %get3A_10 = arith.constant 0 : index
    %get3A_11 = arith.constant 0 : index
    %get3A_12 = vector.load %arg1[%get3A_10, %get3A_11] : memref<32x10000xf32, #tpu.memory_space<vmem>>, vector<32x10000xf32>
    %dot_general3A = arith.constant dense<0.000000e+00> : vector<10000x1xf32>
    %dot_general3A_13 = tpu.matmul %get3A_12, %broadcast_in_dim3A_9, %dot_general3A {dimension_numbers = #tpu.dot_dimension_numbers<[0], [0], [1], [1], [0, 1, 1, 1], [], []>, transpose_lhs_hint = false} : vector<32x10000xf32>, vector<32x1xf32>, vector<10000x1xf32> -> vector<10000x1xf32>
    %add3A_14 = arith.constant 1.000000e-16 : f32
    %add3A_15 = vector.broadcast %add3A_14 : f32 to vector<10000x1xf32>
    %add3A_16 = arith.addf %dot_general3A_13, %add3A_15 : vector<10000x1xf32>
    %div3A = vector.broadcast %add3A_16 : vector<10000x1xf32> to vector<10000x32xf32>
    %div3A_17 = arith.divf %add3A, %div3A : vector<10000x32xf32>
    %get3A_18 = arith.constant 0 : index
    %get3A_19 = arith.constant 0 : index
    %get3A_20 = vector.load %arg2[%get3A_18, %get3A_19] : memref<1x32xf32, #tpu.memory_space<vmem>>, vector<1x32xf32>
    %add3A_21 = vector.broadcast %get3A_20 : vector<1x32xf32> to vector<10000x32xf32>
    %add3A_22 = arith.addf %div3A_17, %add3A_21 : vector<10000x32xf32>
    %max3A = arith.constant 0.000000e+00 : f32
    %max3A_23 = vector.broadcast %max3A : f32 to vector<10000x32xf32>
    %max3A_24 = arith.maximumf %add3A_22, %max3A_23 : vector<10000x32xf32>
    %reduce_sum3A = arith.constant dense<0.000000e+00> : vector<32xf32>
    %reduce_sum3A_25 = vector.multi_reduction <add>, %max3A_24, %reduce_sum3A [0] : vector<10000x32xf32> to vector<32xf32>
    %broadcast_in_dim3A_26 = vector.shape_cast %reduce_sum3A_25 : vector<32xf32> to vector<1x32xf32>
    %div3A_27 = arith.constant 1.000000e+04 : f32
    %div3A_28 = vector.broadcast %div3A_27 : f32 to vector<1x32xf32>
    %div3A_29 = arith.divf %broadcast_in_dim3A_26, %div3A_28 : vector<1x32xf32>
    %sub3A = vector.broadcast %div3A_29 : vector<1x32xf32> to vector<10000x32xf32>
    %sub3A_30 = arith.subf %max3A_24, %sub3A : vector<10000x32xf32>
    %sub3A_31 = vector.broadcast %div3A_29 : vector<1x32xf32> to vector<10000x32xf32>
    %sub3A_32 = arith.subf %max3A_24, %sub3A_31 : vector<10000x32xf32>
    %mul3A = arith.mulf %sub3A_30, %sub3A_32 : vector<10000x32xf32>
    %reduce_sum3A_33 = arith.constant dense<0.000000e+00> : vector<32xf32>
    %reduce_sum3A_34 = vector.multi_reduction <add>, %mul3A, %reduce_sum3A_33 [0] : vector<10000x32xf32> to vector<32xf32>
    %broadcast_in_dim3A_35 = vector.shape_cast %reduce_sum3A_34 : vector<32xf32> to vector<1x32xf32>
    %div3A_36 = arith.constant 1.000000e+04 : f32
    %div3A_37 = vector.broadcast %div3A_36 : f32 to vector<1x32xf32>
    %div3A_38 = arith.divf %broadcast_in_dim3A_35, %div3A_37 : vector<1x32xf32>
    %sub3A_39 = vector.broadcast %div3A_29 : vector<1x32xf32> to vector<10000x32xf32>
    %sub3A_40 = arith.subf %max3A_24, %sub3A_39 : vector<10000x32xf32>
    %add3A_41 = arith.constant 9.99999974E-6 : f32
    %add3A_42 = vector.broadcast %add3A_41 : f32 to vector<1x32xf32>
    %add3A_43 = arith.addf %div3A_38, %add3A_42 : vector<1x32xf32>
    %rsqrt3A = math.rsqrt %add3A_43 : vector<1x32xf32>
    %mul3A_44 = vector.broadcast %rsqrt3A : vector<1x32xf32> to vector<10000x32xf32>
    %mul3A_45 = arith.mulf %sub3A_40, %mul3A_44 : vector<10000x32xf32>
    %get3A_46 = arith.constant 0 : index
    %get3A_47 = arith.constant 0 : index
    %get3A_48 = vector.load %arg3[%get3A_46, %get3A_47] : memref<1x32xf32, #tpu.memory_space<vmem>>, vector<1x32xf32>
    %mul3A_49 = vector.broadcast %get3A_48 : vector<1x32xf32> to vector<10000x32xf32>
    %mul3A_50 = arith.mulf %mul3A_45, %mul3A_49 : vector<10000x32xf32>
    %get3A_51 = arith.constant 0 : index
    %get3A_52 = arith.constant 0 : index
    %get3A_53 = vector.load %arg4[%get3A_51, %get3A_52] : memref<1x32xf32, #tpu.memory_space<vmem>>, vector<1x32xf32>
    %add3A_54 = vector.broadcast %get3A_53 : vector<1x32xf32> to vector<10000x32xf32>
    %add3A_55 = arith.addf %mul3A_50, %add3A_54 : vector<10000x32xf32>
    %get3A_56 = arith.constant 0 : index
    %get3A_57 = arith.constant 0 : index
    %get3A_58 = arith.constant 0 : index
    %get3A_59 = vector.load %arg5[%get3A_56, %get3A_57, %get3A_58] : memref<2x32x32xf32, #tpu.memory_space<vmem>>, vector<2x32x32xf32>
    %get3A_60 = arith.constant 0 : index
    %get3A_61 = arith.constant 0 : index
    %get3A_62 = vector.load %arg6[%get3A_60, %get3A_61] : memref<32x1xf32, #tpu.memory_space<vmem>>, vector<32x1xf32>
    %get3A_63 = arith.constant 0 : index
    %get3A_64 = arith.constant 0 : index
    %get3A_65 = vector.load %arg7[%get3A_63, %get3A_64] : memref<32x1xf32, #tpu.memory_space<vmem>>, vector<32x1xf32>
    %slice3A = vector.extract_strided_slice %get3A_59 {offsets = [0, 0, 0], sizes = [1, 32, 32], strides = [1, 1, 1]} : vector<2x32x32xf32> to vector<1x32x32xf32>
    %squeeze3A = vector.shape_cast %slice3A : vector<1x32x32xf32> to vector<32x32xf32>
    %dot_general3A_66 = arith.constant dense<0.000000e+00> : vector<10000x32xf32>
    %dot_general3A_67 = tpu.matmul %add3A_55, %squeeze3A, %dot_general3A_66 {dimension_numbers = #tpu.dot_dimension_numbers<[1], [0], [0], [1], [0, 0, 1, 1], [], []>, transpose_lhs_hint = false} : vector<10000x32xf32>, vector<32x32xf32>, vector<10000x32xf32> -> vector<10000x32xf32>
    %swap3A = arith.constant 0 : index
    %swap3A_68 = arith.constant 0 : index
    %swap3A_69 = arith.constant 0 : index
    %swap3A_70 = vector.load %arg8[%swap3A, %swap3A_68, %swap3A_69] : memref<2x10000x32xf32, #tpu.memory_space<vmem>>, vector<1x10000x32xf32>
    %swap3A_71 = vector.shape_cast %swap3A_70 : vector<1x10000x32xf32> to vector<10000x32xf32>
    %swap3A_72 = vector.shape_cast %dot_general3A_67 : vector<10000x32xf32> to vector<1x10000x32xf32>
    tpu.vector_store %arg8[%swap3A, %swap3A_68, %swap3A_69], %swap3A_72 {strides = array<i32>} : memref<2x10000x32xf32, #tpu.memory_space<vmem>>, vector<1x10000x32xf32>,
    %dot_general3A_73 = arith.constant dense<0.000000e+00> : vector<1x10000xf32>
    %dot_general3A_74 = tpu.matmul %get3A_62, %dot_general3A_67, %dot_general3A_73 {dimension_numbers = #tpu.dot_dimension_numbers<[0], [1], [1], [0], [0, 1, 1, 0], [], []>, transpose_lhs_hint = false} : vector<32x1xf32>, vector<10000x32xf32>, vector<1x10000xf32> -> vector<1x10000xf32>
    %swap3A_75 = arith.constant 0 : index
    %swap3A_76 = arith.constant 0 : index
    %swap3A_77 = vector.load %arg9[%swap3A_75, %swap3A_76] : memref<2x10000xf32, #tpu.memory_space<vmem>>, vector<1x10000xf32>
    tpu.vector_store %arg9[%swap3A_75, %swap3A_76], %dot_general3A_74 {strides = array<i32>} : memref<2x10000xf32, #tpu.memory_space<vmem>>, vector<1x10000xf32>,
    %dot_general3A_78 = arith.constant dense<0.000000e+00> : vector<1x10000xf32>
    %dot_general3A_79 = tpu.matmul %get3A_65, %dot_general3A_67, %dot_general3A_78 {dimension_numbers = #tpu.dot_dimension_numbers<[0], [1], [1], [0], [0, 1, 1, 0], [], []>, transpose_lhs_hint = false} : vector<32x1xf32>, vector<10000x32xf32>, vector<1x10000xf32> -> vector<1x10000xf32>
    %swap3A_80 = arith.constant 0 : index
    %swap3A_81 = arith.constant 0 : index
    %swap3A_82 = vector.load %arg10[%swap3A_80, %swap3A_81] : memref<2x10000xf32, #tpu.memory_space<vmem>>, vector<1x10000xf32>
    tpu.vector_store %arg10[%swap3A_80, %swap3A_81], %dot_general3A_79 {strides = array<i32>} : memref<2x10000xf32, #tpu.memory_space<vmem>>, vector<1x10000xf32>,
    %slice3A_83 = vector.extract_strided_slice %get3A_59 {offsets = [1, 0, 0], sizes = [1, 32, 32], strides = [1, 1, 1]} : vector<2x32x32xf32> to vector<1x32x32xf32>
    %squeeze3A_84 = vector.shape_cast %slice3A_83 : vector<1x32x32xf32> to vector<32x32xf32>
    %dot_general3A_85 = arith.constant dense<0.000000e+00> : vector<10000x32xf32>
    %dot_general3A_86 = tpu.matmul %add3A_55, %squeeze3A_84, %dot_general3A_85 {dimension_numbers = #tpu.dot_dimension_numbers<[1], [0], [0], [1], [0, 0, 1, 1], [], []>, transpose_lhs_hint = false} : vector<10000x32xf32>, vector<32x32xf32>, vector<10000x32xf32> -> vector<10000x32xf32>
    %swap3A_87 = arith.constant 1 : index
    %swap3A_88 = arith.constant 0 : index
    %swap3A_89 = arith.constant 0 : index
    %swap3A_90 = vector.load %arg8[%swap3A_87, %swap3A_88, %swap3A_89] : memref<2x10000x32xf32, #tpu.memory_space<vmem>>, vector<1x10000x32xf32>
    %swap3A_91 = vector.shape_cast %swap3A_90 : vector<1x10000x32xf32> to vector<10000x32xf32>
    %swap3A_92 = vector.shape_cast %dot_general3A_86 : vector<10000x32xf32> to vector<1x10000x32xf32>
    tpu.vector_store %arg8[%swap3A_87, %swap3A_88, %swap3A_89], %swap3A_92 {strides = array<i32>} : memref<2x10000x32xf32, #tpu.memory_space<vmem>>, vector<1x10000x32xf32>,
    %dot_general3A_93 = arith.constant dense<0.000000e+00> : vector<1x10000xf32>
    %dot_general3A_94 = tpu.matmul %get3A_62, %dot_general3A_86, %dot_general3A_93 {dimension_numbers = #tpu.dot_dimension_numbers<[0], [1], [1], [0], [0, 1, 1, 0], [], []>, transpose_lhs_hint = false} : vector<32x1xf32>, vector<10000x32xf32>, vector<1x10000xf32> -> vector<1x10000xf32>
    %swap3A_95 = arith.constant 1 : index
    %swap3A_96 = arith.constant 0 : index
    %swap3A_97 = vector.load %arg9[%swap3A_95, %swap3A_96] : memref<2x10000xf32, #tpu.memory_space<vmem>>, vector<1x10000xf32>
    tpu.vector_store %arg9[%swap3A_95, %swap3A_96], %dot_general3A_94 {strides = array<i32>} : memref<2x10000xf32, #tpu.memory_space<vmem>>, vector<1x10000xf32>,
    %dot_general3A_98 = arith.constant dense<0.000000e+00> : vector<1x10000xf32>
    %dot_general3A_99 = tpu.matmul %get3A_65, %dot_general3A_86, %dot_general3A_98 {dimension_numbers = #tpu.dot_dimension_numbers<[0], [1], [1], [0], [0, 1, 1, 0], [], []>, transpose_lhs_hint = false} : vector<32x1xf32>, vector<10000x32xf32>, vector<1x10000xf32> -> vector<1x10000xf32>
    %swap3A_100 = arith.constant 1 : index
    %swap3A_101 = arith.constant 0 : index
    %swap3A_102 = vector.load %arg10[%swap3A_100, %swap3A_101] : memref<2x10000xf32, #tpu.memory_space<vmem>>, vector<1x10000xf32>
    tpu.vector_store %arg10[%swap3A_100, %swap3A_101], %dot_general3A_99 {strides = array<i32>} : memref<2x10000xf32, #tpu.memory_space<vmem>>, vector<1x10000xf32>,
    return
  }
}

module attributes {stable_mosaic.version = 14 : i64} {
  func.func @_head_body(%arg0: memref<2x10000x32xf32, #tpu.memory_space<vmem>>, %arg1: memref<32x10000xf32, #tpu.memory_space<vmem>>, %arg2: memref<1x32xf32, #tpu.memory_space<vmem>>, %arg3: memref<1x32xf32, #tpu.memory_space<vmem>>, %arg4: memref<1x32xf32, #tpu.memory_space<vmem>>, %arg5: memref<32x32xf32, #tpu.memory_space<vmem>>, %arg6: memref<1x32xf32, #tpu.memory_space<vmem>>, %arg7: memref<32x2xf32, #tpu.memory_space<vmem>>, %arg8: memref<1x2xf32, #tpu.memory_space<vmem>>, %arg9: memref<10000x2xf32, #tpu.memory_space<vmem>>) attributes {dimension_semantics = [], scalar_prefetch = 0 : i64, scratch_operands = 0 : i64, tpu.core_type = #tpu.core_type<tc>} {
    %get3A = arith.constant 0 : index
    %get3A_0 = arith.constant 0 : index
    %get3A_1 = arith.constant 0 : index
    %get3A_2 = vector.load %arg0[%get3A, %get3A_0, %get3A_1] : memref<2x10000x32xf32, #tpu.memory_space<vmem>>, vector<1x10000x32xf32>
    %get3A_3 = vector.shape_cast %get3A_2 : vector<1x10000x32xf32> to vector<10000x32xf32>
    %get3A_4 = arith.constant 1 : index
    %get3A_5 = arith.constant 0 : index
    %get3A_6 = arith.constant 0 : index
    %get3A_7 = vector.load %arg0[%get3A_4, %get3A_5, %get3A_6] : memref<2x10000x32xf32, #tpu.memory_space<vmem>>, vector<1x10000x32xf32>
    %get3A_8 = vector.shape_cast %get3A_7 : vector<1x10000x32xf32> to vector<10000x32xf32>
    %add3A = arith.addf %get3A_3, %get3A_8 : vector<10000x32xf32>
    %broadcast_in_dim3A = arith.constant 1.000000e+00 : f32
    %broadcast_in_dim3A_9 = vector.broadcast %broadcast_in_dim3A : f32 to vector<32x1xf32>
    %get3A_10 = arith.constant 0 : index
    %get3A_11 = arith.constant 0 : index
    %get3A_12 = vector.load %arg1[%get3A_10, %get3A_11] : memref<32x10000xf32, #tpu.memory_space<vmem>>, vector<32x10000xf32>
    %dot_general3A = arith.constant dense<0.000000e+00> : vector<10000x1xf32>
    %dot_general3A_13 = tpu.matmul %get3A_12, %broadcast_in_dim3A_9, %dot_general3A {dimension_numbers = #tpu.dot_dimension_numbers<[0], [0], [1], [1], [0, 1, 1, 1], [], []>, transpose_lhs_hint = false} : vector<32x10000xf32>, vector<32x1xf32>, vector<10000x1xf32> -> vector<10000x1xf32>
    %add3A_14 = arith.constant 1.000000e-16 : f32
    %add3A_15 = vector.broadcast %add3A_14 : f32 to vector<10000x1xf32>
    %add3A_16 = arith.addf %dot_general3A_13, %add3A_15 : vector<10000x1xf32>
    %div3A = vector.broadcast %add3A_16 : vector<10000x1xf32> to vector<10000x32xf32>
    %div3A_17 = arith.divf %add3A, %div3A : vector<10000x32xf32>
    %get3A_18 = arith.constant 0 : index
    %get3A_19 = arith.constant 0 : index
    %get3A_20 = vector.load %arg2[%get3A_18, %get3A_19] : memref<1x32xf32, #tpu.memory_space<vmem>>, vector<1x32xf32>
    %add3A_21 = vector.broadcast %get3A_20 : vector<1x32xf32> to vector<10000x32xf32>
    %add3A_22 = arith.addf %div3A_17, %add3A_21 : vector<10000x32xf32>
    %max3A = arith.constant 0.000000e+00 : f32
    %max3A_23 = vector.broadcast %max3A : f32 to vector<10000x32xf32>
    %max3A_24 = arith.maximumf %add3A_22, %max3A_23 : vector<10000x32xf32>
    %reduce_sum3A = arith.constant dense<0.000000e+00> : vector<32xf32>
    %reduce_sum3A_25 = vector.multi_reduction <add>, %max3A_24, %reduce_sum3A [0] : vector<10000x32xf32> to vector<32xf32>
    %broadcast_in_dim3A_26 = vector.shape_cast %reduce_sum3A_25 : vector<32xf32> to vector<1x32xf32>
    %div3A_27 = arith.constant 1.000000e+04 : f32
    %div3A_28 = vector.broadcast %div3A_27 : f32 to vector<1x32xf32>
    %div3A_29 = arith.divf %broadcast_in_dim3A_26, %div3A_28 : vector<1x32xf32>
    %sub3A = vector.broadcast %div3A_29 : vector<1x32xf32> to vector<10000x32xf32>
    %sub3A_30 = arith.subf %max3A_24, %sub3A : vector<10000x32xf32>
    %sub3A_31 = vector.broadcast %div3A_29 : vector<1x32xf32> to vector<10000x32xf32>
    %sub3A_32 = arith.subf %max3A_24, %sub3A_31 : vector<10000x32xf32>
    %mul3A = arith.mulf %sub3A_30, %sub3A_32 : vector<10000x32xf32>
    %reduce_sum3A_33 = arith.constant dense<0.000000e+00> : vector<32xf32>
    %reduce_sum3A_34 = vector.multi_reduction <add>, %mul3A, %reduce_sum3A_33 [0] : vector<10000x32xf32> to vector<32xf32>
    %broadcast_in_dim3A_35 = vector.shape_cast %reduce_sum3A_34 : vector<32xf32> to vector<1x32xf32>
    %div3A_36 = arith.constant 1.000000e+04 : f32
    %div3A_37 = vector.broadcast %div3A_36 : f32 to vector<1x32xf32>
    %div3A_38 = arith.divf %broadcast_in_dim3A_35, %div3A_37 : vector<1x32xf32>
    %sub3A_39 = vector.broadcast %div3A_29 : vector<1x32xf32> to vector<10000x32xf32>
    %sub3A_40 = arith.subf %max3A_24, %sub3A_39 : vector<10000x32xf32>
    %add3A_41 = arith.constant 9.99999974E-6 : f32
    %add3A_42 = vector.broadcast %add3A_41 : f32 to vector<1x32xf32>
    %add3A_43 = arith.addf %div3A_38, %add3A_42 : vector<1x32xf32>
    %rsqrt3A = math.rsqrt %add3A_43 : vector<1x32xf32>
    %mul3A_44 = vector.broadcast %rsqrt3A : vector<1x32xf32> to vector<10000x32xf32>
    %mul3A_45 = arith.mulf %sub3A_40, %mul3A_44 : vector<10000x32xf32>
    %get3A_46 = arith.constant 0 : index
    %get3A_47 = arith.constant 0 : index
    %get3A_48 = vector.load %arg3[%get3A_46, %get3A_47] : memref<1x32xf32, #tpu.memory_space<vmem>>, vector<1x32xf32>
    %mul3A_49 = vector.broadcast %get3A_48 : vector<1x32xf32> to vector<10000x32xf32>
    %mul3A_50 = arith.mulf %mul3A_45, %mul3A_49 : vector<10000x32xf32>
    %get3A_51 = arith.constant 0 : index
    %get3A_52 = arith.constant 0 : index
    %get3A_53 = vector.load %arg4[%get3A_51, %get3A_52] : memref<1x32xf32, #tpu.memory_space<vmem>>, vector<1x32xf32>
    %add3A_54 = vector.broadcast %get3A_53 : vector<1x32xf32> to vector<10000x32xf32>
    %add3A_55 = arith.addf %mul3A_50, %add3A_54 : vector<10000x32xf32>
    %get3A_56 = arith.constant 0 : index
    %get3A_57 = arith.constant 0 : index
    %get3A_58 = vector.load %arg5[%get3A_56, %get3A_57] : memref<32x32xf32, #tpu.memory_space<vmem>>, vector<32x32xf32>
    %dot_general3A_59 = arith.constant dense<0.000000e+00> : vector<10000x32xf32>
    %dot_general3A_60 = tpu.matmul %add3A_55, %get3A_58, %dot_general3A_59 {dimension_numbers = #tpu.dot_dimension_numbers<[1], [0], [0], [1], [0, 0, 1, 1], [], []>, transpose_lhs_hint = false} : vector<10000x32xf32>, vector<32x32xf32>, vector<10000x32xf32> -> vector<10000x32xf32>
    %get3A_61 = arith.constant 0 : index
    %get3A_62 = arith.constant 0 : index
    %get3A_63 = vector.load %arg6[%get3A_61, %get3A_62] : memref<1x32xf32, #tpu.memory_space<vmem>>, vector<1x32xf32>
    %add3A_64 = vector.broadcast %get3A_63 : vector<1x32xf32> to vector<10000x32xf32>
    %add3A_65 = arith.addf %dot_general3A_60, %add3A_64 : vector<10000x32xf32>
    %logistic3A = arith.negf %add3A_65 : vector<10000x32xf32>
    %logistic3A_66 = math.exp %logistic3A : vector<10000x32xf32>
    %logistic3A_67 = arith.constant 1.000000e+00 : f32
    %logistic3A_68 = vector.broadcast %logistic3A_67 : f32 to vector<10000x32xf32>
    %logistic3A_69 = arith.addf %logistic3A_68, %logistic3A_66 : vector<10000x32xf32>
    %logistic3A_70 = arith.divf %logistic3A_68, %logistic3A_69 : vector<10000x32xf32>
    %get3A_71 = arith.constant 0 : index
    %get3A_72 = arith.constant 0 : index
    %get3A_73 = vector.load %arg7[%get3A_71, %get3A_72] : memref<32x2xf32, #tpu.memory_space<vmem>>, vector<32x2xf32>
    %dot_general3A_74 = arith.constant dense<0.000000e+00> : vector<10000x2xf32>
    %dot_general3A_75 = tpu.matmul %logistic3A_70, %get3A_73, %dot_general3A_74 {dimension_numbers = #tpu.dot_dimension_numbers<[1], [0], [0], [1], [0, 0, 1, 1], [], []>, transpose_lhs_hint = false} : vector<10000x32xf32>, vector<32x2xf32>, vector<10000x2xf32> -> vector<10000x2xf32>
    %get3A_76 = arith.constant 0 : index
    %get3A_77 = arith.constant 0 : index
    %get3A_78 = vector.load %arg8[%get3A_76, %get3A_77] : memref<1x2xf32, #tpu.memory_space<vmem>>, vector<1x2xf32>
    %add3A_79 = vector.broadcast %get3A_78 : vector<1x2xf32> to vector<10000x2xf32>
    %add3A_80 = arith.addf %dot_general3A_75, %add3A_79 : vector<10000x2xf32>
    %swap3A = arith.constant 0 : index
    %swap3A_81 = arith.constant 0 : index
    %swap3A_82 = vector.load %arg9[%swap3A, %swap3A_81] : memref<10000x2xf32, #tpu.memory_space<vmem>>, vector<10000x2xf32>
    tpu.vector_store %arg9[%swap3A, %swap3A_81], %add3A_80 {strides = array<i32>} : memref<10000x2xf32, #tpu.memory_space<vmem>>, vector<10000x2xf32>,
    return
  }
}

</mosaic_0001>

<sc_bundles>
// kernel: kernel.10.cloned.1.call-start
scs
__scs_entry_jumppad:
0x0: {  	(pc) =	sbr.rel $0x88, $3  }
0x1: {  	(tag) =	ssettag $0x0;
	lr =	simm.s32 $0x1  }
0x2: {  	[smem:$0x3F88] =	sst lr;
	_ =	strace $0xD0000000  }
0x3: {  	_ = 	snop  }
0x4: {  	_ = 	snop  }
0x5: {  	_ = 	snop  }
0x6: {  	_ = 	snop  }
0x7: {  	_ = 	snop  }
__scs_overlays_trampoline_lowered:
0x8: {  	[smem:$0x3F97] =	sst s0  }
0x9: {  	[smem:$0x3F98] =	sst s1  }
0xa: {  	[smem:$0x3F99] =	sst s2  }
0xb: {  	[smem:$0x3F9A] =	sst s3  }
0xc: {  	[smem:$0x3F9B] =	sst s4  }
0xd: {  	[smem:$0x3F9C] =	sst s5  }
0xe: {  	[smem:$0x3F9D] =	sst s6  }
0xf: {  	[smem:$0x3F9E] =	sst s7  }
0x10: {  	[smem:$0x3F9F] =	sst s8  }
0x11: {  	[smem:$0x3FA0] =	sst s9;
	s0 =	simm.s32 @!p0 $0x0  }
0x12: {  	s1 =	sld [smem:$0x3F86];
	s0 =	simm.s32 @p0 $0x1  }
0x13: {  	[smem:$0x3FA1] =	sst s0;
	s0 =	simm.s32 @!p1 $0x0  }
0x14: {  	s2 =	sld [smem:$0x3F85];
	s0 =	simm.s32 @p1 $0x1  }
0x15: {  	[smem:$0x3FA2] =	sst s0;
	s0 =	simm.s32 @!p2 $0x0  }
0x16: {  	s3 =	sld [smem:$0x3FDB];
	s0 =	simm.s32 @p2 $0x1  }
0x17: {  	s4 =	simm.s32 $0x1BF5;
	[smem:$0x3FA4] =	sst s0  }
0x18: {  	s0 =	sld [smem:$0x3F87];
	_ =	swait.ge [sflag:s4], $0x0  }
0x19: {  	s7 =	sld [smem:$0x3F88]  }
0x1a: {  	s8 =	sadd.s32 $0xFFFFE003, lr  }
0x1b: {  	s9 =	sadd.s32 $0xFFFFFEF7, lr;
	s5 =	simm.s32 $0xFFFFFFFF;
	p2 =	slt.u32 s8, $0xFFFFF086  }
0x1c: {  	p1 =	slt.u32 s9, $0xF7A;
	s5 =	simm.s32 @!p2 $0x0  }
0x1d: {  	s5 =	simm.s32 @p1 $0x1;
	p0 =	seq.s32 s7, s2  }
0x1e: {  	s7 =	smul.u32 @!p0 $0xF7A, s2;
	p2 =	seq.s32 @!p0 s5, $0x0  }
0x1f: {  	s9 =	smul.u32 $0xF7A, s1;
	s8 =	simm.s32 @!p0 $0x1BF5;
	p2 =	por !p2, p0  }
0x20: {  	[sflag:s8] =	ssyncset.s32 @!p0 $0xFFFFF086;
	s6 =	sadd.s32 @!p0 s3, s7;
	s7 =	simm.s32 @!p0 $0x108  }
0x21: {  	s3 =	sadd.s32 s3, s9;
	s6 =	sadd.s32 @!p0 $0x88, s6;
	s7 =	simm.s32 @p2 $0x1082  }
0x22: {  	[simem:s7], [sflag:s8] =	dma.local @!p0 [hbm:s6], $0xF7A  }
0x23: {  	s9 =	sor.u32 $0xD0000000, s2;
	s6 =	simm.s32 $0x108;
	_ =	swait.ge @!p0 [sflag:s8], $0x0  }
0x24: {  	s3 =	sadd.s32 $0x88, s3;
	s6 =	simm.s32 @!p1 $0x1082;
	[sflag:s4] =	ssyncset.s32 $0xFFFFF086  }
0x25: {  	[simem:s6], [sflag:s4] =	dma.local [hbm:s3], $0xF7A  }
0x26: {  	[smem:$0x3F88] =	sst s1;
	(tag) =	ssettag s2;
	_ =	strace s9  }
0x27: {  	s1 =	sld [smem:$0x3F98]  }
0x28: {  	s2 =	sld [smem:$0x3F99]  }
0x29: {  	s4 =	sld [smem:$0x3F9B]  }
0x2a: {  	p0 =	seq.s32 s5, $0x0;
	s5 =	sld [smem:$0x3F9C]  }
0x2b: {  	s6 =	sld [smem:$0x3F9D]  }
0x2c: {  	s7 =	sld [smem:$0x3F9E]  }
0x2d: {  	s3 =	simm.s32 $0x108;
	s8 =	sld [smem:$0x3F9F]  }
0x2e: {  	s3 =	simm.s32 @!p0 $0x1082;
	s9 =	sld [smem:$0x3FA0]  }
0x2f: {  	lr =	sadd.s32 s0, s3;
	s0 =	sld [smem:$0x3F97]  }
0x30: {  	s3 =	sld [smem:$0x3F9A]  }
0x31: {  	[smem:$0x3FA3] =	sst s10  }
0x32: {  	s10 =	sld [smem:$0x3FA1];
	_ =	sdelay $0x3  }
0x33: {  	p0 =	seq.s32 s10, $0x1;
	s10 =	sld [smem:$0x3FA3];
	_ =	sdelay $0x3  }
0x34: {  	[smem:$0x3FA3] =	sst s10  }
0x35: {  	s10 =	sld [smem:$0x3FA2];
	_ =	sdelay $0x3  }
0x36: {  	p1 =	seq.s32 s10, $0x1;
	s10 =	sld [smem:$0x3FA3];
	_ =	sdelay $0x3  }
0x37: {  	[smem:$0x3FA3] =	sst s10  }
0x38: {  	s10 =	sld [smem:$0x3FA4]  }
0x39: {  	_ = 	snop;
	(pc) =	sbr.ind lr, $3  }
0x3a: {  	_ = 	snop  }
0x3b: {  	_ = 	snop  }
0x3c: {  	p2 =	seq.s32 s10, $0x1;
	s10 =	sld [smem:$0x3FA3]  }
0x3d: {  	_ =	shalt  }
0x3e: {  	_ =	shalt  }
0x3f: {  	_ =	shalt  }
0x40: {  	_ =	shalt  }
0x41: {  	_ =	shalt  }
0x42: {  	_ =	shalt  }
0x43: {  	_ =	shalt  }
0x44: {  	_ =	shalt  }
0x45: {  	_ =	shalt  }
0x46: {  	_ =	shalt  }
0x47: {  	_ =	shalt  }
0x48: {  	_ =	shalt  }
0x49: {  	_ =	shalt  }
0x4a: {  	_ =	shalt  }
0x4b: {  	_ =	shalt  }
0x4c: {  	_ =	shalt  }
0x4d: {  	_ =	shalt  }
0x4e: {  	_ =	shalt  }
0x4f: {  	_ =	shalt  }
0x50: {  	_ =	shalt  }
0x51: {  	_ =	shalt  }
0x52: {  	_ =	shalt  }
0x53: {  	_ =	shalt  }
0x54: {  	_ =	shalt  }
0x55: {  	_ =	shalt  }
0x56: {  	_ =	shalt  }
0x57: {  	_ =	shalt  }
0x58: {  	_ =	shalt  }
0x59: {  	_ =	shalt  }
0x5a: {  	_ =	shalt  }
0x5b: {  	_ =	shalt  }
0x5c: {  	_ =	shalt  }
0x5d: {  	_ =	shalt  }
0x5e: {  	_ =	shalt  }
0x5f: {  	_ =	shalt  }
0x60: {  	_ =	shalt  }
0x61: {  	_ =	shalt  }
0x62: {  	_ =	shalt  }
0x63: {  	_ =	shalt  }
0x64: {  	_ =	shalt  }
0x65: {  	_ =	shalt  }
0x66: {  	_ =	shalt  }
0x67: {  	_ =	shalt  }
0x68: {  	_ =	shalt  }
0x69: {  	_ =	shalt  }
0x6a: {  	_ =	shalt  }
0x6b: {  	_ =	shalt  }
0x6c: {  	_ =	shalt  }
0x6d: {  	_ =	shalt  }
0x6e: {  	_ =	shalt  }
0x6f: {  	_ =	shalt  }
0x70: {  	_ =	shalt  }
0x71: {  	_ =	shalt  }
0x72: {  	_ =	shalt  }
0x73: {  	_ =	shalt  }
0x74: {  	_ =	shalt  }
0x75: {  	_ =	shalt  }
0x76: {  	_ =	shalt  }
0x77: {  	_ =	shalt  }
0x78: {  	_ =	shalt  }
0x79: {  	_ =	shalt  }
0x7a: {  	_ =	shalt  }
0x7b: {  	_ =	shalt  }
0x7c: {  	_ =	shalt  }
0x7d: {  	_ =	shalt  }
0x7e: {  	_ =	shalt  }
0x7f: {  	_ =	shalt  }
0x80: {  	_ =	shalt  }
0x81: {  	_ =	shalt  }
0x82: {  	_ =	shalt  }
0x83: {  	_ =	shalt  }
0x84: {  	_ =	shalt  }
0x85: {  	_ =	shalt  }
0x86: {  	_ =	shalt  }
0x87: {  	_ =	shalt  }
.Lfunc_end0:
.L_simem_size_0:
called_computation_lowered:
.L_overlay_start_0:
0x88: {  	s2 =	sld [smem:$0x3FD9]  }
0x89: {  	s3 =	sld [smem:$0x3FFE];
	_ =	sdelay $0x1  }
0x8a: {  	s1 =	srdreg.scid  }
0x8b: {  	s0 =	sand.u32 $0x1, s1  }
0x8c: {  	s16 =	sshll.u32 s0, $0xA;
	s2 =	sadd.s32 s3, s2  }
0x8d: {  	s2 =	sadd.s32 s2, s16  }
0x8e: {  	[smem:$0x3FAF] =	sst s2  }
0x8f: {  	_ = 	snop  }
0x90: {  	(tm) =	ssettm $0x1  }
0x91: {  	s17 =	sld [smem:$0x3FFB];
	_ =	sdelay $0x3  }
0x92: {  	_ =	strace s17  }
0x93: {  	s2 =	sld [smem:$0x3FFC];
	_ =	sdelay $0x3  }
0x94: {  	_ =	strace s2  }
0x95: {  	s2 =	sld [smem:$0x3FFD];
	_ =	sdelay $0x3  }
0x96: {  	_ =	strace s2  }
0x97: {  	_ =	strace $0x8FFFFFFF  }
0x98: {  	s18 =	sld [smem:$0x3FDB];
	_ =	sdelay $0x1  }
0x99: {  	s19 =	simm.s32 $_scs_section_size  }
0x9a: {  	s4 =	simm.s32 $_size__tile_overlayer_lowered;
	s5 =	simm.s32 $_tile_overlayer_lowered  }
0x9b: {  	s22 =	simm.s32 $0x1BFF;
	s21 =	sshll.u32 s5, $0x1;
	s2 =	sadd.s32 s19, s18  }
0x9c: {  	s6 =	simm.s32 $0x0;
	s20 =	sshll.u32 s4, $0x1;
	s4 =	sadd.s32 s21, s2  }
0x9d: {  	[timem:s6], [sflag:s22] =	dma.local [hbm:s4], s20  }
0x9e: {  	_ =	swait.ge [sflag:s22], s20  }
0x9f: {  	s3 =	ssub.s32 $0x0, s20;
	[sflag:s22] =	ssyncset.done $0x0  }
0xa0: {  	[sflag:s22] =	ssyncadd.s32 s3;
	_ =	sdelay $0x1  }
0xa1: {  	s23 =	simm.s32 $0x1B8B  }
0xa2: {  	_ =	swait.ge [sflag:s23], $0x1  }
0xa3: {  	[sflag:s23] =	ssyncset.done $0x0  }
0xa4: {  	s25 =	simm.s32 $0x1B8E;
	s24 =	sld [smem:$0x3FFE];
	[sflag:s23] =	ssyncadd.s32 $0xFFFFFFFF  }
0xa5: {  	s26 =	simm.s32 $execute0_lowered;
	[smem:$0x3FD2] =	sst s25  }
0xa6: {  	s4 =	sshll.u32 s26, $0x1;
	_ =	strace $0x80000046;
	[dreg:$0x1] =	wrdreg $0xFFFFFFFF  }
0xa7: {  	s28 =	simm.s32 $_size_execute0_lowered;
	s2 =	sadd.s32 s2, s4;
	[dreg:$0x0] =	wrdreg $0x0  }
0xa8: {  	s4 =	sshll.u32 s28, $0x1;
	[dreg:$0x2] =	wrdreg s2  }
0xa9: {  	[dreg:$0x3] =	wrdreg s4  }
0xaa: {  	[dreg:$0x4] =	wrdreg $0xC0  }
0xab: {  	_ =	task [dreg:s6], $0x5FFFF  }
0xac: {  	[dreg:$0x1] =	wrdreg $0xFFFFFFFF  }
0xad: {  	[dreg:$0x0] =	wrdreg $0x60  }
0xae: {  	[dreg:$0x2] =	wrdreg s24  }
0xaf: {  	[dreg:$0x3] =	wrdreg $0x1A0F00  }
0xb0: {  	[dreg:$0x4] =	wrdreg $0x9  }
0xb1: {  	_ =	task.clear_ibuf [dreg:s6], $0x5FFFF;
	_ =	strace $0x90000046  }
0xb2: {  	s29 =	simm.s32 $0x9;
	_ =	strace $0x80000048  }
0xb3: {  	_ =	swait.ge [sflag:s29], $0x1  }
0xb4: {  	[sflag:s29] =	ssyncadd.s32 $0xFFFFFFFF  }
0xb5: {  	_ =	strace $0x90000048  }
0xb6: {  	_ =	sfence  }
0xb7: {  	s30 =	sld [smem:$0x0];
	_ =	sdelay $0x2  }
0xb8: {  	s31 =	sshll.u32 s1, $0xD;
	s1 =	sshrl.u32 s1, $0x2  }
0xb9: {  	s3 =	sand.u32 $0x4000, s31;
	s1 =	sadd.s32 s1, s30  }
0xba: {  	s0 =	sor.u32 s3, s0;
	s1 =	sshll.u32 s1, $0x11  }
0xbb: {  	s0 =	sor.u32 s1, s0  }
0xbc: {  	s0 =	sadd.s32 $0x8F2B, s0  }
0xbd: {  	[sflag:s0] =	ssyncadd.remote.s32 $0x1  }
0xbe: {  	_ =	sfence.sel $0xFFFF  }
0xbf: {  	[dreg:$0x0] =	wrdreg $0xFFFFFFFF;
	(pc) =	sbr.abs _section_cstart, $3  }
0xc0: {  	[dreg:$0x1] =	wrdreg $0xFFFFFFFF  }
0xc1: {  	_ =	task.clear_ibuf [dreg:s6], $0x2FFFF;
	_ =	strace $0x9FFFFFFF  }
0xc2: {  	(tm) =	ssettm $0x7FFFFFFF  }
0xc3: {  	_ =	shalt  }
tec
execute0_lowered:
.L_overlay_start_1:
0x0: {  	(tag) =	ssettag $0x1  }
0x1: {  	s0 =	rddreg [dreg:$0x0]  }
0x2: {  	s1 =	rddreg [dreg:$0x1];
	s2 =	simm.s32 $0x0  }
0x3: {  	s4 =	stileid.u32;
	s13 =	srdreg.scid;
	s28 =	simm.s32 $0x4  }
0x4: {  	s29 =	simm.s32 $0x5;
	s30 =	simm.s32 $0x180F0;
	s31 =	simm.s32 $0x8  }
0x5: {  	s10 =	simm.s32 $0x0;
	[smem:$0x7FF] =	sst s2;
	s3 =	sadd.s32 $0x5A00, s0  }
0x6: {  	s5 =	sadd.s32 $0x19E00, s0;
	s6 =	smul.u32 $0x38, s4;
	s7 =	sadd.s32 $0x19400, s0  }
0x7: {  	s19 =	sadd.s32 $0x4E000, s1;
	_ =	strace $0x80000047;
	[dreg:$0x3] =	wrdreg s5  }
0x8: {  	s21 =	sshll.u32 s4, $0xC;
	s23 =	sor.u32 $0x40, s4;
	[dreg:$0x4] =	wrdreg s7  }
0x9: {  	s5 =	sand.u32 $0x1, s13;
	s7 =	smul.u32 $0x68, s4;
	[dreg:$0x8] =	wrdreg s19  }
0xa: {  	s22 =	sadd.s32 s21, s1;
	s26 =	sshll.u32 s23, $0xC;
	p1 =	slt.u32 s23, $0x4E  }
0xb: {  	s23 =	simm.s32 $0x138E0;
	p0 =	seq.s32 s5, $0x0;
	s6 =	sadd.s32 $0x680, s6  }
0xc: {  	s8 =	sshll.u32 s5, $0x4;
	s14 =	smul.u32 $0x9C40, s5;
	s5 =	ssub.s32 $0x2, s5  }
0xd: {  	s24 =	sadd.s32 $0x10000, s22;
	s25 =	sadd.s32 $0x20000, s22;
	[dreg:$0xc] =	wrdreg s22  }
0xe: {  	p2 =	sne.s32 @!p1 s4, $0xE;
	s6 =	smov.u32 @p0 s7;
	[dreg:$0xd] =	wrdreg s24  }
0xf: {  	s8 =	sor.u32 s4, s8;
	s15 =	sshrl.u32 s5, $0x1;
	[dreg:$0xe] =	wrdreg s25  }
0x10: {  	s24 =	simm.s32 $0x1;
	s25 =	simm.s32 $0x2;
	p2 =	por p2, p1  }
0x11: {  	s6 =	sshll.u32 s6, $0x4;
	s8 =	smul.u32 $0x4E2, s8;
	s7 =	sadd.s32 s14, s0  }
0x12: {  	s5 =	ssub.s32 s5, s15;
	s15 =	simm.s32 $0x9C50;
	s9 =	sadd.s32 s6, s0  }
0x13: {  	s6 =	simm.s32 $0x34;
	s20 =	sadd.s32 $0x38800, s7;
	s5 =	smax.u32 s5, $0x1  }
0x14: {  	s7 =	sadd.s32 $0x30000, s22;
	s22 =	simm.s32 $0x80;
	s0 =	sadd.s32 s8, s0  }
0x15: {  	s16 =	sadd.s32 $0x1A800, s9;
	s17 =	sadd.s32 $0x24800, s9;
	[dreg:$0xa] =	wrdreg s20  }
0x16: {  	s6 =	simm.s32 @!p0 $0x1C;
	s18 =	sadd.s32 $0x2E800, s9;
	[dreg:$0xb] =	wrdreg s5  }
0x17: {  	[dreg:$0xf] =	wrdreg s7;
	s5 =	sadd.s32 s26, s1;
	s20 =	simm.s32 $0x4E28  }
0x18: {  	p0 =	sne.s32 s4, $0x0;
	s26 =	simm.s32 $0x3;
	[dreg:$0x5] =	wrdreg s16  }
0x19: {  	s4 =	simm.s32 $0x15FF0;
	s7 =	simm.s32 $0x190F0;
	[dreg:$0x6] =	wrdreg s17  }
0x1a: {  	s8 =	simm.s32 $0x6;
	s9 =	simm.s32 $0x7;
	[dreg:$0x7] =	wrdreg s18  }
0x1b: {  	s11 =	sadd.s32 $0xFFFFFFFF, s6;
	s0 =	sadd.s32 $0x4C200, s0;
	[dreg:$0x10] =	wrdreg s5  }
0x1c: {  	v0 =	vimm.f32 $0.0e+00;
	s5 =	simm.s32 $0x16070;
	[dreg:$0x9] =	wrdreg s0;
	s0 =	simm.s32 $0x40  }
.LBB2_1:
0x1d: {  	s12 =	rddreg [dreg:$0x3]  }
0x1e: {  	[tilespmem:s2], [sflag:$0x1] =	stream.linear.gather [hbm4b:s12+s2], $0x4E28, $0x38;
	[tilespmem:$0x1EF10] =	vst v63  }
0x1f: {  	s16 =	rddreg [dreg:$0x4]  }
0x20: {  	[tilespmem:s20], [sflag:$0x2] =	stream.linear.gather [hbm4b:s16+s2], $0x4E28, $0x38;
	[tilespmem:$0x1EF10] =	vst v63  }
0x21: {  	s17 =	rddreg [dreg:$0x5]  }
0x22: {  	[tilespmem:s15], [sflag:$0x3] =	stream.linear.gather [hbm4b:s17+s2], $0x3400, $0x38;
	[tilespmem:$0x1EF10] =	vst v63  }
0x23: {  	s18 =	rddreg [dreg:$0x6];
	s13 =	simm.s32 $0xD050  }
0x24: {  	[tilespmem:s13], [sflag:$0x4] =	stream.linear.gather [hbm4b:s18+s2], $0x3400, $0x38;
	[tilespmem:$0x1EF10] =	vst v63  }
0x25: {  	s19 =	rddreg [dreg:$0x7];
	s21 =	simm.s32 $0x10450  }
0x26: {  	[tilespmem:s21], [sflag:$0x5] =	stream.linear.gather [hbm4b:s19+s2], $0x3400, $0x38;
	[tilespmem:$0x1EF10] =	vst v63  }
0x27: {  	_ =	swait.ge [sflag:s24], $0x4E28  }
0x28: {  	[sflag:s24] =	ssyncset.done $0x0  }
0x29: {  	[sflag:s24] =	ssyncadd.s32 $0xFFFFB1D8  }
0x2a: {  	_ =	swait.ge [sflag:s25], $0x4E28  }
0x2b: {  	[sflag:s25] =	ssyncset.done $0x0  }
0x2c: {  	[sflag:s25] =	ssyncadd.s32 $0xFFFFB1D8  }
0x2d: {  	_ =	swait.ge [sflag:s26], $0x3400  }
0x2e: {  	[sflag:s26] =	ssyncset.done $0x0  }
0x2f: {  	[sflag:s26] =	ssyncadd.s32 $0xFFFFCC00  }
0x30: {  	_ =	swait.ge [sflag:s28], $0x3400  }
0x31: {  	[sflag:s28] =	ssyncset.done $0x0  }
0x32: {  	[sflag:s28] =	ssyncadd.s32 $0xFFFFCC00  }
0x33: {  	_ =	swait.ge [sflag:s29], $0x3400  }
0x34: {  	[sflag:s29] =	ssyncset.done $0x0  }
0x35: {  	s12 =	simm.s32 $0x40;
	s13 =	simm.s32 $0x0;
	[sflag:s29] =	ssyncadd.s32 $0xFFFFCC00  }
.LBB2_2:
0x36: {  	p3 =	sne.s32 s12, $0x9C00;
	[tilespmem:s13+$0x138E0] =	vst v0;
	s13 =	smov.u32 s12;
	s12 =	sadd.s32 $0x40, s12  }
.Ltmp0:
0x37: {  	(pc) =	sbr.rel @p3 .LBB2_2-.Ltmp0, $2  }
0x38: {  	_ =	sdelay $0x2  }
0x39: {  	s13 =	sshra.s32 s13, $0x2  }
0x3a: {  	[tilespmem:s13+$0x138E0] =	vst v0  }
0x3b: {  	s12 =	simm.s32 $0x80;
	s13 =	simm.s32 $0x0;
	[tilespmem:$0x138D0] =	vst v0  }
.LBB2_4:
0x3c: {  	p3 =	sne.s32 s12, $0x3F80;
	[tilespmem:s13+$0x180F0] =	vst v0;
	s14 =	smov.u32 s12;
	s12 =	sadd.s32 $0x80, s12  }
.Ltmp1:
0x3d: {  	[tilespmem:s13+$0x18100] =	vst v0;
	(pc) =	sbr.rel @p3 .LBB2_4-.Ltmp1, $2  }
0x3e: {  	_ =	sdelay $0x2  }
0x3f: {  	s13 =	sshra.s32 s14, $0x2  }
0x40: {  	[tilespmem:s13+$0x180F0] =	vst v0  }
0x41: {  	[tilespmem:s13+$0x18100] =	vst v0;
	s12 =	rddreg [dreg:$0xc]  }
0x42: {  	[spmem:s12] =	stream.linear.scatter [tilespmem:s30], [sflag:$0x8], $0x1000, $0x38;
	[tilespmem:$0x1EF10] =	vst v63  }
0x43: {  	_ =	swait.ge [sflag:s31], $0x1000  }
0x44: {  	[sflag:s31] =	ssyncset.done $0x0  }
0x45: {  	s19 =	rddreg [dreg:$0xd];
	[sflag:s31] =	ssyncadd.s32 $0xFFFFF000  }
0x46: {  	[spmem:s19] =	stream.linear.scatter [tilespmem:s30], [sflag:$0x8], $0x1000, $0x38;
	[tilespmem:$0x1EF10] =	vst v63  }
0x47: {  	_ =	swait.ge [sflag:s31], $0x1000  }
0x48: {  	[sflag:s31] =	ssyncset.done $0x0  }
0x49: {  	s21 =	rddreg [dreg:$0xe];
	[sflag:s31] =	ssyncadd.s32 $0xFFFFF000  }
0x4a: {  	[spmem:s21] =	stream.linear.scatter [tilespmem:s30], [sflag:$0x8], $0x1000, $0x38;
	[tilespmem:$0x1EF10] =	vst v63  }
0x4b: {  	_ =	swait.ge [sflag:s31], $0x1000  }
0x4c: {  	[sflag:s31] =	ssyncset.done $0x0  }
0x4d: {  	s13 =	rddreg [dreg:$0xf];
	[sflag:s31] =	ssyncadd.s32 $0xFFFFF000  }
0x4e: {  	[spmem:s13] =	stream.linear.scatter [tilespmem:s30], [sflag:$0x8], $0x1000, $0x38;
	[tilespmem:$0x1EF10] =	vst v63  }
0x4f: {  	_ =	swait.ge [sflag:s31], $0x1000  }
0x50: {  	[sflag:s31] =	ssyncset.done $0x0  }
0x51: {  	s12 =	simm.s32 @p1 $0x180F0;
	s13 =	rddreg [dreg:$0x10];
	[sflag:s31] =	ssyncadd.s32 $0xFFFFF000  }
0x52: {  	[spmem:s13] =	stream.linear.scatter @p1 [tilespmem:s12], [sflag:$0x8], $0x1000, $0x38;
	[tilespmem:$0x1EF10] =	vst v63  }
0x53: {  	s12 =	simm.s32 @p1 $0x8  }
0x54: {  	_ =	swait.ge @p1 [sflag:s12], $0x1000  }
0x55: {  	[sflag:s12] =	ssyncset.done @p1 $0x0  }
0x56: {  	s13 =	rddreg [dreg:$0x8];
	[sflag:s12] =	ssyncadd.s32 @p1 $0xFFFFF000;
	s12 =	simm.s32 @!p2 $0x180F0  }
0x57: {  	[spmem:s13] =	stream.linear.scatter @!p2 [tilespmem:s12], [sflag:$0x7], $0x200, $0x38;
	[tilespmem:$0x1EF10] =	vst v63  }
0x58: {  	s12 =	simm.s32 @!p2 $0x7  }
0x59: {  	_ =	swait.ge @!p2 [sflag:s12], $0x200  }
0x5a: {  	[sflag:s12] =	ssyncset.done @!p2 $0x0  }
0x5b: {  	[sflag:s12] =	ssyncadd.s32 @!p2 $0xFFFFFE00  }
0x5c: {  	s14 =	simm.s32 $0x160F0;
	[bflag:$0x0] =	sbarrier.arrive $0xFFFF  }
0x5d: {  	[tilespmem:s14], [sflag:$0x1] =	stream.indirect.gather [hbm4b:s3+s0], $0x20, s15, s0, $0xb8;
	[tilespmem:$0x1EF10] =	vst v63  }
0x5e: {  	s16 =	simm.s32 $0x168F0;
	s15 =	simm.s32 $0x9C90  }
0x5f: {  	[tilespmem:s16], [sflag:$0x3] =	stream.indirect.gather [hbm4b:s3+s0], $0x20, s15, s0, $0xb8;
	[tilespmem:$0x1EF10] =	vst v63  }
0x60: {  	s17 =	simm.s32 $0x9CD0;
	s18 =	simm.s32 $0x170F0  }
0x61: {  	[tilespmem:s18], [sflag:$0x2] =	stream.indirect.gather [hbm4b:s3+s0], $0x20, s17, s0, $0xb8;
	[tilespmem:$0x1EF10] =	vst v63  }
0x62: {  	s19 =	simm.s32 $0x9D10;
	s21 =	simm.s32 $0x178F0  }
0x63: {  	[tilespmem:s21], [sflag:$0x4] =	stream.indirect.gather [hbm4b:s3+s0], $0x20, s19, s0, $0xb8;
	[tilespmem:$0x1EF10] =	vst v63  }
0x64: {  	s21 =	simm.s32 $0x0  }
.LBB2_6:
0x65: {  	_ =	swait.ge [sflag:s24], $0x800  }
0x66: {  	[sflag:s24] =	ssyncset.done $0x0  }
0x67: {  	[sflag:s24] =	ssyncadd.s32 $0xFFFFF800  }
0x68: {  	_ =	swait.ge [sflag:s26], $0x800  }
0x69: {  	p4 =	seq.s32 s21, $0x0;
	[sflag:s26] =	ssyncset.done $0x0  }
0x6a: {  	s13 =	simm.s32 @!p4 $0x5;
	[sflag:s26] =	ssyncadd.s32 $0xFFFFF800  }
0x6b: {  	_ =	swait.ge @!p4 [sflag:s13], $0x1000  }
0x6c: {  	s12 =	sshll.u32 s21, $0xA;
	[sflag:s13] =	ssyncset.done @!p4 $0x0  }
0x6d: {  	s17 =	sshra.s32 s12, $0x2;
	[sflag:s13] =	ssyncadd.s32 @!p4 $0xFFFFF000  }
0x6e: {  	v1 =	vld [tilespmem:s17+$0x10450];
	_ =	sdelay $0x4  }
0x6f: {  	[tilespmem:$0x15FF0] =	vst v1  }
0x70: {  	v2 =	vld [tilespmem:s17+$0x10460];
	_ =	sdelay $0x4  }
0x71: {  	[tilespmem:$0x16000] =	vst v2  }
0x72: {  	v2 =	vld [tilespmem:s17+$0x10470];
	_ =	sdelay $0x4  }
0x73: {  	[tilespmem:$0x16010] =	vst v2  }
0x74: {  	v2 =	vld [tilespmem:s17+$0x10480];
	_ =	sdelay $0x4  }
0x75: {  	[tilespmem:$0x16020] =	vst v2  }
0x76: {  	v2 =	vld [tilespmem:s17+$0x10490];
	_ =	sdelay $0x4  }
0x77: {  	[tilespmem:$0x16030] =	vst v2  }
0x78: {  	v2 =	vld [tilespmem:s17+$0x104A0];
	_ =	sdelay $0x4  }
0x79: {  	[tilespmem:$0x16040] =	vst v2  }
0x7a: {  	v2 =	vld [tilespmem:s17+$0x104B0];
	_ =	sdelay $0x4  }
0x7b: {  	[tilespmem:$0x16050] =	vst v2  }
0x7c: {  	v2 =	vld [tilespmem:s17+$0x104C0];
	_ =	sdelay $0x4  }
0x7d: {  	s18 =	sshll.u32 s21, $0x8;
	[tilespmem:$0x16060] =	vst v2  }
0x7e: {  	v2 =	vld [tilespmem:s18+$0xD050]  }
0x7f: {  	v3 =	vld [tilespmem:s18+$0x9C50];
	_ =	sdelay $0x6  }
0x80: {  	v2 =	vld.idx.msk [tilespmem:v2+s2+$0x0], $0xffff  }
0x81: {  	v3 =	vld.idx.msk [tilespmem:v3+s20+$0x0], $0xffff;
	_ =	sdelay $0x4  }
0x82: {  	v2 =	vadd.f32 v3, v2;
	_ =	sdelay $0x1  }
0x83: {  	v3 =	vmul.f32 $2.000000030e-01, v2;
	_ =	sdelay $0x1  }
0x84: {  	v2 =	vmax.f32 v2, v3  }
0x85: {  	v2 =	vmul.f32 $1.442695020e+00, v2;
	_ =	sdelay $0x1  }
0x86: {  	(erf) = vpow2.f32 v2;
	_ =	sdelay $0x8  }
0x87: {  	v2 =	vpop (erf)  }
0x88: {  	[tilespmem:$0x13850] =	vst v2  }
0x89: {  	[tilespmem:v1+s23+$0x0] =	vst.idx.add.f32.msk $0xffff, v2  }
0x8a: {  	v1 =	vld [tilespmem:s18+$0xD060]  }
0x8b: {  	v2 =	vld [tilespmem:s18+$0x9C60];
	_ =	sdelay $0x6  }
0x8c: {  	v1 =	vld.idx.msk [tilespmem:v1+s2+$0x0], $0xffff  }
0x8d: {  	v2 =	vld.idx.msk [tilespmem:v2+s20+$0x0], $0xffff;
	_ =	sdelay $0x4  }
0x8e: {  	v1 =	vadd.f32 v2, v1;
	_ =	sdelay $0x1  }
0x8f: {  	v2 =	vmul.f32 $2.000000030e-01, v1;
	_ =	sdelay $0x1  }
0x90: {  	v1 =	vmax.f32 v1, v2  }
0x91: {  	v1 =	vmul.f32 $1.442695020e+00, v1;
	_ =	sdelay $0x1  }
0x92: {  	(erf) = vpow2.f32 v1;
	_ =	sdelay $0x2  }
0x93: {  	v1 =	vld [tilespmem:$0x16000];
	_ =	sdelay $0x5  }
0x94: {  	v2 =	vpop (erf)  }
0x95: {  	[tilespmem:$0x13860] =	vst v2  }
0x96: {  	[tilespmem:v1+s23+$0x0] =	vst.idx.add.f32.msk $0xffff, v2  }
0x97: {  	v1 =	vld [tilespmem:s18+$0xD070]  }
0x98: {  	v2 =	vld [tilespmem:s18+$0x9C70];
	_ =	sdelay $0x6  }
0x99: {  	v1 =	vld.idx.msk [tilespmem:v1+s2+$0x0], $0xffff  }
0x9a: {  	v2 =	vld.idx.msk [tilespmem:v2+s20+$0x0], $0xffff;
	_ =	sdelay $0x4  }
0x9b: {  	v1 =	vadd.f32 v2, v1;
	_ =	sdelay $0x1  }
0x9c: {  	v2 =	vmul.f32 $2.000000030e-01, v1;
	_ =	sdelay $0x1  }
0x9d: {  	v1 =	vmax.f32 v1, v2  }
0x9e: {  	v1 =	vmul.f32 $1.442695020e+00, v1;
	_ =	sdelay $0x1  }
0x9f: {  	(erf) = vpow2.f32 v1;
	_ =	sdelay $0x2  }
0xa0: {  	v1 =	vld [tilespmem:$0x16010];
	_ =	sdelay $0x5  }
0xa1: {  	v2 =	vpop (erf)  }
0xa2: {  	[tilespmem:$0x13870] =	vst v2  }
0xa3: {  	[tilespmem:v1+s23+$0x0] =	vst.idx.add.f32.msk $0xffff, v2  }
0xa4: {  	v1 =	vld [tilespmem:s18+$0xD080]  }
0xa5: {  	v2 =	vld [tilespmem:s18+$0x9C80];
	_ =	sdelay $0x6  }
0xa6: {  	v1 =	vld.idx.msk [tilespmem:v1+s2+$0x0], $0xffff  }
0xa7: {  	v2 =	vld.idx.msk [tilespmem:v2+s20+$0x0], $0xffff;
	_ =	sdelay $0x4  }
0xa8: {  	v1 =	vadd.f32 v2, v1;
	_ =	sdelay $0x1  }
0xa9: {  	v2 =	vmul.f32 $2.000000030e-01, v1;
	_ =	sdelay $0x1  }
0xaa: {  	v1 =	vmax.f32 v1, v2  }
0xab: {  	v1 =	vmul.f32 $1.442695020e+00, v1;
	_ =	sdelay $0x1  }
0xac: {  	(erf) = vpow2.f32 v1;
	_ =	sdelay $0x2  }
0xad: {  	v1 =	vld [tilespmem:$0x16020];
	_ =	sdelay $0x5  }
0xae: {  	v2 =	vpop (erf)  }
0xaf: {  	[tilespmem:$0x13880] =	vst v2  }
0xb0: {  	[tilespmem:v1+s23+$0x0] =	vst.idx.add.f32.msk $0xffff, v2  }
0xb1: {  	v1 =	vld [tilespmem:s18+$0xD090]  }
0xb2: {  	v2 =	vld [tilespmem:s18+$0x9C90];
	_ =	sdelay $0x6  }
0xb3: {  	v1 =	vld.idx.msk [tilespmem:v1+s2+$0x0], $0xffff  }
0xb4: {  	v2 =	vld.idx.msk [tilespmem:v2+s20+$0x0], $0xffff;
	_ =	sdelay $0x4  }
0xb5: {  	v1 =	vadd.f32 v2, v1;
	_ =	sdelay $0x1  }
0xb6: {  	v2 =	vmul.f32 $2.000000030e-01, v1;
	_ =	sdelay $0x1  }
0xb7: {  	v1 =	vmax.f32 v1, v2  }
0xb8: {  	v1 =	vmul.f32 $1.442695020e+00, v1;
	_ =	sdelay $0x1  }
0xb9: {  	(erf) = vpow2.f32 v1;
	_ =	sdelay $0x2  }
0xba: {  	v1 =	vld [tilespmem:$0x16030];
	_ =	sdelay $0x5  }
0xbb: {  	v2 =	vpop (erf)  }
0xbc: {  	[tilespmem:$0x13890] =	vst v2  }
0xbd: {  	[tilespmem:v1+s23+$0x0] =	vst.idx.add.f32.msk $0xffff, v2  }
0xbe: {  	v1 =	vld [tilespmem:s18+$0xD0A0]  }
0xbf: {  	v2 =	vld [tilespmem:s18+$0x9CA0];
	_ =	sdelay $0x6  }
0xc0: {  	v1 =	vld.idx.msk [tilespmem:v1+s2+$0x0], $0xffff  }
0xc1: {  	v2 =	vld.idx.msk [tilespmem:v2+s20+$0x0], $0xffff;
	_ =	sdelay $0x4  }
0xc2: {  	v1 =	vadd.f32 v2, v1;
	_ =	sdelay $0x1  }
0xc3: {  	v2 =	vmul.f32 $2.000000030e-01, v1;
	_ =	sdelay $0x1  }
0xc4: {  	v1 =	vmax.f32 v1, v2  }
0xc5: {  	v1 =	vmul.f32 $1.442695020e+00, v1;
	_ =	sdelay $0x1  }
0xc6: {  	(erf) = vpow2.f32 v1;
	_ =	sdelay $0x2  }
0xc7: {  	v1 =	vld [tilespmem:$0x16040];
	_ =	sdelay $0x5  }
0xc8: {  	v2 =	vpop (erf)  }
0xc9: {  	[tilespmem:$0x138A0] =	vst v2  }
0xca: {  	[tilespmem:v1+s23+$0x0] =	vst.idx.add.f32.msk $0xffff, v2  }
0xcb: {  	v1 =	vld [tilespmem:s18+$0xD0B0]  }
0xcc: {  	v2 =	vld [tilespmem:s18+$0x9CB0];
	_ =	sdelay $0x6  }
0xcd: {  	v1 =	vld.idx.msk [tilespmem:v1+s2+$0x0], $0xffff  }
0xce: {  	v2 =	vld.idx.msk [tilespmem:v2+s20+$0x0], $0xffff;
	_ =	sdelay $0x4  }
0xcf: {  	v1 =	vadd.f32 v2, v1;
	_ =	sdelay $0x1  }
0xd0: {  	v2 =	vmul.f32 $2.000000030e-01, v1;
	_ =	sdelay $0x1  }
0xd1: {  	v1 =	vmax.f32 v1, v2  }
0xd2: {  	v1 =	vmul.f32 $1.442695020e+00, v1;
	_ =	sdelay $0x1  }
0xd3: {  	(erf) = vpow2.f32 v1;
	_ =	sdelay $0x2  }
0xd4: {  	v1 =	vld [tilespmem:$0x16050];
	_ =	sdelay $0x5  }
0xd5: {  	v2 =	vpop (erf)  }
0xd6: {  	[tilespmem:$0x138B0] =	vst v2  }
0xd7: {  	[tilespmem:v1+s23+$0x0] =	vst.idx.add.f32.msk $0xffff, v2  }
0xd8: {  	v1 =	vld [tilespmem:s18+$0xD0C0]  }
0xd9: {  	v2 =	vld [tilespmem:s18+$0x9CC0];
	_ =	sdelay $0x6  }
0xda: {  	v1 =	vld.idx.msk [tilespmem:v1+s2+$0x0], $0xffff  }
0xdb: {  	v2 =	vld.idx.msk [tilespmem:v2+s20+$0x0], $0xffff;
	_ =	sdelay $0x4  }
0xdc: {  	v1 =	vadd.f32 v2, v1;
	_ =	sdelay $0x1  }
0xdd: {  	v2 =	vmul.f32 $2.000000030e-01, v1;
	_ =	sdelay $0x1  }
0xde: {  	v1 =	vmax.f32 v1, v2  }
0xdf: {  	v1 =	vmul.f32 $1.442695020e+00, v1;
	_ =	sdelay $0x1  }
0xe0: {  	(erf) = vpow2.f32 v1;
	_ =	sdelay $0x2  }
0xe1: {  	v1 =	vld [tilespmem:$0x16060];
	_ =	sdelay $0x5  }
0xe2: {  	v2 =	vpop (erf)  }
0xe3: {  	[tilespmem:$0x138C0] =	vst v2  }
0xe4: {  	s19 =	simm.s32 $0x13854;
	[tilespmem:v1+s23+$0x0] =	vst.idx.add.f32.msk $0xffff, v2  }
0xe5: {  	s15 =	simm.s32 $0x16170;
	v2 =	vld.msk [tilespmem:s19+$0x3 ss:$0x0], $0xffff  }
0xe6: {  	v1 =	vld [tilespmem:s15+$0x60]  }
0xe7: {  	v11 =	vld.msk [tilespmem:s19+$0xFFFFFFFC ss:$0x0], $0xffff  }
0xe8: {  	v5 =	vld.msk [tilespmem:s19+$0xFFFFFFFD ss:$0x0], $0xffff  }
0xe9: {  	v7 =	vld.msk [tilespmem:s19+$0xFFFFFFFE ss:$0x0], $0xffff  }
0xea: {  	v8 =	vld.msk [tilespmem:s19+$0xFFFFFFFF ss:$0x0], $0xffff  }
0xeb: {  	v9 =	vld.msk [tilespmem:s19+$0x0 ss:$0x0], $0xffff  }
0xec: {  	v10 =	vld.msk [tilespmem:s19+$0x1 ss:$0x0], $0xffff  }
0xed: {  	v12 =	vld.msk [tilespmem:s19+$0x2 ss:$0x0], $0xffff  }
0xee: {  	v3 =	vld [tilespmem:s15+$0xFFFFFFA0]  }
0xef: {  	v4 =	vld [tilespmem:s15+$0xFFFFFFC0]  }
0xf0: {  	v6 =	vld [tilespmem:s15+$0xFFFFFFE0]  }
0xf1: {  	v13 =	vld [tilespmem:s15+$0x0]  }
0xf2: {  	v14 =	vld [tilespmem:s15+$0x20]  }
0xf3: {  	s17 =	simm.s32 $0x1385C;
	v16 =	vld [tilespmem:s15+$0xFFFFFF80]  }
0xf4: {  	v21 =	vld.msk [tilespmem:s17+$0x3 ss:$0x0], $0xffff;
	v1 =	vmul.f32 v2, v1  }
0xf5: {  	s13 =	simm.s32 $0x18170;
	v22 =	vld.msk [tilespmem:s17+$0xFFFFFFFD ss:$0x0], $0xffff;
	v4 =	vmul.f32 v7, v4  }
0xf6: {  	[tilespmem:s13+$0x60] =	vst v1;
	v1 =	vmul.f32 v5, v3;
	v3 =	vld [tilespmem:s15+$0x40]  }
0xf7: {  	[tilespmem:s13+$0xFFFFFFC0] =	vst v4;
	v4 =	vmul.f32 v9, v13;
	v15 =	vld [tilespmem:s15+$0x70]  }
0xf8: {  	s16 =	simm.s32 $0x16270;
	v13 =	vld [tilespmem:s15+$0xFFFFFFD0]  }
0xf9: {  	[tilespmem:s13+$0x0] =	vst v4;
	v4 =	vld [tilespmem:s16+$0x60]  }
0xfa: {  	[tilespmem:s13+$0xFFFFFFA0] =	vst v1;
	v1 =	vmul.f32 v8, v6;
	v6 =	vld.msk [tilespmem:s17+$0xFFFFFFFE ss:$0x0], $0xffff  }
0xfb: {  	v17 =	vld [tilespmem:s15+$0xFFFFFFB0]  }
0xfc: {  	v18 =	vld [tilespmem:s15+$0x10];
	[tilespmem:s13+$0xFFFFFFE0] =	vst v1;
	v1 =	vmul.f32 v10, v14  }
0xfd: {  	v14 =	vld [tilespmem:s15+$0xFFFFFFF0]  }
0xfe: {  	[tilespmem:s13+$0x20] =	vst v1;
	v1 =	vld.msk [tilespmem:s17+$0xFFFFFFFC ss:$0x0], $0xffff  }
0xff: {  	v3 =	vmul.f32 v12, v3;
	v15 =	vmul.f32 v15, v2;
	v2 =	vld.msk [tilespmem:s17+$0x0 ss:$0x0], $0xffff  }
0x100: {  	v19 =	vld [tilespmem:s15+$0x30]  }
0x101: {  	[tilespmem:s13+$0x40] =	vst v3;
	v3 =	vld.msk [tilespmem:s17+$0xFFFFFFFF ss:$0x0], $0xffff  }
0x102: {  	v23 =	vmul.f32 v21, v4;
	v4 =	vld.msk [tilespmem:s17+$0x1 ss:$0x0], $0xffff  }
0x103: {  	s14 =	simm.s32 $0x18270;
	v7 =	vmul.f32 v13, v7;
	v20 =	vld [tilespmem:s15+$0x50];
	[tilespmem:s13+$0x70] =	vst v15  }
0x104: {  	v15 =	vmul.f32 v11, v16;
	v62 =	vmul.f32 v17, v5;
	v5 =	vld.msk [tilespmem:s17+$0x2 ss:$0x0], $0xffff;
	[tilespmem:s14+$0x60] =	vst v23  }
0x105: {  	[tilespmem:s13+$0xFFFFFFD0] =	vst v7;
	v13 =	vld [tilespmem:s16+$0x70]  }
0x106: {  	[tilespmem:s13+$0xFFFFFF80] =	vst v15;
	v8 =	vmul.f32 v14, v8;
	v14 =	vld [tilespmem:s16+$0xFFFFFFA0]  }
0x107: {  	v7 =	vmul.f32 v18, v9;
	v9 =	vld [tilespmem:s16+$0xFFFFFFC0];
	[tilespmem:s13+$0xFFFFFFB0] =	vst v62  }
0x108: {  	[tilespmem:s13+$0xFFFFFFF0] =	vst v8;
	v8 =	vmul.f32 v19, v10;
	v10 =	vld [tilespmem:s16+$0xFFFFFFE0]  }
0x109: {  	[tilespmem:s13+$0x10] =	vst v7;
	v7 =	vmul.f32 v20, v12;
	v12 =	vld [tilespmem:s16+$0x0]  }
0x10a: {  	[tilespmem:s13+$0x30] =	vst v8;
	v8 =	vld [tilespmem:s16+$0x20];
	v13 =	vmul.f32 v13, v21  }
0x10b: {  	[tilespmem:s13+$0x50] =	vst v7;
	v7 =	vmul.f32 v22, v14;
	v14 =	vld [tilespmem:s16+$0x40]  }
0x10c: {  	v15 =	vld [tilespmem:s16+$0xFFFFFF80];
	v9 =	vmul.f32 v6, v9;
	[tilespmem:s14+$0x70] =	vst v13  }
0x10d: {  	[tilespmem:s14+$0xFFFFFFA0] =	vst v7;
	v7 =	vmul.f32 v3, v10;
	v13 =	vld [tilespmem:s15+$0xFFFFFF90]  }
0x10e: {  	[tilespmem:s14+$0xFFFFFFC0] =	vst v9;
	v63 =	vld [tilespmem:s16+$0xFFFFFFB0];
	v9 =	vmul.f32 v2, v12  }
0x10f: {  	v10 =	vld [tilespmem:s16+$0xFFFFFFD0];
	[tilespmem:s14+$0xFFFFFFE0] =	vst v7;
	v12 =	vmul.f32 v4, v8  }
0x110: {  	v7 =	vld [tilespmem:s16+$0xFFFFFFF0];
	[tilespmem:s14+$0x0] =	vst v9;
	v14 =	vmul.f32 v5, v14  }
0x111: {  	v15 =	vmul.f32 v1, v15;
	v8 =	vld [tilespmem:s16+$0x10];
	[tilespmem:s14+$0x20] =	vst v12  }
0x112: {  	s18 =	simm.s32 $0x8;
	v9 =	vld [tilespmem:s16+$0x30];
	[tilespmem:s14+$0x40] =	vst v14;
	v13 =	vmul.f32 v13, v11  }
0x113: {  	s19 =	simm.s32 $0x16270;
	s17 =	sshll.u32 s21, $0x1;
	[tilespmem:s14+$0xFFFFFF80] =	vst v15;
	s15 =	simm.s32 $0x13864;
	v12 =	vmul.f32 v63, v22;
	v11 =	vld [tilespmem:s16+$0x50]  }
.LBB2_7:
0x114: {  	v14 =	vld.msk [tilespmem:s15+$0x3 ss:$0x0], $0xffff;
	s18 =	sadd.s32 $0x8, s18;
	v6 =	vmul.f32 v10, v6;
	s16 =	sadd.s32 $0x100, s16;
	[tilespmem:s13+$0xFFFFFF90] =	vst v13;
	s13 =	smov.u32 s14  }
0x115: {  	v10 =	vld [tilespmem:s16+$0x60];
	p3 =	slt.u32 s18, $0x78;
	[tilespmem:s14+$0xFFFFFFB0] =	vst v12;
	v3 =	vmul.f32 v7, v3  }
0x116: {  	v12 =	vld.msk [tilespmem:s15+$0xFFFFFFFC ss:$0x0], $0xffff;
	[tilespmem:s14+$0xFFFFFFD0] =	vst v6;
	v2 =	vmul.f32 v8, v2  }
0x117: {  	v15 =	vld.msk [tilespmem:s15+$0xFFFFFFFD ss:$0x0], $0xffff;
	[tilespmem:s14+$0xFFFFFFF0] =	vst v3;
	v4 =	vmul.f32 v9, v4  }
0x118: {  	v6 =	vld.msk [tilespmem:s15+$0xFFFFFFFE ss:$0x0], $0xffff;
	[tilespmem:s14+$0x10] =	vst v2;
	v5 =	vmul.f32 v11, v5  }
0x119: {  	v3 =	vld.msk [tilespmem:s15+$0xFFFFFFFF ss:$0x0], $0xffff;
	[tilespmem:s14+$0x30] =	vst v4  }
0x11a: {  	v2 =	vld.msk [tilespmem:s15+$0x0 ss:$0x0], $0xffff;
	v7 =	vmul.f32 v14, v10;
	[tilespmem:s14+$0x50] =	vst v5  }
0x11b: {  	s14 =	sadd.s32 $0x100, s14;
	v4 =	vld.msk [tilespmem:s15+$0x1 ss:$0x0], $0xffff  }
0x11c: {  	v5 =	vld.msk [tilespmem:s15+$0x2 ss:$0x0], $0xffff;
	[tilespmem:s14+$0x60] =	vst v7  }
0x11d: {  	v7 =	vld [tilespmem:s16+$0x70]  }
0x11e: {  	v8 =	vld [tilespmem:s16+$0xFFFFFFA0]  }
0x11f: {  	v9 =	vld [tilespmem:s16+$0xFFFFFFC0]  }
0x120: {  	v10 =	vld [tilespmem:s16+$0xFFFFFFE0]  }
0x121: {  	v11 =	vld [tilespmem:s16+$0x0]  }
0x122: {  	v13 =	vld [tilespmem:s16+$0x20];
	v7 =	vmul.f32 v7, v14  }
0x123: {  	v8 =	vmul.f32 v15, v8;
	v14 =	vld [tilespmem:s16+$0x40]  }
0x124: {  	v16 =	vld [tilespmem:s16+$0xFFFFFF80];
	v9 =	vmul.f32 v6, v9;
	[tilespmem:s14+$0x70] =	vst v7  }
0x125: {  	[tilespmem:s14+$0xFFFFFFA0] =	vst v8;
	v7 =	vmul.f32 v3, v10;
	v17 =	vld [tilespmem:s19+$0xFFFFFF90];
	s19 =	smov.u32 s16  }
0x126: {  	v18 =	vld [tilespmem:s16+$0xFFFFFFB0];
	[tilespmem:s14+$0xFFFFFFC0] =	vst v9;
	v8 =	vmul.f32 v2, v11  }
.Ltmp2:
0x127: {  	v10 =	vld [tilespmem:s16+$0xFFFFFFD0];
	[tilespmem:s14+$0xFFFFFFE0] =	vst v7;
	v9 =	vmul.f32 v4, v13;
	(pc) =	sbr.rel @p3 .LBB2_7-.Ltmp2, $4  }
0x128: {  	v7 =	vld [tilespmem:s16+$0xFFFFFFF0];
	[tilespmem:s14+$0x0] =	vst v8;
	v11 =	vmul.f32 v5, v14  }
0x129: {  	v14 =	vmul.f32 v12, v16;
	v8 =	vld [tilespmem:s16+$0x10];
	[tilespmem:s14+$0x20] =	vst v9  }
0x12a: {  	v9 =	vld [tilespmem:s16+$0x30];
	[tilespmem:s14+$0x40] =	vst v11;
	v13 =	vmul.f32 v17, v1;
	v1 =	vmov v12  }
0x12b: {  	s15 =	sadd.s32 $0x8, s15;
	[tilespmem:s14+$0xFFFFFF80] =	vst v14;
	v12 =	vmul.f32 v18, v15;
	v11 =	vld [tilespmem:s16+$0x50]  }
0x12c: {  	v6 =	vmul.f32 v10, v6;
	[tilespmem:s13+$0xFFFFFF90] =	vst v13;
	v10 =	vld [tilespmem:s19+$0xFFFFFF90]  }
0x12d: {  	[tilespmem:s14+$0xFFFFFFB0] =	vst v12;
	v3 =	vmul.f32 v7, v3  }
0x12e: {  	[tilespmem:s14+$0xFFFFFFD0] =	vst v6;
	v2 =	vmul.f32 v8, v2  }
0x12f: {  	[tilespmem:s14+$0xFFFFFFF0] =	vst v3;
	v3 =	vmul.f32 v9, v4  }
0x130: {  	[tilespmem:s14+$0x10] =	vst v2;
	v2 =	vmul.f32 v11, v5  }
0x131: {  	p3 =	sge.u32 s21, s11;
	[tilespmem:s14+$0x30] =	vst v3;
	v1 =	vmul.f32 v10, v1  }
0x132: {  	s12 =	sshra.s32 @!p3 s12, $0x2;
	[tilespmem:s14+$0x50] =	vst v2  }
0x133: {  	s15 =	simm.s32 @!p3 $0x160F0;
	s13 =	sadd.s32 @!p3 $0x9D50, s12;
	[tilespmem:s14+$0xFFFFFF90] =	vst v1;
	s14 =	simm.s32 @!p3 $0x40  }
0x134: {  	[tilespmem:s15], [sflag:$0x1] =	stream.indirect.gather @!p3 [hbm4b:s3+s14], $0x20, s13, s14, $0xb8;
	[tilespmem:$0x1EF10] =	vst v63  }
0x135: {  	s13 =	sadd.s32 @!p3 $0x9D90, s12;
	s15 =	simm.s32 @!p3 $0x168F0  }
0x136: {  	[tilespmem:s15], [sflag:$0x3] =	stream.indirect.gather @!p3 [hbm4b:s3+s14], $0x20, s13, s14, $0xb8;
	[tilespmem:$0x1EF10] =	vst v63  }
0x137: {  	_ = 	snop  }
0x138: {  	[spmem:s1] =	stream.indirect.scatter.add.f32 [tilespmem:s30], [sflag:$0x5], $0x20, s4, s22, $0xb8;
	[tilespmem:$0x1EF10] =	vst v63  }
0x139: {  	_ =	swait.ge [sflag:s25], $0x800  }
0x13a: {  	[sflag:s25] =	ssyncset.done $0x0  }
0x13b: {  	[sflag:s25] =	ssyncadd.s32 $0xFFFFF800  }
0x13c: {  	_ =	swait.ge [sflag:s28], $0x800  }
0x13d: {  	[sflag:s28] =	ssyncset.done $0x0  }
0x13e: {  	s13 =	simm.s32 @!p4 $0x6;
	[sflag:s28] =	ssyncadd.s32 $0xFFFFF800  }
0x13f: {  	s18 =	sor.u32 $0x1, s17;
	_ =	swait.ge @!p4 [sflag:s13], $0x1000  }
0x140: {  	s19 =	sshll.u32 s18, $0x9;
	[sflag:s13] =	ssyncset.done @!p4 $0x0  }
0x141: {  	s15 =	sshra.s32 s19, $0x2;
	[sflag:s13] =	ssyncadd.s32 @!p4 $0xFFFFF000  }
0x142: {  	v1 =	vld [tilespmem:s15+$0x10450];
	_ =	sdelay $0x4  }
0x143: {  	[tilespmem:$0x16070] =	vst v1  }
0x144: {  	v2 =	vld [tilespmem:s15+$0x10460];
	_ =	sdelay $0x4  }
0x145: {  	[tilespmem:$0x16080] =	vst v2  }
0x146: {  	v2 =	vld [tilespmem:s15+$0x10470];
	_ =	sdelay $0x4  }
0x147: {  	[tilespmem:$0x16090] =	vst v2  }
0x148: {  	v2 =	vld [tilespmem:s15+$0x10480];
	_ =	sdelay $0x4  }
0x149: {  	[tilespmem:$0x160A0] =	vst v2  }
0x14a: {  	v2 =	vld [tilespmem:s15+$0x10490];
	_ =	sdelay $0x4  }
0x14b: {  	[tilespmem:$0x160B0] =	vst v2  }
0x14c: {  	v2 =	vld [tilespmem:s15+$0x104A0];
	_ =	sdelay $0x4  }
0x14d: {  	[tilespmem:$0x160C0] =	vst v2  }
0x14e: {  	v2 =	vld [tilespmem:s15+$0x104B0];
	_ =	sdelay $0x4  }
0x14f: {  	[tilespmem:$0x160D0] =	vst v2  }
0x150: {  	v2 =	vld [tilespmem:s15+$0x104C0];
	_ =	sdelay $0x4  }
0x151: {  	s16 =	sshll.u32 s18, $0x7;
	[tilespmem:$0x160E0] =	vst v2  }
0x152: {  	v2 =	vld [tilespmem:s16+$0xD050]  }
0x153: {  	v3 =	vld [tilespmem:s16+$0x9C50];
	_ =	sdelay $0x6  }
0x154: {  	v2 =	vld.idx.msk [tilespmem:v2+s2+$0x0], $0xffff  }
0x155: {  	v3 =	vld.idx.msk [tilespmem:v3+s20+$0x0], $0xffff;
	_ =	sdelay $0x4  }
0x156: {  	v2 =	vadd.f32 v3, v2;
	_ =	sdelay $0x1  }
0x157: {  	v3 =	vmul.f32 $2.000000030e-01, v2;
	_ =	sdelay $0x1  }
0x158: {  	v2 =	vmax.f32 v2, v3  }
0x159: {  	v2 =	vmul.f32 $1.442695020e+00, v2;
	_ =	sdelay $0x1  }
0x15a: {  	(erf) = vpow2.f32 v2;
	_ =	sdelay $0x8  }
0x15b: {  	v2 =	vpop (erf)  }
0x15c: {  	[tilespmem:$0x13850] =	vst v2  }
0x15d: {  	[tilespmem:v1+s23+$0x0] =	vst.idx.add.f32.msk $0xffff, v2  }
0x15e: {  	v1 =	vld [tilespmem:s16+$0xD060]  }
0x15f: {  	v2 =	vld [tilespmem:s16+$0x9C60];
	_ =	sdelay $0x6  }
0x160: {  	v1 =	vld.idx.msk [tilespmem:v1+s2+$0x0], $0xffff  }
0x161: {  	v2 =	vld.idx.msk [tilespmem:v2+s20+$0x0], $0xffff;
	_ =	sdelay $0x4  }
0x162: {  	v1 =	vadd.f32 v2, v1;
	_ =	sdelay $0x1  }
0x163: {  	v2 =	vmul.f32 $2.000000030e-01, v1;
	_ =	sdelay $0x1  }
0x164: {  	v1 =	vmax.f32 v1, v2  }
0x165: {  	v1 =	vmul.f32 $1.442695020e+00, v1;
	_ =	sdelay $0x1  }
0x166: {  	(erf) = vpow2.f32 v1;
	_ =	sdelay $0x2  }
0x167: {  	v1 =	vld [tilespmem:$0x16080];
	_ =	sdelay $0x5  }
0x168: {  	v2 =	vpop (erf)  }
0x169: {  	[tilespmem:$0x13860] =	vst v2  }
0x16a: {  	[tilespmem:v1+s23+$0x0] =	vst.idx.add.f32.msk $0xffff, v2  }
0x16b: {  	v1 =	vld [tilespmem:s16+$0xD070]  }
0x16c: {  	v2 =	vld [tilespmem:s16+$0x9C70];
	_ =	sdelay $0x6  }
0x16d: {  	v1 =	vld.idx.msk [tilespmem:v1+s2+$0x0], $0xffff  }
0x16e: {  	v2 =	vld.idx.msk [tilespmem:v2+s20+$0x0], $0xffff;
	_ =	sdelay $0x4  }
0x16f: {  	v1 =	vadd.f32 v2, v1;
	_ =	sdelay $0x1  }
0x170: {  	v2 =	vmul.f32 $2.000000030e-01, v1;
	_ =	sdelay $0x1  }
0x171: {  	v1 =	vmax.f32 v1, v2  }
0x172: {  	v1 =	vmul.f32 $1.442695020e+00, v1;
	_ =	sdelay $0x1  }
0x173: {  	(erf) = vpow2.f32 v1;
	_ =	sdelay $0x2  }
0x174: {  	v1 =	vld [tilespmem:$0x16090];
	_ =	sdelay $0x5  }
0x175: {  	v2 =	vpop (erf)  }
0x176: {  	[tilespmem:$0x13870] =	vst v2  }
0x177: {  	[tilespmem:v1+s23+$0x0] =	vst.idx.add.f32.msk $0xffff, v2  }
0x178: {  	v1 =	vld [tilespmem:s16+$0xD080]  }
0x179: {  	v2 =	vld [tilespmem:s16+$0x9C80];
	_ =	sdelay $0x6  }
0x17a: {  	v1 =	vld.idx.msk [tilespmem:v1+s2+$0x0], $0xffff  }
0x17b: {  	v2 =	vld.idx.msk [tilespmem:v2+s20+$0x0], $0xffff;
	_ =	sdelay $0x4  }
0x17c: {  	v1 =	vadd.f32 v2, v1;
	_ =	sdelay $0x1  }
0x17d: {  	v2 =	vmul.f32 $2.000000030e-01, v1;
	_ =	sdelay $0x1  }
0x17e: {  	v1 =	vmax.f32 v1, v2  }
0x17f: {  	v1 =	vmul.f32 $1.442695020e+00, v1;
	_ =	sdelay $0x1  }
0x180: {  	(erf) = vpow2.f32 v1;
	_ =	sdelay $0x2  }
0x181: {  	v1 =	vld [tilespmem:$0x160A0];
	_ =	sdelay $0x5  }
0x182: {  	v2 =	vpop (erf)  }
0x183: {  	[tilespmem:$0x13880] =	vst v2  }
0x184: {  	[tilespmem:v1+s23+$0x0] =	vst.idx.add.f32.msk $0xffff, v2  }
0x185: {  	v1 =	vld [tilespmem:s16+$0xD090]  }
0x186: {  	v2 =	vld [tilespmem:s16+$0x9C90];
	_ =	sdelay $0x6  }
0x187: {  	v1 =	vld.idx.msk [tilespmem:v1+s2+$0x0], $0xffff  }
0x188: {  	v2 =	vld.idx.msk [tilespmem:v2+s20+$0x0], $0xffff;
	_ =	sdelay $0x4  }
0x189: {  	v1 =	vadd.f32 v2, v1;
	_ =	sdelay $0x1  }
0x18a: {  	v2 =	vmul.f32 $2.000000030e-01, v1;
	_ =	sdelay $0x1  }
0x18b: {  	v1 =	vmax.f32 v1, v2  }
0x18c: {  	v1 =	vmul.f32 $1.442695020e+00, v1;
	_ =	sdelay $0x1  }
0x18d: {  	(erf) = vpow2.f32 v1;
	_ =	sdelay $0x2  }
0x18e: {  	v1 =	vld [tilespmem:$0x160B0];
	_ =	sdelay $0x5  }
0x18f: {  	v2 =	vpop (erf)  }
0x190: {  	[tilespmem:$0x13890] =	vst v2  }
0x191: {  	[tilespmem:v1+s23+$0x0] =	vst.idx.add.f32.msk $0xffff, v2  }
0x192: {  	v1 =	vld [tilespmem:s16+$0xD0A0]  }
0x193: {  	v2 =	vld [tilespmem:s16+$0x9CA0];
	_ =	sdelay $0x6  }
0x194: {  	v1 =	vld.idx.msk [tilespmem:v1+s2+$0x0], $0xffff  }
0x195: {  	v2 =	vld.idx.msk [tilespmem:v2+s20+$0x0], $0xffff;
	_ =	sdelay $0x4  }
0x196: {  	v1 =	vadd.f32 v2, v1;
	_ =	sdelay $0x1  }
0x197: {  	v2 =	vmul.f32 $2.000000030e-01, v1;
	_ =	sdelay $0x1  }
0x198: {  	v1 =	vmax.f32 v1, v2  }
0x199: {  	v1 =	vmul.f32 $1.442695020e+00, v1;
	_ =	sdelay $0x1  }
0x19a: {  	(erf) = vpow2.f32 v1;
	_ =	sdelay $0x2  }
0x19b: {  	v1 =	vld [tilespmem:$0x160C0];
	_ =	sdelay $0x5  }
0x19c: {  	v2 =	vpop (erf)  }
0x19d: {  	[tilespmem:$0x138A0] =	vst v2  }
0x19e: {  	[tilespmem:v1+s23+$0x0] =	vst.idx.add.f32.msk $0xffff, v2  }
0x19f: {  	v1 =	vld [tilespmem:s16+$0xD0B0]  }
0x1a0: {  	v2 =	vld [tilespmem:s16+$0x9CB0];
	_ =	sdelay $0x6  }
0x1a1: {  	v1 =	vld.idx.msk [tilespmem:v1+s2+$0x0], $0xffff  }
0x1a2: {  	v2 =	vld.idx.msk [tilespmem:v2+s20+$0x0], $0xffff;
	_ =	sdelay $0x4  }
0x1a3: {  	v1 =	vadd.f32 v2, v1;
	_ =	sdelay $0x1  }
0x1a4: {  	v2 =	vmul.f32 $2.000000030e-01, v1;
	_ =	sdelay $0x1  }
0x1a5: {  	v1 =	vmax.f32 v1, v2  }
0x1a6: {  	v1 =	vmul.f32 $1.442695020e+00, v1;
	_ =	sdelay $0x1  }
0x1a7: {  	(erf) = vpow2.f32 v1;
	_ =	sdelay $0x2  }
0x1a8: {  	v1 =	vld [tilespmem:$0x160D0];
	_ =	sdelay $0x5  }
0x1a9: {  	v2 =	vpop (erf)  }
0x1aa: {  	[tilespmem:$0x138B0] =	vst v2  }
0x1ab: {  	[tilespmem:v1+s23+$0x0] =	vst.idx.add.f32.msk $0xffff, v2  }
0x1ac: {  	v1 =	vld [tilespmem:s16+$0xD0C0]  }
0x1ad: {  	v2 =	vld [tilespmem:s16+$0x9CC0];
	_ =	sdelay $0x6  }
0x1ae: {  	v1 =	vld.idx.msk [tilespmem:v1+s2+$0x0], $0xffff  }
0x1af: {  	v2 =	vld.idx.msk [tilespmem:v2+s20+$0x0], $0xffff;
	_ =	sdelay $0x4  }
0x1b0: {  	v1 =	vadd.f32 v2, v1;
	_ =	sdelay $0x1  }
0x1b1: {  	v2 =	vmul.f32 $2.000000030e-01, v1;
	_ =	sdelay $0x1  }
0x1b2: {  	v1 =	vmax.f32 v1, v2  }
0x1b3: {  	v1 =	vmul.f32 $1.442695020e+00, v1;
	_ =	sdelay $0x1  }
0x1b4: {  	(erf) = vpow2.f32 v1;
	_ =	sdelay $0x2  }
0x1b5: {  	v1 =	vld [tilespmem:$0x160E0];
	_ =	sdelay $0x5  }
0x1b6: {  	v2 =	vpop (erf)  }
0x1b7: {  	[tilespmem:$0x138C0] =	vst v2  }
0x1b8: {  	s17 =	simm.s32 $0x13854;
	[tilespmem:v1+s23+$0x0] =	vst.idx.add.f32.msk $0xffff, v2  }
0x1b9: {  	s18 =	simm.s32 $0x17170;
	v2 =	vld.msk [tilespmem:s17+$0x3 ss:$0x0], $0xffff  }
0x1ba: {  	v1 =	vld [tilespmem:s18+$0x60]  }
0x1bb: {  	v11 =	vld.msk [tilespmem:s17+$0xFFFFFFFC ss:$0x0], $0xffff  }
0x1bc: {  	v5 =	vld.msk [tilespmem:s17+$0xFFFFFFFD ss:$0x0], $0xffff  }
0x1bd: {  	v7 =	vld.msk [tilespmem:s17+$0xFFFFFFFE ss:$0x0], $0xffff  }
0x1be: {  	v8 =	vld.msk [tilespmem:s17+$0xFFFFFFFF ss:$0x0], $0xffff  }
0x1bf: {  	v9 =	vld.msk [tilespmem:s17+$0x0 ss:$0x0], $0xffff  }
0x1c0: {  	v10 =	vld.msk [tilespmem:s17+$0x1 ss:$0x0], $0xffff  }
0x1c1: {  	v12 =	vld.msk [tilespmem:s17+$0x2 ss:$0x0], $0xffff  }
0x1c2: {  	v3 =	vld [tilespmem:s18+$0xFFFFFFA0]  }
0x1c3: {  	v4 =	vld [tilespmem:s18+$0xFFFFFFC0]  }
0x1c4: {  	v6 =	vld [tilespmem:s18+$0xFFFFFFE0]  }
0x1c5: {  	v13 =	vld [tilespmem:s18+$0x0]  }
0x1c6: {  	v14 =	vld [tilespmem:s18+$0x20]  }
0x1c7: {  	s19 =	simm.s32 $0x1385C;
	v16 =	vld [tilespmem:s18+$0xFFFFFF80]  }
0x1c8: {  	v21 =	vld.msk [tilespmem:s19+$0x3 ss:$0x0], $0xffff;
	v1 =	vmul.f32 v2, v1  }
0x1c9: {  	s13 =	simm.s32 $0x19170;
	v22 =	vld.msk [tilespmem:s19+$0xFFFFFFFD ss:$0x0], $0xffff;
	v4 =	vmul.f32 v7, v4  }
0x1ca: {  	[tilespmem:s13+$0x60] =	vst v1;
	v1 =	vmul.f32 v5, v3;
	v3 =	vld [tilespmem:s18+$0x40]  }
0x1cb: {  	[tilespmem:s13+$0xFFFFFFC0] =	vst v4;
	v4 =	vmul.f32 v9, v13;
	v15 =	vld [tilespmem:s18+$0x70]  }
0x1cc: {  	s16 =	simm.s32 $0x17270;
	v13 =	vld [tilespmem:s18+$0xFFFFFFD0]  }
0x1cd: {  	[tilespmem:s13+$0x0] =	vst v4;
	v4 =	vld [tilespmem:s16+$0x60]  }
0x1ce: {  	[tilespmem:s13+$0xFFFFFFA0] =	vst v1;
	v1 =	vmul.f32 v8, v6;
	v6 =	vld.msk [tilespmem:s19+$0xFFFFFFFE ss:$0x0], $0xffff  }
0x1cf: {  	v17 =	vld [tilespmem:s18+$0xFFFFFFB0]  }
0x1d0: {  	v18 =	vld [tilespmem:s18+$0x10];
	[tilespmem:s13+$0xFFFFFFE0] =	vst v1;
	v1 =	vmul.f32 v10, v14  }
0x1d1: {  	v14 =	vld [tilespmem:s18+$0xFFFFFFF0]  }
0x1d2: {  	[tilespmem:s13+$0x20] =	vst v1;
	v1 =	vld.msk [tilespmem:s19+$0xFFFFFFFC ss:$0x0], $0xffff  }
0x1d3: {  	v3 =	vmul.f32 v12, v3;
	v15 =	vmul.f32 v15, v2;
	v2 =	vld.msk [tilespmem:s19+$0x0 ss:$0x0], $0xffff  }
0x1d4: {  	v19 =	vld [tilespmem:s18+$0x30]  }
0x1d5: {  	[tilespmem:s13+$0x40] =	vst v3;
	v3 =	vld.msk [tilespmem:s19+$0xFFFFFFFF ss:$0x0], $0xffff  }
0x1d6: {  	v23 =	vmul.f32 v21, v4;
	v4 =	vld.msk [tilespmem:s19+$0x1 ss:$0x0], $0xffff  }
0x1d7: {  	s14 =	simm.s32 $0x19270;
	v7 =	vmul.f32 v13, v7;
	v20 =	vld [tilespmem:s18+$0x50];
	[tilespmem:s13+$0x70] =	vst v15  }
0x1d8: {  	v15 =	vmul.f32 v11, v16;
	v62 =	vmul.f32 v17, v5;
	v5 =	vld.msk [tilespmem:s19+$0x2 ss:$0x0], $0xffff;
	[tilespmem:s14+$0x60] =	vst v23  }
0x1d9: {  	[tilespmem:s13+$0xFFFFFFD0] =	vst v7;
	v13 =	vld [tilespmem:s16+$0x70]  }
0x1da: {  	[tilespmem:s13+$0xFFFFFF80] =	vst v15;
	v8 =	vmul.f32 v14, v8;
	v14 =	vld [tilespmem:s16+$0xFFFFFFA0]  }
0x1db: {  	v7 =	vmul.f32 v18, v9;
	v9 =	vld [tilespmem:s16+$0xFFFFFFC0];
	[tilespmem:s13+$0xFFFFFFB0] =	vst v62  }
0x1dc: {  	[tilespmem:s13+$0xFFFFFFF0] =	vst v8;
	v8 =	vmul.f32 v19, v10;
	v10 =	vld [tilespmem:s16+$0xFFFFFFE0]  }
0x1dd: {  	[tilespmem:s13+$0x10] =	vst v7;
	v7 =	vmul.f32 v20, v12;
	v12 =	vld [tilespmem:s16+$0x0]  }
0x1de: {  	[tilespmem:s13+$0x30] =	vst v8;
	v8 =	vld [tilespmem:s16+$0x20];
	v13 =	vmul.f32 v13, v21  }
0x1df: {  	[tilespmem:s13+$0x50] =	vst v7;
	v7 =	vmul.f32 v22, v14;
	v14 =	vld [tilespmem:s16+$0x40]  }
0x1e0: {  	v15 =	vld [tilespmem:s16+$0xFFFFFF80];
	v9 =	vmul.f32 v6, v9;
	[tilespmem:s14+$0x70] =	vst v13  }
0x1e1: {  	[tilespmem:s14+$0xFFFFFFA0] =	vst v7;
	v7 =	vmul.f32 v3, v10;
	v13 =	vld [tilespmem:s18+$0xFFFFFF90]  }
0x1e2: {  	[tilespmem:s14+$0xFFFFFFC0] =	vst v9;
	v63 =	vld [tilespmem:s16+$0xFFFFFFB0];
	v9 =	vmul.f32 v2, v12  }
0x1e3: {  	v10 =	vld [tilespmem:s16+$0xFFFFFFD0];
	[tilespmem:s14+$0xFFFFFFE0] =	vst v7;
	v8 =	vmul.f32 v4, v8  }
0x1e4: {  	v7 =	vld [tilespmem:s16+$0xFFFFFFF0];
	[tilespmem:s14+$0x0] =	vst v9;
	v12 =	vmul.f32 v5, v14  }
0x1e5: {  	v14 =	vmul.f32 v1, v15;
	v9 =	vld [tilespmem:s16+$0x10];
	[tilespmem:s14+$0x20] =	vst v8  }
0x1e6: {  	v8 =	vld [tilespmem:s16+$0x30];
	[tilespmem:s14+$0x40] =	vst v12;
	v13 =	vmul.f32 v13, v11  }
0x1e7: {  	s15 =	simm.s32 $0x13864;
	s17 =	simm.s32 $0x8;
	s18 =	simm.s32 $0x17270;
	[tilespmem:s14+$0xFFFFFF80] =	vst v14;
	v12 =	vmul.f32 v63, v22;
	v11 =	vld [tilespmem:s16+$0x50]  }
.LBB2_9:
0x1e8: {  	v14 =	vld.msk [tilespmem:s15+$0x3 ss:$0x0], $0xffff;
	s17 =	sadd.s32 $0x8, s17;
	v6 =	vmul.f32 v10, v6;
	s16 =	sadd.s32 $0x100, s16;
	[tilespmem:s13+$0xFFFFFF90] =	vst v13;
	s13 =	smov.u32 s14  }
0x1e9: {  	v10 =	vld [tilespmem:s16+$0x60];
	p4 =	slt.u32 s17, $0x78;
	[tilespmem:s14+$0xFFFFFFB0] =	vst v12;
	v3 =	vmul.f32 v7, v3  }
0x1ea: {  	v12 =	vld.msk [tilespmem:s15+$0xFFFFFFFC ss:$0x0], $0xffff;
	[tilespmem:s14+$0xFFFFFFD0] =	vst v6;
	v2 =	vmul.f32 v9, v2  }
0x1eb: {  	v15 =	vld.msk [tilespmem:s15+$0xFFFFFFFD ss:$0x0], $0xffff;
	[tilespmem:s14+$0xFFFFFFF0] =	vst v3;
	v4 =	vmul.f32 v8, v4  }
0x1ec: {  	v6 =	vld.msk [tilespmem:s15+$0xFFFFFFFE ss:$0x0], $0xffff;
	[tilespmem:s14+$0x10] =	vst v2;
	v5 =	vmul.f32 v11, v5  }
0x1ed: {  	v3 =	vld.msk [tilespmem:s15+$0xFFFFFFFF ss:$0x0], $0xffff;
	[tilespmem:s14+$0x30] =	vst v4  }
0x1ee: {  	v2 =	vld.msk [tilespmem:s15+$0x0 ss:$0x0], $0xffff;
	v7 =	vmul.f32 v14, v10;
	[tilespmem:s14+$0x50] =	vst v5  }
0x1ef: {  	s14 =	sadd.s32 $0x100, s14;
	v4 =	vld.msk [tilespmem:s15+$0x1 ss:$0x0], $0xffff  }
0x1f0: {  	v5 =	vld.msk [tilespmem:s15+$0x2 ss:$0x0], $0xffff;
	[tilespmem:s14+$0x60] =	vst v7  }
0x1f1: {  	v7 =	vld [tilespmem:s16+$0x70]  }
0x1f2: {  	v8 =	vld [tilespmem:s16+$0xFFFFFFA0]  }
0x1f3: {  	v9 =	vld [tilespmem:s16+$0xFFFFFFC0]  }
0x1f4: {  	v10 =	vld [tilespmem:s16+$0xFFFFFFE0]  }
0x1f5: {  	v11 =	vld [tilespmem:s16+$0x0]  }
0x1f6: {  	v13 =	vld [tilespmem:s16+$0x20];
	v7 =	vmul.f32 v7, v14  }
0x1f7: {  	v8 =	vmul.f32 v15, v8;
	v14 =	vld [tilespmem:s16+$0x40]  }
0x1f8: {  	v16 =	vld [tilespmem:s16+$0xFFFFFF80];
	v9 =	vmul.f32 v6, v9;
	[tilespmem:s14+$0x70] =	vst v7  }
0x1f9: {  	[tilespmem:s14+$0xFFFFFFA0] =	vst v8;
	v7 =	vmul.f32 v3, v10;
	v17 =	vld [tilespmem:s18+$0xFFFFFF90];
	s18 =	smov.u32 s16  }
0x1fa: {  	v18 =	vld [tilespmem:s16+$0xFFFFFFB0];
	[tilespmem:s14+$0xFFFFFFC0] =	vst v9;
	v8 =	vmul.f32 v2, v11  }
.Ltmp3:
0x1fb: {  	v10 =	vld [tilespmem:s16+$0xFFFFFFD0];
	[tilespmem:s14+$0xFFFFFFE0] =	vst v7;
	v11 =	vmul.f32 v4, v13;
	(pc) =	sbr.rel @p4 .LBB2_9-.Ltmp3, $4  }
0x1fc: {  	v7 =	vld [tilespmem:s16+$0xFFFFFFF0];
	[tilespmem:s14+$0x0] =	vst v8;
	v13 =	vmul.f32 v5, v14  }
0x1fd: {  	v14 =	vmul.f32 v12, v16;
	v9 =	vld [tilespmem:s16+$0x10];
	[tilespmem:s14+$0x20] =	vst v11  }
0x1fe: {  	v8 =	vld [tilespmem:s16+$0x30];
	[tilespmem:s14+$0x40] =	vst v13;
	v13 =	vmul.f32 v17, v1;
	v1 =	vmov v12  }
0x1ff: {  	s15 =	sadd.s32 $0x8, s15;
	[tilespmem:s14+$0xFFFFFF80] =	vst v14;
	v12 =	vmul.f32 v18, v15;
	v11 =	vld [tilespmem:s16+$0x50]  }
0x200: {  	v6 =	vmul.f32 v10, v6;
	[tilespmem:s13+$0xFFFFFF90] =	vst v13;
	v63 =	vld [tilespmem:s18+$0xFFFFFF90]  }
0x201: {  	[tilespmem:s14+$0xFFFFFFB0] =	vst v12;
	v3 =	vmul.f32 v7, v3  }
0x202: {  	[tilespmem:s14+$0xFFFFFFD0] =	vst v6;
	v2 =	vmul.f32 v9, v2  }
0x203: {  	[tilespmem:s14+$0xFFFFFFF0] =	vst v3;
	v3 =	vmul.f32 v8, v4  }
0x204: {  	[tilespmem:s14+$0x10] =	vst v2;
	v2 =	vmul.f32 v11, v5  }
0x205: {  	[tilespmem:s14+$0x30] =	vst v3;
	v1 =	vmul.f32 v63, v1  }
0x206: {  	[tilespmem:s14+$0x50] =	vst v2  }
0x207: {  	s13 =	sadd.s32 @!p3 $0x9DD0, s12;
	s15 =	simm.s32 @!p3 $0x170F0;
	[tilespmem:s14+$0xFFFFFF90] =	vst v1;
	s14 =	simm.s32 @!p3 $0x40  }
0x208: {  	[tilespmem:s15], [sflag:$0x2] =	stream.indirect.gather @!p3 [hbm4b:s3+s14], $0x20, s13, s14, $0xb8;
	[tilespmem:$0x1EF10] =	vst v63  }
0x209: {  	s12 =	sadd.s32 @!p3 $0x9E10, s12;
	s21 =	sadd.s32 $0x1, s21;
	s13 =	simm.s32 @!p3 $0x178F0  }
0x20a: {  	[tilespmem:s13], [sflag:$0x4] =	stream.indirect.gather @!p3 [hbm4b:s3+s14], $0x20, s12, s14, $0xb8;
	[tilespmem:$0x1EF10] =	vst v63  }
0x20b: {  	p3 =	sne.s32 s21, s6  }
.Ltmp4:
0x20c: {  	_ = 	snop;
	(pc) =	sbr.rel @p3 .LBB2_6-.Ltmp4, $2  }
0x20d: {  	_ =	sdelay $0x2  }
0x20e: {  	[spmem:s1] =	stream.indirect.scatter.add.f32 [tilespmem:s7], [sflag:$0x6], $0x20, s5, s22, $0xb8;
	[tilespmem:$0x1EF10] =	vst v63  }
0x20f: {  	_ =	swait.ge [sflag:s29], $0x1000  }
0x210: {  	[sflag:s29] =	ssyncset.done $0x0  }
0x211: {  	[sflag:s29] =	ssyncadd.s32 $0xFFFFF000  }
0x212: {  	_ =	swait.ge [sflag:s8], $0x1000  }
0x213: {  	[sflag:s8] =	ssyncset.done $0x0  }
0x214: {  	s12 =	rddreg [dreg:$0x9];
	[sflag:s8] =	ssyncadd.s32 $0xFFFFF000  }
0x215: {  	[hbm4b:s12+s2] =	stream.linear.scatter [tilespmem:s23], [sflag:$0x7], $0x2710, $0x38;
	[tilespmem:$0x1EF10] =	vst v63  }
0x216: {  	_ =	swait.ge [sflag:s9], $0x2710  }
0x217: {  	[sflag:s9] =	ssyncset.done $0x0  }
0x218: {  	[sflag:s9] =	ssyncadd.s32 $0xFFFFD8F0  }
0x219: {  	[bflag:$0x0] =	sbarrier.arrive $0xFFFF  }
0x21a: {  	s13 =	simm.s32 @!p0 $0x1C07;
	s12 =	sshrl.u32 @!p0 s1, $0x3;
	s14 =	rddreg [dreg:$0xa]  }
0x21b: {  	[hbm:s14], [sflag:s13] =	dma.local @!p0 [spmem:s12], $0x9C40  }
0x21c: {  	s12 =	simm.s32 @!p0 $0x7  }
0x21d: {  	_ =	swait.ge @!p0 [sflag:s12], $0x9C40  }
0x21e: {  	s10 =	sadd.s32 $0x1, s10;
	s21 =	rddreg [dreg:$0xb]  }
0x21f: {  	p3 =	sne.s32 s10, s21  }
.Ltmp5:
0x220: {  	_ = 	snop;
	(pc) =	sbr.rel @p3 .LBB2_1-.Ltmp5, $3  }
0x221: {  	_ =	sdelay $0x1  }
0x222: {  	[sflag:s12] =	ssyncset.done @!p0 $0x0  }
0x223: {  	s15 =	simm.s32 $0x9C50;
	[sflag:s12] =	ssyncadd.s32 @!p0 $0xFFFF63C0  }
0x224: {  	_ =	sfence.sel $0x180000  }
0x225: {  	[bflag:$0x0] =	sbarrier.arrive $0xFFFF  }
0x226: {  	_ =	strace $0x90000047  }
0x227: {  	[bflag:$0x2] =	sbarrier.arrive $0xFFFF  }
0x228: {  	s0 =	rddreg [dreg:$0x2]  }
0x229: {  	s0 =	sadd.s32 @!p0 $0x100000, s0  }
0x22a: {  	[sflag:s0] =	ssyncadd.tile.s32 @!p0 $0x1;
	_ =	shalt  }
.Lfunc_end2:
_tile_overlayer_lowered:
.L_overlay_start_2:
0x22b: {  	(tag) =	ssettag $0x2  }
0x22c: {  	s0 =	rddreg [dreg:$0x0];
	s2 =	stileid.u32  }
0x22d: {  	s1 =	rddreg [dreg:$0x1];
	p0 =	sne.s32 s2, $0x0  }
0x22e: {  	s3 =	rddreg [dreg:$0x2];
	[bflag:$0x3] =	sbarrier.arrive $0xFFFF;
	s2 =	simm.s32 @!p0 $0x1C07  }
0x22f: {  	[timem:s3], [sflag:s2] =	dma.local @!p0 [hbm:s0], s1  }
0x230: {  	s0 =	simm.s32 @!p0 $0x7  }
0x231: {  	_ =	swait.ge @!p0 [sflag:s0], s1  }
0x232: {  	s1 =	ssub.s32 @!p0 $0x0, s1;
	[sflag:s0] =	ssyncset.done @!p0 $0x0  }
0x233: {  	[sflag:s0] =	ssyncadd.s32 @!p0 s1  }
0x234: {  	[bflag:$0x3] =	sbarrier.arrive $0xFFFF  }
0x235: {  	_ =	shalt  }

// kernel: kernel.13.cloned.1.call-start
scs
__scs_entry_jumppad:
0x0: {  	(pc) =	sbr.rel $0x88, $3  }
0x1: {  	(tag) =	ssettag $0x0;
	lr =	simm.s32 $0x1  }
0x2: {  	[smem:$0x3F88] =	sst lr;
	_ =	strace $0xD0000000  }
0x3: {  	_ = 	snop  }
0x4: {  	_ = 	snop  }
0x5: {  	_ = 	snop  }
0x6: {  	_ = 	snop  }
0x7: {  	_ = 	snop  }
__scs_overlays_trampoline_lowered:
0x8: {  	[smem:$0x3F97] =	sst s0  }
0x9: {  	[smem:$0x3F98] =	sst s1  }
0xa: {  	[smem:$0x3F99] =	sst s2  }
0xb: {  	[smem:$0x3F9A] =	sst s3  }
0xc: {  	[smem:$0x3F9B] =	sst s4  }
0xd: {  	[smem:$0x3F9C] =	sst s5  }
0xe: {  	[smem:$0x3F9D] =	sst s6  }
0xf: {  	[smem:$0x3F9E] =	sst s7  }
0x10: {  	[smem:$0x3F9F] =	sst s8  }
0x11: {  	[smem:$0x3FA0] =	sst s9;
	s0 =	simm.s32 @!p0 $0x0  }
0x12: {  	s1 =	sld [smem:$0x3F86];
	s0 =	simm.s32 @p0 $0x1  }
0x13: {  	[smem:$0x3FA1] =	sst s0;
	s0 =	simm.s32 @!p1 $0x0  }
0x14: {  	s2 =	sld [smem:$0x3F85];
	s0 =	simm.s32 @p1 $0x1  }
0x15: {  	[smem:$0x3FA2] =	sst s0;
	s0 =	simm.s32 @!p2 $0x0  }
0x16: {  	s3 =	sld [smem:$0x3FDB];
	s0 =	simm.s32 @p2 $0x1  }
0x17: {  	s4 =	simm.s32 $0x1BF5;
	[smem:$0x3FA4] =	sst s0  }
0x18: {  	s0 =	sld [smem:$0x3F87];
	_ =	swait.ge [sflag:s4], $0x0  }
0x19: {  	s7 =	sld [smem:$0x3F88]  }
0x1a: {  	s8 =	sadd.s32 $0xFFFFE003, lr  }
0x1b: {  	s9 =	sadd.s32 $0xFFFFFEF7, lr;
	s5 =	simm.s32 $0xFFFFFFFF;
	p2 =	slt.u32 s8, $0xFFFFF086  }
0x1c: {  	p1 =	slt.u32 s9, $0xF7A;
	s5 =	simm.s32 @!p2 $0x0  }
0x1d: {  	s5 =	simm.s32 @p1 $0x1;
	p0 =	seq.s32 s7, s2  }
0x1e: {  	s7 =	smul.u32 @!p0 $0xF7A, s2;
	p2 =	seq.s32 @!p0 s5, $0x0  }
0x1f: {  	s9 =	smul.u32 $0xF7A, s1;
	s8 =	simm.s32 @!p0 $0x1BF5;
	p2 =	por !p2, p0  }
0x20: {  	[sflag:s8] =	ssyncset.s32 @!p0 $0xFFFFF086;
	s6 =	sadd.s32 @!p0 s3, s7;
	s7 =	simm.s32 @!p0 $0x108  }
0x21: {  	s3 =	sadd.s32 s3, s9;
	s6 =	sadd.s32 @!p0 $0x88, s6;
	s7 =	simm.s32 @p2 $0x1082  }
0x22: {  	[simem:s7], [sflag:s8] =	dma.local @!p0 [hbm:s6], $0xF7A  }
0x23: {  	s9 =	sor.u32 $0xD0000000, s2;
	s6 =	simm.s32 $0x108;
	_ =	swait.ge @!p0 [sflag:s8], $0x0  }
0x24: {  	s3 =	sadd.s32 $0x88, s3;
	s6 =	simm.s32 @!p1 $0x1082;
	[sflag:s4] =	ssyncset.s32 $0xFFFFF086  }
0x25: {  	[simem:s6], [sflag:s4] =	dma.local [hbm:s3], $0xF7A  }
0x26: {  	[smem:$0x3F88] =	sst s1;
	(tag) =	ssettag s2;
	_ =	strace s9  }
0x27: {  	s1 =	sld [smem:$0x3F98]  }
0x28: {  	s2 =	sld [smem:$0x3F99]  }
0x29: {  	s4 =	sld [smem:$0x3F9B]  }
0x2a: {  	p0 =	seq.s32 s5, $0x0;
	s5 =	sld [smem:$0x3F9C]  }
0x2b: {  	s6 =	sld [smem:$0x3F9D]  }
0x2c: {  	s7 =	sld [smem:$0x3F9E]  }
0x2d: {  	s3 =	simm.s32 $0x108;
	s8 =	sld [smem:$0x3F9F]  }
0x2e: {  	s3 =	simm.s32 @!p0 $0x1082;
	s9 =	sld [smem:$0x3FA0]  }
0x2f: {  	lr =	sadd.s32 s0, s3;
	s0 =	sld [smem:$0x3F97]  }
0x30: {  	s3 =	sld [smem:$0x3F9A]  }
0x31: {  	[smem:$0x3FA3] =	sst s10  }
0x32: {  	s10 =	sld [smem:$0x3FA1];
	_ =	sdelay $0x3  }
0x33: {  	p0 =	seq.s32 s10, $0x1;
	s10 =	sld [smem:$0x3FA3];
	_ =	sdelay $0x3  }
0x34: {  	[smem:$0x3FA3] =	sst s10  }
0x35: {  	s10 =	sld [smem:$0x3FA2];
	_ =	sdelay $0x3  }
0x36: {  	p1 =	seq.s32 s10, $0x1;
	s10 =	sld [smem:$0x3FA3];
	_ =	sdelay $0x3  }
0x37: {  	[smem:$0x3FA3] =	sst s10  }
0x38: {  	s10 =	sld [smem:$0x3FA4]  }
0x39: {  	_ = 	snop;
	(pc) =	sbr.ind lr, $3  }
0x3a: {  	_ = 	snop  }
0x3b: {  	_ = 	snop  }
0x3c: {  	p2 =	seq.s32 s10, $0x1;
	s10 =	sld [smem:$0x3FA3]  }
0x3d: {  	_ =	shalt  }
0x3e: {  	_ =	shalt  }
0x3f: {  	_ =	shalt  }
0x40: {  	_ =	shalt  }
0x41: {  	_ =	shalt  }
0x42: {  	_ =	shalt  }
0x43: {  	_ =	shalt  }
0x44: {  	_ =	shalt  }
0x45: {  	_ =	shalt  }
0x46: {  	_ =	shalt  }
0x47: {  	_ =	shalt  }
0x48: {  	_ =	shalt  }
0x49: {  	_ =	shalt  }
0x4a: {  	_ =	shalt  }
0x4b: {  	_ =	shalt  }
0x4c: {  	_ =	shalt  }
0x4d: {  	_ =	shalt  }
0x4e: {  	_ =	shalt  }
0x4f: {  	_ =	shalt  }
0x50: {  	_ =	shalt  }
0x51: {  	_ =	shalt  }
0x52: {  	_ =	shalt  }
0x53: {  	_ =	shalt  }
0x54: {  	_ =	shalt  }
0x55: {  	_ =	shalt  }
0x56: {  	_ =	shalt  }
0x57: {  	_ =	shalt  }
0x58: {  	_ =	shalt  }
0x59: {  	_ =	shalt  }
0x5a: {  	_ =	shalt  }
0x5b: {  	_ =	shalt  }
0x5c: {  	_ =	shalt  }
0x5d: {  	_ =	shalt  }
0x5e: {  	_ =	shalt  }
0x5f: {  	_ =	shalt  }
0x60: {  	_ =	shalt  }
0x61: {  	_ =	shalt  }
0x62: {  	_ =	shalt  }
0x63: {  	_ =	shalt  }
0x64: {  	_ =	shalt  }
0x65: {  	_ =	shalt  }
0x66: {  	_ =	shalt  }
0x67: {  	_ =	shalt  }
0x68: {  	_ =	shalt  }
0x69: {  	_ =	shalt  }
0x6a: {  	_ =	shalt  }
0x6b: {  	_ =	shalt  }
0x6c: {  	_ =	shalt  }
0x6d: {  	_ =	shalt  }
0x6e: {  	_ =	shalt  }
0x6f: {  	_ =	shalt  }
0x70: {  	_ =	shalt  }
0x71: {  	_ =	shalt  }
0x72: {  	_ =	shalt  }
0x73: {  	_ =	shalt  }
0x74: {  	_ =	shalt  }
0x75: {  	_ =	shalt  }
0x76: {  	_ =	shalt  }
0x77: {  	_ =	shalt  }
0x78: {  	_ =	shalt  }
0x79: {  	_ =	shalt  }
0x7a: {  	_ =	shalt  }
0x7b: {  	_ =	shalt  }
0x7c: {  	_ =	shalt  }
0x7d: {  	_ =	shalt  }
0x7e: {  	_ =	shalt  }
0x7f: {  	_ =	shalt  }
0x80: {  	_ =	shalt  }
0x81: {  	_ =	shalt  }
0x82: {  	_ =	shalt  }
0x83: {  	_ =	shalt  }
0x84: {  	_ =	shalt  }
0x85: {  	_ =	shalt  }
0x86: {  	_ =	shalt  }
0x87: {  	_ =	shalt  }
.Lfunc_end0:
.L_simem_size_0:
called_computation.1_lowered:
.L_overlay_start_0:
0x88: {  	s2 =	sld [smem:$0x3FD9]  }
0x89: {  	s3 =	sld [smem:$0x3FFE];
	_ =	sdelay $0x1  }
0x8a: {  	s1 =	srdreg.scid  }
0x8b: {  	s0 =	sand.u32 $0x1, s1  }
0x8c: {  	s16 =	sshll.u32 s0, $0xA;
	s2 =	sadd.s32 s3, s2  }
0x8d: {  	s2 =	sadd.s32 s2, s16  }
0x8e: {  	[smem:$0x3FAF] =	sst s2  }
0x8f: {  	_ = 	snop  }
0x90: {  	(tm) =	ssettm $0x1  }
0x91: {  	s17 =	sld [smem:$0x3FFB];
	_ =	sdelay $0x3  }
0x92: {  	_ =	strace s17  }
0x93: {  	s2 =	sld [smem:$0x3FFC];
	_ =	sdelay $0x3  }
0x94: {  	_ =	strace s2  }
0x95: {  	s2 =	sld [smem:$0x3FFD];
	_ =	sdelay $0x3  }
0x96: {  	_ =	strace s2  }
0x97: {  	_ =	strace $0x8FFFFFFF  }
0x98: {  	s18 =	sld [smem:$0x3FDB];
	_ =	sdelay $0x1  }
0x99: {  	s19 =	simm.s32 $_scs_section_size  }
0x9a: {  	s4 =	simm.s32 $_size__tile_overlayer_lowered;
	s5 =	simm.s32 $_tile_overlayer_lowered  }
0x9b: {  	s22 =	simm.s32 $0x1BFF;
	s21 =	sshll.u32 s5, $0x1;
	s2 =	sadd.s32 s19, s18  }
0x9c: {  	s6 =	simm.s32 $0x0;
	s20 =	sshll.u32 s4, $0x1;
	s4 =	sadd.s32 s21, s2  }
0x9d: {  	[timem:s6], [sflag:s22] =	dma.local [hbm:s4], s20  }
0x9e: {  	_ =	swait.ge [sflag:s22], s20  }
0x9f: {  	s3 =	ssub.s32 $0x0, s20;
	[sflag:s22] =	ssyncset.done $0x0  }
0xa0: {  	[sflag:s22] =	ssyncadd.s32 s3;
	_ =	sdelay $0x1  }
0xa1: {  	s23 =	simm.s32 $0x1B8B  }
0xa2: {  	_ =	swait.ge [sflag:s23], $0x1  }
0xa3: {  	[sflag:s23] =	ssyncset.done $0x0  }
0xa4: {  	s25 =	simm.s32 $0x1B8E;
	s24 =	sld [smem:$0x3FFE];
	[sflag:s23] =	ssyncadd.s32 $0xFFFFFFFF  }
0xa5: {  	s26 =	simm.s32 $execute0_lowered;
	[smem:$0x3FD2] =	sst s25  }
0xa6: {  	s4 =	sshll.u32 s26, $0x1;
	_ =	strace $0x80000049;
	[dreg:$0x1] =	wrdreg $0xFFFFFFFF  }
0xa7: {  	s28 =	simm.s32 $_size_execute0_lowered;
	s2 =	sadd.s32 s2, s4;
	[dreg:$0x0] =	wrdreg $0x0  }
0xa8: {  	s4 =	sshll.u32 s28, $0x1;
	[dreg:$0x2] =	wrdreg s2  }
0xa9: {  	[dreg:$0x3] =	wrdreg s4  }
0xaa: {  	[dreg:$0x4] =	wrdreg $0xC0  }
0xab: {  	_ =	task [dreg:s6], $0x5FFFF  }
0xac: {  	[dreg:$0x1] =	wrdreg $0xFFFFFFFF  }
0xad: {  	[dreg:$0x0] =	wrdreg $0x60  }
0xae: {  	[dreg:$0x2] =	wrdreg s24  }
0xaf: {  	[dreg:$0x3] =	wrdreg $0x1A0F00  }
0xb0: {  	[dreg:$0x4] =	wrdreg $0x9  }
0xb1: {  	_ =	task.clear_ibuf [dreg:s6], $0x5FFFF;
	_ =	strace $0x90000049  }
0xb2: {  	s29 =	simm.s32 $0x9;
	_ =	strace $0x8000004B  }
0xb3: {  	_ =	swait.ge [sflag:s29], $0x1  }
0xb4: {  	[sflag:s29] =	ssyncadd.s32 $0xFFFFFFFF  }
0xb5: {  	_ =	strace $0x9000004B  }
0xb6: {  	_ =	sfence  }
0xb7: {  	s30 =	sld [smem:$0x0];
	_ =	sdelay $0x2  }
0xb8: {  	s31 =	sshll.u32 s1, $0xD;
	s1 =	sshrl.u32 s1, $0x2  }
0xb9: {  	s3 =	sand.u32 $0x4000, s31;
	s1 =	sadd.s32 s1, s30  }
0xba: {  	s0 =	sor.u32 s3, s0;
	s1 =	sshll.u32 s1, $0x11  }
0xbb: {  	s0 =	sor.u32 s1, s0  }
0xbc: {  	s0 =	sadd.s32 $0x8F2B, s0  }
0xbd: {  	[sflag:s0] =	ssyncadd.remote.s32 $0x1  }
0xbe: {  	_ =	sfence.sel $0xFFFF  }
0xbf: {  	[dreg:$0x0] =	wrdreg $0xFFFFFFFF;
	(pc) =	sbr.abs _section_cstart, $3  }
0xc0: {  	[dreg:$0x1] =	wrdreg $0xFFFFFFFF  }
0xc1: {  	_ =	task.clear_ibuf [dreg:s6], $0x2FFFF;
	_ =	strace $0x9FFFFFFF  }
0xc2: {  	(tm) =	ssettm $0x7FFFFFFF  }
0xc3: {  	_ =	shalt  }
tec
execute0_lowered:
.L_overlay_start_1:
0x0: {  	(tag) =	ssettag $0x1  }
0x1: {  	s0 =	rddreg [dreg:$0x0]  }
0x2: {  	s1 =	rddreg [dreg:$0x1];
	s2 =	simm.s32 $0x0  }
0x3: {  	s4 =	stileid.u32;
	s13 =	srdreg.scid;
	s28 =	simm.s32 $0x4  }
0x4: {  	s29 =	simm.s32 $0x5;
	s30 =	simm.s32 $0x180F0;
	s31 =	simm.s32 $0x8  }
0x5: {  	s10 =	simm.s32 $0x0;
	[smem:$0x7FF] =	sst s2;
	s3 =	sadd.s32 $0x5A00, s0  }
0x6: {  	s5 =	sadd.s32 $0x19E00, s0;
	s6 =	smul.u32 $0x38, s4;
	s7 =	sadd.s32 $0x19400, s0  }
0x7: {  	s19 =	sadd.s32 $0x4E000, s1;
	_ =	strace $0x8000004A;
	[dreg:$0x3] =	wrdreg s5  }
0x8: {  	s21 =	sshll.u32 s4, $0xC;
	s23 =	sor.u32 $0x40, s4;
	[dreg:$0x4] =	wrdreg s7  }
0x9: {  	s5 =	sand.u32 $0x1, s13;
	s7 =	smul.u32 $0x68, s4;
	[dreg:$0x8] =	wrdreg s19  }
0xa: {  	s22 =	sadd.s32 s21, s1;
	s26 =	sshll.u32 s23, $0xC;
	p1 =	slt.u32 s23, $0x4E  }
0xb: {  	s23 =	simm.s32 $0x138E0;
	p0 =	seq.s32 s5, $0x0;
	s6 =	sadd.s32 $0x680, s6  }
0xc: {  	s8 =	sshll.u32 s5, $0x4;
	s14 =	smul.u32 $0x9C40, s5;
	s5 =	ssub.s32 $0x2, s5  }
0xd: {  	s24 =	sadd.s32 $0x10000, s22;
	s25 =	sadd.s32 $0x20000, s22;
	[dreg:$0xc] =	wrdreg s22  }
0xe: {  	p2 =	sne.s32 @!p1 s4, $0xE;
	s6 =	smov.u32 @p0 s7;
	[dreg:$0xd] =	wrdreg s24  }
0xf: {  	s8 =	sor.u32 s4, s8;
	s15 =	sshrl.u32 s5, $0x1;
	[dreg:$0xe] =	wrdreg s25  }
0x10: {  	s24 =	simm.s32 $0x1;
	s25 =	simm.s32 $0x2;
	p2 =	por p2, p1  }
0x11: {  	s6 =	sshll.u32 s6, $0x4;
	s8 =	smul.u32 $0x4E2, s8;
	s7 =	sadd.s32 s14, s0  }
0x12: {  	s5 =	ssub.s32 s5, s15;
	s15 =	simm.s32 $0x9C50;
	s9 =	sadd.s32 s6, s0  }
0x13: {  	s6 =	simm.s32 $0x34;
	s20 =	sadd.s32 $0x38800, s7;
	s5 =	smax.u32 s5, $0x1  }
0x14: {  	s7 =	sadd.s32 $0x30000, s22;
	s22 =	simm.s32 $0x80;
	s0 =	sadd.s32 s8, s0  }
0x15: {  	s16 =	sadd.s32 $0x1A800, s9;
	s17 =	sadd.s32 $0x24800, s9;
	[dreg:$0xa] =	wrdreg s20  }
0x16: {  	s6 =	simm.s32 @!p0 $0x1C;
	s18 =	sadd.s32 $0x2E800, s9;
	[dreg:$0xb] =	wrdreg s5  }
0x17: {  	[dreg:$0xf] =	wrdreg s7;
	s5 =	sadd.s32 s26, s1;
	s20 =	simm.s32 $0x4E28  }
0x18: {  	p0 =	sne.s32 s4, $0x0;
	s26 =	simm.s32 $0x3;
	[dreg:$0x5] =	wrdreg s16  }
0x19: {  	s4 =	simm.s32 $0x15FF0;
	s7 =	simm.s32 $0x190F0;
	[dreg:$0x6] =	wrdreg s17  }
0x1a: {  	s8 =	simm.s32 $0x6;
	s9 =	simm.s32 $0x7;
	[dreg:$0x7] =	wrdreg s18  }
0x1b: {  	s11 =	sadd.s32 $0xFFFFFFFF, s6;
	s0 =	sadd.s32 $0x4C200, s0;
	[dreg:$0x10] =	wrdreg s5  }
0x1c: {  	v0 =	vimm.f32 $0.0e+00;
	s5 =	simm.s32 $0x16070;
	[dreg:$0x9] =	wrdreg s0;
	s0 =	simm.s32 $0x40  }
.LBB2_1:
0x1d: {  	s12 =	rddreg [dreg:$0x3]  }
0x1e: {  	[tilespmem:s2], [sflag:$0x1] =	stream.linear.gather [hbm4b:s12+s2], $0x4E28, $0x38;
	[tilespmem:$0x1EF10] =	vst v63  }
0x1f: {  	s16 =	rddreg [dreg:$0x4]  }
0x20: {  	[tilespmem:s20], [sflag:$0x2] =	stream.linear.gather [hbm4b:s16+s2], $0x4E28, $0x38;
	[tilespmem:$0x1EF10] =	vst v63  }
0x21: {  	s17 =	rddreg [dreg:$0x5]  }
0x22: {  	[tilespmem:s15], [sflag:$0x3] =	stream.linear.gather [hbm4b:s17+s2], $0x3400, $0x38;
	[tilespmem:$0x1EF10] =	vst v63  }
0x23: {  	s18 =	rddreg [dreg:$0x6];
	s13 =	simm.s32 $0xD050  }
0x24: {  	[tilespmem:s13], [sflag:$0x4] =	stream.linear.gather [hbm4b:s18+s2], $0x3400, $0x38;
	[tilespmem:$0x1EF10] =	vst v63  }
0x25: {  	s19 =	rddreg [dreg:$0x7];
	s21 =	simm.s32 $0x10450  }
0x26: {  	[tilespmem:s21], [sflag:$0x5] =	stream.linear.gather [hbm4b:s19+s2], $0x3400, $0x38;
	[tilespmem:$0x1EF10] =	vst v63  }
0x27: {  	_ =	swait.ge [sflag:s24], $0x4E28  }
0x28: {  	[sflag:s24] =	ssyncset.done $0x0  }
0x29: {  	[sflag:s24] =	ssyncadd.s32 $0xFFFFB1D8  }
0x2a: {  	_ =	swait.ge [sflag:s25], $0x4E28  }
0x2b: {  	[sflag:s25] =	ssyncset.done $0x0  }
0x2c: {  	[sflag:s25] =	ssyncadd.s32 $0xFFFFB1D8  }
0x2d: {  	_ =	swait.ge [sflag:s26], $0x3400  }
0x2e: {  	[sflag:s26] =	ssyncset.done $0x0  }
0x2f: {  	[sflag:s26] =	ssyncadd.s32 $0xFFFFCC00  }
0x30: {  	_ =	swait.ge [sflag:s28], $0x3400  }
0x31: {  	[sflag:s28] =	ssyncset.done $0x0  }
0x32: {  	[sflag:s28] =	ssyncadd.s32 $0xFFFFCC00  }
0x33: {  	_ =	swait.ge [sflag:s29], $0x3400  }
0x34: {  	[sflag:s29] =	ssyncset.done $0x0  }
0x35: {  	s12 =	simm.s32 $0x40;
	s13 =	simm.s32 $0x0;
	[sflag:s29] =	ssyncadd.s32 $0xFFFFCC00  }
.LBB2_2:
0x36: {  	p3 =	sne.s32 s12, $0x9C00;
	[tilespmem:s13+$0x138E0] =	vst v0;
	s13 =	smov.u32 s12;
	s12 =	sadd.s32 $0x40, s12  }
.Ltmp0:
0x37: {  	(pc) =	sbr.rel @p3 .LBB2_2-.Ltmp0, $2  }
0x38: {  	_ =	sdelay $0x2  }
0x39: {  	s13 =	sshra.s32 s13, $0x2  }
0x3a: {  	[tilespmem:s13+$0x138E0] =	vst v0  }
0x3b: {  	s12 =	simm.s32 $0x80;
	s13 =	simm.s32 $0x0;
	[tilespmem:$0x138D0] =	vst v0  }
.LBB2_4:
0x3c: {  	p3 =	sne.s32 s12, $0x3F80;
	[tilespmem:s13+$0x180F0] =	vst v0;
	s14 =	smov.u32 s12;
	s12 =	sadd.s32 $0x80, s12  }
.Ltmp1:
0x3d: {  	[tilespmem:s13+$0x18100] =	vst v0;
	(pc) =	sbr.rel @p3 .LBB2_4-.Ltmp1, $2  }
0x3e: {  	_ =	sdelay $0x2  }
0x3f: {  	s13 =	sshra.s32 s14, $0x2  }
0x40: {  	[tilespmem:s13+$0x180F0] =	vst v0  }
0x41: {  	[tilespmem:s13+$0x18100] =	vst v0;
	s12 =	rddreg [dreg:$0xc]  }
0x42: {  	[spmem:s12] =	stream.linear.scatter [tilespmem:s30], [sflag:$0x8], $0x1000, $0x38;
	[tilespmem:$0x1EF10] =	vst v63  }
0x43: {  	_ =	swait.ge [sflag:s31], $0x1000  }
0x44: {  	[sflag:s31] =	ssyncset.done $0x0  }
0x45: {  	s19 =	rddreg [dreg:$0xd];
	[sflag:s31] =	ssyncadd.s32 $0xFFFFF000  }
0x46: {  	[spmem:s19] =	stream.linear.scatter [tilespmem:s30], [sflag:$0x8], $0x1000, $0x38;
	[tilespmem:$0x1EF10] =	vst v63  }
0x47: {  	_ =	swait.ge [sflag:s31], $0x1000  }
0x48: {  	[sflag:s31] =	ssyncset.done $0x0  }
0x49: {  	s21 =	rddreg [dreg:$0xe];
	[sflag:s31] =	ssyncadd.s32 $0xFFFFF000  }
0x4a: {  	[spmem:s21] =	stream.linear.scatter [tilespmem:s30], [sflag:$0x8], $0x1000, $0x38;
	[tilespmem:$0x1EF10] =	vst v63  }
0x4b: {  	_ =	swait.ge [sflag:s31], $0x1000  }
0x4c: {  	[sflag:s31] =	ssyncset.done $0x0  }
0x4d: {  	s13 =	rddreg [dreg:$0xf];
	[sflag:s31] =	ssyncadd.s32 $0xFFFFF000  }
0x4e: {  	[spmem:s13] =	stream.linear.scatter [tilespmem:s30], [sflag:$0x8], $0x1000, $0x38;
	[tilespmem:$0x1EF10] =	vst v63  }
0x4f: {  	_ =	swait.ge [sflag:s31], $0x1000  }
0x50: {  	[sflag:s31] =	ssyncset.done $0x0  }
0x51: {  	s12 =	simm.s32 @p1 $0x180F0;
	s13 =	rddreg [dreg:$0x10];
	[sflag:s31] =	ssyncadd.s32 $0xFFFFF000  }
0x52: {  	[spmem:s13] =	stream.linear.scatter @p1 [tilespmem:s12], [sflag:$0x8], $0x1000, $0x38;
	[tilespmem:$0x1EF10] =	vst v63  }
0x53: {  	s12 =	simm.s32 @p1 $0x8  }
0x54: {  	_ =	swait.ge @p1 [sflag:s12], $0x1000  }
0x55: {  	[sflag:s12] =	ssyncset.done @p1 $0x0  }
0x56: {  	s13 =	rddreg [dreg:$0x8];
	[sflag:s12] =	ssyncadd.s32 @p1 $0xFFFFF000;
	s12 =	simm.s32 @!p2 $0x180F0  }
0x57: {  	[spmem:s13] =	stream.linear.scatter @!p2 [tilespmem:s12], [sflag:$0x7], $0x200, $0x38;
	[tilespmem:$0x1EF10] =	vst v63  }
0x58: {  	s12 =	simm.s32 @!p2 $0x7  }
0x59: {  	_ =	swait.ge @!p2 [sflag:s12], $0x200  }
0x5a: {  	[sflag:s12] =	ssyncset.done @!p2 $0x0  }
0x5b: {  	[sflag:s12] =	ssyncadd.s32 @!p2 $0xFFFFFE00  }
0x5c: {  	s14 =	simm.s32 $0x160F0;
	[bflag:$0x0] =	sbarrier.arrive $0xFFFF  }
0x5d: {  	[tilespmem:s14], [sflag:$0x1] =	stream.indirect.gather [hbm4b:s3+s0], $0x20, s15, s0, $0xb8;
	[tilespmem:$0x1EF10] =	vst v63  }
0x5e: {  	s16 =	simm.s32 $0x168F0;
	s15 =	simm.s32 $0x9C90  }
0x5f: {  	[tilespmem:s16], [sflag:$0x3] =	stream.indirect.gather [hbm4b:s3+s0], $0x20, s15, s0, $0xb8;
	[tilespmem:$0x1EF10] =	vst v63  }
0x60: {  	s17 =	simm.s32 $0x9CD0;
	s18 =	simm.s32 $0x170F0  }
0x61: {  	[tilespmem:s18], [sflag:$0x2] =	stream.indirect.gather [hbm4b:s3+s0], $0x20, s17, s0, $0xb8;
	[tilespmem:$0x1EF10] =	vst v63  }
0x62: {  	s19 =	simm.s32 $0x9D10;
	s21 =	simm.s32 $0x178F0  }
0x63: {  	[tilespmem:s21], [sflag:$0x4] =	stream.indirect.gather [hbm4b:s3+s0], $0x20, s19, s0, $0xb8;
	[tilespmem:$0x1EF10] =	vst v63  }
0x64: {  	s21 =	simm.s32 $0x0  }
.LBB2_6:
0x65: {  	_ =	swait.ge [sflag:s24], $0x800  }
0x66: {  	[sflag:s24] =	ssyncset.done $0x0  }
0x67: {  	[sflag:s24] =	ssyncadd.s32 $0xFFFFF800  }
0x68: {  	_ =	swait.ge [sflag:s26], $0x800  }
0x69: {  	p4 =	seq.s32 s21, $0x0;
	[sflag:s26] =	ssyncset.done $0x0  }
0x6a: {  	s13 =	simm.s32 @!p4 $0x5;
	[sflag:s26] =	ssyncadd.s32 $0xFFFFF800  }
0x6b: {  	_ =	swait.ge @!p4 [sflag:s13], $0x1000  }
0x6c: {  	s12 =	sshll.u32 s21, $0xA;
	[sflag:s13] =	ssyncset.done @!p4 $0x0  }
0x6d: {  	s17 =	sshra.s32 s12, $0x2;
	[sflag:s13] =	ssyncadd.s32 @!p4 $0xFFFFF000  }
0x6e: {  	v1 =	vld [tilespmem:s17+$0x10450];
	_ =	sdelay $0x4  }
0x6f: {  	[tilespmem:$0x15FF0] =	vst v1  }
0x70: {  	v2 =	vld [tilespmem:s17+$0x10460];
	_ =	sdelay $0x4  }
0x71: {  	[tilespmem:$0x16000] =	vst v2  }
0x72: {  	v2 =	vld [tilespmem:s17+$0x10470];
	_ =	sdelay $0x4  }
0x73: {  	[tilespmem:$0x16010] =	vst v2  }
0x74: {  	v2 =	vld [tilespmem:s17+$0x10480];
	_ =	sdelay $0x4  }
0x75: {  	[tilespmem:$0x16020] =	vst v2  }
0x76: {  	v2 =	vld [tilespmem:s17+$0x10490];
	_ =	sdelay $0x4  }
0x77: {  	[tilespmem:$0x16030] =	vst v2  }
0x78: {  	v2 =	vld [tilespmem:s17+$0x104A0];
	_ =	sdelay $0x4  }
0x79: {  	[tilespmem:$0x16040] =	vst v2  }
0x7a: {  	v2 =	vld [tilespmem:s17+$0x104B0];
	_ =	sdelay $0x4  }
0x7b: {  	[tilespmem:$0x16050] =	vst v2  }
0x7c: {  	v2 =	vld [tilespmem:s17+$0x104C0];
	_ =	sdelay $0x4  }
0x7d: {  	s18 =	sshll.u32 s21, $0x8;
	[tilespmem:$0x16060] =	vst v2  }
0x7e: {  	v2 =	vld [tilespmem:s18+$0xD050]  }
0x7f: {  	v3 =	vld [tilespmem:s18+$0x9C50];
	_ =	sdelay $0x6  }
0x80: {  	v2 =	vld.idx.msk [tilespmem:v2+s2+$0x0], $0xffff  }
0x81: {  	v3 =	vld.idx.msk [tilespmem:v3+s20+$0x0], $0xffff;
	_ =	sdelay $0x4  }
0x82: {  	v2 =	vadd.f32 v3, v2;
	_ =	sdelay $0x1  }
0x83: {  	v3 =	vmul.f32 $2.000000030e-01, v2;
	_ =	sdelay $0x1  }
0x84: {  	v2 =	vmax.f32 v2, v3  }
0x85: {  	v2 =	vmul.f32 $1.442695020e+00, v2;
	_ =	sdelay $0x1  }
0x86: {  	(erf) = vpow2.f32 v2;
	_ =	sdelay $0x8  }
0x87: {  	v2 =	vpop (erf)  }
0x88: {  	[tilespmem:$0x13850] =	vst v2  }
0x89: {  	[tilespmem:v1+s23+$0x0] =	vst.idx.add.f32.msk $0xffff, v2  }
0x8a: {  	v1 =	vld [tilespmem:s18+$0xD060]  }
0x8b: {  	v2 =	vld [tilespmem:s18+$0x9C60];
	_ =	sdelay $0x6  }
0x8c: {  	v1 =	vld.idx.msk [tilespmem:v1+s2+$0x0], $0xffff  }
0x8d: {  	v2 =	vld.idx.msk [tilespmem:v2+s20+$0x0], $0xffff;
	_ =	sdelay $0x4  }
0x8e: {  	v1 =	vadd.f32 v2, v1;
	_ =	sdelay $0x1  }
0x8f: {  	v2 =	vmul.f32 $2.000000030e-01, v1;
	_ =	sdelay $0x1  }
0x90: {  	v1 =	vmax.f32 v1, v2  }
0x91: {  	v1 =	vmul.f32 $1.442695020e+00, v1;
	_ =	sdelay $0x1  }
0x92: {  	(erf) = vpow2.f32 v1;
	_ =	sdelay $0x2  }
0x93: {  	v1 =	vld [tilespmem:$0x16000];
	_ =	sdelay $0x5  }
0x94: {  	v2 =	vpop (erf)  }
0x95: {  	[tilespmem:$0x13860] =	vst v2  }
0x96: {  	[tilespmem:v1+s23+$0x0] =	vst.idx.add.f32.msk $0xffff, v2  }
0x97: {  	v1 =	vld [tilespmem:s18+$0xD070]  }
0x98: {  	v2 =	vld [tilespmem:s18+$0x9C70];
	_ =	sdelay $0x6  }
0x99: {  	v1 =	vld.idx.msk [tilespmem:v1+s2+$0x0], $0xffff  }
0x9a: {  	v2 =	vld.idx.msk [tilespmem:v2+s20+$0x0], $0xffff;
	_ =	sdelay $0x4  }
0x9b: {  	v1 =	vadd.f32 v2, v1;
	_ =	sdelay $0x1  }
0x9c: {  	v2 =	vmul.f32 $2.000000030e-01, v1;
	_ =	sdelay $0x1  }
0x9d: {  	v1 =	vmax.f32 v1, v2  }
0x9e: {  	v1 =	vmul.f32 $1.442695020e+00, v1;
	_ =	sdelay $0x1  }
0x9f: {  	(erf) = vpow2.f32 v1;
	_ =	sdelay $0x2  }
0xa0: {  	v1 =	vld [tilespmem:$0x16010];
	_ =	sdelay $0x5  }
0xa1: {  	v2 =	vpop (erf)  }
0xa2: {  	[tilespmem:$0x13870] =	vst v2  }
0xa3: {  	[tilespmem:v1+s23+$0x0] =	vst.idx.add.f32.msk $0xffff, v2  }
0xa4: {  	v1 =	vld [tilespmem:s18+$0xD080]  }
0xa5: {  	v2 =	vld [tilespmem:s18+$0x9C80];
	_ =	sdelay $0x6  }
0xa6: {  	v1 =	vld.idx.msk [tilespmem:v1+s2+$0x0], $0xffff  }
0xa7: {  	v2 =	vld.idx.msk [tilespmem:v2+s20+$0x0], $0xffff;
	_ =	sdelay $0x4  }
0xa8: {  	v1 =	vadd.f32 v2, v1;
	_ =	sdelay $0x1  }
0xa9: {  	v2 =	vmul.f32 $2.000000030e-01, v1;
	_ =	sdelay $0x1  }
0xaa: {  	v1 =	vmax.f32 v1, v2  }
0xab: {  	v1 =	vmul.f32 $1.442695020e+00, v1;
	_ =	sdelay $0x1  }
0xac: {  	(erf) = vpow2.f32 v1;
	_ =	sdelay $0x2  }
0xad: {  	v1 =	vld [tilespmem:$0x16020];
	_ =	sdelay $0x5  }
0xae: {  	v2 =	vpop (erf)  }
0xaf: {  	[tilespmem:$0x13880] =	vst v2  }
0xb0: {  	[tilespmem:v1+s23+$0x0] =	vst.idx.add.f32.msk $0xffff, v2  }
0xb1: {  	v1 =	vld [tilespmem:s18+$0xD090]  }
0xb2: {  	v2 =	vld [tilespmem:s18+$0x9C90];
	_ =	sdelay $0x6  }
0xb3: {  	v1 =	vld.idx.msk [tilespmem:v1+s2+$0x0], $0xffff  }
0xb4: {  	v2 =	vld.idx.msk [tilespmem:v2+s20+$0x0], $0xffff;
	_ =	sdelay $0x4  }
0xb5: {  	v1 =	vadd.f32 v2, v1;
	_ =	sdelay $0x1  }
0xb6: {  	v2 =	vmul.f32 $2.000000030e-01, v1;
	_ =	sdelay $0x1  }
0xb7: {  	v1 =	vmax.f32 v1, v2  }
0xb8: {  	v1 =	vmul.f32 $1.442695020e+00, v1;
	_ =	sdelay $0x1  }
0xb9: {  	(erf) = vpow2.f32 v1;
	_ =	sdelay $0x2  }
0xba: {  	v1 =	vld [tilespmem:$0x16030];
	_ =	sdelay $0x5  }
0xbb: {  	v2 =	vpop (erf)  }
0xbc: {  	[tilespmem:$0x13890] =	vst v2  }
0xbd: {  	[tilespmem:v1+s23+$0x0] =	vst.idx.add.f32.msk $0xffff, v2  }
0xbe: {  	v1 =	vld [tilespmem:s18+$0xD0A0]  }
0xbf: {  	v2 =	vld [tilespmem:s18+$0x9CA0];
	_ =	sdelay $0x6  }
0xc0: {  	v1 =	vld.idx.msk [tilespmem:v1+s2+$0x0], $0xffff  }
0xc1: {  	v2 =	vld.idx.msk [tilespmem:v2+s20+$0x0], $0xffff;
	_ =	sdelay $0x4  }
0xc2: {  	v1 =	vadd.f32 v2, v1;
	_ =	sdelay $0x1  }
0xc3: {  	v2 =	vmul.f32 $2.000000030e-01, v1;
	_ =	sdelay $0x1  }
0xc4: {  	v1 =	vmax.f32 v1, v2  }
0xc5: {  	v1 =	vmul.f32 $1.442695020e+00, v1;
	_ =	sdelay $0x1  }
0xc6: {  	(erf) = vpow2.f32 v1;
	_ =	sdelay $0x2  }
0xc7: {  	v1 =	vld [tilespmem:$0x16040];
	_ =	sdelay $0x5  }
0xc8: {  	v2 =	vpop (erf)  }
0xc9: {  	[tilespmem:$0x138A0] =	vst v2  }
0xca: {  	[tilespmem:v1+s23+$0x0] =	vst.idx.add.f32.msk $0xffff, v2  }
0xcb: {  	v1 =	vld [tilespmem:s18+$0xD0B0]  }
0xcc: {  	v2 =	vld [tilespmem:s18+$0x9CB0];
	_ =	sdelay $0x6  }
0xcd: {  	v1 =	vld.idx.msk [tilespmem:v1+s2+$0x0], $0xffff  }
0xce: {  	v2 =	vld.idx.msk [tilespmem:v2+s20+$0x0], $0xffff;
	_ =	sdelay $0x4  }
0xcf: {  	v1 =	vadd.f32 v2, v1;
	_ =	sdelay $0x1  }
0xd0: {  	v2 =	vmul.f32 $2.000000030e-01, v1;
	_ =	sdelay $0x1  }
0xd1: {  	v1 =	vmax.f32 v1, v2  }
0xd2: {  	v1 =	vmul.f32 $1.442695020e+00, v1;
	_ =	sdelay $0x1  }
0xd3: {  	(erf) = vpow2.f32 v1;
	_ =	sdelay $0x2  }
0xd4: {  	v1 =	vld [tilespmem:$0x16050];
	_ =	sdelay $0x5  }
0xd5: {  	v2 =	vpop (erf)  }
0xd6: {  	[tilespmem:$0x138B0] =	vst v2  }
0xd7: {  	[tilespmem:v1+s23+$0x0] =	vst.idx.add.f32.msk $0xffff, v2  }
0xd8: {  	v1 =	vld [tilespmem:s18+$0xD0C0]  }
0xd9: {  	v2 =	vld [tilespmem:s18+$0x9CC0];
	_ =	sdelay $0x6  }
0xda: {  	v1 =	vld.idx.msk [tilespmem:v1+s2+$0x0], $0xffff  }
0xdb: {  	v2 =	vld.idx.msk [tilespmem:v2+s20+$0x0], $0xffff;
	_ =	sdelay $0x4  }
0xdc: {  	v1 =	vadd.f32 v2, v1;
	_ =	sdelay $0x1  }
0xdd: {  	v2 =	vmul.f32 $2.000000030e-01, v1;
	_ =	sdelay $0x1  }
0xde: {  	v1 =	vmax.f32 v1, v2  }
0xdf: {  	v1 =	vmul.f32 $1.442695020e+00, v1;
	_ =	sdelay $0x1  }
0xe0: {  	(erf) = vpow2.f32 v1;
	_ =	sdelay $0x2  }
0xe1: {  	v1 =	vld [tilespmem:$0x16060];
	_ =	sdelay $0x5  }
0xe2: {  	v2 =	vpop (erf)  }
0xe3: {  	[tilespmem:$0x138C0] =	vst v2  }
0xe4: {  	s19 =	simm.s32 $0x13854;
	[tilespmem:v1+s23+$0x0] =	vst.idx.add.f32.msk $0xffff, v2  }
0xe5: {  	s15 =	simm.s32 $0x16170;
	v2 =	vld.msk [tilespmem:s19+$0x3 ss:$0x0], $0xffff  }
0xe6: {  	v1 =	vld [tilespmem:s15+$0x60]  }
0xe7: {  	v11 =	vld.msk [tilespmem:s19+$0xFFFFFFFC ss:$0x0], $0xffff  }
0xe8: {  	v5 =	vld.msk [tilespmem:s19+$0xFFFFFFFD ss:$0x0], $0xffff  }
0xe9: {  	v7 =	vld.msk [tilespmem:s19+$0xFFFFFFFE ss:$0x0], $0xffff  }
0xea: {  	v8 =	vld.msk [tilespmem:s19+$0xFFFFFFFF ss:$0x0], $0xffff  }
0xeb: {  	v9 =	vld.msk [tilespmem:s19+$0x0 ss:$0x0], $0xffff  }
0xec: {  	v10 =	vld.msk [tilespmem:s19+$0x1 ss:$0x0], $0xffff  }
0xed: {  	v12 =	vld.msk [tilespmem:s19+$0x2 ss:$0x0], $0xffff  }
0xee: {  	v3 =	vld [tilespmem:s15+$0xFFFFFFA0]  }
0xef: {  	v4 =	vld [tilespmem:s15+$0xFFFFFFC0]  }
0xf0: {  	v6 =	vld [tilespmem:s15+$0xFFFFFFE0]  }
0xf1: {  	v13 =	vld [tilespmem:s15+$0x0]  }
0xf2: {  	v14 =	vld [tilespmem:s15+$0x20]  }
0xf3: {  	s17 =	simm.s32 $0x1385C;
	v16 =	vld [tilespmem:s15+$0xFFFFFF80]  }
0xf4: {  	v21 =	vld.msk [tilespmem:s17+$0x3 ss:$0x0], $0xffff;
	v1 =	vmul.f32 v2, v1  }
0xf5: {  	s13 =	simm.s32 $0x18170;
	v22 =	vld.msk [tilespmem:s17+$0xFFFFFFFD ss:$0x0], $0xffff;
	v4 =	vmul.f32 v7, v4  }
0xf6: {  	[tilespmem:s13+$0x60] =	vst v1;
	v1 =	vmul.f32 v5, v3;
	v3 =	vld [tilespmem:s15+$0x40]  }
0xf7: {  	[tilespmem:s13+$0xFFFFFFC0] =	vst v4;
	v4 =	vmul.f32 v9, v13;
	v15 =	vld [tilespmem:s15+$0x70]  }
0xf8: {  	s16 =	simm.s32 $0x16270;
	v13 =	vld [tilespmem:s15+$0xFFFFFFD0]  }
0xf9: {  	[tilespmem:s13+$0x0] =	vst v4;
	v4 =	vld [tilespmem:s16+$0x60]  }
0xfa: {  	[tilespmem:s13+$0xFFFFFFA0] =	vst v1;
	v1 =	vmul.f32 v8, v6;
	v6 =	vld.msk [tilespmem:s17+$0xFFFFFFFE ss:$0x0], $0xffff  }
0xfb: {  	v17 =	vld [tilespmem:s15+$0xFFFFFFB0]  }
0xfc: {  	v18 =	vld [tilespmem:s15+$0x10];
	[tilespmem:s13+$0xFFFFFFE0] =	vst v1;
	v1 =	vmul.f32 v10, v14  }
0xfd: {  	v14 =	vld [tilespmem:s15+$0xFFFFFFF0]  }
0xfe: {  	[tilespmem:s13+$0x20] =	vst v1;
	v1 =	vld.msk [tilespmem:s17+$0xFFFFFFFC ss:$0x0], $0xffff  }
0xff: {  	v3 =	vmul.f32 v12, v3;
	v15 =	vmul.f32 v15, v2;
	v2 =	vld.msk [tilespmem:s17+$0x0 ss:$0x0], $0xffff  }
0x100: {  	v19 =	vld [tilespmem:s15+$0x30]  }
0x101: {  	[tilespmem:s13+$0x40] =	vst v3;
	v3 =	vld.msk [tilespmem:s17+$0xFFFFFFFF ss:$0x0], $0xffff  }
0x102: {  	v23 =	vmul.f32 v21, v4;
	v4 =	vld.msk [tilespmem:s17+$0x1 ss:$0x0], $0xffff  }
0x103: {  	s14 =	simm.s32 $0x18270;
	v7 =	vmul.f32 v13, v7;
	v20 =	vld [tilespmem:s15+$0x50];
	[tilespmem:s13+$0x70] =	vst v15  }
0x104: {  	v15 =	vmul.f32 v11, v16;
	v62 =	vmul.f32 v17, v5;
	v5 =	vld.msk [tilespmem:s17+$0x2 ss:$0x0], $0xffff;
	[tilespmem:s14+$0x60] =	vst v23  }
0x105: {  	[tilespmem:s13+$0xFFFFFFD0] =	vst v7;
	v13 =	vld [tilespmem:s16+$0x70]  }
0x106: {  	[tilespmem:s13+$0xFFFFFF80] =	vst v15;
	v8 =	vmul.f32 v14, v8;
	v14 =	vld [tilespmem:s16+$0xFFFFFFA0]  }
0x107: {  	v7 =	vmul.f32 v18, v9;
	v9 =	vld [tilespmem:s16+$0xFFFFFFC0];
	[tilespmem:s13+$0xFFFFFFB0] =	vst v62  }
0x108: {  	[tilespmem:s13+$0xFFFFFFF0] =	vst v8;
	v8 =	vmul.f32 v19, v10;
	v10 =	vld [tilespmem:s16+$0xFFFFFFE0]  }
0x109: {  	[tilespmem:s13+$0x10] =	vst v7;
	v7 =	vmul.f32 v20, v12;
	v12 =	vld [tilespmem:s16+$0x0]  }
0x10a: {  	[tilespmem:s13+$0x30] =	vst v8;
	v8 =	vld [tilespmem:s16+$0x20];
	v13 =	vmul.f32 v13, v21  }
0x10b: {  	[tilespmem:s13+$0x50] =	vst v7;
	v7 =	vmul.f32 v22, v14;
	v14 =	vld [tilespmem:s16+$0x40]  }
0x10c: {  	v15 =	vld [tilespmem:s16+$0xFFFFFF80];
	v9 =	vmul.f32 v6, v9;
	[tilespmem:s14+$0x70] =	vst v13  }
0x10d: {  	[tilespmem:s14+$0xFFFFFFA0] =	vst v7;
	v7 =	vmul.f32 v3, v10;
	v13 =	vld [tilespmem:s15+$0xFFFFFF90]  }
0x10e: {  	[tilespmem:s14+$0xFFFFFFC0] =	vst v9;
	v63 =	vld [tilespmem:s16+$0xFFFFFFB0];
	v9 =	vmul.f32 v2, v12  }
0x10f: {  	v10 =	vld [tilespmem:s16+$0xFFFFFFD0];
	[tilespmem:s14+$0xFFFFFFE0] =	vst v7;
	v12 =	vmul.f32 v4, v8  }
0x110: {  	v7 =	vld [tilespmem:s16+$0xFFFFFFF0];
	[tilespmem:s14+$0x0] =	vst v9;
	v14 =	vmul.f32 v5, v14  }
0x111: {  	v15 =	vmul.f32 v1, v15;
	v8 =	vld [tilespmem:s16+$0x10];
	[tilespmem:s14+$0x20] =	vst v12  }
0x112: {  	s18 =	simm.s32 $0x8;
	v9 =	vld [tilespmem:s16+$0x30];
	[tilespmem:s14+$0x40] =	vst v14;
	v13 =	vmul.f32 v13, v11  }
0x113: {  	s19 =	simm.s32 $0x16270;
	s17 =	sshll.u32 s21, $0x1;
	[tilespmem:s14+$0xFFFFFF80] =	vst v15;
	s15 =	simm.s32 $0x13864;
	v12 =	vmul.f32 v63, v22;
	v11 =	vld [tilespmem:s16+$0x50]  }
.LBB2_7:
0x114: {  	v14 =	vld.msk [tilespmem:s15+$0x3 ss:$0x0], $0xffff;
	s18 =	sadd.s32 $0x8, s18;
	v6 =	vmul.f32 v10, v6;
	s16 =	sadd.s32 $0x100, s16;
	[tilespmem:s13+$0xFFFFFF90] =	vst v13;
	s13 =	smov.u32 s14  }
0x115: {  	v10 =	vld [tilespmem:s16+$0x60];
	p3 =	slt.u32 s18, $0x78;
	[tilespmem:s14+$0xFFFFFFB0] =	vst v12;
	v3 =	vmul.f32 v7, v3  }
0x116: {  	v12 =	vld.msk [tilespmem:s15+$0xFFFFFFFC ss:$0x0], $0xffff;
	[tilespmem:s14+$0xFFFFFFD0] =	vst v6;
	v2 =	vmul.f32 v8, v2  }
0x117: {  	v15 =	vld.msk [tilespmem:s15+$0xFFFFFFFD ss:$0x0], $0xffff;
	[tilespmem:s14+$0xFFFFFFF0] =	vst v3;
	v4 =	vmul.f32 v9, v4  }
0x118: {  	v6 =	vld.msk [tilespmem:s15+$0xFFFFFFFE ss:$0x0], $0xffff;
	[tilespmem:s14+$0x10] =	vst v2;
	v5 =	vmul.f32 v11, v5  }
0x119: {  	v3 =	vld.msk [tilespmem:s15+$0xFFFFFFFF ss:$0x0], $0xffff;
	[tilespmem:s14+$0x30] =	vst v4  }
0x11a: {  	v2 =	vld.msk [tilespmem:s15+$0x0 ss:$0x0], $0xffff;
	v7 =	vmul.f32 v14, v10;
	[tilespmem:s14+$0x50] =	vst v5  }
0x11b: {  	s14 =	sadd.s32 $0x100, s14;
	v4 =	vld.msk [tilespmem:s15+$0x1 ss:$0x0], $0xffff  }
0x11c: {  	v5 =	vld.msk [tilespmem:s15+$0x2 ss:$0x0], $0xffff;
	[tilespmem:s14+$0x60] =	vst v7  }
0x11d: {  	v7 =	vld [tilespmem:s16+$0x70]  }
0x11e: {  	v8 =	vld [tilespmem:s16+$0xFFFFFFA0]  }
0x11f: {  	v9 =	vld [tilespmem:s16+$0xFFFFFFC0]  }
0x120: {  	v10 =	vld [tilespmem:s16+$0xFFFFFFE0]  }
0x121: {  	v11 =	vld [tilespmem:s16+$0x0]  }
0x122: {  	v13 =	vld [tilespmem:s16+$0x20];
	v7 =	vmul.f32 v7, v14  }
0x123: {  	v8 =	vmul.f32 v15, v8;
	v14 =	vld [tilespmem:s16+$0x40]  }
0x124: {  	v16 =	vld [tilespmem:s16+$0xFFFFFF80];
	v9 =	vmul.f32 v6, v9;
	[tilespmem:s14+$0x70] =	vst v7  }
0x125: {  	[tilespmem:s14+$0xFFFFFFA0] =	vst v8;
	v7 =	vmul.f32 v3, v10;
	v17 =	vld [tilespmem:s19+$0xFFFFFF90];
	s19 =	smov.u32 s16  }
0x126: {  	v18 =	vld [tilespmem:s16+$0xFFFFFFB0];
	[tilespmem:s14+$0xFFFFFFC0] =	vst v9;
	v8 =	vmul.f32 v2, v11  }
.Ltmp2:
0x127: {  	v10 =	vld [tilespmem:s16+$0xFFFFFFD0];
	[tilespmem:s14+$0xFFFFFFE0] =	vst v7;
	v9 =	vmul.f32 v4, v13;
	(pc) =	sbr.rel @p3 .LBB2_7-.Ltmp2, $4  }
0x128: {  	v7 =	vld [tilespmem:s16+$0xFFFFFFF0];
	[tilespmem:s14+$0x0] =	vst v8;
	v11 =	vmul.f32 v5, v14  }
0x129: {  	v14 =	vmul.f32 v12, v16;
	v8 =	vld [tilespmem:s16+$0x10];
	[tilespmem:s14+$0x20] =	vst v9  }
0x12a: {  	v9 =	vld [tilespmem:s16+$0x30];
	[tilespmem:s14+$0x40] =	vst v11;
	v13 =	vmul.f32 v17, v1;
	v1 =	vmov v12  }
0x12b: {  	s15 =	sadd.s32 $0x8, s15;
	[tilespmem:s14+$0xFFFFFF80] =	vst v14;
	v12 =	vmul.f32 v18, v15;
	v11 =	vld [tilespmem:s16+$0x50]  }
0x12c: {  	v6 =	vmul.f32 v10, v6;
	[tilespmem:s13+$0xFFFFFF90] =	vst v13;
	v10 =	vld [tilespmem:s19+$0xFFFFFF90]  }
0x12d: {  	[tilespmem:s14+$0xFFFFFFB0] =	vst v12;
	v3 =	vmul.f32 v7, v3  }
0x12e: {  	[tilespmem:s14+$0xFFFFFFD0] =	vst v6;
	v2 =	vmul.f32 v8, v2  }
0x12f: {  	[tilespmem:s14+$0xFFFFFFF0] =	vst v3;
	v3 =	vmul.f32 v9, v4  }
0x130: {  	[tilespmem:s14+$0x10] =	vst v2;
	v2 =	vmul.f32 v11, v5  }
0x131: {  	p3 =	sge.u32 s21, s11;
	[tilespmem:s14+$0x30] =	vst v3;
	v1 =	vmul.f32 v10, v1  }
0x132: {  	s12 =	sshra.s32 @!p3 s12, $0x2;
	[tilespmem:s14+$0x50] =	vst v2  }
0x133: {  	s15 =	simm.s32 @!p3 $0x160F0;
	s13 =	sadd.s32 @!p3 $0x9D50, s12;
	[tilespmem:s14+$0xFFFFFF90] =	vst v1;
	s14 =	simm.s32 @!p3 $0x40  }
0x134: {  	[tilespmem:s15], [sflag:$0x1] =	stream.indirect.gather @!p3 [hbm4b:s3+s14], $0x20, s13, s14, $0xb8;
	[tilespmem:$0x1EF10] =	vst v63  }
0x135: {  	s13 =	sadd.s32 @!p3 $0x9D90, s12;
	s15 =	simm.s32 @!p3 $0x168F0  }
0x136: {  	[tilespmem:s15], [sflag:$0x3] =	stream.indirect.gather @!p3 [hbm4b:s3+s14], $0x20, s13, s14, $0xb8;
	[tilespmem:$0x1EF10] =	vst v63  }
0x137: {  	_ = 	snop  }
0x138: {  	[spmem:s1] =	stream.indirect.scatter.add.f32 [tilespmem:s30], [sflag:$0x5], $0x20, s4, s22, $0xb8;
	[tilespmem:$0x1EF10] =	vst v63  }
0x139: {  	_ =	swait.ge [sflag:s25], $0x800  }
0x13a: {  	[sflag:s25] =	ssyncset.done $0x0  }
0x13b: {  	[sflag:s25] =	ssyncadd.s32 $0xFFFFF800  }
0x13c: {  	_ =	swait.ge [sflag:s28], $0x800  }
0x13d: {  	[sflag:s28] =	ssyncset.done $0x0  }
0x13e: {  	s13 =	simm.s32 @!p4 $0x6;
	[sflag:s28] =	ssyncadd.s32 $0xFFFFF800  }
0x13f: {  	s18 =	sor.u32 $0x1, s17;
	_ =	swait.ge @!p4 [sflag:s13], $0x1000  }
0x140: {  	s19 =	sshll.u32 s18, $0x9;
	[sflag:s13] =	ssyncset.done @!p4 $0x0  }
0x141: {  	s15 =	sshra.s32 s19, $0x2;
	[sflag:s13] =	ssyncadd.s32 @!p4 $0xFFFFF000  }
0x142: {  	v1 =	vld [tilespmem:s15+$0x10450];
	_ =	sdelay $0x4  }
0x143: {  	[tilespmem:$0x16070] =	vst v1  }
0x144: {  	v2 =	vld [tilespmem:s15+$0x10460];
	_ =	sdelay $0x4  }
0x145: {  	[tilespmem:$0x16080] =	vst v2  }
0x146: {  	v2 =	vld [tilespmem:s15+$0x10470];
	_ =	sdelay $0x4  }
0x147: {  	[tilespmem:$0x16090] =	vst v2  }
0x148: {  	v2 =	vld [tilespmem:s15+$0x10480];
	_ =	sdelay $0x4  }
0x149: {  	[tilespmem:$0x160A0] =	vst v2  }
0x14a: {  	v2 =	vld [tilespmem:s15+$0x10490];
	_ =	sdelay $0x4  }
0x14b: {  	[tilespmem:$0x160B0] =	vst v2  }
0x14c: {  	v2 =	vld [tilespmem:s15+$0x104A0];
	_ =	sdelay $0x4  }
0x14d: {  	[tilespmem:$0x160C0] =	vst v2  }
0x14e: {  	v2 =	vld [tilespmem:s15+$0x104B0];
	_ =	sdelay $0x4  }
0x14f: {  	[tilespmem:$0x160D0] =	vst v2  }
0x150: {  	v2 =	vld [tilespmem:s15+$0x104C0];
	_ =	sdelay $0x4  }
0x151: {  	s16 =	sshll.u32 s18, $0x7;
	[tilespmem:$0x160E0] =	vst v2  }
0x152: {  	v2 =	vld [tilespmem:s16+$0xD050]  }
0x153: {  	v3 =	vld [tilespmem:s16+$0x9C50];
	_ =	sdelay $0x6  }
0x154: {  	v2 =	vld.idx.msk [tilespmem:v2+s2+$0x0], $0xffff  }
0x155: {  	v3 =	vld.idx.msk [tilespmem:v3+s20+$0x0], $0xffff;
	_ =	sdelay $0x4  }
0x156: {  	v2 =	vadd.f32 v3, v2;
	_ =	sdelay $0x1  }
0x157: {  	v3 =	vmul.f32 $2.000000030e-01, v2;
	_ =	sdelay $0x1  }
0x158: {  	v2 =	vmax.f32 v2, v3  }
0x159: {  	v2 =	vmul.f32 $1.442695020e+00, v2;
	_ =	sdelay $0x1  }
0x15a: {  	(erf) = vpow2.f32 v2;
	_ =	sdelay $0x8  }
0x15b: {  	v2 =	vpop (erf)  }
0x15c: {  	[tilespmem:$0x13850] =	vst v2  }
0x15d: {  	[tilespmem:v1+s23+$0x0] =	vst.idx.add.f32.msk $0xffff, v2  }
0x15e: {  	v1 =	vld [tilespmem:s16+$0xD060]  }
0x15f: {  	v2 =	vld [tilespmem:s16+$0x9C60];
	_ =	sdelay $0x6  }
0x160: {  	v1 =	vld.idx.msk [tilespmem:v1+s2+$0x0], $0xffff  }
0x161: {  	v2 =	vld.idx.msk [tilespmem:v2+s20+$0x0], $0xffff;
	_ =	sdelay $0x4  }
0x162: {  	v1 =	vadd.f32 v2, v1;
	_ =	sdelay $0x1  }
0x163: {  	v2 =	vmul.f32 $2.000000030e-01, v1;
	_ =	sdelay $0x1  }
0x164: {  	v1 =	vmax.f32 v1, v2  }
0x165: {  	v1 =	vmul.f32 $1.442695020e+00, v1;
	_ =	sdelay $0x1  }
0x166: {  	(erf) = vpow2.f32 v1;
	_ =	sdelay $0x2  }
0x167: {  	v1 =	vld [tilespmem:$0x16080];
	_ =	sdelay $0x5  }
0x168: {  	v2 =	vpop (erf)  }
0x169: {  	[tilespmem:$0x13860] =	vst v2  }
0x16a: {  	[tilespmem:v1+s23+$0x0] =	vst.idx.add.f32.msk $0xffff, v2  }
0x16b: {  	v1 =	vld [tilespmem:s16+$0xD070]  }
0x16c: {  	v2 =	vld [tilespmem:s16+$0x9C70];
	_ =	sdelay $0x6  }
0x16d: {  	v1 =	vld.idx.msk [tilespmem:v1+s2+$0x0], $0xffff  }
0x16e: {  	v2 =	vld.idx.msk [tilespmem:v2+s20+$0x0], $0xffff;
	_ =	sdelay $0x4  }
0x16f: {  	v1 =	vadd.f32 v2, v1;
	_ =	sdelay $0x1  }
0x170: {  	v2 =	vmul.f32 $2.000000030e-01, v1;
	_ =	sdelay $0x1  }
0x171: {  	v1 =	vmax.f32 v1, v2  }
0x172: {  	v1 =	vmul.f32 $1.442695020e+00, v1;
	_ =	sdelay $0x1  }
0x173: {  	(erf) = vpow2.f32 v1;
	_ =	sdelay $0x2  }
0x174: {  	v1 =	vld [tilespmem:$0x16090];
	_ =	sdelay $0x5  }
0x175: {  	v2 =	vpop (erf)  }
0x176: {  	[tilespmem:$0x13870] =	vst v2  }
0x177: {  	[tilespmem:v1+s23+$0x0] =	vst.idx.add.f32.msk $0xffff, v2  }
0x178: {  	v1 =	vld [tilespmem:s16+$0xD080]  }
0x179: {  	v2 =	vld [tilespmem:s16+$0x9C80];
	_ =	sdelay $0x6  }
0x17a: {  	v1 =	vld.idx.msk [tilespmem:v1+s2+$0x0], $0xffff  }
0x17b: {  	v2 =	vld.idx.msk [tilespmem:v2+s20+$0x0], $0xffff;
	_ =	sdelay $0x4  }
0x17c: {  	v1 =	vadd.f32 v2, v1;
	_ =	sdelay $0x1  }
0x17d: {  	v2 =	vmul.f32 $2.000000030e-01, v1;
	_ =	sdelay $0x1  }
0x17e: {  	v1 =	vmax.f32 v1, v2  }
0x17f: {  	v1 =	vmul.f32 $1.442695020e+00, v1;
	_ =	sdelay $0x1  }
0x180: {  	(erf) = vpow2.f32 v1;
	_ =	sdelay $0x2  }
0x181: {  	v1 =	vld [tilespmem:$0x160A0];
	_ =	sdelay $0x5  }
0x182: {  	v2 =	vpop (erf)  }
0x183: {  	[tilespmem:$0x13880] =	vst v2  }
0x184: {  	[tilespmem:v1+s23+$0x0] =	vst.idx.add.f32.msk $0xffff, v2  }
0x185: {  	v1 =	vld [tilespmem:s16+$0xD090]  }
0x186: {  	v2 =	vld [tilespmem:s16+$0x9C90];
	_ =	sdelay $0x6  }
0x187: {  	v1 =	vld.idx.msk [tilespmem:v1+s2+$0x0], $0xffff  }
0x188: {  	v2 =	vld.idx.msk [tilespmem:v2+s20+$0x0], $0xffff;
	_ =	sdelay $0x4  }
0x189: {  	v1 =	vadd.f32 v2, v1;
	_ =	sdelay $0x1  }
0x18a: {  	v2 =	vmul.f32 $2.000000030e-01, v1;
	_ =	sdelay $0x1  }
0x18b: {  	v1 =	vmax.f32 v1, v2  }
0x18c: {  	v1 =	vmul.f32 $1.442695020e+00, v1;
	_ =	sdelay $0x1  }
0x18d: {  	(erf) = vpow2.f32 v1;
	_ =	sdelay $0x2  }
0x18e: {  	v1 =	vld [tilespmem:$0x160B0];
	_ =	sdelay $0x5  }
0x18f: {  	v2 =	vpop (erf)  }
0x190: {  	[tilespmem:$0x13890] =	vst v2  }
0x191: {  	[tilespmem:v1+s23+$0x0] =	vst.idx.add.f32.msk $0xffff, v2  }
0x192: {  	v1 =	vld [tilespmem:s16+$0xD0A0]  }
0x193: {  	v2 =	vld [tilespmem:s16+$0x9CA0];
	_ =	sdelay $0x6  }
0x194: {  	v1 =	vld.idx.msk [tilespmem:v1+s2+$0x0], $0xffff  }
0x195: {  	v2 =	vld.idx.msk [tilespmem:v2+s20+$0x0], $0xffff;
	_ =	sdelay $0x4  }
0x196: {  	v1 =	vadd.f32 v2, v1;
	_ =	sdelay $0x1  }
0x197: {  	v2 =	vmul.f32 $2.000000030e-01, v1;
	_ =	sdelay $0x1  }
0x198: {  	v1 =	vmax.f32 v1, v2  }
0x199: {  	v1 =	vmul.f32 $1.442695020e+00, v1;
	_ =	sdelay $0x1  }
0x19a: {  	(erf) = vpow2.f32 v1;
	_ =	sdelay $0x2  }
0x19b: {  	v1 =	vld [tilespmem:$0x160C0];
	_ =	sdelay $0x5  }
0x19c: {  	v2 =	vpop (erf)  }
0x19d: {  	[tilespmem:$0x138A0] =	vst v2  }
0x19e: {  	[tilespmem:v1+s23+$0x0] =	vst.idx.add.f32.msk $0xffff, v2  }
0x19f: {  	v1 =	vld [tilespmem:s16+$0xD0B0]  }
0x1a0: {  	v2 =	vld [tilespmem:s16+$0x9CB0];
	_ =	sdelay $0x6  }
0x1a1: {  	v1 =	vld.idx.msk [tilespmem:v1+s2+$0x0], $0xffff  }
0x1a2: {  	v2 =	vld.idx.msk [tilespmem:v2+s20+$0x0], $0xffff;
	_ =	sdelay $0x4  }
0x1a3: {  	v1 =	vadd.f32 v2, v1;
	_ =	sdelay $0x1  }
0x1a4: {  	v2 =	vmul.f32 $2.000000030e-01, v1;
	_ =	sdelay $0x1  }
0x1a5: {  	v1 =	vmax.f32 v1, v2  }
0x1a6: {  	v1 =	vmul.f32 $1.442695020e+00, v1;
	_ =	sdelay $0x1  }
0x1a7: {  	(erf) = vpow2.f32 v1;
	_ =	sdelay $0x2  }
0x1a8: {  	v1 =	vld [tilespmem:$0x160D0];
	_ =	sdelay $0x5  }
0x1a9: {  	v2 =	vpop (erf)  }
0x1aa: {  	[tilespmem:$0x138B0] =	vst v2  }
0x1ab: {  	[tilespmem:v1+s23+$0x0] =	vst.idx.add.f32.msk $0xffff, v2  }
0x1ac: {  	v1 =	vld [tilespmem:s16+$0xD0C0]  }
0x1ad: {  	v2 =	vld [tilespmem:s16+$0x9CC0];
	_ =	sdelay $0x6  }
0x1ae: {  	v1 =	vld.idx.msk [tilespmem:v1+s2+$0x0], $0xffff  }
0x1af: {  	v2 =	vld.idx.msk [tilespmem:v2+s20+$0x0], $0xffff;
	_ =	sdelay $0x4  }
0x1b0: {  	v1 =	vadd.f32 v2, v1;
	_ =	sdelay $0x1  }
0x1b1: {  	v2 =	vmul.f32 $2.000000030e-01, v1;
	_ =	sdelay $0x1  }
0x1b2: {  	v1 =	vmax.f32 v1, v2  }
0x1b3: {  	v1 =	vmul.f32 $1.442695020e+00, v1;
	_ =	sdelay $0x1  }
0x1b4: {  	(erf) = vpow2.f32 v1;
	_ =	sdelay $0x2  }
0x1b5: {  	v1 =	vld [tilespmem:$0x160E0];
	_ =	sdelay $0x5  }
0x1b6: {  	v2 =	vpop (erf)  }
0x1b7: {  	[tilespmem:$0x138C0] =	vst v2  }
0x1b8: {  	s17 =	simm.s32 $0x13854;
	[tilespmem:v1+s23+$0x0] =	vst.idx.add.f32.msk $0xffff, v2  }
0x1b9: {  	s18 =	simm.s32 $0x17170;
	v2 =	vld.msk [tilespmem:s17+$0x3 ss:$0x0], $0xffff  }
0x1ba: {  	v1 =	vld [tilespmem:s18+$0x60]  }
0x1bb: {  	v11 =	vld.msk [tilespmem:s17+$0xFFFFFFFC ss:$0x0], $0xffff  }
0x1bc: {  	v5 =	vld.msk [tilespmem:s17+$0xFFFFFFFD ss:$0x0], $0xffff  }
0x1bd: {  	v7 =	vld.msk [tilespmem:s17+$0xFFFFFFFE ss:$0x0], $0xffff  }
0x1be: {  	v8 =	vld.msk [tilespmem:s17+$0xFFFFFFFF ss:$0x0], $0xffff  }
0x1bf: {  	v9 =	vld.msk [tilespmem:s17+$0x0 ss:$0x0], $0xffff  }
0x1c0: {  	v10 =	vld.msk [tilespmem:s17+$0x1 ss:$0x0], $0xffff  }
0x1c1: {  	v12 =	vld.msk [tilespmem:s17+$0x2 ss:$0x0], $0xffff  }
0x1c2: {  	v3 =	vld [tilespmem:s18+$0xFFFFFFA0]  }
0x1c3: {  	v4 =	vld [tilespmem:s18+$0xFFFFFFC0]  }
0x1c4: {  	v6 =	vld [tilespmem:s18+$0xFFFFFFE0]  }
0x1c5: {  	v13 =	vld [tilespmem:s18+$0x0]  }
0x1c6: {  	v14 =	vld [tilespmem:s18+$0x20]  }
0x1c7: {  	s19 =	simm.s32 $0x1385C;
	v16 =	vld [tilespmem:s18+$0xFFFFFF80]  }
0x1c8: {  	v21 =	vld.msk [tilespmem:s19+$0x3 ss:$0x0], $0xffff;
	v1 =	vmul.f32 v2, v1  }
0x1c9: {  	s13 =	simm.s32 $0x19170;
	v22 =	vld.msk [tilespmem:s19+$0xFFFFFFFD ss:$0x0], $0xffff;
	v4 =	vmul.f32 v7, v4  }
0x1ca: {  	[tilespmem:s13+$0x60] =	vst v1;
	v1 =	vmul.f32 v5, v3;
	v3 =	vld [tilespmem:s18+$0x40]  }
0x1cb: {  	[tilespmem:s13+$0xFFFFFFC0] =	vst v4;
	v4 =	vmul.f32 v9, v13;
	v15 =	vld [tilespmem:s18+$0x70]  }
0x1cc: {  	s16 =	simm.s32 $0x17270;
	v13 =	vld [tilespmem:s18+$0xFFFFFFD0]  }
0x1cd: {  	[tilespmem:s13+$0x0] =	vst v4;
	v4 =	vld [tilespmem:s16+$0x60]  }
0x1ce: {  	[tilespmem:s13+$0xFFFFFFA0] =	vst v1;
	v1 =	vmul.f32 v8, v6;
	v6 =	vld.msk [tilespmem:s19+$0xFFFFFFFE ss:$0x0], $0xffff  }
0x1cf: {  	v17 =	vld [tilespmem:s18+$0xFFFFFFB0]  }
0x1d0: {  	v18 =	vld [tilespmem:s18+$0x10];
	[tilespmem:s13+$0xFFFFFFE0] =	vst v1;
	v1 =	vmul.f32 v10, v14  }
0x1d1: {  	v14 =	vld [tilespmem:s18+$0xFFFFFFF0]  }
0x1d2: {  	[tilespmem:s13+$0x20] =	vst v1;
	v1 =	vld.msk [tilespmem:s19+$0xFFFFFFFC ss:$0x0], $0xffff  }
0x1d3: {  	v3 =	vmul.f32 v12, v3;
	v15 =	vmul.f32 v15, v2;
	v2 =	vld.msk [tilespmem:s19+$0x0 ss:$0x0], $0xffff  }
0x1d4: {  	v19 =	vld [tilespmem:s18+$0x30]  }
0x1d5: {  	[tilespmem:s13+$0x40] =	vst v3;
	v3 =	vld.msk [tilespmem:s19+$0xFFFFFFFF ss:$0x0], $0xffff  }
0x1d6: {  	v23 =	vmul.f32 v21, v4;
	v4 =	vld.msk [tilespmem:s19+$0x1 ss:$0x0], $0xffff  }
0x1d7: {  	s14 =	simm.s32 $0x19270;
	v7 =	vmul.f32 v13, v7;
	v20 =	vld [tilespmem:s18+$0x50];
	[tilespmem:s13+$0x70] =	vst v15  }
0x1d8: {  	v15 =	vmul.f32 v11, v16;
	v62 =	vmul.f32 v17, v5;
	v5 =	vld.msk [tilespmem:s19+$0x2 ss:$0x0], $0xffff;
	[tilespmem:s14+$0x60] =	vst v23  }
0x1d9: {  	[tilespmem:s13+$0xFFFFFFD0] =	vst v7;
	v13 =	vld [tilespmem:s16+$0x70]  }
0x1da: {  	[tilespmem:s13+$0xFFFFFF80] =	vst v15;
	v8 =	vmul.f32 v14, v8;
	v14 =	vld [tilespmem:s16+$0xFFFFFFA0]  }
0x1db: {  	v7 =	vmul.f32 v18, v9;
	v9 =	vld [tilespmem:s16+$0xFFFFFFC0];
	[tilespmem:s13+$0xFFFFFFB0] =	vst v62  }
0x1dc: {  	[tilespmem:s13+$0xFFFFFFF0] =	vst v8;
	v8 =	vmul.f32 v19, v10;
	v10 =	vld [tilespmem:s16+$0xFFFFFFE0]  }
0x1dd: {  	[tilespmem:s13+$0x10] =	vst v7;
	v7 =	vmul.f32 v20, v12;
	v12 =	vld [tilespmem:s16+$0x0]  }
0x1de: {  	[tilespmem:s13+$0x30] =	vst v8;
	v8 =	vld [tilespmem:s16+$0x20];
	v13 =	vmul.f32 v13, v21  }
0x1df: {  	[tilespmem:s13+$0x50] =	vst v7;
	v7 =	vmul.f32 v22, v14;
	v14 =	vld [tilespmem:s16+$0x40]  }
0x1e0: {  	v15 =	vld [tilespmem:s16+$0xFFFFFF80];
	v9 =	vmul.f32 v6, v9;
	[tilespmem:s14+$0x70] =	vst v13  }
0x1e1: {  	[tilespmem:s14+$0xFFFFFFA0] =	vst v7;
	v7 =	vmul.f32 v3, v10;
	v13 =	vld [tilespmem:s18+$0xFFFFFF90]  }
0x1e2: {  	[tilespmem:s14+$0xFFFFFFC0] =	vst v9;
	v63 =	vld [tilespmem:s16+$0xFFFFFFB0];
	v9 =	vmul.f32 v2, v12  }
0x1e3: {  	v10 =	vld [tilespmem:s16+$0xFFFFFFD0];
	[tilespmem:s14+$0xFFFFFFE0] =	vst v7;
	v8 =	vmul.f32 v4, v8  }
0x1e4: {  	v7 =	vld [tilespmem:s16+$0xFFFFFFF0];
	[tilespmem:s14+$0x0] =	vst v9;
	v12 =	vmul.f32 v5, v14  }
0x1e5: {  	v14 =	vmul.f32 v1, v15;
	v9 =	vld [tilespmem:s16+$0x10];
	[tilespmem:s14+$0x20] =	vst v8  }
0x1e6: {  	v8 =	vld [tilespmem:s16+$0x30];
	[tilespmem:s14+$0x40] =	vst v12;
	v13 =	vmul.f32 v13, v11  }
0x1e7: {  	s15 =	simm.s32 $0x13864;
	s17 =	simm.s32 $0x8;
	s18 =	simm.s32 $0x17270;
	[tilespmem:s14+$0xFFFFFF80] =	vst v14;
	v12 =	vmul.f32 v63, v22;
	v11 =	vld [tilespmem:s16+$0x50]  }
.LBB2_9:
0x1e8: {  	v14 =	vld.msk [tilespmem:s15+$0x3 ss:$0x0], $0xffff;
	s17 =	sadd.s32 $0x8, s17;
	v6 =	vmul.f32 v10, v6;
	s16 =	sadd.s32 $0x100, s16;
	[tilespmem:s13+$0xFFFFFF90] =	vst v13;
	s13 =	smov.u32 s14  }
0x1e9: {  	v10 =	vld [tilespmem:s16+$0x60];
	p4 =	slt.u32 s17, $0x78;
	[tilespmem:s14+$0xFFFFFFB0] =	vst v12;
	v3 =	vmul.f32 v7, v3  }
0x1ea: {  	v12 =	vld.msk [tilespmem:s15+$0xFFFFFFFC ss:$0x0], $0xffff;
	[tilespmem:s14+$0xFFFFFFD0] =	vst v6;
	v2 =	vmul.f32 v9, v2  }
0x1eb: {  	v15 =	vld.msk [tilespmem:s15+$0xFFFFFFFD ss:$0x0], $0xffff;
	[tilespmem:s14+$0xFFFFFFF0] =	vst v3;
	v4 =	vmul.f32 v8, v4  }
0x1ec: {  	v6 =	vld.msk [tilespmem:s15+$0xFFFFFFFE ss:$0x0], $0xffff;
	[tilespmem:s14+$0x10] =	vst v2;
	v5 =	vmul.f32 v11, v5  }
0x1ed: {  	v3 =	vld.msk [tilespmem:s15+$0xFFFFFFFF ss:$0x0], $0xffff;
	[tilespmem:s14+$0x30] =	vst v4  }
0x1ee: {  	v2 =	vld.msk [tilespmem:s15+$0x0 ss:$0x0], $0xffff;
	v7 =	vmul.f32 v14, v10;
	[tilespmem:s14+$0x50] =	vst v5  }
0x1ef: {  	s14 =	sadd.s32 $0x100, s14;
	v4 =	vld.msk [tilespmem:s15+$0x1 ss:$0x0], $0xffff  }
0x1f0: {  	v5 =	vld.msk [tilespmem:s15+$0x2 ss:$0x0], $0xffff;
	[tilespmem:s14+$0x60] =	vst v7  }
0x1f1: {  	v7 =	vld [tilespmem:s16+$0x70]  }
0x1f2: {  	v8 =	vld [tilespmem:s16+$0xFFFFFFA0]  }
0x1f3: {  	v9 =	vld [tilespmem:s16+$0xFFFFFFC0]  }
0x1f4: {  	v10 =	vld [tilespmem:s16+$0xFFFFFFE0]  }
0x1f5: {  	v11 =	vld [tilespmem:s16+$0x0]  }
0x1f6: {  	v13 =	vld [tilespmem:s16+$0x20];
	v7 =	vmul.f32 v7, v14  }
0x1f7: {  	v8 =	vmul.f32 v15, v8;
	v14 =	vld [tilespmem:s16+$0x40]  }
0x1f8: {  	v16 =	vld [tilespmem:s16+$0xFFFFFF80];
	v9 =	vmul.f32 v6, v9;
	[tilespmem:s14+$0x70] =	vst v7  }
0x1f9: {  	[tilespmem:s14+$0xFFFFFFA0] =	vst v8;
	v7 =	vmul.f32 v3, v10;
	v17 =	vld [tilespmem:s18+$0xFFFFFF90];
	s18 =	smov.u32 s16  }
0x1fa: {  	v18 =	vld [tilespmem:s16+$0xFFFFFFB0];
	[tilespmem:s14+$0xFFFFFFC0] =	vst v9;
	v8 =	vmul.f32 v2, v11  }
.Ltmp3:
0x1fb: {  	v10 =	vld [tilespmem:s16+$0xFFFFFFD0];
	[tilespmem:s14+$0xFFFFFFE0] =	vst v7;
	v11 =	vmul.f32 v4, v13;
	(pc) =	sbr.rel @p4 .LBB2_9-.Ltmp3, $4  }
0x1fc: {  	v7 =	vld [tilespmem:s16+$0xFFFFFFF0];
	[tilespmem:s14+$0x0] =	vst v8;
	v13 =	vmul.f32 v5, v14  }
0x1fd: {  	v14 =	vmul.f32 v12, v16;
	v9 =	vld [tilespmem:s16+$0x10];
	[tilespmem:s14+$0x20] =	vst v11  }
0x1fe: {  	v8 =	vld [tilespmem:s16+$0x30];
	[tilespmem:s14+$0x40] =	vst v13;
	v13 =	vmul.f32 v17, v1;
	v1 =	vmov v12  }
0x1ff: {  	s15 =	sadd.s32 $0x8, s15;
	[tilespmem:s14+$0xFFFFFF80] =	vst v14;
	v12 =	vmul.f32 v18, v15;
	v11 =	vld [tilespmem:s16+$0x50]  }
0x200: {  	v6 =	vmul.f32 v10, v6;
	[tilespmem:s13+$0xFFFFFF90] =	vst v13;
	v63 =	vld [tilespmem:s18+$0xFFFFFF90]  }
0x201: {  	[tilespmem:s14+$0xFFFFFFB0] =	vst v12;
	v3 =	vmul.f32 v7, v3  }
0x202: {  	[tilespmem:s14+$0xFFFFFFD0] =	vst v6;
	v2 =	vmul.f32 v9, v2  }
0x203: {  	[tilespmem:s14+$0xFFFFFFF0] =	vst v3;
	v3 =	vmul.f32 v8, v4  }
0x204: {  	[tilespmem:s14+$0x10] =	vst v2;
	v2 =	vmul.f32 v11, v5  }
0x205: {  	[tilespmem:s14+$0x30] =	vst v3;
	v1 =	vmul.f32 v63, v1  }
0x206: {  	[tilespmem:s14+$0x50] =	vst v2  }
0x207: {  	s13 =	sadd.s32 @!p3 $0x9DD0, s12;
	s15 =	simm.s32 @!p3 $0x170F0;
	[tilespmem:s14+$0xFFFFFF90] =	vst v1;
	s14 =	simm.s32 @!p3 $0x40  }
0x208: {  	[tilespmem:s15], [sflag:$0x2] =	stream.indirect.gather @!p3 [hbm4b:s3+s14], $0x20, s13, s14, $0xb8;
	[tilespmem:$0x1EF10] =	vst v63  }
0x209: {  	s12 =	sadd.s32 @!p3 $0x9E10, s12;
	s21 =	sadd.s32 $0x1, s21;
	s13 =	simm.s32 @!p3 $0x178F0  }
0x20a: {  	[tilespmem:s13], [sflag:$0x4] =	stream.indirect.gather @!p3 [hbm4b:s3+s14], $0x20, s12, s14, $0xb8;
	[tilespmem:$0x1EF10] =	vst v63  }
0x20b: {  	p3 =	sne.s32 s21, s6  }
.Ltmp4:
0x20c: {  	_ = 	snop;
	(pc) =	sbr.rel @p3 .LBB2_6-.Ltmp4, $2  }
0x20d: {  	_ =	sdelay $0x2  }
0x20e: {  	[spmem:s1] =	stream.indirect.scatter.add.f32 [tilespmem:s7], [sflag:$0x6], $0x20, s5, s22, $0xb8;
	[tilespmem:$0x1EF10] =	vst v63  }
0x20f: {  	_ =	swait.ge [sflag:s29], $0x1000  }
0x210: {  	[sflag:s29] =	ssyncset.done $0x0  }
0x211: {  	[sflag:s29] =	ssyncadd.s32 $0xFFFFF000  }
0x212: {  	_ =	swait.ge [sflag:s8], $0x1000  }
0x213: {  	[sflag:s8] =	ssyncset.done $0x0  }
0x214: {  	s12 =	rddreg [dreg:$0x9];
	[sflag:s8] =	ssyncadd.s32 $0xFFFFF000  }
0x215: {  	[hbm4b:s12+s2] =	stream.linear.scatter [tilespmem:s23], [sflag:$0x7], $0x2710, $0x38;
	[tilespmem:$0x1EF10] =	vst v63  }
0x216: {  	_ =	swait.ge [sflag:s9], $0x2710  }
0x217: {  	[sflag:s9] =	ssyncset.done $0x0  }
0x218: {  	[sflag:s9] =	ssyncadd.s32 $0xFFFFD8F0  }
0x219: {  	[bflag:$0x0] =	sbarrier.arrive $0xFFFF  }
0x21a: {  	s13 =	simm.s32 @!p0 $0x1C07;
	s12 =	sshrl.u32 @!p0 s1, $0x3;
	s14 =	rddreg [dreg:$0xa]  }
0x21b: {  	[hbm:s14], [sflag:s13] =	dma.local @!p0 [spmem:s12], $0x9C40  }
0x21c: {  	s12 =	simm.s32 @!p0 $0x7  }
0x21d: {  	_ =	swait.ge @!p0 [sflag:s12], $0x9C40  }
0x21e: {  	s10 =	sadd.s32 $0x1, s10;
	s21 =	rddreg [dreg:$0xb]  }
0x21f: {  	p3 =	sne.s32 s10, s21  }
.Ltmp5:
0x220: {  	_ = 	snop;
	(pc) =	sbr.rel @p3 .LBB2_1-.Ltmp5, $3  }
0x221: {  	_ =	sdelay $0x1  }
0x222: {  	[sflag:s12] =	ssyncset.done @!p0 $0x0  }
0x223: {  	s15 =	simm.s32 $0x9C50;
	[sflag:s12] =	ssyncadd.s32 @!p0 $0xFFFF63C0  }
0x224: {  	_ =	sfence.sel $0x180000  }
0x225: {  	[bflag:$0x0] =	sbarrier.arrive $0xFFFF  }
0x226: {  	_ =	strace $0x9000004A  }
0x227: {  	[bflag:$0x2] =	sbarrier.arrive $0xFFFF  }
0x228: {  	s0 =	rddreg [dreg:$0x2]  }
0x229: {  	s0 =	sadd.s32 @!p0 $0x100000, s0  }
0x22a: {  	[sflag:s0] =	ssyncadd.tile.s32 @!p0 $0x1;
	_ =	shalt  }
.Lfunc_end2:
_tile_overlayer_lowered:
.L_overlay_start_2:
0x22b: {  	(tag) =	ssettag $0x2  }
0x22c: {  	s0 =	rddreg [dreg:$0x0];
	s2 =	stileid.u32  }
0x22d: {  	s1 =	rddreg [dreg:$0x1];
	p0 =	sne.s32 s2, $0x0  }
0x22e: {  	s3 =	rddreg [dreg:$0x2];
	[bflag:$0x3] =	sbarrier.arrive $0xFFFF;
	s2 =	simm.s32 @!p0 $0x1C07  }
0x22f: {  	[timem:s3], [sflag:s2] =	dma.local @!p0 [hbm:s0], s1  }
0x230: {  	s0 =	simm.s32 @!p0 $0x7  }
0x231: {  	_ =	swait.ge @!p0 [sflag:s0], s1  }
0x232: {  	s1 =	ssub.s32 @!p0 $0x0, s1;
	[sflag:s0] =	ssyncset.done @!p0 $0x0  }
0x233: {  	[sflag:s0] =	ssyncadd.s32 @!p0 s1  }
0x234: {  	[bflag:$0x3] =	sbarrier.arrive $0xFFFF  }
0x235: {  	_ =	shalt  }

// kernel: kernel.16.cloned.1.call-start
scs
__scs_entry_jumppad:
0x0: {  	(pc) =	sbr.rel $0x88, $3  }
0x1: {  	(tag) =	ssettag $0x0;
	lr =	simm.s32 $0x1  }
0x2: {  	[smem:$0x3F88] =	sst lr;
	_ =	strace $0xD0000000  }
0x3: {  	_ = 	snop  }
0x4: {  	_ = 	snop  }
0x5: {  	_ = 	snop  }
0x6: {  	_ = 	snop  }
0x7: {  	_ = 	snop  }
__scs_overlays_trampoline_lowered:
0x8: {  	[smem:$0x3F97] =	sst s0  }
0x9: {  	[smem:$0x3F98] =	sst s1  }
0xa: {  	[smem:$0x3F99] =	sst s2  }
0xb: {  	[smem:$0x3F9A] =	sst s3  }
0xc: {  	[smem:$0x3F9B] =	sst s4  }
0xd: {  	[smem:$0x3F9C] =	sst s5  }
0xe: {  	[smem:$0x3F9D] =	sst s6  }
0xf: {  	[smem:$0x3F9E] =	sst s7  }
0x10: {  	[smem:$0x3F9F] =	sst s8  }
0x11: {  	[smem:$0x3FA0] =	sst s9;
	s0 =	simm.s32 @!p0 $0x0  }
0x12: {  	s1 =	sld [smem:$0x3F86];
	s0 =	simm.s32 @p0 $0x1  }
0x13: {  	[smem:$0x3FA1] =	sst s0;
	s0 =	simm.s32 @!p1 $0x0  }
0x14: {  	s2 =	sld [smem:$0x3F85];
	s0 =	simm.s32 @p1 $0x1  }
0x15: {  	[smem:$0x3FA2] =	sst s0;
	s0 =	simm.s32 @!p2 $0x0  }
0x16: {  	s3 =	sld [smem:$0x3FDB];
	s0 =	simm.s32 @p2 $0x1  }
0x17: {  	s4 =	simm.s32 $0x1BF5;
	[smem:$0x3FA4] =	sst s0  }
0x18: {  	s0 =	sld [smem:$0x3F87];
	_ =	swait.ge [sflag:s4], $0x0  }
0x19: {  	s7 =	sld [smem:$0x3F88]  }
0x1a: {  	s8 =	sadd.s32 $0xFFFFE003, lr  }
0x1b: {  	s9 =	sadd.s32 $0xFFFFFEF7, lr;
	s5 =	simm.s32 $0xFFFFFFFF;
	p2 =	slt.u32 s8, $0xFFFFF086  }
0x1c: {  	p1 =	slt.u32 s9, $0xF7A;
	s5 =	simm.s32 @!p2 $0x0  }
0x1d: {  	s5 =	simm.s32 @p1 $0x1;
	p0 =	seq.s32 s7, s2  }
0x1e: {  	s7 =	smul.u32 @!p0 $0xF7A, s2;
	p2 =	seq.s32 @!p0 s5, $0x0  }
0x1f: {  	s9 =	smul.u32 $0xF7A, s1;
	s8 =	simm.s32 @!p0 $0x1BF5;
	p2 =	por !p2, p0  }
0x20: {  	[sflag:s8] =	ssyncset.s32 @!p0 $0xFFFFF086;
	s6 =	sadd.s32 @!p0 s3, s7;
	s7 =	simm.s32 @!p0 $0x108  }
0x21: {  	s3 =	sadd.s32 s3, s9;
	s6 =	sadd.s32 @!p0 $0x88, s6;
	s7 =	simm.s32 @p2 $0x1082  }
0x22: {  	[simem:s7], [sflag:s8] =	dma.local @!p0 [hbm:s6], $0xF7A  }
0x23: {  	s9 =	sor.u32 $0xD0000000, s2;
	s6 =	simm.s32 $0x108;
	_ =	swait.ge @!p0 [sflag:s8], $0x0  }
0x24: {  	s3 =	sadd.s32 $0x88, s3;
	s6 =	simm.s32 @!p1 $0x1082;
	[sflag:s4] =	ssyncset.s32 $0xFFFFF086  }
0x25: {  	[simem:s6], [sflag:s4] =	dma.local [hbm:s3], $0xF7A  }
0x26: {  	[smem:$0x3F88] =	sst s1;
	(tag) =	ssettag s2;
	_ =	strace s9  }
0x27: {  	s1 =	sld [smem:$0x3F98]  }
0x28: {  	s2 =	sld [smem:$0x3F99]  }
0x29: {  	s4 =	sld [smem:$0x3F9B]  }
0x2a: {  	p0 =	seq.s32 s5, $0x0;
	s5 =	sld [smem:$0x3F9C]  }
0x2b: {  	s6 =	sld [smem:$0x3F9D]  }
0x2c: {  	s7 =	sld [smem:$0x3F9E]  }
0x2d: {  	s3 =	simm.s32 $0x108;
	s8 =	sld [smem:$0x3F9F]  }
0x2e: {  	s3 =	simm.s32 @!p0 $0x1082;
	s9 =	sld [smem:$0x3FA0]  }
0x2f: {  	lr =	sadd.s32 s0, s3;
	s0 =	sld [smem:$0x3F97]  }
0x30: {  	s3 =	sld [smem:$0x3F9A]  }
0x31: {  	[smem:$0x3FA3] =	sst s10  }
0x32: {  	s10 =	sld [smem:$0x3FA1];
	_ =	sdelay $0x3  }
0x33: {  	p0 =	seq.s32 s10, $0x1;
	s10 =	sld [smem:$0x3FA3];
	_ =	sdelay $0x3  }
0x34: {  	[smem:$0x3FA3] =	sst s10  }
0x35: {  	s10 =	sld [smem:$0x3FA2];
	_ =	sdelay $0x3  }
0x36: {  	p1 =	seq.s32 s10, $0x1;
	s10 =	sld [smem:$0x3FA3];
	_ =	sdelay $0x3  }
0x37: {  	[smem:$0x3FA3] =	sst s10  }
0x38: {  	s10 =	sld [smem:$0x3FA4]  }
0x39: {  	_ = 	snop;
	(pc) =	sbr.ind lr, $3  }
0x3a: {  	_ = 	snop  }
0x3b: {  	_ = 	snop  }
0x3c: {  	p2 =	seq.s32 s10, $0x1;
	s10 =	sld [smem:$0x3FA3]  }
0x3d: {  	_ =	shalt  }
0x3e: {  	_ =	shalt  }
0x3f: {  	_ =	shalt  }
0x40: {  	_ =	shalt  }
0x41: {  	_ =	shalt  }
0x42: {  	_ =	shalt  }
0x43: {  	_ =	shalt  }
0x44: {  	_ =	shalt  }
0x45: {  	_ =	shalt  }
0x46: {  	_ =	shalt  }
0x47: {  	_ =	shalt  }
0x48: {  	_ =	shalt  }
0x49: {  	_ =	shalt  }
0x4a: {  	_ =	shalt  }
0x4b: {  	_ =	shalt  }
0x4c: {  	_ =	shalt  }
0x4d: {  	_ =	shalt  }
0x4e: {  	_ =	shalt  }
0x4f: {  	_ =	shalt  }
0x50: {  	_ =	shalt  }
0x51: {  	_ =	shalt  }
0x52: {  	_ =	shalt  }
0x53: {  	_ =	shalt  }
0x54: {  	_ =	shalt  }
0x55: {  	_ =	shalt  }
0x56: {  	_ =	shalt  }
0x57: {  	_ =	shalt  }
0x58: {  	_ =	shalt  }
0x59: {  	_ =	shalt  }
0x5a: {  	_ =	shalt  }
0x5b: {  	_ =	shalt  }
0x5c: {  	_ =	shalt  }
0x5d: {  	_ =	shalt  }
0x5e: {  	_ =	shalt  }
0x5f: {  	_ =	shalt  }
0x60: {  	_ =	shalt  }
0x61: {  	_ =	shalt  }
0x62: {  	_ =	shalt  }
0x63: {  	_ =	shalt  }
0x64: {  	_ =	shalt  }
0x65: {  	_ =	shalt  }
0x66: {  	_ =	shalt  }
0x67: {  	_ =	shalt  }
0x68: {  	_ =	shalt  }
0x69: {  	_ =	shalt  }
0x6a: {  	_ =	shalt  }
0x6b: {  	_ =	shalt  }
0x6c: {  	_ =	shalt  }
0x6d: {  	_ =	shalt  }
0x6e: {  	_ =	shalt  }
0x6f: {  	_ =	shalt  }
0x70: {  	_ =	shalt  }
0x71: {  	_ =	shalt  }
0x72: {  	_ =	shalt  }
0x73: {  	_ =	shalt  }
0x74: {  	_ =	shalt  }
0x75: {  	_ =	shalt  }
0x76: {  	_ =	shalt  }
0x77: {  	_ =	shalt  }
0x78: {  	_ =	shalt  }
0x79: {  	_ =	shalt  }
0x7a: {  	_ =	shalt  }
0x7b: {  	_ =	shalt  }
0x7c: {  	_ =	shalt  }
0x7d: {  	_ =	shalt  }
0x7e: {  	_ =	shalt  }
0x7f: {  	_ =	shalt  }
0x80: {  	_ =	shalt  }
0x81: {  	_ =	shalt  }
0x82: {  	_ =	shalt  }
0x83: {  	_ =	shalt  }
0x84: {  	_ =	shalt  }
0x85: {  	_ =	shalt  }
0x86: {  	_ =	shalt  }
0x87: {  	_ =	shalt  }
.Lfunc_end0:
.L_simem_size_0:
called_computation.2_lowered:
.L_overlay_start_0:
0x88: {  	s2 =	sld [smem:$0x3FD9]  }
0x89: {  	s3 =	sld [smem:$0x3FFE];
	_ =	sdelay $0x1  }
0x8a: {  	s1 =	srdreg.scid  }
0x8b: {  	s0 =	sand.u32 $0x1, s1  }
0x8c: {  	s16 =	sshll.u32 s0, $0xA;
	s2 =	sadd.s32 s3, s2  }
0x8d: {  	s2 =	sadd.s32 s2, s16  }
0x8e: {  	[smem:$0x3FAF] =	sst s2  }
0x8f: {  	_ = 	snop  }
0x90: {  	(tm) =	ssettm $0x1  }
0x91: {  	s17 =	sld [smem:$0x3FFB];
	_ =	sdelay $0x3  }
0x92: {  	_ =	strace s17  }
0x93: {  	s2 =	sld [smem:$0x3FFC];
	_ =	sdelay $0x3  }
0x94: {  	_ =	strace s2  }
0x95: {  	s2 =	sld [smem:$0x3FFD];
	_ =	sdelay $0x3  }
0x96: {  	_ =	strace s2  }
0x97: {  	_ =	strace $0x8FFFFFFF  }
0x98: {  	s18 =	sld [smem:$0x3FDB];
	_ =	sdelay $0x1  }
0x99: {  	s19 =	simm.s32 $_scs_section_size  }
0x9a: {  	s4 =	simm.s32 $_size__tile_overlayer_lowered;
	s5 =	simm.s32 $_tile_overlayer_lowered  }
0x9b: {  	s22 =	simm.s32 $0x1BFF;
	s21 =	sshll.u32 s5, $0x1;
	s2 =	sadd.s32 s19, s18  }
0x9c: {  	s6 =	simm.s32 $0x0;
	s20 =	sshll.u32 s4, $0x1;
	s4 =	sadd.s32 s21, s2  }
0x9d: {  	[timem:s6], [sflag:s22] =	dma.local [hbm:s4], s20  }
0x9e: {  	_ =	swait.ge [sflag:s22], s20  }
0x9f: {  	s3 =	ssub.s32 $0x0, s20;
	[sflag:s22] =	ssyncset.done $0x0  }
0xa0: {  	[sflag:s22] =	ssyncadd.s32 s3;
	_ =	sdelay $0x1  }
0xa1: {  	s23 =	simm.s32 $0x1B8B  }
0xa2: {  	_ =	swait.ge [sflag:s23], $0x1  }
0xa3: {  	[sflag:s23] =	ssyncset.done $0x0  }
0xa4: {  	s25 =	simm.s32 $0x1B8E;
	s24 =	sld [smem:$0x3FFE];
	[sflag:s23] =	ssyncadd.s32 $0xFFFFFFFF  }
0xa5: {  	s26 =	simm.s32 $execute0_lowered;
	[smem:$0x3FD2] =	sst s25  }
0xa6: {  	s4 =	sshll.u32 s26, $0x1;
	_ =	strace $0x8000004C;
	[dreg:$0x1] =	wrdreg $0xFFFFFFFF  }
0xa7: {  	s28 =	simm.s32 $_size_execute0_lowered;
	s2 =	sadd.s32 s2, s4;
	[dreg:$0x0] =	wrdreg $0x0  }
0xa8: {  	s4 =	sshll.u32 s28, $0x1;
	[dreg:$0x2] =	wrdreg s2  }
0xa9: {  	[dreg:$0x3] =	wrdreg s4  }
0xaa: {  	[dreg:$0x4] =	wrdreg $0xC0  }
0xab: {  	_ =	task [dreg:s6], $0x5FFFF  }
0xac: {  	[dreg:$0x1] =	wrdreg $0xFFFFFFFF  }
0xad: {  	[dreg:$0x0] =	wrdreg $0x60  }
0xae: {  	[dreg:$0x2] =	wrdreg s24  }
0xaf: {  	[dreg:$0x3] =	wrdreg $0x1A0F00  }
0xb0: {  	[dreg:$0x4] =	wrdreg $0x9  }
0xb1: {  	_ =	task.clear_ibuf [dreg:s6], $0x5FFFF;
	_ =	strace $0x9000004C  }
0xb2: {  	s29 =	simm.s32 $0x9;
	_ =	strace $0x8000004E  }
0xb3: {  	_ =	swait.ge [sflag:s29], $0x1  }
0xb4: {  	[sflag:s29] =	ssyncadd.s32 $0xFFFFFFFF  }
0xb5: {  	_ =	strace $0x9000004E  }
0xb6: {  	_ =	sfence  }
0xb7: {  	s30 =	sld [smem:$0x0];
	_ =	sdelay $0x2  }
0xb8: {  	s31 =	sshll.u32 s1, $0xD;
	s1 =	sshrl.u32 s1, $0x2  }
0xb9: {  	s3 =	sand.u32 $0x4000, s31;
	s1 =	sadd.s32 s1, s30  }
0xba: {  	s0 =	sor.u32 s3, s0;
	s1 =	sshll.u32 s1, $0x11  }
0xbb: {  	s0 =	sor.u32 s1, s0  }
0xbc: {  	s0 =	sadd.s32 $0x8F2B, s0  }
0xbd: {  	[sflag:s0] =	ssyncadd.remote.s32 $0x1  }
0xbe: {  	_ =	sfence.sel $0xFFFF  }
0xbf: {  	[dreg:$0x0] =	wrdreg $0xFFFFFFFF;
	(pc) =	sbr.abs _section_cstart, $3  }
0xc0: {  	[dreg:$0x1] =	wrdreg $0xFFFFFFFF  }
0xc1: {  	_ =	task.clear_ibuf [dreg:s6], $0x2FFFF;
	_ =	strace $0x9FFFFFFF  }
0xc2: {  	(tm) =	ssettm $0x7FFFFFFF  }
0xc3: {  	_ =	shalt  }
tec
execute0_lowered:
.L_overlay_start_1:
0x0: {  	(tag) =	ssettag $0x1  }
0x1: {  	s0 =	rddreg [dreg:$0x0]  }
0x2: {  	s1 =	rddreg [dreg:$0x1];
	s2 =	simm.s32 $0x0  }
0x3: {  	s4 =	stileid.u32;
	s13 =	srdreg.scid;
	s28 =	simm.s32 $0x4  }
0x4: {  	s29 =	simm.s32 $0x5;
	s30 =	simm.s32 $0x180F0;
	s31 =	simm.s32 $0x8  }
0x5: {  	s10 =	simm.s32 $0x0;
	[smem:$0x7FF] =	sst s2;
	s3 =	sadd.s32 $0x5A00, s0  }
0x6: {  	s5 =	sadd.s32 $0x19E00, s0;
	s6 =	smul.u32 $0x38, s4;
	s7 =	sadd.s32 $0x19400, s0  }
0x7: {  	s19 =	sadd.s32 $0x4E000, s1;
	_ =	strace $0x8000004D;
	[dreg:$0x3] =	wrdreg s5  }
0x8: {  	s21 =	sshll.u32 s4, $0xC;
	s23 =	sor.u32 $0x40, s4;
	[dreg:$0x4] =	wrdreg s7  }
0x9: {  	s5 =	sand.u32 $0x1, s13;
	s7 =	smul.u32 $0x68, s4;
	[dreg:$0x8] =	wrdreg s19  }
0xa: {  	s22 =	sadd.s32 s21, s1;
	s26 =	sshll.u32 s23, $0xC;
	p1 =	slt.u32 s23, $0x4E  }
0xb: {  	s23 =	simm.s32 $0x138E0;
	p0 =	seq.s32 s5, $0x0;
	s6 =	sadd.s32 $0x680, s6  }
0xc: {  	s8 =	sshll.u32 s5, $0x4;
	s14 =	smul.u32 $0x9C40, s5;
	s5 =	ssub.s32 $0x2, s5  }
0xd: {  	s24 =	sadd.s32 $0x10000, s22;
	s25 =	sadd.s32 $0x20000, s22;
	[dreg:$0xc] =	wrdreg s22  }
0xe: {  	p2 =	sne.s32 @!p1 s4, $0xE;
	s6 =	smov.u32 @p0 s7;
	[dreg:$0xd] =	wrdreg s24  }
0xf: {  	s8 =	sor.u32 s4, s8;
	s15 =	sshrl.u32 s5, $0x1;
	[dreg:$0xe] =	wrdreg s25  }
0x10: {  	s24 =	simm.s32 $0x1;
	s25 =	simm.s32 $0x2;
	p2 =	por p2, p1  }
0x11: {  	s6 =	sshll.u32 s6, $0x4;
	s8 =	smul.u32 $0x4E2, s8;
	s7 =	sadd.s32 s14, s0  }
0x12: {  	s5 =	ssub.s32 s5, s15;
	s15 =	simm.s32 $0x9C50;
	s9 =	sadd.s32 s6, s0  }
0x13: {  	s6 =	simm.s32 $0x34;
	s20 =	sadd.s32 $0x38800, s7;
	s5 =	smax.u32 s5, $0x1  }
0x14: {  	s7 =	sadd.s32 $0x30000, s22;
	s22 =	simm.s32 $0x80;
	s0 =	sadd.s32 s8, s0  }
0x15: {  	s16 =	sadd.s32 $0x1A800, s9;
	s17 =	sadd.s32 $0x24800, s9;
	[dreg:$0xa] =	wrdreg s20  }
0x16: {  	s6 =	simm.s32 @!p0 $0x1C;
	s18 =	sadd.s32 $0x2E800, s9;
	[dreg:$0xb] =	wrdreg s5  }
0x17: {  	[dreg:$0xf] =	wrdreg s7;
	s5 =	sadd.s32 s26, s1;
	s20 =	simm.s32 $0x4E28  }
0x18: {  	p0 =	sne.s32 s4, $0x0;
	s26 =	simm.s32 $0x3;
	[dreg:$0x5] =	wrdreg s16  }
0x19: {  	s4 =	simm.s32 $0x15FF0;
	s7 =	simm.s32 $0x190F0;
	[dreg:$0x6] =	wrdreg s17  }
0x1a: {  	s8 =	simm.s32 $0x6;
	s9 =	simm.s32 $0x7;
	[dreg:$0x7] =	wrdreg s18  }
0x1b: {  	s11 =	sadd.s32 $0xFFFFFFFF, s6;
	s0 =	sadd.s32 $0x4C200, s0;
	[dreg:$0x10] =	wrdreg s5  }
0x1c: {  	v0 =	vimm.f32 $0.0e+00;
	s5 =	simm.s32 $0x16070;
	[dreg:$0x9] =	wrdreg s0;
	s0 =	simm.s32 $0x40  }
.LBB2_1:
0x1d: {  	s12 =	rddreg [dreg:$0x3]  }
0x1e: {  	[tilespmem:s2], [sflag:$0x1] =	stream.linear.gather [hbm4b:s12+s2], $0x4E28, $0x38;
	[tilespmem:$0x1EF10] =	vst v63  }
0x1f: {  	s16 =	rddreg [dreg:$0x4]  }
0x20: {  	[tilespmem:s20], [sflag:$0x2] =	stream.linear.gather [hbm4b:s16+s2], $0x4E28, $0x38;
	[tilespmem:$0x1EF10] =	vst v63  }
0x21: {  	s17 =	rddreg [dreg:$0x5]  }
0x22: {  	[tilespmem:s15], [sflag:$0x3] =	stream.linear.gather [hbm4b:s17+s2], $0x3400, $0x38;
	[tilespmem:$0x1EF10] =	vst v63  }
0x23: {  	s18 =	rddreg [dreg:$0x6];
	s13 =	simm.s32 $0xD050  }
0x24: {  	[tilespmem:s13], [sflag:$0x4] =	stream.linear.gather [hbm4b:s18+s2], $0x3400, $0x38;
	[tilespmem:$0x1EF10] =	vst v63  }
0x25: {  	s19 =	rddreg [dreg:$0x7];
	s21 =	simm.s32 $0x10450  }
0x26: {  	[tilespmem:s21], [sflag:$0x5] =	stream.linear.gather [hbm4b:s19+s2], $0x3400, $0x38;
	[tilespmem:$0x1EF10] =	vst v63  }
0x27: {  	_ =	swait.ge [sflag:s24], $0x4E28  }
0x28: {  	[sflag:s24] =	ssyncset.done $0x0  }
0x29: {  	[sflag:s24] =	ssyncadd.s32 $0xFFFFB1D8  }
0x2a: {  	_ =	swait.ge [sflag:s25], $0x4E28  }
0x2b: {  	[sflag:s25] =	ssyncset.done $0x0  }
0x2c: {  	[sflag:s25] =	ssyncadd.s32 $0xFFFFB1D8  }
0x2d: {  	_ =	swait.ge [sflag:s26], $0x3400  }
0x2e: {  	[sflag:s26] =	ssyncset.done $0x0  }
0x2f: {  	[sflag:s26] =	ssyncadd.s32 $0xFFFFCC00  }
0x30: {  	_ =	swait.ge [sflag:s28], $0x3400  }
0x31: {  	[sflag:s28] =	ssyncset.done $0x0  }
0x32: {  	[sflag:s28] =	ssyncadd.s32 $0xFFFFCC00  }
0x33: {  	_ =	swait.ge [sflag:s29], $0x3400  }
0x34: {  	[sflag:s29] =	ssyncset.done $0x0  }
0x35: {  	s12 =	simm.s32 $0x40;
	s13 =	simm.s32 $0x0;
	[sflag:s29] =	ssyncadd.s32 $0xFFFFCC00  }
.LBB2_2:
0x36: {  	p3 =	sne.s32 s12, $0x9C00;
	[tilespmem:s13+$0x138E0] =	vst v0;
	s13 =	smov.u32 s12;
	s12 =	sadd.s32 $0x40, s12  }
.Ltmp0:
0x37: {  	(pc) =	sbr.rel @p3 .LBB2_2-.Ltmp0, $2  }
0x38: {  	_ =	sdelay $0x2  }
0x39: {  	s13 =	sshra.s32 s13, $0x2  }
0x3a: {  	[tilespmem:s13+$0x138E0] =	vst v0  }
0x3b: {  	s12 =	simm.s32 $0x80;
	s13 =	simm.s32 $0x0;
	[tilespmem:$0x138D0] =	vst v0  }
.LBB2_4:
0x3c: {  	p3 =	sne.s32 s12, $0x3F80;
	[tilespmem:s13+$0x180F0] =	vst v0;
	s14 =	smov.u32 s12;
	s12 =	sadd.s32 $0x80, s12  }
.Ltmp1:
0x3d: {  	[tilespmem:s13+$0x18100] =	vst v0;
	(pc) =	sbr.rel @p3 .LBB2_4-.Ltmp1, $2  }
0x3e: {  	_ =	sdelay $0x2  }
0x3f: {  	s13 =	sshra.s32 s14, $0x2  }
0x40: {  	[tilespmem:s13+$0x180F0] =	vst v0  }
0x41: {  	[tilespmem:s13+$0x18100] =	vst v0;
	s12 =	rddreg [dreg:$0xc]  }
0x42: {  	[spmem:s12] =	stream.linear.scatter [tilespmem:s30], [sflag:$0x8], $0x1000, $0x38;
	[tilespmem:$0x1EF10] =	vst v63  }
0x43: {  	_ =	swait.ge [sflag:s31], $0x1000  }
0x44: {  	[sflag:s31] =	ssyncset.done $0x0  }
0x45: {  	s19 =	rddreg [dreg:$0xd];
	[sflag:s31] =	ssyncadd.s32 $0xFFFFF000  }
0x46: {  	[spmem:s19] =	stream.linear.scatter [tilespmem:s30], [sflag:$0x8], $0x1000, $0x38;
	[tilespmem:$0x1EF10] =	vst v63  }
0x47: {  	_ =	swait.ge [sflag:s31], $0x1000  }
0x48: {  	[sflag:s31] =	ssyncset.done $0x0  }
0x49: {  	s21 =	rddreg [dreg:$0xe];
	[sflag:s31] =	ssyncadd.s32 $0xFFFFF000  }
0x4a: {  	[spmem:s21] =	stream.linear.scatter [tilespmem:s30], [sflag:$0x8], $0x1000, $0x38;
	[tilespmem:$0x1EF10] =	vst v63  }
0x4b: {  	_ =	swait.ge [sflag:s31], $0x1000  }
0x4c: {  	[sflag:s31] =	ssyncset.done $0x0  }
0x4d: {  	s13 =	rddreg [dreg:$0xf];
	[sflag:s31] =	ssyncadd.s32 $0xFFFFF000  }
0x4e: {  	[spmem:s13] =	stream.linear.scatter [tilespmem:s30], [sflag:$0x8], $0x1000, $0x38;
	[tilespmem:$0x1EF10] =	vst v63  }
0x4f: {  	_ =	swait.ge [sflag:s31], $0x1000  }
0x50: {  	[sflag:s31] =	ssyncset.done $0x0  }
0x51: {  	s12 =	simm.s32 @p1 $0x180F0;
	s13 =	rddreg [dreg:$0x10];
	[sflag:s31] =	ssyncadd.s32 $0xFFFFF000  }
0x52: {  	[spmem:s13] =	stream.linear.scatter @p1 [tilespmem:s12], [sflag:$0x8], $0x1000, $0x38;
	[tilespmem:$0x1EF10] =	vst v63  }
0x53: {  	s12 =	simm.s32 @p1 $0x8  }
0x54: {  	_ =	swait.ge @p1 [sflag:s12], $0x1000  }
0x55: {  	[sflag:s12] =	ssyncset.done @p1 $0x0  }
0x56: {  	s13 =	rddreg [dreg:$0x8];
	[sflag:s12] =	ssyncadd.s32 @p1 $0xFFFFF000;
	s12 =	simm.s32 @!p2 $0x180F0  }
0x57: {  	[spmem:s13] =	stream.linear.scatter @!p2 [tilespmem:s12], [sflag:$0x7], $0x200, $0x38;
	[tilespmem:$0x1EF10] =	vst v63  }
0x58: {  	s12 =	simm.s32 @!p2 $0x7  }
0x59: {  	_ =	swait.ge @!p2 [sflag:s12], $0x200  }
0x5a: {  	[sflag:s12] =	ssyncset.done @!p2 $0x0  }
0x5b: {  	[sflag:s12] =	ssyncadd.s32 @!p2 $0xFFFFFE00  }
0x5c: {  	s14 =	simm.s32 $0x160F0;
	[bflag:$0x0] =	sbarrier.arrive $0xFFFF  }
0x5d: {  	[tilespmem:s14], [sflag:$0x1] =	stream.indirect.gather [hbm4b:s3+s0], $0x20, s15, s0, $0xb8;
	[tilespmem:$0x1EF10] =	vst v63  }
0x5e: {  	s16 =	simm.s32 $0x168F0;
	s15 =	simm.s32 $0x9C90  }
0x5f: {  	[tilespmem:s16], [sflag:$0x3] =	stream.indirect.gather [hbm4b:s3+s0], $0x20, s15, s0, $0xb8;
	[tilespmem:$0x1EF10] =	vst v63  }
0x60: {  	s17 =	simm.s32 $0x9CD0;
	s18 =	simm.s32 $0x170F0  }
0x61: {  	[tilespmem:s18], [sflag:$0x2] =	stream.indirect.gather [hbm4b:s3+s0], $0x20, s17, s0, $0xb8;
	[tilespmem:$0x1EF10] =	vst v63  }
0x62: {  	s19 =	simm.s32 $0x9D10;
	s21 =	simm.s32 $0x178F0  }
0x63: {  	[tilespmem:s21], [sflag:$0x4] =	stream.indirect.gather [hbm4b:s3+s0], $0x20, s19, s0, $0xb8;
	[tilespmem:$0x1EF10] =	vst v63  }
0x64: {  	s21 =	simm.s32 $0x0  }
.LBB2_6:
0x65: {  	_ =	swait.ge [sflag:s24], $0x800  }
0x66: {  	[sflag:s24] =	ssyncset.done $0x0  }
0x67: {  	[sflag:s24] =	ssyncadd.s32 $0xFFFFF800  }
0x68: {  	_ =	swait.ge [sflag:s26], $0x800  }
0x69: {  	p4 =	seq.s32 s21, $0x0;
	[sflag:s26] =	ssyncset.done $0x0  }
0x6a: {  	s13 =	simm.s32 @!p4 $0x5;
	[sflag:s26] =	ssyncadd.s32 $0xFFFFF800  }
0x6b: {  	_ =	swait.ge @!p4 [sflag:s13], $0x1000  }
0x6c: {  	s12 =	sshll.u32 s21, $0xA;
	[sflag:s13] =	ssyncset.done @!p4 $0x0  }
0x6d: {  	s17 =	sshra.s32 s12, $0x2;
	[sflag:s13] =	ssyncadd.s32 @!p4 $0xFFFFF000  }
0x6e: {  	v1 =	vld [tilespmem:s17+$0x10450];
	_ =	sdelay $0x4  }
0x6f: {  	[tilespmem:$0x15FF0] =	vst v1  }
0x70: {  	v2 =	vld [tilespmem:s17+$0x10460];
	_ =	sdelay $0x4  }
0x71: {  	[tilespmem:$0x16000] =	vst v2  }
0x72: {  	v2 =	vld [tilespmem:s17+$0x10470];
	_ =	sdelay $0x4  }
0x73: {  	[tilespmem:$0x16010] =	vst v2  }
0x74: {  	v2 =	vld [tilespmem:s17+$0x10480];
	_ =	sdelay $0x4  }
0x75: {  	[tilespmem:$0x16020] =	vst v2  }
0x76: {  	v2 =	vld [tilespmem:s17+$0x10490];
	_ =	sdelay $0x4  }
0x77: {  	[tilespmem:$0x16030] =	vst v2  }
0x78: {  	v2 =	vld [tilespmem:s17+$0x104A0];
	_ =	sdelay $0x4  }
0x79: {  	[tilespmem:$0x16040] =	vst v2  }
0x7a: {  	v2 =	vld [tilespmem:s17+$0x104B0];
	_ =	sdelay $0x4  }
0x7b: {  	[tilespmem:$0x16050] =	vst v2  }
0x7c: {  	v2 =	vld [tilespmem:s17+$0x104C0];
	_ =	sdelay $0x4  }
0x7d: {  	s18 =	sshll.u32 s21, $0x8;
	[tilespmem:$0x16060] =	vst v2  }
0x7e: {  	v2 =	vld [tilespmem:s18+$0xD050]  }
0x7f: {  	v3 =	vld [tilespmem:s18+$0x9C50];
	_ =	sdelay $0x6  }
0x80: {  	v2 =	vld.idx.msk [tilespmem:v2+s2+$0x0], $0xffff  }
0x81: {  	v3 =	vld.idx.msk [tilespmem:v3+s20+$0x0], $0xffff;
	_ =	sdelay $0x4  }
0x82: {  	v2 =	vadd.f32 v3, v2;
	_ =	sdelay $0x1  }
0x83: {  	v3 =	vmul.f32 $2.000000030e-01, v2;
	_ =	sdelay $0x1  }
0x84: {  	v2 =	vmax.f32 v2, v3  }
0x85: {  	v2 =	vmul.f32 $1.442695020e+00, v2;
	_ =	sdelay $0x1  }
0x86: {  	(erf) = vpow2.f32 v2;
	_ =	sdelay $0x8  }
0x87: {  	v2 =	vpop (erf)  }
0x88: {  	[tilespmem:$0x13850] =	vst v2  }
0x89: {  	[tilespmem:v1+s23+$0x0] =	vst.idx.add.f32.msk $0xffff, v2  }
0x8a: {  	v1 =	vld [tilespmem:s18+$0xD060]  }
0x8b: {  	v2 =	vld [tilespmem:s18+$0x9C60];
	_ =	sdelay $0x6  }
0x8c: {  	v1 =	vld.idx.msk [tilespmem:v1+s2+$0x0], $0xffff  }
0x8d: {  	v2 =	vld.idx.msk [tilespmem:v2+s20+$0x0], $0xffff;
	_ =	sdelay $0x4  }
0x8e: {  	v1 =	vadd.f32 v2, v1;
	_ =	sdelay $0x1  }
0x8f: {  	v2 =	vmul.f32 $2.000000030e-01, v1;
	_ =	sdelay $0x1  }
0x90: {  	v1 =	vmax.f32 v1, v2  }
0x91: {  	v1 =	vmul.f32 $1.442695020e+00, v1;
	_ =	sdelay $0x1  }
0x92: {  	(erf) = vpow2.f32 v1;
	_ =	sdelay $0x2  }
0x93: {  	v1 =	vld [tilespmem:$0x16000];
	_ =	sdelay $0x5  }
0x94: {  	v2 =	vpop (erf)  }
0x95: {  	[tilespmem:$0x13860] =	vst v2  }
0x96: {  	[tilespmem:v1+s23+$0x0] =	vst.idx.add.f32.msk $0xffff, v2  }
0x97: {  	v1 =	vld [tilespmem:s18+$0xD070]  }
0x98: {  	v2 =	vld [tilespmem:s18+$0x9C70];
	_ =	sdelay $0x6  }
0x99: {  	v1 =	vld.idx.msk [tilespmem:v1+s2+$0x0], $0xffff  }
0x9a: {  	v2 =	vld.idx.msk [tilespmem:v2+s20+$0x0], $0xffff;
	_ =	sdelay $0x4  }
0x9b: {  	v1 =	vadd.f32 v2, v1;
	_ =	sdelay $0x1  }
0x9c: {  	v2 =	vmul.f32 $2.000000030e-01, v1;
	_ =	sdelay $0x1  }
0x9d: {  	v1 =	vmax.f32 v1, v2  }
0x9e: {  	v1 =	vmul.f32 $1.442695020e+00, v1;
	_ =	sdelay $0x1  }
0x9f: {  	(erf) = vpow2.f32 v1;
	_ =	sdelay $0x2  }
0xa0: {  	v1 =	vld [tilespmem:$0x16010];
	_ =	sdelay $0x5  }
0xa1: {  	v2 =	vpop (erf)  }
0xa2: {  	[tilespmem:$0x13870] =	vst v2  }
0xa3: {  	[tilespmem:v1+s23+$0x0] =	vst.idx.add.f32.msk $0xffff, v2  }
0xa4: {  	v1 =	vld [tilespmem:s18+$0xD080]  }
0xa5: {  	v2 =	vld [tilespmem:s18+$0x9C80];
	_ =	sdelay $0x6  }
0xa6: {  	v1 =	vld.idx.msk [tilespmem:v1+s2+$0x0], $0xffff  }
0xa7: {  	v2 =	vld.idx.msk [tilespmem:v2+s20+$0x0], $0xffff;
	_ =	sdelay $0x4  }
0xa8: {  	v1 =	vadd.f32 v2, v1;
	_ =	sdelay $0x1  }
0xa9: {  	v2 =	vmul.f32 $2.000000030e-01, v1;
	_ =	sdelay $0x1  }
0xaa: {  	v1 =	vmax.f32 v1, v2  }
0xab: {  	v1 =	vmul.f32 $1.442695020e+00, v1;
	_ =	sdelay $0x1  }
0xac: {  	(erf) = vpow2.f32 v1;
	_ =	sdelay $0x2  }
0xad: {  	v1 =	vld [tilespmem:$0x16020];
	_ =	sdelay $0x5  }
0xae: {  	v2 =	vpop (erf)  }
0xaf: {  	[tilespmem:$0x13880] =	vst v2  }
0xb0: {  	[tilespmem:v1+s23+$0x0] =	vst.idx.add.f32.msk $0xffff, v2  }
0xb1: {  	v1 =	vld [tilespmem:s18+$0xD090]  }
0xb2: {  	v2 =	vld [tilespmem:s18+$0x9C90];
	_ =	sdelay $0x6  }
0xb3: {  	v1 =	vld.idx.msk [tilespmem:v1+s2+$0x0], $0xffff  }
0xb4: {  	v2 =	vld.idx.msk [tilespmem:v2+s20+$0x0], $0xffff;
	_ =	sdelay $0x4  }
0xb5: {  	v1 =	vadd.f32 v2, v1;
	_ =	sdelay $0x1  }
0xb6: {  	v2 =	vmul.f32 $2.000000030e-01, v1;
	_ =	sdelay $0x1  }
0xb7: {  	v1 =	vmax.f32 v1, v2  }
0xb8: {  	v1 =	vmul.f32 $1.442695020e+00, v1;
	_ =	sdelay $0x1  }
0xb9: {  	(erf) = vpow2.f32 v1;
	_ =	sdelay $0x2  }
0xba: {  	v1 =	vld [tilespmem:$0x16030];
	_ =	sdelay $0x5  }
0xbb: {  	v2 =	vpop (erf)  }
0xbc: {  	[tilespmem:$0x13890] =	vst v2  }
0xbd: {  	[tilespmem:v1+s23+$0x0] =	vst.idx.add.f32.msk $0xffff, v2  }
0xbe: {  	v1 =	vld [tilespmem:s18+$0xD0A0]  }
0xbf: {  	v2 =	vld [tilespmem:s18+$0x9CA0];
	_ =	sdelay $0x6  }
0xc0: {  	v1 =	vld.idx.msk [tilespmem:v1+s2+$0x0], $0xffff  }
0xc1: {  	v2 =	vld.idx.msk [tilespmem:v2+s20+$0x0], $0xffff;
	_ =	sdelay $0x4  }
0xc2: {  	v1 =	vadd.f32 v2, v1;
	_ =	sdelay $0x1  }
0xc3: {  	v2 =	vmul.f32 $2.000000030e-01, v1;
	_ =	sdelay $0x1  }
0xc4: {  	v1 =	vmax.f32 v1, v2  }
0xc5: {  	v1 =	vmul.f32 $1.442695020e+00, v1;
	_ =	sdelay $0x1  }
0xc6: {  	(erf) = vpow2.f32 v1;
	_ =	sdelay $0x2  }
0xc7: {  	v1 =	vld [tilespmem:$0x16040];
	_ =	sdelay $0x5  }
0xc8: {  	v2 =	vpop (erf)  }
0xc9: {  	[tilespmem:$0x138A0] =	vst v2  }
0xca: {  	[tilespmem:v1+s23+$0x0] =	vst.idx.add.f32.msk $0xffff, v2  }
0xcb: {  	v1 =	vld [tilespmem:s18+$0xD0B0]  }
0xcc: {  	v2 =	vld [tilespmem:s18+$0x9CB0];
	_ =	sdelay $0x6  }
0xcd: {  	v1 =	vld.idx.msk [tilespmem:v1+s2+$0x0], $0xffff  }
0xce: {  	v2 =	vld.idx.msk [tilespmem:v2+s20+$0x0], $0xffff;
	_ =	sdelay $0x4  }
0xcf: {  	v1 =	vadd.f32 v2, v1;
	_ =	sdelay $0x1  }
0xd0: {  	v2 =	vmul.f32 $2.000000030e-01, v1;
	_ =	sdelay $0x1  }
0xd1: {  	v1 =	vmax.f32 v1, v2  }
0xd2: {  	v1 =	vmul.f32 $1.442695020e+00, v1;
	_ =	sdelay $0x1  }
0xd3: {  	(erf) = vpow2.f32 v1;
	_ =	sdelay $0x2  }
0xd4: {  	v1 =	vld [tilespmem:$0x16050];
	_ =	sdelay $0x5  }
0xd5: {  	v2 =	vpop (erf)  }
0xd6: {  	[tilespmem:$0x138B0] =	vst v2  }
0xd7: {  	[tilespmem:v1+s23+$0x0] =	vst.idx.add.f32.msk $0xffff, v2  }
0xd8: {  	v1 =	vld [tilespmem:s18+$0xD0C0]  }
0xd9: {  	v2 =	vld [tilespmem:s18+$0x9CC0];
	_ =	sdelay $0x6  }
0xda: {  	v1 =	vld.idx.msk [tilespmem:v1+s2+$0x0], $0xffff  }
0xdb: {  	v2 =	vld.idx.msk [tilespmem:v2+s20+$0x0], $0xffff;
	_ =	sdelay $0x4  }
0xdc: {  	v1 =	vadd.f32 v2, v1;
	_ =	sdelay $0x1  }
0xdd: {  	v2 =	vmul.f32 $2.000000030e-01, v1;
	_ =	sdelay $0x1  }
0xde: {  	v1 =	vmax.f32 v1, v2  }
0xdf: {  	v1 =	vmul.f32 $1.442695020e+00, v1;
	_ =	sdelay $0x1  }
0xe0: {  	(erf) = vpow2.f32 v1;
	_ =	sdelay $0x2  }
0xe1: {  	v1 =	vld [tilespmem:$0x16060];
	_ =	sdelay $0x5  }
0xe2: {  	v2 =	vpop (erf)  }
0xe3: {  	[tilespmem:$0x138C0] =	vst v2  }
0xe4: {  	s19 =	simm.s32 $0x13854;
	[tilespmem:v1+s23+$0x0] =	vst.idx.add.f32.msk $0xffff, v2  }
0xe5: {  	s15 =	simm.s32 $0x16170;
	v2 =	vld.msk [tilespmem:s19+$0x3 ss:$0x0], $0xffff  }
0xe6: {  	v1 =	vld [tilespmem:s15+$0x60]  }
0xe7: {  	v11 =	vld.msk [tilespmem:s19+$0xFFFFFFFC ss:$0x0], $0xffff  }
0xe8: {  	v5 =	vld.msk [tilespmem:s19+$0xFFFFFFFD ss:$0x0], $0xffff  }
0xe9: {  	v7 =	vld.msk [tilespmem:s19+$0xFFFFFFFE ss:$0x0], $0xffff  }
0xea: {  	v8 =	vld.msk [tilespmem:s19+$0xFFFFFFFF ss:$0x0], $0xffff  }
0xeb: {  	v9 =	vld.msk [tilespmem:s19+$0x0 ss:$0x0], $0xffff  }
0xec: {  	v10 =	vld.msk [tilespmem:s19+$0x1 ss:$0x0], $0xffff  }
0xed: {  	v12 =	vld.msk [tilespmem:s19+$0x2 ss:$0x0], $0xffff  }
0xee: {  	v3 =	vld [tilespmem:s15+$0xFFFFFFA0]  }
0xef: {  	v4 =	vld [tilespmem:s15+$0xFFFFFFC0]  }
0xf0: {  	v6 =	vld [tilespmem:s15+$0xFFFFFFE0]  }
0xf1: {  	v13 =	vld [tilespmem:s15+$0x0]  }
0xf2: {  	v14 =	vld [tilespmem:s15+$0x20]  }
0xf3: {  	s17 =	simm.s32 $0x1385C;
	v16 =	vld [tilespmem:s15+$0xFFFFFF80]  }
0xf4: {  	v21 =	vld.msk [tilespmem:s17+$0x3 ss:$0x0], $0xffff;
	v1 =	vmul.f32 v2, v1  }
0xf5: {  	s13 =	simm.s32 $0x18170;
	v22 =	vld.msk [tilespmem:s17+$0xFFFFFFFD ss:$0x0], $0xffff;
	v4 =	vmul.f32 v7, v4  }
0xf6: {  	[tilespmem:s13+$0x60] =	vst v1;
	v1 =	vmul.f32 v5, v3;
	v3 =	vld [tilespmem:s15+$0x40]  }
0xf7: {  	[tilespmem:s13+$0xFFFFFFC0] =	vst v4;
	v4 =	vmul.f32 v9, v13;
	v15 =	vld [tilespmem:s15+$0x70]  }
0xf8: {  	s16 =	simm.s32 $0x16270;
	v13 =	vld [tilespmem:s15+$0xFFFFFFD0]  }
0xf9: {  	[tilespmem:s13+$0x0] =	vst v4;
	v4 =	vld [tilespmem:s16+$0x60]  }
0xfa: {  	[tilespmem:s13+$0xFFFFFFA0] =	vst v1;
	v1 =	vmul.f32 v8, v6;
	v6 =	vld.msk [tilespmem:s17+$0xFFFFFFFE ss:$0x0], $0xffff  }
0xfb: {  	v17 =	vld [tilespmem:s15+$0xFFFFFFB0]  }
0xfc: {  	v18 =	vld [tilespmem:s15+$0x10];
	[tilespmem:s13+$0xFFFFFFE0] =	vst v1;
	v1 =	vmul.f32 v10, v14  }
0xfd: {  	v14 =	vld [tilespmem:s15+$0xFFFFFFF0]  }
0xfe: {  	[tilespmem:s13+$0x20] =	vst v1;
	v1 =	vld.msk [tilespmem:s17+$0xFFFFFFFC ss:$0x0], $0xffff  }
0xff: {  	v3 =	vmul.f32 v12, v3;
	v15 =	vmul.f32 v15, v2;
	v2 =	vld.msk [tilespmem:s17+$0x0 ss:$0x0], $0xffff  }
0x100: {  	v19 =	vld [tilespmem:s15+$0x30]  }
0x101: {  	[tilespmem:s13+$0x40] =	vst v3;
	v3 =	vld.msk [tilespmem:s17+$0xFFFFFFFF ss:$0x0], $0xffff  }
0x102: {  	v23 =	vmul.f32 v21, v4;
	v4 =	vld.msk [tilespmem:s17+$0x1 ss:$0x0], $0xffff  }
0x103: {  	s14 =	simm.s32 $0x18270;
	v7 =	vmul.f32 v13, v7;
	v20 =	vld [tilespmem:s15+$0x50];
	[tilespmem:s13+$0x70] =	vst v15  }
0x104: {  	v15 =	vmul.f32 v11, v16;
	v62 =	vmul.f32 v17, v5;
	v5 =	vld.msk [tilespmem:s17+$0x2 ss:$0x0], $0xffff;
	[tilespmem:s14+$0x60] =	vst v23  }
0x105: {  	[tilespmem:s13+$0xFFFFFFD0] =	vst v7;
	v13 =	vld [tilespmem:s16+$0x70]  }
0x106: {  	[tilespmem:s13+$0xFFFFFF80] =	vst v15;
	v8 =	vmul.f32 v14, v8;
	v14 =	vld [tilespmem:s16+$0xFFFFFFA0]  }
0x107: {  	v7 =	vmul.f32 v18, v9;
	v9 =	vld [tilespmem:s16+$0xFFFFFFC0];
	[tilespmem:s13+$0xFFFFFFB0] =	vst v62  }
0x108: {  	[tilespmem:s13+$0xFFFFFFF0] =	vst v8;
	v8 =	vmul.f32 v19, v10;
	v10 =	vld [tilespmem:s16+$0xFFFFFFE0]  }
0x109: {  	[tilespmem:s13+$0x10] =	vst v7;
	v7 =	vmul.f32 v20, v12;
	v12 =	vld [tilespmem:s16+$0x0]  }
0x10a: {  	[tilespmem:s13+$0x30] =	vst v8;
	v8 =	vld [tilespmem:s16+$0x20];
	v13 =	vmul.f32 v13, v21  }
0x10b: {  	[tilespmem:s13+$0x50] =	vst v7;
	v7 =	vmul.f32 v22, v14;
	v14 =	vld [tilespmem:s16+$0x40]  }
0x10c: {  	v15 =	vld [tilespmem:s16+$0xFFFFFF80];
	v9 =	vmul.f32 v6, v9;
	[tilespmem:s14+$0x70] =	vst v13  }
0x10d: {  	[tilespmem:s14+$0xFFFFFFA0] =	vst v7;
	v7 =	vmul.f32 v3, v10;
	v13 =	vld [tilespmem:s15+$0xFFFFFF90]  }
0x10e: {  	[tilespmem:s14+$0xFFFFFFC0] =	vst v9;
	v63 =	vld [tilespmem:s16+$0xFFFFFFB0];
	v9 =	vmul.f32 v2, v12  }
0x10f: {  	v10 =	vld [tilespmem:s16+$0xFFFFFFD0];
	[tilespmem:s14+$0xFFFFFFE0] =	vst v7;
	v12 =	vmul.f32 v4, v8  }
0x110: {  	v7 =	vld [tilespmem:s16+$0xFFFFFFF0];
	[tilespmem:s14+$0x0] =	vst v9;
	v14 =	vmul.f32 v5, v14  }
0x111: {  	v15 =	vmul.f32 v1, v15;
	v8 =	vld [tilespmem:s16+$0x10];
	[tilespmem:s14+$0x20] =	vst v12  }
0x112: {  	s18 =	simm.s32 $0x8;
	v9 =	vld [tilespmem:s16+$0x30];
	[tilespmem:s14+$0x40] =	vst v14;
	v13 =	vmul.f32 v13, v11  }
0x113: {  	s19 =	simm.s32 $0x16270;
	s17 =	sshll.u32 s21, $0x1;
	[tilespmem:s14+$0xFFFFFF80] =	vst v15;
	s15 =	simm.s32 $0x13864;
	v12 =	vmul.f32 v63, v22;
	v11 =	vld [tilespmem:s16+$0x50]  }
.LBB2_7:
0x114: {  	v14 =	vld.msk [tilespmem:s15+$0x3 ss:$0x0], $0xffff;
	s18 =	sadd.s32 $0x8, s18;
	v6 =	vmul.f32 v10, v6;
	s16 =	sadd.s32 $0x100, s16;
	[tilespmem:s13+$0xFFFFFF90] =	vst v13;
	s13 =	smov.u32 s14  }
0x115: {  	v10 =	vld [tilespmem:s16+$0x60];
	p3 =	slt.u32 s18, $0x78;
	[tilespmem:s14+$0xFFFFFFB0] =	vst v12;
	v3 =	vmul.f32 v7, v3  }
0x116: {  	v12 =	vld.msk [tilespmem:s15+$0xFFFFFFFC ss:$0x0], $0xffff;
	[tilespmem:s14+$0xFFFFFFD0] =	vst v6;
	v2 =	vmul.f32 v8, v2  }
0x117: {  	v15 =	vld.msk [tilespmem:s15+$0xFFFFFFFD ss:$0x0], $0xffff;
	[tilespmem:s14+$0xFFFFFFF0] =	vst v3;
	v4 =	vmul.f32 v9, v4  }
0x118: {  	v6 =	vld.msk [tilespmem:s15+$0xFFFFFFFE ss:$0x0], $0xffff;
	[tilespmem:s14+$0x10] =	vst v2;
	v5 =	vmul.f32 v11, v5  }
0x119: {  	v3 =	vld.msk [tilespmem:s15+$0xFFFFFFFF ss:$0x0], $0xffff;
	[tilespmem:s14+$0x30] =	vst v4  }
0x11a: {  	v2 =	vld.msk [tilespmem:s15+$0x0 ss:$0x0], $0xffff;
	v7 =	vmul.f32 v14, v10;
	[tilespmem:s14+$0x50] =	vst v5  }
0x11b: {  	s14 =	sadd.s32 $0x100, s14;
	v4 =	vld.msk [tilespmem:s15+$0x1 ss:$0x0], $0xffff  }
0x11c: {  	v5 =	vld.msk [tilespmem:s15+$0x2 ss:$0x0], $0xffff;
	[tilespmem:s14+$0x60] =	vst v7  }
0x11d: {  	v7 =	vld [tilespmem:s16+$0x70]  }
0x11e: {  	v8 =	vld [tilespmem:s16+$0xFFFFFFA0]  }
0x11f: {  	v9 =	vld [tilespmem:s16+$0xFFFFFFC0]  }
0x120: {  	v10 =	vld [tilespmem:s16+$0xFFFFFFE0]  }
0x121: {  	v11 =	vld [tilespmem:s16+$0x0]  }
0x122: {  	v13 =	vld [tilespmem:s16+$0x20];
	v7 =	vmul.f32 v7, v14  }
0x123: {  	v8 =	vmul.f32 v15, v8;
	v14 =	vld [tilespmem:s16+$0x40]  }
0x124: {  	v16 =	vld [tilespmem:s16+$0xFFFFFF80];
	v9 =	vmul.f32 v6, v9;
	[tilespmem:s14+$0x70] =	vst v7  }
0x125: {  	[tilespmem:s14+$0xFFFFFFA0] =	vst v8;
	v7 =	vmul.f32 v3, v10;
	v17 =	vld [tilespmem:s19+$0xFFFFFF90];
	s19 =	smov.u32 s16  }
0x126: {  	v18 =	vld [tilespmem:s16+$0xFFFFFFB0];
	[tilespmem:s14+$0xFFFFFFC0] =	vst v9;
	v8 =	vmul.f32 v2, v11  }
.Ltmp2:
0x127: {  	v10 =	vld [tilespmem:s16+$0xFFFFFFD0];
	[tilespmem:s14+$0xFFFFFFE0] =	vst v7;
	v9 =	vmul.f32 v4, v13;
	(pc) =	sbr.rel @p3 .LBB2_7-.Ltmp2, $4  }
0x128: {  	v7 =	vld [tilespmem:s16+$0xFFFFFFF0];
	[tilespmem:s14+$0x0] =	vst v8;
	v11 =	vmul.f32 v5, v14  }
0x129: {  	v14 =	vmul.f32 v12, v16;
	v8 =	vld [tilespmem:s16+$0x10];
	[tilespmem:s14+$0x20] =	vst v9  }
0x12a: {  	v9 =	vld [tilespmem:s16+$0x30];
	[tilespmem:s14+$0x40] =	vst v11;
	v13 =	vmul.f32 v17, v1;
	v1 =	vmov v12  }
0x12b: {  	s15 =	sadd.s32 $0x8, s15;
	[tilespmem:s14+$0xFFFFFF80] =	vst v14;
	v12 =	vmul.f32 v18, v15;
	v11 =	vld [tilespmem:s16+$0x50]  }
0x12c: {  	v6 =	vmul.f32 v10, v6;
	[tilespmem:s13+$0xFFFFFF90] =	vst v13;
	v10 =	vld [tilespmem:s19+$0xFFFFFF90]  }
0x12d: {  	[tilespmem:s14+$0xFFFFFFB0] =	vst v12;
	v3 =	vmul.f32 v7, v3  }
0x12e: {  	[tilespmem:s14+$0xFFFFFFD0] =	vst v6;
	v2 =	vmul.f32 v8, v2  }
0x12f: {  	[tilespmem:s14+$0xFFFFFFF0] =	vst v3;
	v3 =	vmul.f32 v9, v4  }
0x130: {  	[tilespmem:s14+$0x10] =	vst v2;
	v2 =	vmul.f32 v11, v5  }
0x131: {  	p3 =	sge.u32 s21, s11;
	[tilespmem:s14+$0x30] =	vst v3;
	v1 =	vmul.f32 v10, v1  }
0x132: {  	s12 =	sshra.s32 @!p3 s12, $0x2;
	[tilespmem:s14+$0x50] =	vst v2  }
0x133: {  	s15 =	simm.s32 @!p3 $0x160F0;
	s13 =	sadd.s32 @!p3 $0x9D50, s12;
	[tilespmem:s14+$0xFFFFFF90] =	vst v1;
	s14 =	simm.s32 @!p3 $0x40  }
0x134: {  	[tilespmem:s15], [sflag:$0x1] =	stream.indirect.gather @!p3 [hbm4b:s3+s14], $0x20, s13, s14, $0xb8;
	[tilespmem:$0x1EF10] =	vst v63  }
0x135: {  	s13 =	sadd.s32 @!p3 $0x9D90, s12;
	s15 =	simm.s32 @!p3 $0x168F0  }
0x136: {  	[tilespmem:s15], [sflag:$0x3] =	stream.indirect.gather @!p3 [hbm4b:s3+s14], $0x20, s13, s14, $0xb8;
	[tilespmem:$0x1EF10] =	vst v63  }
0x137: {  	_ = 	snop  }
0x138: {  	[spmem:s1] =	stream.indirect.scatter.add.f32 [tilespmem:s30], [sflag:$0x5], $0x20, s4, s22, $0xb8;
	[tilespmem:$0x1EF10] =	vst v63  }
0x139: {  	_ =	swait.ge [sflag:s25], $0x800  }
0x13a: {  	[sflag:s25] =	ssyncset.done $0x0  }
0x13b: {  	[sflag:s25] =	ssyncadd.s32 $0xFFFFF800  }
0x13c: {  	_ =	swait.ge [sflag:s28], $0x800  }
0x13d: {  	[sflag:s28] =	ssyncset.done $0x0  }
0x13e: {  	s13 =	simm.s32 @!p4 $0x6;
	[sflag:s28] =	ssyncadd.s32 $0xFFFFF800  }
0x13f: {  	s18 =	sor.u32 $0x1, s17;
	_ =	swait.ge @!p4 [sflag:s13], $0x1000  }
0x140: {  	s19 =	sshll.u32 s18, $0x9;
	[sflag:s13] =	ssyncset.done @!p4 $0x0  }
0x141: {  	s15 =	sshra.s32 s19, $0x2;
	[sflag:s13] =	ssyncadd.s32 @!p4 $0xFFFFF000  }
0x142: {  	v1 =	vld [tilespmem:s15+$0x10450];
	_ =	sdelay $0x4  }
0x143: {  	[tilespmem:$0x16070] =	vst v1  }
0x144: {  	v2 =	vld [tilespmem:s15+$0x10460];
	_ =	sdelay $0x4  }
0x145: {  	[tilespmem:$0x16080] =	vst v2  }
0x146: {  	v2 =	vld [tilespmem:s15+$0x10470];
	_ =	sdelay $0x4  }
0x147: {  	[tilespmem:$0x16090] =	vst v2  }
0x148: {  	v2 =	vld [tilespmem:s15+$0x10480];
	_ =	sdelay $0x4  }
0x149: {  	[tilespmem:$0x160A0] =	vst v2  }
0x14a: {  	v2 =	vld [tilespmem:s15+$0x10490];
	_ =	sdelay $0x4  }
0x14b: {  	[tilespmem:$0x160B0] =	vst v2  }
0x14c: {  	v2 =	vld [tilespmem:s15+$0x104A0];
	_ =	sdelay $0x4  }
0x14d: {  	[tilespmem:$0x160C0] =	vst v2  }
0x14e: {  	v2 =	vld [tilespmem:s15+$0x104B0];
	_ =	sdelay $0x4  }
0x14f: {  	[tilespmem:$0x160D0] =	vst v2  }
0x150: {  	v2 =	vld [tilespmem:s15+$0x104C0];
	_ =	sdelay $0x4  }
0x151: {  	s16 =	sshll.u32 s18, $0x7;
	[tilespmem:$0x160E0] =	vst v2  }
0x152: {  	v2 =	vld [tilespmem:s16+$0xD050]  }
0x153: {  	v3 =	vld [tilespmem:s16+$0x9C50];
	_ =	sdelay $0x6  }
0x154: {  	v2 =	vld.idx.msk [tilespmem:v2+s2+$0x0], $0xffff  }
0x155: {  	v3 =	vld.idx.msk [tilespmem:v3+s20+$0x0], $0xffff;
	_ =	sdelay $0x4  }
0x156: {  	v2 =	vadd.f32 v3, v2;
	_ =	sdelay $0x1  }
0x157: {  	v3 =	vmul.f32 $2.000000030e-01, v2;
	_ =	sdelay $0x1  }
0x158: {  	v2 =	vmax.f32 v2, v3  }
0x159: {  	v2 =	vmul.f32 $1.442695020e+00, v2;
	_ =	sdelay $0x1  }
0x15a: {  	(erf) = vpow2.f32 v2;
	_ =	sdelay $0x8  }
0x15b: {  	v2 =	vpop (erf)  }
0x15c: {  	[tilespmem:$0x13850] =	vst v2  }
0x15d: {  	[tilespmem:v1+s23+$0x0] =	vst.idx.add.f32.msk $0xffff, v2  }
0x15e: {  	v1 =	vld [tilespmem:s16+$0xD060]  }
0x15f: {  	v2 =	vld [tilespmem:s16+$0x9C60];
	_ =	sdelay $0x6  }
0x160: {  	v1 =	vld.idx.msk [tilespmem:v1+s2+$0x0], $0xffff  }
0x161: {  	v2 =	vld.idx.msk [tilespmem:v2+s20+$0x0], $0xffff;
	_ =	sdelay $0x4  }
0x162: {  	v1 =	vadd.f32 v2, v1;
	_ =	sdelay $0x1  }
0x163: {  	v2 =	vmul.f32 $2.000000030e-01, v1;
	_ =	sdelay $0x1  }
0x164: {  	v1 =	vmax.f32 v1, v2  }
0x165: {  	v1 =	vmul.f32 $1.442695020e+00, v1;
	_ =	sdelay $0x1  }
0x166: {  	(erf) = vpow2.f32 v1;
	_ =	sdelay $0x2  }
0x167: {  	v1 =	vld [tilespmem:$0x16080];
	_ =	sdelay $0x5  }
0x168: {  	v2 =	vpop (erf)  }
0x169: {  	[tilespmem:$0x13860] =	vst v2  }
0x16a: {  	[tilespmem:v1+s23+$0x0] =	vst.idx.add.f32.msk $0xffff, v2  }
0x16b: {  	v1 =	vld [tilespmem:s16+$0xD070]  }
0x16c: {  	v2 =	vld [tilespmem:s16+$0x9C70];
	_ =	sdelay $0x6  }
0x16d: {  	v1 =	vld.idx.msk [tilespmem:v1+s2+$0x0], $0xffff  }
0x16e: {  	v2 =	vld.idx.msk [tilespmem:v2+s20+$0x0], $0xffff;
	_ =	sdelay $0x4  }
0x16f: {  	v1 =	vadd.f32 v2, v1;
	_ =	sdelay $0x1  }
0x170: {  	v2 =	vmul.f32 $2.000000030e-01, v1;
	_ =	sdelay $0x1  }
0x171: {  	v1 =	vmax.f32 v1, v2  }
0x172: {  	v1 =	vmul.f32 $1.442695020e+00, v1;
	_ =	sdelay $0x1  }
0x173: {  	(erf) = vpow2.f32 v1;
	_ =	sdelay $0x2  }
0x174: {  	v1 =	vld [tilespmem:$0x16090];
	_ =	sdelay $0x5  }
0x175: {  	v2 =	vpop (erf)  }
0x176: {  	[tilespmem:$0x13870] =	vst v2  }
0x177: {  	[tilespmem:v1+s23+$0x0] =	vst.idx.add.f32.msk $0xffff, v2  }
0x178: {  	v1 =	vld [tilespmem:s16+$0xD080]  }
0x179: {  	v2 =	vld [tilespmem:s16+$0x9C80];
	_ =	sdelay $0x6  }
0x17a: {  	v1 =	vld.idx.msk [tilespmem:v1+s2+$0x0], $0xffff  }
0x17b: {  	v2 =	vld.idx.msk [tilespmem:v2+s20+$0x0], $0xffff;
	_ =	sdelay $0x4  }
0x17c: {  	v1 =	vadd.f32 v2, v1;
	_ =	sdelay $0x1  }
0x17d: {  	v2 =	vmul.f32 $2.000000030e-01, v1;
	_ =	sdelay $0x1  }
0x17e: {  	v1 =	vmax.f32 v1, v2  }
0x17f: {  	v1 =	vmul.f32 $1.442695020e+00, v1;
	_ =	sdelay $0x1  }
0x180: {  	(erf) = vpow2.f32 v1;
	_ =	sdelay $0x2  }
0x181: {  	v1 =	vld [tilespmem:$0x160A0];
	_ =	sdelay $0x5  }
0x182: {  	v2 =	vpop (erf)  }
0x183: {  	[tilespmem:$0x13880] =	vst v2  }
0x184: {  	[tilespmem:v1+s23+$0x0] =	vst.idx.add.f32.msk $0xffff, v2  }
0x185: {  	v1 =	vld [tilespmem:s16+$0xD090]  }
0x186: {  	v2 =	vld [tilespmem:s16+$0x9C90];
	_ =	sdelay $0x6  }
0x187: {  	v1 =	vld.idx.msk [tilespmem:v1+s2+$0x0], $0xffff  }
0x188: {  	v2 =	vld.idx.msk [tilespmem:v2+s20+$0x0], $0xffff;
	_ =	sdelay $0x4  }
0x189: {  	v1 =	vadd.f32 v2, v1;
	_ =	sdelay $0x1  }
0x18a: {  	v2 =	vmul.f32 $2.000000030e-01, v1;
	_ =	sdelay $0x1  }
0x18b: {  	v1 =	vmax.f32 v1, v2  }
0x18c: {  	v1 =	vmul.f32 $1.442695020e+00, v1;
	_ =	sdelay $0x1  }
0x18d: {  	(erf) = vpow2.f32 v1;
	_ =	sdelay $0x2  }
0x18e: {  	v1 =	vld [tilespmem:$0x160B0];
	_ =	sdelay $0x5  }
0x18f: {  	v2 =	vpop (erf)  }
0x190: {  	[tilespmem:$0x13890] =	vst v2  }
0x191: {  	[tilespmem:v1+s23+$0x0] =	vst.idx.add.f32.msk $0xffff, v2  }
0x192: {  	v1 =	vld [tilespmem:s16+$0xD0A0]  }
0x193: {  	v2 =	vld [tilespmem:s16+$0x9CA0];
	_ =	sdelay $0x6  }
0x194: {  	v1 =	vld.idx.msk [tilespmem:v1+s2+$0x0], $0xffff  }
0x195: {  	v2 =	vld.idx.msk [tilespmem:v2+s20+$0x0], $0xffff;
	_ =	sdelay $0x4  }
0x196: {  	v1 =	vadd.f32 v2, v1;
	_ =	sdelay $0x1  }
0x197: {  	v2 =	vmul.f32 $2.000000030e-01, v1;
	_ =	sdelay $0x1  }
0x198: {  	v1 =	vmax.f32 v1, v2  }
0x199: {  	v1 =	vmul.f32 $1.442695020e+00, v1;
	_ =	sdelay $0x1  }
0x19a: {  	(erf) = vpow2.f32 v1;
	_ =	sdelay $0x2  }
0x19b: {  	v1 =	vld [tilespmem:$0x160C0];
	_ =	sdelay $0x5  }
0x19c: {  	v2 =	vpop (erf)  }
0x19d: {  	[tilespmem:$0x138A0] =	vst v2  }
0x19e: {  	[tilespmem:v1+s23+$0x0] =	vst.idx.add.f32.msk $0xffff, v2  }
0x19f: {  	v1 =	vld [tilespmem:s16+$0xD0B0]  }
0x1a0: {  	v2 =	vld [tilespmem:s16+$0x9CB0];
	_ =	sdelay $0x6  }
0x1a1: {  	v1 =	vld.idx.msk [tilespmem:v1+s2+$0x0], $0xffff  }
0x1a2: {  	v2 =	vld.idx.msk [tilespmem:v2+s20+$0x0], $0xffff;
	_ =	sdelay $0x4  }
0x1a3: {  	v1 =	vadd.f32 v2, v1;
	_ =	sdelay $0x1  }
0x1a4: {  	v2 =	vmul.f32 $2.000000030e-01, v1;
	_ =	sdelay $0x1  }
0x1a5: {  	v1 =	vmax.f32 v1, v2  }
0x1a6: {  	v1 =	vmul.f32 $1.442695020e+00, v1;
	_ =	sdelay $0x1  }
0x1a7: {  	(erf) = vpow2.f32 v1;
	_ =	sdelay $0x2  }
0x1a8: {  	v1 =	vld [tilespmem:$0x160D0];
	_ =	sdelay $0x5  }
0x1a9: {  	v2 =	vpop (erf)  }
0x1aa: {  	[tilespmem:$0x138B0] =	vst v2  }
0x1ab: {  	[tilespmem:v1+s23+$0x0] =	vst.idx.add.f32.msk $0xffff, v2  }
0x1ac: {  	v1 =	vld [tilespmem:s16+$0xD0C0]  }
0x1ad: {  	v2 =	vld [tilespmem:s16+$0x9CC0];
	_ =	sdelay $0x6  }
0x1ae: {  	v1 =	vld.idx.msk [tilespmem:v1+s2+$0x0], $0xffff  }
0x1af: {  	v2 =	vld.idx.msk [tilespmem:v2+s20+$0x0], $0xffff;
	_ =	sdelay $0x4  }
0x1b0: {  	v1 =	vadd.f32 v2, v1;
	_ =	sdelay $0x1  }
0x1b1: {  	v2 =	vmul.f32 $2.000000030e-01, v1;
	_ =	sdelay $0x1  }
0x1b2: {  	v1 =	vmax.f32 v1, v2  }
0x1b3: {  	v1 =	vmul.f32 $1.442695020e+00, v1;
	_ =	sdelay $0x1  }
0x1b4: {  	(erf) = vpow2.f32 v1;
	_ =	sdelay $0x2  }
0x1b5: {  	v1 =	vld [tilespmem:$0x160E0];
	_ =	sdelay $0x5  }
0x1b6: {  	v2 =	vpop (erf)  }
0x1b7: {  	[tilespmem:$0x138C0] =	vst v2  }
0x1b8: {  	s17 =	simm.s32 $0x13854;
	[tilespmem:v1+s23+$0x0] =	vst.idx.add.f32.msk $0xffff, v2  }
0x1b9: {  	s18 =	simm.s32 $0x17170;
	v2 =	vld.msk [tilespmem:s17+$0x3 ss:$0x0], $0xffff  }
0x1ba: {  	v1 =	vld [tilespmem:s18+$0x60]  }
0x1bb: {  	v11 =	vld.msk [tilespmem:s17+$0xFFFFFFFC ss:$0x0], $0xffff  }
0x1bc: {  	v5 =	vld.msk [tilespmem:s17+$0xFFFFFFFD ss:$0x0], $0xffff  }
0x1bd: {  	v7 =	vld.msk [tilespmem:s17+$0xFFFFFFFE ss:$0x0], $0xffff  }
0x1be: {  	v8 =	vld.msk [tilespmem:s17+$0xFFFFFFFF ss:$0x0], $0xffff  }
0x1bf: {  	v9 =	vld.msk [tilespmem:s17+$0x0 ss:$0x0], $0xffff  }
0x1c0: {  	v10 =	vld.msk [tilespmem:s17+$0x1 ss:$0x0], $0xffff  }
0x1c1: {  	v12 =	vld.msk [tilespmem:s17+$0x2 ss:$0x0], $0xffff  }
0x1c2: {  	v3 =	vld [tilespmem:s18+$0xFFFFFFA0]  }
0x1c3: {  	v4 =	vld [tilespmem:s18+$0xFFFFFFC0]  }
0x1c4: {  	v6 =	vld [tilespmem:s18+$0xFFFFFFE0]  }
0x1c5: {  	v13 =	vld [tilespmem:s18+$0x0]  }
0x1c6: {  	v14 =	vld [tilespmem:s18+$0x20]  }
0x1c7: {  	s19 =	simm.s32 $0x1385C;
	v16 =	vld [tilespmem:s18+$0xFFFFFF80]  }
0x1c8: {  	v21 =	vld.msk [tilespmem:s19+$0x3 ss:$0x0], $0xffff;
	v1 =	vmul.f32 v2, v1  }
0x1c9: {  	s13 =	simm.s32 $0x19170;
	v22 =	vld.msk [tilespmem:s19+$0xFFFFFFFD ss:$0x0], $0xffff;
	v4 =	vmul.f32 v7, v4  }
0x1ca: {  	[tilespmem:s13+$0x60] =	vst v1;
	v1 =	vmul.f32 v5, v3;
	v3 =	vld [tilespmem:s18+$0x40]  }
0x1cb: {  	[tilespmem:s13+$0xFFFFFFC0] =	vst v4;
	v4 =	vmul.f32 v9, v13;
	v15 =	vld [tilespmem:s18+$0x70]  }
0x1cc: {  	s16 =	simm.s32 $0x17270;
	v13 =	vld [tilespmem:s18+$0xFFFFFFD0]  }
0x1cd: {  	[tilespmem:s13+$0x0] =	vst v4;
	v4 =	vld [tilespmem:s16+$0x60]  }
0x1ce: {  	[tilespmem:s13+$0xFFFFFFA0] =	vst v1;
	v1 =	vmul.f32 v8, v6;
	v6 =	vld.msk [tilespmem:s19+$0xFFFFFFFE ss:$0x0], $0xffff  }
0x1cf: {  	v17 =	vld [tilespmem:s18+$0xFFFFFFB0]  }
0x1d0: {  	v18 =	vld [tilespmem:s18+$0x10];
	[tilespmem:s13+$0xFFFFFFE0] =	vst v1;
	v1 =	vmul.f32 v10, v14  }
0x1d1: {  	v14 =	vld [tilespmem:s18+$0xFFFFFFF0]  }
0x1d2: {  	[tilespmem:s13+$0x20] =	vst v1;
	v1 =	vld.msk [tilespmem:s19+$0xFFFFFFFC ss:$0x0], $0xffff  }
0x1d3: {  	v3 =	vmul.f32 v12, v3;
	v15 =	vmul.f32 v15, v2;
	v2 =	vld.msk [tilespmem:s19+$0x0 ss:$0x0], $0xffff  }
0x1d4: {  	v19 =	vld [tilespmem:s18+$0x30]  }
0x1d5: {  	[tilespmem:s13+$0x40] =	vst v3;
	v3 =	vld.msk [tilespmem:s19+$0xFFFFFFFF ss:$0x0], $0xffff  }
0x1d6: {  	v23 =	vmul.f32 v21, v4;
	v4 =	vld.msk [tilespmem:s19+$0x1 ss:$0x0], $0xffff  }
0x1d7: {  	s14 =	simm.s32 $0x19270;
	v7 =	vmul.f32 v13, v7;
	v20 =	vld [tilespmem:s18+$0x50];
	[tilespmem:s13+$0x70] =	vst v15  }
0x1d8: {  	v15 =	vmul.f32 v11, v16;
	v62 =	vmul.f32 v17, v5;
	v5 =	vld.msk [tilespmem:s19+$0x2 ss:$0x0], $0xffff;
	[tilespmem:s14+$0x60] =	vst v23  }
0x1d9: {  	[tilespmem:s13+$0xFFFFFFD0] =	vst v7;
	v13 =	vld [tilespmem:s16+$0x70]  }
0x1da: {  	[tilespmem:s13+$0xFFFFFF80] =	vst v15;
	v8 =	vmul.f32 v14, v8;
	v14 =	vld [tilespmem:s16+$0xFFFFFFA0]  }
0x1db: {  	v7 =	vmul.f32 v18, v9;
	v9 =	vld [tilespmem:s16+$0xFFFFFFC0];
	[tilespmem:s13+$0xFFFFFFB0] =	vst v62  }
0x1dc: {  	[tilespmem:s13+$0xFFFFFFF0] =	vst v8;
	v8 =	vmul.f32 v19, v10;
	v10 =	vld [tilespmem:s16+$0xFFFFFFE0]  }
0x1dd: {  	[tilespmem:s13+$0x10] =	vst v7;
	v7 =	vmul.f32 v20, v12;
	v12 =	vld [tilespmem:s16+$0x0]  }
0x1de: {  	[tilespmem:s13+$0x30] =	vst v8;
	v8 =	vld [tilespmem:s16+$0x20];
	v13 =	vmul.f32 v13, v21  }
0x1df: {  	[tilespmem:s13+$0x50] =	vst v7;
	v7 =	vmul.f32 v22, v14;
	v14 =	vld [tilespmem:s16+$0x40]  }
0x1e0: {  	v15 =	vld [tilespmem:s16+$0xFFFFFF80];
	v9 =	vmul.f32 v6, v9;
	[tilespmem:s14+$0x70] =	vst v13  }
0x1e1: {  	[tilespmem:s14+$0xFFFFFFA0] =	vst v7;
	v7 =	vmul.f32 v3, v10;
	v13 =	vld [tilespmem:s18+$0xFFFFFF90]  }
0x1e2: {  	[tilespmem:s14+$0xFFFFFFC0] =	vst v9;
	v63 =	vld [tilespmem:s16+$0xFFFFFFB0];
	v9 =	vmul.f32 v2, v12  }
0x1e3: {  	v10 =	vld [tilespmem:s16+$0xFFFFFFD0];
	[tilespmem:s14+$0xFFFFFFE0] =	vst v7;
	v8 =	vmul.f32 v4, v8  }
0x1e4: {  	v7 =	vld [tilespmem:s16+$0xFFFFFFF0];
	[tilespmem:s14+$0x0] =	vst v9;
	v12 =	vmul.f32 v5, v14  }
0x1e5: {  	v14 =	vmul.f32 v1, v15;
	v9 =	vld [tilespmem:s16+$0x10];
	[tilespmem:s14+$0x20] =	vst v8  }
0x1e6: {  	v8 =	vld [tilespmem:s16+$0x30];
	[tilespmem:s14+$0x40] =	vst v12;
	v13 =	vmul.f32 v13, v11  }
0x1e7: {  	s15 =	simm.s32 $0x13864;
	s17 =	simm.s32 $0x8;
	s18 =	simm.s32 $0x17270;
	[tilespmem:s14+$0xFFFFFF80] =	vst v14;
	v12 =	vmul.f32 v63, v22;
	v11 =	vld [tilespmem:s16+$0x50]  }
.LBB2_9:
0x1e8: {  	v14 =	vld.msk [tilespmem:s15+$0x3 ss:$0x0], $0xffff;
	s17 =	sadd.s32 $0x8, s17;
	v6 =	vmul.f32 v10, v6;
	s16 =	sadd.s32 $0x100, s16;
	[tilespmem:s13+$0xFFFFFF90] =	vst v13;
	s13 =	smov.u32 s14  }
0x1e9: {  	v10 =	vld [tilespmem:s16+$0x60];
	p4 =	slt.u32 s17, $0x78;
	[tilespmem:s14+$0xFFFFFFB0] =	vst v12;
	v3 =	vmul.f32 v7, v3  }
0x1ea: {  	v12 =	vld.msk [tilespmem:s15+$0xFFFFFFFC ss:$0x0], $0xffff;
	[tilespmem:s14+$0xFFFFFFD0] =	vst v6;
	v2 =	vmul.f32 v9, v2  }
0x1eb: {  	v15 =	vld.msk [tilespmem:s15+$0xFFFFFFFD ss:$0x0], $0xffff;
	[tilespmem:s14+$0xFFFFFFF0] =	vst v3;
	v4 =	vmul.f32 v8, v4  }
0x1ec: {  	v6 =	vld.msk [tilespmem:s15+$0xFFFFFFFE ss:$0x0], $0xffff;
	[tilespmem:s14+$0x10] =	vst v2;
	v5 =	vmul.f32 v11, v5  }
0x1ed: {  	v3 =	vld.msk [tilespmem:s15+$0xFFFFFFFF ss:$0x0], $0xffff;
	[tilespmem:s14+$0x30] =	vst v4  }
0x1ee: {  	v2 =	vld.msk [tilespmem:s15+$0x0 ss:$0x0], $0xffff;
	v7 =	vmul.f32 v14, v10;
	[tilespmem:s14+$0x50] =	vst v5  }
0x1ef: {  	s14 =	sadd.s32 $0x100, s14;
	v4 =	vld.msk [tilespmem:s15+$0x1 ss:$0x0], $0xffff  }
0x1f0: {  	v5 =	vld.msk [tilespmem:s15+$0x2 ss:$0x0], $0xffff;
	[tilespmem:s14+$0x60] =	vst v7  }
0x1f1: {  	v7 =	vld [tilespmem:s16+$0x70]  }
0x1f2: {  	v8 =	vld [tilespmem:s16+$0xFFFFFFA0]  }
0x1f3: {  	v9 =	vld [tilespmem:s16+$0xFFFFFFC0]  }
0x1f4: {  	v10 =	vld [tilespmem:s16+$0xFFFFFFE0]  }
0x1f5: {  	v11 =	vld [tilespmem:s16+$0x0]  }
0x1f6: {  	v13 =	vld [tilespmem:s16+$0x20];
	v7 =	vmul.f32 v7, v14  }
0x1f7: {  	v8 =	vmul.f32 v15, v8;
	v14 =	vld [tilespmem:s16+$0x40]  }
0x1f8: {  	v16 =	vld [tilespmem:s16+$0xFFFFFF80];
	v9 =	vmul.f32 v6, v9;
	[tilespmem:s14+$0x70] =	vst v7  }
0x1f9: {  	[tilespmem:s14+$0xFFFFFFA0] =	vst v8;
	v7 =	vmul.f32 v3, v10;
	v17 =	vld [tilespmem:s18+$0xFFFFFF90];
	s18 =	smov.u32 s16  }
0x1fa: {  	v18 =	vld [tilespmem:s16+$0xFFFFFFB0];
	[tilespmem:s14+$0xFFFFFFC0] =	vst v9;
	v8 =	vmul.f32 v2, v11  }
.Ltmp3:
0x1fb: {  	v10 =	vld [tilespmem:s16+$0xFFFFFFD0];
	[tilespmem:s14+$0xFFFFFFE0] =	vst v7;
	v11 =	vmul.f32 v4, v13;
	(pc) =	sbr.rel @p4 .LBB2_9-.Ltmp3, $4  }
0x1fc: {  	v7 =	vld [tilespmem:s16+$0xFFFFFFF0];
	[tilespmem:s14+$0x0] =	vst v8;
	v13 =	vmul.f32 v5, v14  }
0x1fd: {  	v14 =	vmul.f32 v12, v16;
	v9 =	vld [tilespmem:s16+$0x10];
	[tilespmem:s14+$0x20] =	vst v11  }
0x1fe: {  	v8 =	vld [tilespmem:s16+$0x30];
	[tilespmem:s14+$0x40] =	vst v13;
	v13 =	vmul.f32 v17, v1;
	v1 =	vmov v12  }
0x1ff: {  	s15 =	sadd.s32 $0x8, s15;
	[tilespmem:s14+$0xFFFFFF80] =	vst v14;
	v12 =	vmul.f32 v18, v15;
	v11 =	vld [tilespmem:s16+$0x50]  }
0x200: {  	v6 =	vmul.f32 v10, v6;
	[tilespmem:s13+$0xFFFFFF90] =	vst v13;
	v63 =	vld [tilespmem:s18+$0xFFFFFF90]  }
0x201: {  	[tilespmem:s14+$0xFFFFFFB0] =	vst v12;
	v3 =	vmul.f32 v7, v3  }
0x202: {  	[tilespmem:s14+$0xFFFFFFD0] =	vst v6;
	v2 =	vmul.f32 v9, v2  }
0x203: {  	[tilespmem:s14+$0xFFFFFFF0] =	vst v3;
	v3 =	vmul.f32 v8, v4  }
0x204: {  	[tilespmem:s14+$0x10] =	vst v2;
	v2 =	vmul.f32 v11, v5  }
0x205: {  	[tilespmem:s14+$0x30] =	vst v3;
	v1 =	vmul.f32 v63, v1  }
0x206: {  	[tilespmem:s14+$0x50] =	vst v2  }
0x207: {  	s13 =	sadd.s32 @!p3 $0x9DD0, s12;
	s15 =	simm.s32 @!p3 $0x170F0;
	[tilespmem:s14+$0xFFFFFF90] =	vst v1;
	s14 =	simm.s32 @!p3 $0x40  }
0x208: {  	[tilespmem:s15], [sflag:$0x2] =	stream.indirect.gather @!p3 [hbm4b:s3+s14], $0x20, s13, s14, $0xb8;
	[tilespmem:$0x1EF10] =	vst v63  }
0x209: {  	s12 =	sadd.s32 @!p3 $0x9E10, s12;
	s21 =	sadd.s32 $0x1, s21;
	s13 =	simm.s32 @!p3 $0x178F0  }
0x20a: {  	[tilespmem:s13], [sflag:$0x4] =	stream.indirect.gather @!p3 [hbm4b:s3+s14], $0x20, s12, s14, $0xb8;
	[tilespmem:$0x1EF10] =	vst v63  }
0x20b: {  	p3 =	sne.s32 s21, s6  }
.Ltmp4:
0x20c: {  	_ = 	snop;
	(pc) =	sbr.rel @p3 .LBB2_6-.Ltmp4, $2  }
0x20d: {  	_ =	sdelay $0x2  }
0x20e: {  	[spmem:s1] =	stream.indirect.scatter.add.f32 [tilespmem:s7], [sflag:$0x6], $0x20, s5, s22, $0xb8;
	[tilespmem:$0x1EF10] =	vst v63  }
0x20f: {  	_ =	swait.ge [sflag:s29], $0x1000  }
0x210: {  	[sflag:s29] =	ssyncset.done $0x0  }
0x211: {  	[sflag:s29] =	ssyncadd.s32 $0xFFFFF000  }
0x212: {  	_ =	swait.ge [sflag:s8], $0x1000  }
0x213: {  	[sflag:s8] =	ssyncset.done $0x0  }
0x214: {  	s12 =	rddreg [dreg:$0x9];
	[sflag:s8] =	ssyncadd.s32 $0xFFFFF000  }
0x215: {  	[hbm4b:s12+s2] =	stream.linear.scatter [tilespmem:s23], [sflag:$0x7], $0x2710, $0x38;
	[tilespmem:$0x1EF10] =	vst v63  }
0x216: {  	_ =	swait.ge [sflag:s9], $0x2710  }
0x217: {  	[sflag:s9] =	ssyncset.done $0x0  }
0x218: {  	[sflag:s9] =	ssyncadd.s32 $0xFFFFD8F0  }
0x219: {  	[bflag:$0x0] =	sbarrier.arrive $0xFFFF  }
0x21a: {  	s13 =	simm.s32 @!p0 $0x1C07;
	s12 =	sshrl.u32 @!p0 s1, $0x3;
	s14 =	rddreg [dreg:$0xa]  }
0x21b: {  	[hbm:s14], [sflag:s13] =	dma.local @!p0 [spmem:s12], $0x9C40  }
0x21c: {  	s12 =	simm.s32 @!p0 $0x7  }
0x21d: {  	_ =	swait.ge @!p0 [sflag:s12], $0x9C40  }
0x21e: {  	s10 =	sadd.s32 $0x1, s10;
	s21 =	rddreg [dreg:$0xb]  }
0x21f: {  	p3 =	sne.s32 s10, s21  }
.Ltmp5:
0x220: {  	_ = 	snop;
	(pc) =	sbr.rel @p3 .LBB2_1-.Ltmp5, $3  }
0x221: {  	_ =	sdelay $0x1  }
0x222: {  	[sflag:s12] =	ssyncset.done @!p0 $0x0  }
0x223: {  	s15 =	simm.s32 $0x9C50;
	[sflag:s12] =	ssyncadd.s32 @!p0 $0xFFFF63C0  }
0x224: {  	_ =	sfence.sel $0x180000  }
0x225: {  	[bflag:$0x0] =	sbarrier.arrive $0xFFFF  }
0x226: {  	_ =	strace $0x9000004D  }
0x227: {  	[bflag:$0x2] =	sbarrier.arrive $0xFFFF  }
0x228: {  	s0 =	rddreg [dreg:$0x2]  }
0x229: {  	s0 =	sadd.s32 @!p0 $0x100000, s0  }
0x22a: {  	[sflag:s0] =	ssyncadd.tile.s32 @!p0 $0x1;
	_ =	shalt  }
.Lfunc_end2:
_tile_overlayer_lowered:
.L_overlay_start_2:
0x22b: {  	(tag) =	ssettag $0x2  }
0x22c: {  	s0 =	rddreg [dreg:$0x0];
	s2 =	stileid.u32  }
0x22d: {  	s1 =	rddreg [dreg:$0x1];
	p0 =	sne.s32 s2, $0x0  }
0x22e: {  	s3 =	rddreg [dreg:$0x2];
	[bflag:$0x3] =	sbarrier.arrive $0xFFFF;
	s2 =	simm.s32 @!p0 $0x1C07  }
0x22f: {  	[timem:s3], [sflag:s2] =	dma.local @!p0 [hbm:s0], s1  }
0x230: {  	s0 =	simm.s32 @!p0 $0x7  }
0x231: {  	_ =	swait.ge @!p0 [sflag:s0], s1  }
0x232: {  	s1 =	ssub.s32 @!p0 $0x0, s1;
	[sflag:s0] =	ssyncset.done @!p0 $0x0  }
0x233: {  	[sflag:s0] =	ssyncadd.s32 @!p0 s1  }
0x234: {  	[bflag:$0x3] =	sbarrier.arrive $0xFFFF  }
0x235: {  	_ =	shalt  }

</sc_bundles>
